<compile_context>
chip_gen: v7x
topology: tpu7x:2x2x1
jax: 0.10.2.dev20260603
libtpu: 0.0.44.dev20260713+nightly
codegen_flags: <defaults>
</compile_context>

<pallas_src>
import functools

import jax
import jax.numpy as jnp
from jax import lax
from jax.experimental import pallas as pl
from jax.experimental.pallas import tpu as pltpu
from jax.experimental.pallas import tpu_sc as plsc

N = 10000
E = 320000
D = 128
L = 3

NC = 2
NS = 16
NW = NC * NS
CB = 64
NCH = E // CB
CHUNKS = 160
CQ = 40
NPH = CHUNKS // CQ
RB = 4
G = 2
N_PAD = 10240
RPT = N_PAD // NS
LAST_RPT = N - (NS - 1) * RPT


@functools.lru_cache(maxsize=None)
def _make_sc_segment_sum():

    mesh = plsc.VectorSubcoreMesh(core_axis_name="c", subcore_axis_name="s")

    @functools.partial(
        pl.kernel,
        out_type=jax.ShapeDtypeStruct((NC * N, D), jnp.float32),
        mesh=mesh,
        scratch_types=[
            pltpu.VMEM((CQ, CB), jnp.int32),
            pltpu.VMEM((CQ, CB), jnp.int32),
            pltpu.VMEM((RB * CB, D), jnp.float32),
            pltpu.VMEM_SHARED((N_PAD, D), jnp.float32),
            [pltpu.SemaphoreType.DMA] * RB,
            [pltpu.SemaphoreType.DMA] * RB,
        ],
    )
    def body(h_hbm, e_hbm, out_hbm, sidx, didx, ring, acc, gsems, ssems):
        c = lax.axis_index("c")
        s = lax.axis_index("s")
        w = c * NS + s

        nph = jnp.where(w == NW - 1, 1, NPH)

        def buf(j):
            return ring.at[pl.ds(j * CB, CB)]

        def fire_gather(k, j):
            pltpu.async_copy(h_hbm.at[sidx.at[k]], buf(j), gsems[j])

        def wait_gather(j):
            pltpu.make_async_copy(h_hbm.at[pl.ds(0, CB)], buf(j),
                                  gsems[j]).wait()

        def fire_scatter(k, j):
            pltpu.async_copy(buf(j), acc.at[didx.at[k]], ssems[j], add=True)

        def wait_scatter(j):
            pltpu.make_async_copy(buf(j), acc.at[didx.at[0]], ssems[j]).wait()

        base0 = w * CHUNKS
        pltpu.sync_copy(e_hbm.at[0, pl.ds(base0, CQ)], sidx)
        pltpu.sync_copy(e_hbm.at[1, pl.ds(base0, CQ)], didx)
        for j in range(G):
            fire_gather(j, j)

        ZR = (RB - G) * CB

        def zrow(i, carry):
            for j in range(D // 16):
                ring[G * CB + i, pl.ds(j * 16, 16)] = jnp.zeros((16,),
                                                               jnp.float32)
            return carry

        lax.fori_loop(0, ZR, zrow, 0)
        for k in range(RPT // ZR):
            pltpu.sync_copy(ring.at[pl.ds(G * CB, ZR)],
                            acc.at[pl.ds(s * RPT + k * ZR, ZR)])
        rem = RPT % ZR
        if rem:
            pltpu.sync_copy(ring.at[pl.ds(G * CB, rem)],
                            acc.at[pl.ds(s * RPT + RPT - rem, rem)])
        plsc.subcore_barrier()

        def phase(p, carry):
            @pl.when(p > 0)
            def _():
                for j in range(G, RB):
                    wait_scatter(j)
                base = w * CHUNKS + p * CQ
                pltpu.sync_copy(e_hbm.at[0, pl.ds(base, CQ)], sidx)
                pltpu.sync_copy(e_hbm.at[1, pl.ds(base, CQ)], didx)
                for j in range(G):
                    fire_gather(j, j)

            def rounds(q, carry2):
                for j in range(RB):
                    k = RB * q + j
                    jg = (j + G) % RB
                    if j < RB - G:
                        @pl.when(q >= 1)
                        def _():
                            wait_scatter(jg)

                        fire_gather(k + G, jg)
                    else:
                        wait_scatter(jg)

                        @pl.when(q < CQ // RB - 1)
                        def _():
                            fire_gather(k + G, jg)

                    wait_gather(j)
                    fire_scatter(k, j)
                return carry2

            lax.fori_loop(0, CQ // RB, rounds, 0)
            return carry

        lax.fori_loop(0, nph, phase, 0)
        for j in range(G, RB):
            wait_scatter(j)
        plsc.subcore_barrier()

        @pl.when(s < NS - 1)
        def _():
            pltpu.sync_copy(acc.at[pl.ds(s * RPT, RPT)],
                            out_hbm.at[pl.ds(c * N + s * RPT, RPT)])

        @pl.when(s == NS - 1)
        def _():
            pltpu.sync_copy(acc.at[pl.ds((NS - 1) * RPT, LAST_RPT)],
                            out_hbm.at[pl.ds(c * N + (NS - 1) * RPT, LAST_RPT)])

    return body


def _sc_segment_sum(h, e3):
    return _make_sc_segment_sum()(h, e3)


@functools.lru_cache(maxsize=None)
def _make_tc_layer():

    def body(h_ref, a0_ref, a1_ref, ws_ref, wn_ref, b_ref, out_ref):
        hblk = h_ref[...]
        out = jnp.dot(hblk, ws_ref[...], preferred_element_type=jnp.float32)
        asum = a0_ref[...] + a1_ref[...]
        out += jnp.dot(asum, wn_ref[...], preferred_element_type=jnp.float32)
        out += b_ref[...]
        out_ref[...] = jnp.maximum(out, 0.0) + hblk

    blk = 1000
    nblk = N // blk
    return pl.pallas_call(
        body,
        grid=(nblk,),
        in_specs=[
            pl.BlockSpec((blk, D), lambda i: (i, 0)),
            pl.BlockSpec((blk, D), lambda i: (i, 0)),
            pl.BlockSpec((blk, D), lambda i: (i + nblk, 0)),
            pl.BlockSpec((D, D), lambda i: (0, 0)),
            pl.BlockSpec((D, D), lambda i: (0, 0)),
            pl.BlockSpec((1, D), lambda i: (0, 0)),
        ],
        out_specs=pl.BlockSpec((blk, D), lambda i: (i, 0)),
        out_shape=jax.ShapeDtypeStruct((N, D), jnp.float32),
    )


def _tc_layer(h, a0, a1, w_self, w_nbr, bias):
    return _make_tc_layer()(h, a0, a1, w_self, w_nbr, bias)


def kernel(x, edge_index, W_self, W_nbr, b):
    e3 = edge_index.reshape(2, NCH, CB)

    h = x
    for i in range(L):
        agg = _sc_segment_sum(h, e3)
        h = _tc_layer(h, agg, agg, W_self[i], W_nbr[i], b[i].reshape(1, D))
    return h

# --- scband reference (transcript-rebuilt; emitter-appended) ---
"""Pipeline reference for scband-mpmodule-30107720745294 (READ-ONLY COPY).

The authoritative reference and input builder live on the scoring server;
editing this copy changes nothing except your own understanding.
"""

import jax, jax.numpy as jnp
import numpy as np

N = 10000
E = 320000
D = 128
L = 3

def setup_inputs(seed: int = 0) -> dict:
    key = jax.random.key(seed)
    ks = jax.random.split(key, 6)
    x = jax.random.normal(ks[0], (N, D), dtype=jnp.float32)
    edge_index = jax.random.randint(ks[1], (2, E), 0, N, dtype=jnp.int32)
    # Learned params for L GraphConv layers (dim 128 -> 128 each, skipsum residual)
    scale = 1.0 / np.sqrt(D)
    W_self = jax.random.normal(ks[2], (L, D, D), dtype=jnp.float32) * scale
    W_nbr = jax.random.normal(ks[3], (L, D, D), dtype=jnp.float32) * scale
    b = jnp.zeros((L, D), dtype=jnp.float32)
    return {"x": x, "edge_index": edge_index, "W_self": W_self, "W_nbr": W_nbr, "b": b}

def reference(x, edge_index, W_self, W_nbr, b):
    # MPModule with residual_type='skipsum': layer dims are [D]*(L+1),
    # forward is: x_prev = x; x = layer(x); x = x + x_prev for each layer.
    # Concrete mp_cls = GraphConv: out = x @ W_self + (scatter-add of x[src] at dst) @ W_nbr + b, relu.
    src = edge_index[0]
    dst = edge_index[1]
    h = x
    for i in range(L):
        h_prev = h
        msgs = jnp.take(h, src, axis=0)              # gather over edges
        agg = jax.ops.segment_sum(msgs, dst, num_segments=N)  # scatter-add
        out = h @ W_self[i] + agg @ W_nbr[i] + b[i]
        out = jax.nn.relu(out)
        h = out + h_prev                              # skipsum residual
    return h

if __name__ == "__main__":
    import jax
    _d = setup_inputs()
    print(jax.jit(kernel)(*tuple(_d.values())))

</pallas_src>

<mosaic_0001>
#map = affine_map<(d0, d1) -> (0, 0)>
#map1 = affine_map<(d0, d1) -> (0, 0, 0)>
module attributes {stable_mosaic.version = 14 : i64} {
  func.func @body(%arg0: i32, %arg1: i32, %arg2: memref<10000x128xf32, #tpu.memory_space<hbm>>, %arg3: memref<2x5000x64xi32, #tpu.memory_space<hbm>>, %arg4: memref<20000x128xf32, #tpu.memory_space<hbm>>, %arg5: memref<40x64xi32, #tpu.memory_space<vmem>>, %arg6: memref<40x64xi32, #tpu.memory_space<vmem>>, %arg7: memref<256x128xf32, #tpu.memory_space<vmem>>, %arg8: memref<10240x128xf32, #tpu.memory_space<vmem_shared>>, %arg9: memref<!tpu.dma_semaphore, #tpu.memory_space<semaphore_mem>>, %arg10: memref<!tpu.dma_semaphore, #tpu.memory_space<semaphore_mem>>, %arg11: memref<!tpu.dma_semaphore, #tpu.memory_space<semaphore_mem>>, %arg12: memref<!tpu.dma_semaphore, #tpu.memory_space<semaphore_mem>>, %arg13: memref<!tpu.dma_semaphore, #tpu.memory_space<semaphore_mem>>, %arg14: memref<!tpu.dma_semaphore, #tpu.memory_space<semaphore_mem>>, %arg15: memref<!tpu.dma_semaphore, #tpu.memory_space<semaphore_mem>>, %arg16: memref<!tpu.dma_semaphore, #tpu.memory_space<semaphore_mem>>) attributes {dimension_semantics = [#tpu.dimension_semantics<core_parallel>, #tpu.dimension_semantics<subcore_parallel>], iteration_bounds = array<i64: 2, 16>, scalar_prefetch = 0 : i64, scratch_operands = 12 : i64, tpu.core_type = #tpu.core_type<sc_vector_subcore>, window_params = [{transform_indices = #map}, {transform_indices = #map1}, {transform_indices = #map}]} {
    %mul3A = arith.constant 16 : i32
    %mul3A_0 = arith.muli %arg0, %mul3A : i32
    %add3A = arith.addi %mul3A_0, %arg1 : i32
    %eq3A = arith.constant 31 : i32
    %eq3A_1 = arith.cmpi eq, %add3A, %eq3A : i32
    %jit3A = arith.constant 1 : i32
    %jit3A_2 = arith.constant 4 : i32
    %select_n3A = arith.select %eq3A_1, %jit3A, %jit3A_2 : i32
    %mul3A_3 = arith.constant 160 : i32
    %mul3A_4 = arith.muli %add3A, %mul3A_3 : i32
    %run_scoped3A = arith.constant 0 : i32
    "tpu.region"() ({
      %run_scoped3A_86 = tpu.sem_alloc : memref<!tpu.dma_semaphore, #tpu.memory_space<semaphore_mem>>
      %dma_start3A_87 = arith.constant 0 : i32
      %dma_start3A_88 = tpu.memref_slice %arg3[%run_scoped3A, %mul3A_4, %dma_start3A_87] : memref<2x5000x64xi32, #tpu.memory_space<hbm>> -> memref<1x40x64xi32, #tpu.memory_space<hbm>>
      %dma_start3A_89 = tpu.memref_squeeze %dma_start3A_88 : memref<1x40x64xi32, #tpu.memory_space<hbm>> -> memref<40x64xi32, #tpu.memory_space<hbm>>
      %dma_start3A_90 = arith.constant 0 : i32
      %dma_start3A_91 = tpu.memref_slice %arg3[%run_scoped3A, %mul3A_4, %dma_start3A_90] : memref<2x5000x64xi32, #tpu.memory_space<hbm>> -> memref<1x40x64xi32, #tpu.memory_space<hbm>>
      %dma_start3A_92 = tpu.memref_squeeze %dma_start3A_91 : memref<1x40x64xi32, #tpu.memory_space<hbm>> -> memref<40x64xi32, #tpu.memory_space<hbm>>
      tpu.enqueue_dma source(%dma_start3A_92 : memref<40x64xi32, #tpu.memory_space<hbm>>) target(%arg5 : memref<40x64xi32, #tpu.memory_space<vmem>>) target_semaphore(%run_scoped3A_86 : memref<!tpu.dma_semaphore, #tpu.memory_space<semaphore_mem>>)
      %dma_wait3A_93 = arith.constant 0 : i32
      %dma_wait3A_94 = tpu.memref_slice %arg3[%run_scoped3A, %mul3A_4, %dma_wait3A_93] : memref<2x5000x64xi32, #tpu.memory_space<hbm>> -> memref<1x40x64xi32, #tpu.memory_space<hbm>>
      %dma_wait3A_95 = tpu.memref_squeeze %dma_wait3A_94 : memref<1x40x64xi32, #tpu.memory_space<hbm>> -> memref<40x64xi32, #tpu.memory_space<hbm>>
      %dma_wait3A_96 = arith.constant 0 : i32
      %dma_wait3A_97 = tpu.memref_slice %arg3[%run_scoped3A, %mul3A_4, %dma_wait3A_96] : memref<2x5000x64xi32, #tpu.memory_space<hbm>> -> memref<1x40x64xi32, #tpu.memory_space<hbm>>
      %dma_wait3A_98 = tpu.memref_squeeze %dma_wait3A_97 : memref<1x40x64xi32, #tpu.memory_space<hbm>> -> memref<40x64xi32, #tpu.memory_space<hbm>>
      tpu.wait_dma2 semaphore(%run_scoped3A_86 : memref<!tpu.dma_semaphore, #tpu.memory_space<semaphore_mem>>) src(%dma_wait3A_98 : memref<40x64xi32, #tpu.memory_space<hbm>>) dst(%arg5 : memref<40x64xi32, #tpu.memory_space<vmem>>)
      tpu.yield
    }) : () -> ()
    %run_scoped3A_5 = arith.constant 1 : i32
    "tpu.region"() ({
      %run_scoped3A_86 = tpu.sem_alloc : memref<!tpu.dma_semaphore, #tpu.memory_space<semaphore_mem>>
      %dma_start3A_87 = arith.constant 0 : i32
      %dma_start3A_88 = tpu.memref_slice %arg3[%run_scoped3A_5, %mul3A_4, %dma_start3A_87] : memref<2x5000x64xi32, #tpu.memory_space<hbm>> -> memref<1x40x64xi32, #tpu.memory_space<hbm>>
      %dma_start3A_89 = tpu.memref_squeeze %dma_start3A_88 : memref<1x40x64xi32, #tpu.memory_space<hbm>> -> memref<40x64xi32, #tpu.memory_space<hbm>>
      %dma_start3A_90 = arith.constant 0 : i32
      %dma_start3A_91 = tpu.memref_slice %arg3[%run_scoped3A_5, %mul3A_4, %dma_start3A_90] : memref<2x5000x64xi32, #tpu.memory_space<hbm>> -> memref<1x40x64xi32, #tpu.memory_space<hbm>>
      %dma_start3A_92 = tpu.memref_squeeze %dma_start3A_91 : memref<1x40x64xi32, #tpu.memory_space<hbm>> -> memref<40x64xi32, #tpu.memory_space<hbm>>
      tpu.enqueue_dma source(%dma_start3A_92 : memref<40x64xi32, #tpu.memory_space<hbm>>) target(%arg6 : memref<40x64xi32, #tpu.memory_space<vmem>>) target_semaphore(%run_scoped3A_86 : memref<!tpu.dma_semaphore, #tpu.memory_space<semaphore_mem>>)
      %dma_wait3A_93 = arith.constant 0 : i32
      %dma_wait3A_94 = tpu.memref_slice %arg3[%run_scoped3A_5, %mul3A_4, %dma_wait3A_93] : memref<2x5000x64xi32, #tpu.memory_space<hbm>> -> memref<1x40x64xi32, #tpu.memory_space<hbm>>
      %dma_wait3A_95 = tpu.memref_squeeze %dma_wait3A_94 : memref<1x40x64xi32, #tpu.memory_space<hbm>> -> memref<40x64xi32, #tpu.memory_space<hbm>>
      %dma_wait3A_96 = arith.constant 0 : i32
      %dma_wait3A_97 = tpu.memref_slice %arg3[%run_scoped3A_5, %mul3A_4, %dma_wait3A_96] : memref<2x5000x64xi32, #tpu.memory_space<hbm>> -> memref<1x40x64xi32, #tpu.memory_space<hbm>>
      %dma_wait3A_98 = tpu.memref_squeeze %dma_wait3A_97 : memref<1x40x64xi32, #tpu.memory_space<hbm>> -> memref<40x64xi32, #tpu.memory_space<hbm>>
      tpu.wait_dma2 semaphore(%run_scoped3A_86 : memref<!tpu.dma_semaphore, #tpu.memory_space<semaphore_mem>>) src(%dma_wait3A_98 : memref<40x64xi32, #tpu.memory_space<hbm>>) dst(%arg6 : memref<40x64xi32, #tpu.memory_space<vmem>>)
      tpu.yield
    }) : () -> ()
    %dma_start3A = arith.constant 0 : i32
    %dma_start3A_6 = arith.constant 0 : i32
    %dma_start3A_7 = arith.constant 0 : i32
    %dma_start3A_8 = tpu.memref_slice %arg7[%dma_start3A_6, %dma_start3A_7] : memref<256x128xf32, #tpu.memory_space<vmem>> -> memref<64x128xf32, #tpu.memory_space<vmem>>
    %dma_start3A_9 = arith.constant 0 : i32
    %dma_start3A_10 = tpu.memref_slice %arg5[%dma_start3A, %dma_start3A_9] : memref<40x64xi32, #tpu.memory_space<vmem>> -> memref<1x64xi32, #tpu.memory_space<vmem>>
    %dma_start3A_11 = tpu.memref_squeeze %dma_start3A_10 : memref<1x64xi32, #tpu.memory_space<vmem>> -> memref<64xi32, #tpu.memory_space<vmem>>
    %dma_start3A_12 = arith.constant 0 : i32
    %dma_start3A_13 = arith.constant 0 : i32
    %dma_start3A_14 = tpu.memref_slice %arg2[%dma_start3A_12, %dma_start3A_13] : memref<10000x128xf32, #tpu.memory_space<hbm>> -> memref<10000x128xf32, #tpu.memory_space<hbm>>
    tpu.enqueue_indirect_dma source(%dma_start3A_14 : memref<10000x128xf32, #tpu.memory_space<hbm>>) target(%dma_start3A_8 : memref<64x128xf32, #tpu.memory_space<vmem>>) offsets(%dma_start3A_11 : memref<64xi32, #tpu.memory_space<vmem>>) semaphore(%arg9 : memref<!tpu.dma_semaphore, #tpu.memory_space<semaphore_mem>>)
    %dma_start3A_15 = arith.constant 1 : i32
    %dma_start3A_16 = arith.constant 64 : i32
    %dma_start3A_17 = arith.constant 0 : i32
    %dma_start3A_18 = tpu.memref_slice %arg7[%dma_start3A_16, %dma_start3A_17] : memref<256x128xf32, #tpu.memory_space<vmem>> -> memref<64x128xf32, #tpu.memory_space<vmem>>
    %dma_start3A_19 = arith.constant 0 : i32
    %dma_start3A_20 = tpu.memref_slice %arg5[%dma_start3A_15, %dma_start3A_19] : memref<40x64xi32, #tpu.memory_space<vmem>> -> memref<1x64xi32, #tpu.memory_space<vmem>>
    %dma_start3A_21 = tpu.memref_squeeze %dma_start3A_20 : memref<1x64xi32, #tpu.memory_space<vmem>> -> memref<64xi32, #tpu.memory_space<vmem>>
    %dma_start3A_22 = arith.constant 0 : i32
    %dma_start3A_23 = arith.constant 0 : i32
    %dma_start3A_24 = tpu.memref_slice %arg2[%dma_start3A_22, %dma_start3A_23] : memref<10000x128xf32, #tpu.memory_space<hbm>> -> memref<10000x128xf32, #tpu.memory_space<hbm>>
    tpu.enqueue_indirect_dma source(%dma_start3A_24 : memref<10000x128xf32, #tpu.memory_space<hbm>>) target(%dma_start3A_18 : memref<64x128xf32, #tpu.memory_space<vmem>>) offsets(%dma_start3A_21 : memref<64xi32, #tpu.memory_space<vmem>>) semaphore(%arg10 : memref<!tpu.dma_semaphore, #tpu.memory_space<semaphore_mem>>)
    %scan3A = arith.constant 0 : i32
    %scan3A_25 = arith.constant 0 : i32
    %scan3A_26 = arith.constant 128 : i32
    %scan3A_27 = arith.addi %scan3A_25, %scan3A_26 : i32
    %scan3A_28 = arith.constant 1 : i32
    scf.for %scan3A_86 = %scan3A_25 to %scan3A_27 step %scan3A_28  : i32 {
      %broadcast_in_dim3A = arith.constant 0.000000e+00 : f32
      %broadcast_in_dim3A_87 = vector.broadcast %broadcast_in_dim3A : f32 to vector<16xf32>
      %add3A_88 = arith.constant 128 : i32
      %add3A_89 = arith.addi %add3A_88, %scan3A_86 : i32
      %swap3A = arith.index_cast %add3A_89 : i32 to index
      %swap3A_90 = arith.constant 0 : index
      %swap3A_91 = tpu.vector_load %arg7[%swap3A, %swap3A_90] {strides = array<i32>} : memref<256x128xf32, #tpu.memory_space<vmem>>, vector<1x16xf32>,
      %swap3A_92 = vector.shape_cast %swap3A_91 : vector<1x16xf32> to vector<16xf32>
      %swap3A_93 = vector.shape_cast %broadcast_in_dim3A_87 : vector<16xf32> to vector<1x16xf32>
      tpu.vector_store %arg7[%swap3A, %swap3A_90], %swap3A_93 {strides = array<i32>} : memref<256x128xf32, #tpu.memory_space<vmem>>, vector<1x16xf32>,
      %broadcast_in_dim3A_94 = arith.constant 0.000000e+00 : f32
      %broadcast_in_dim3A_95 = vector.broadcast %broadcast_in_dim3A_94 : f32 to vector<16xf32>
      %add3A_96 = arith.constant 128 : i32
      %add3A_97 = arith.addi %add3A_96, %scan3A_86 : i32
      %swap3A_98 = arith.index_cast %add3A_97 : i32 to index
      %swap3A_99 = arith.constant 16 : index
      %swap3A_100 = tpu.vector_load %arg7[%swap3A_98, %swap3A_99] {strides = array<i32>} : memref<256x128xf32, #tpu.memory_space<vmem>>, vector<1x16xf32>,
      %swap3A_101 = vector.shape_cast %swap3A_100 : vector<1x16xf32> to vector<16xf32>
      %swap3A_102 = vector.shape_cast %broadcast_in_dim3A_95 : vector<16xf32> to vector<1x16xf32>
      tpu.vector_store %arg7[%swap3A_98, %swap3A_99], %swap3A_102 {strides = array<i32>} : memref<256x128xf32, #tpu.memory_space<vmem>>, vector<1x16xf32>,
      %broadcast_in_dim3A_103 = arith.constant 0.000000e+00 : f32
      %broadcast_in_dim3A_104 = vector.broadcast %broadcast_in_dim3A_103 : f32 to vector<16xf32>
      %add3A_105 = arith.constant 128 : i32
      %add3A_106 = arith.addi %add3A_105, %scan3A_86 : i32
      %swap3A_107 = arith.index_cast %add3A_106 : i32 to index
      %swap3A_108 = arith.constant 32 : index
      %swap3A_109 = tpu.vector_load %arg7[%swap3A_107, %swap3A_108] {strides = array<i32>} : memref<256x128xf32, #tpu.memory_space<vmem>>, vector<1x16xf32>,
      %swap3A_110 = vector.shape_cast %swap3A_109 : vector<1x16xf32> to vector<16xf32>
      %swap3A_111 = vector.shape_cast %broadcast_in_dim3A_104 : vector<16xf32> to vector<1x16xf32>
      tpu.vector_store %arg7[%swap3A_107, %swap3A_108], %swap3A_111 {strides = array<i32>} : memref<256x128xf32, #tpu.memory_space<vmem>>, vector<1x16xf32>,
      %broadcast_in_dim3A_112 = arith.constant 0.000000e+00 : f32
      %broadcast_in_dim3A_113 = vector.broadcast %broadcast_in_dim3A_112 : f32 to vector<16xf32>
      %add3A_114 = arith.constant 128 : i32
      %add3A_115 = arith.addi %add3A_114, %scan3A_86 : i32
      %swap3A_116 = arith.index_cast %add3A_115 : i32 to index
      %swap3A_117 = arith.constant 48 : index
      %swap3A_118 = tpu.vector_load %arg7[%swap3A_116, %swap3A_117] {strides = array<i32>} : memref<256x128xf32, #tpu.memory_space<vmem>>, vector<1x16xf32>,
      %swap3A_119 = vector.shape_cast %swap3A_118 : vector<1x16xf32> to vector<16xf32>
      %swap3A_120 = vector.shape_cast %broadcast_in_dim3A_113 : vector<16xf32> to vector<1x16xf32>
      tpu.vector_store %arg7[%swap3A_116, %swap3A_117], %swap3A_120 {strides = array<i32>} : memref<256x128xf32, #tpu.memory_space<vmem>>, vector<1x16xf32>,
      %broadcast_in_dim3A_121 = arith.constant 0.000000e+00 : f32
      %broadcast_in_dim3A_122 = vector.broadcast %broadcast_in_dim3A_121 : f32 to vector<16xf32>
      %add3A_123 = arith.constant 128 : i32
      %add3A_124 = arith.addi %add3A_123, %scan3A_86 : i32
      %swap3A_125 = arith.index_cast %add3A_124 : i32 to index
      %swap3A_126 = arith.constant 64 : index
      %swap3A_127 = tpu.vector_load %arg7[%swap3A_125, %swap3A_126] {strides = array<i32>} : memref<256x128xf32, #tpu.memory_space<vmem>>, vector<1x16xf32>,
      %swap3A_128 = vector.shape_cast %swap3A_127 : vector<1x16xf32> to vector<16xf32>
      %swap3A_129 = vector.shape_cast %broadcast_in_dim3A_122 : vector<16xf32> to vector<1x16xf32>
      tpu.vector_store %arg7[%swap3A_125, %swap3A_126], %swap3A_129 {strides = array<i32>} : memref<256x128xf32, #tpu.memory_space<vmem>>, vector<1x16xf32>,
      %broadcast_in_dim3A_130 = arith.constant 0.000000e+00 : f32
      %broadcast_in_dim3A_131 = vector.broadcast %broadcast_in_dim3A_130 : f32 to vector<16xf32>
      %add3A_132 = arith.constant 128 : i32
      %add3A_133 = arith.addi %add3A_132, %scan3A_86 : i32
      %swap3A_134 = arith.index_cast %add3A_133 : i32 to index
      %swap3A_135 = arith.constant 80 : index
      %swap3A_136 = tpu.vector_load %arg7[%swap3A_134, %swap3A_135] {strides = array<i32>} : memref<256x128xf32, #tpu.memory_space<vmem>>, vector<1x16xf32>,
      %swap3A_137 = vector.shape_cast %swap3A_136 : vector<1x16xf32> to vector<16xf32>
      %swap3A_138 = vector.shape_cast %broadcast_in_dim3A_131 : vector<16xf32> to vector<1x16xf32>
      tpu.vector_store %arg7[%swap3A_134, %swap3A_135], %swap3A_138 {strides = array<i32>} : memref<256x128xf32, #tpu.memory_space<vmem>>, vector<1x16xf32>,
      %broadcast_in_dim3A_139 = arith.constant 0.000000e+00 : f32
      %broadcast_in_dim3A_140 = vector.broadcast %broadcast_in_dim3A_139 : f32 to vector<16xf32>
      %add3A_141 = arith.constant 128 : i32
      %add3A_142 = arith.addi %add3A_141, %scan3A_86 : i32
      %swap3A_143 = arith.index_cast %add3A_142 : i32 to index
      %swap3A_144 = arith.constant 96 : index
      %swap3A_145 = tpu.vector_load %arg7[%swap3A_143, %swap3A_144] {strides = array<i32>} : memref<256x128xf32, #tpu.memory_space<vmem>>, vector<1x16xf32>,
      %swap3A_146 = vector.shape_cast %swap3A_145 : vector<1x16xf32> to vector<16xf32>
      %swap3A_147 = vector.shape_cast %broadcast_in_dim3A_140 : vector<16xf32> to vector<1x16xf32>
      tpu.vector_store %arg7[%swap3A_143, %swap3A_144], %swap3A_147 {strides = array<i32>} : memref<256x128xf32, #tpu.memory_space<vmem>>, vector<1x16xf32>,
      %broadcast_in_dim3A_148 = arith.constant 0.000000e+00 : f32
      %broadcast_in_dim3A_149 = vector.broadcast %broadcast_in_dim3A_148 : f32 to vector<16xf32>
      %add3A_150 = arith.constant 128 : i32
      %add3A_151 = arith.addi %add3A_150, %scan3A_86 : i32
      %swap3A_152 = arith.index_cast %add3A_151 : i32 to index
      %swap3A_153 = arith.constant 112 : index
      %swap3A_154 = tpu.vector_load %arg7[%swap3A_152, %swap3A_153] {strides = array<i32>} : memref<256x128xf32, #tpu.memory_space<vmem>>, vector<1x16xf32>,
      %swap3A_155 = vector.shape_cast %swap3A_154 : vector<1x16xf32> to vector<16xf32>
      %swap3A_156 = vector.shape_cast %broadcast_in_dim3A_149 : vector<16xf32> to vector<1x16xf32>
      tpu.vector_store %arg7[%swap3A_152, %swap3A_153], %swap3A_156 {strides = array<i32>} : memref<256x128xf32, #tpu.memory_space<vmem>>, vector<1x16xf32>,
    }
    %scan3A_29 = arith.constant 128 : i32
    %mul3A_30 = arith.constant 640 : i32
    %mul3A_31 = arith.muli %arg1, %mul3A_30 : i32
    %add3A_32 = arith.constant 0 : i32
    %add3A_33 = arith.addi %mul3A_31, %add3A_32 : i32
    "tpu.region"() ({
      %run_scoped3A_86 = tpu.sem_alloc : memref<!tpu.dma_semaphore, #tpu.memory_space<semaphore_mem>>
      %dma_start3A_87 = arith.constant 128 : i32
      %dma_start3A_88 = arith.constant 0 : i32
      %dma_start3A_89 = tpu.memref_slice %arg7[%dma_start3A_87, %dma_start3A_88] : memref<256x128xf32, #tpu.memory_space<vmem>> -> memref<128x128xf32, #tpu.memory_space<vmem>>
      %dma_start3A_90 = arith.constant 0 : i32
      %dma_start3A_91 = tpu.memref_slice %arg8[%add3A_33, %dma_start3A_90] : memref<10240x128xf32, #tpu.memory_space<vmem_shared>> -> memref<128x128xf32, #tpu.memory_space<vmem_shared>>
      %dma_start3A_92 = arith.constant 0 : i32
      %dma_start3A_93 = tpu.memref_slice %arg8[%add3A_33, %dma_start3A_92] : memref<10240x128xf32, #tpu.memory_space<vmem_shared>> -> memref<128x128xf32, #tpu.memory_space<vmem_shared>>
      %dma_start3A_94 = arith.constant 128 : i32
      %dma_start3A_95 = arith.constant 0 : i32
      %dma_start3A_96 = tpu.memref_slice %arg7[%dma_start3A_94, %dma_start3A_95] : memref<256x128xf32, #tpu.memory_space<vmem>> -> memref<128x128xf32, #tpu.memory_space<vmem>>
      tpu.enqueue_dma source(%dma_start3A_96 : memref<128x128xf32, #tpu.memory_space<vmem>>) target(%dma_start3A_93 : memref<128x128xf32, #tpu.memory_space<vmem_shared>>) target_semaphore(%run_scoped3A_86 : memref<!tpu.dma_semaphore, #tpu.memory_space<semaphore_mem>>)
      %dma_wait3A_97 = arith.constant 128 : i32
      %dma_wait3A_98 = arith.constant 0 : i32
      %dma_wait3A_99 = tpu.memref_slice %arg7[%dma_wait3A_97, %dma_wait3A_98] : memref<256x128xf32, #tpu.memory_space<vmem>> -> memref<128x128xf32, #tpu.memory_space<vmem>>
      %dma_wait3A_100 = arith.constant 0 : i32
      %dma_wait3A_101 = tpu.memref_slice %arg8[%add3A_33, %dma_wait3A_100] : memref<10240x128xf32, #tpu.memory_space<vmem_shared>> -> memref<128x128xf32, #tpu.memory_space<vmem_shared>>
      %dma_wait3A_102 = arith.constant 0 : i32
      %dma_wait3A_103 = tpu.memref_slice %arg8[%add3A_33, %dma_wait3A_102] : memref<10240x128xf32, #tpu.memory_space<vmem_shared>> -> memref<128x128xf32, #tpu.memory_space<vmem_shared>>
      %dma_wait3A_104 = arith.constant 128 : i32
      %dma_wait3A_105 = arith.constant 0 : i32
      %dma_wait3A_106 = tpu.memref_slice %arg7[%dma_wait3A_104, %dma_wait3A_105] : memref<256x128xf32, #tpu.memory_space<vmem>> -> memref<128x128xf32, #tpu.memory_space<vmem>>
      tpu.wait_dma2 semaphore(%run_scoped3A_86 : memref<!tpu.dma_semaphore, #tpu.memory_space<semaphore_mem>>) src(%dma_wait3A_106 : memref<128x128xf32, #tpu.memory_space<vmem>>) dst(%dma_wait3A_103 : memref<128x128xf32, #tpu.memory_space<vmem_shared>>)
      tpu.yield
    }) : () -> ()
    %mul3A_34 = arith.constant 640 : i32
    %mul3A_35 = arith.muli %arg1, %mul3A_34 : i32
    %add3A_36 = arith.constant 128 : i32
    %add3A_37 = arith.addi %mul3A_35, %add3A_36 : i32
    "tpu.region"() ({
      %run_scoped3A_86 = tpu.sem_alloc : memref<!tpu.dma_semaphore, #tpu.memory_space<semaphore_mem>>
      %dma_start3A_87 = arith.constant 128 : i32
      %dma_start3A_88 = arith.constant 0 : i32
      %dma_start3A_89 = tpu.memref_slice %arg7[%dma_start3A_87, %dma_start3A_88] : memref<256x128xf32, #tpu.memory_space<vmem>> -> memref<128x128xf32, #tpu.memory_space<vmem>>
      %dma_start3A_90 = arith.constant 0 : i32
      %dma_start3A_91 = tpu.memref_slice %arg8[%add3A_37, %dma_start3A_90] : memref<10240x128xf32, #tpu.memory_space<vmem_shared>> -> memref<128x128xf32, #tpu.memory_space<vmem_shared>>
      %dma_start3A_92 = arith.constant 0 : i32
      %dma_start3A_93 = tpu.memref_slice %arg8[%add3A_37, %dma_start3A_92] : memref<10240x128xf32, #tpu.memory_space<vmem_shared>> -> memref<128x128xf32, #tpu.memory_space<vmem_shared>>
      %dma_start3A_94 = arith.constant 128 : i32
      %dma_start3A_95 = arith.constant 0 : i32
      %dma_start3A_96 = tpu.memref_slice %arg7[%dma_start3A_94, %dma_start3A_95] : memref<256x128xf32, #tpu.memory_space<vmem>> -> memref<128x128xf32, #tpu.memory_space<vmem>>
      tpu.enqueue_dma source(%dma_start3A_96 : memref<128x128xf32, #tpu.memory_space<vmem>>) target(%dma_start3A_93 : memref<128x128xf32, #tpu.memory_space<vmem_shared>>) target_semaphore(%run_scoped3A_86 : memref<!tpu.dma_semaphore, #tpu.memory_space<semaphore_mem>>)
      %dma_wait3A_97 = arith.constant 128 : i32
      %dma_wait3A_98 = arith.constant 0 : i32
      %dma_wait3A_99 = tpu.memref_slice %arg7[%dma_wait3A_97, %dma_wait3A_98] : memref<256x128xf32, #tpu.memory_space<vmem>> -> memref<128x128xf32, #tpu.memory_space<vmem>>
      %dma_wait3A_100 = arith.constant 0 : i32
      %dma_wait3A_101 = tpu.memref_slice %arg8[%add3A_37, %dma_wait3A_100] : memref<10240x128xf32, #tpu.memory_space<vmem_shared>> -> memref<128x128xf32, #tpu.memory_space<vmem_shared>>
      %dma_wait3A_102 = arith.constant 0 : i32
      %dma_wait3A_103 = tpu.memref_slice %arg8[%add3A_37, %dma_wait3A_102] : memref<10240x128xf32, #tpu.memory_space<vmem_shared>> -> memref<128x128xf32, #tpu.memory_space<vmem_shared>>
      %dma_wait3A_104 = arith.constant 128 : i32
      %dma_wait3A_105 = arith.constant 0 : i32
      %dma_wait3A_106 = tpu.memref_slice %arg7[%dma_wait3A_104, %dma_wait3A_105] : memref<256x128xf32, #tpu.memory_space<vmem>> -> memref<128x128xf32, #tpu.memory_space<vmem>>
      tpu.wait_dma2 semaphore(%run_scoped3A_86 : memref<!tpu.dma_semaphore, #tpu.memory_space<semaphore_mem>>) src(%dma_wait3A_106 : memref<128x128xf32, #tpu.memory_space<vmem>>) dst(%dma_wait3A_103 : memref<128x128xf32, #tpu.memory_space<vmem_shared>>)
      tpu.yield
    }) : () -> ()
    %mul3A_38 = arith.constant 640 : i32
    %mul3A_39 = arith.muli %arg1, %mul3A_38 : i32
    %add3A_40 = arith.constant 256 : i32
    %add3A_41 = arith.addi %mul3A_39, %add3A_40 : i32
    "tpu.region"() ({
      %run_scoped3A_86 = tpu.sem_alloc : memref<!tpu.dma_semaphore, #tpu.memory_space<semaphore_mem>>
      %dma_start3A_87 = arith.constant 128 : i32
      %dma_start3A_88 = arith.constant 0 : i32
      %dma_start3A_89 = tpu.memref_slice %arg7[%dma_start3A_87, %dma_start3A_88] : memref<256x128xf32, #tpu.memory_space<vmem>> -> memref<128x128xf32, #tpu.memory_space<vmem>>
      %dma_start3A_90 = arith.constant 0 : i32
      %dma_start3A_91 = tpu.memref_slice %arg8[%add3A_41, %dma_start3A_90] : memref<10240x128xf32, #tpu.memory_space<vmem_shared>> -> memref<128x128xf32, #tpu.memory_space<vmem_shared>>
      %dma_start3A_92 = arith.constant 0 : i32
      %dma_start3A_93 = tpu.memref_slice %arg8[%add3A_41, %dma_start3A_92] : memref<10240x128xf32, #tpu.memory_space<vmem_shared>> -> memref<128x128xf32, #tpu.memory_space<vmem_shared>>
      %dma_start3A_94 = arith.constant 128 : i32
      %dma_start3A_95 = arith.constant 0 : i32
      %dma_start3A_96 = tpu.memref_slice %arg7[%dma_start3A_94, %dma_start3A_95] : memref<256x128xf32, #tpu.memory_space<vmem>> -> memref<128x128xf32, #tpu.memory_space<vmem>>
      tpu.enqueue_dma source(%dma_start3A_96 : memref<128x128xf32, #tpu.memory_space<vmem>>) target(%dma_start3A_93 : memref<128x128xf32, #tpu.memory_space<vmem_shared>>) target_semaphore(%run_scoped3A_86 : memref<!tpu.dma_semaphore, #tpu.memory_space<semaphore_mem>>)
      %dma_wait3A_97 = arith.constant 128 : i32
      %dma_wait3A_98 = arith.constant 0 : i32
      %dma_wait3A_99 = tpu.memref_slice %arg7[%dma_wait3A_97, %dma_wait3A_98] : memref<256x128xf32, #tpu.memory_space<vmem>> -> memref<128x128xf32, #tpu.memory_space<vmem>>
      %dma_wait3A_100 = arith.constant 0 : i32
      %dma_wait3A_101 = tpu.memref_slice %arg8[%add3A_41, %dma_wait3A_100] : memref<10240x128xf32, #tpu.memory_space<vmem_shared>> -> memref<128x128xf32, #tpu.memory_space<vmem_shared>>
      %dma_wait3A_102 = arith.constant 0 : i32
      %dma_wait3A_103 = tpu.memref_slice %arg8[%add3A_41, %dma_wait3A_102] : memref<10240x128xf32, #tpu.memory_space<vmem_shared>> -> memref<128x128xf32, #tpu.memory_space<vmem_shared>>
      %dma_wait3A_104 = arith.constant 128 : i32
      %dma_wait3A_105 = arith.constant 0 : i32
      %dma_wait3A_106 = tpu.memref_slice %arg7[%dma_wait3A_104, %dma_wait3A_105] : memref<256x128xf32, #tpu.memory_space<vmem>> -> memref<128x128xf32, #tpu.memory_space<vmem>>
      tpu.wait_dma2 semaphore(%run_scoped3A_86 : memref<!tpu.dma_semaphore, #tpu.memory_space<semaphore_mem>>) src(%dma_wait3A_106 : memref<128x128xf32, #tpu.memory_space<vmem>>) dst(%dma_wait3A_103 : memref<128x128xf32, #tpu.memory_space<vmem_shared>>)
      tpu.yield
    }) : () -> ()
    %mul3A_42 = arith.constant 640 : i32
    %mul3A_43 = arith.muli %arg1, %mul3A_42 : i32
    %add3A_44 = arith.constant 384 : i32
    %add3A_45 = arith.addi %mul3A_43, %add3A_44 : i32
    "tpu.region"() ({
      %run_scoped3A_86 = tpu.sem_alloc : memref<!tpu.dma_semaphore, #tpu.memory_space<semaphore_mem>>
      %dma_start3A_87 = arith.constant 128 : i32
      %dma_start3A_88 = arith.constant 0 : i32
      %dma_start3A_89 = tpu.memref_slice %arg7[%dma_start3A_87, %dma_start3A_88] : memref<256x128xf32, #tpu.memory_space<vmem>> -> memref<128x128xf32, #tpu.memory_space<vmem>>
      %dma_start3A_90 = arith.constant 0 : i32
      %dma_start3A_91 = tpu.memref_slice %arg8[%add3A_45, %dma_start3A_90] : memref<10240x128xf32, #tpu.memory_space<vmem_shared>> -> memref<128x128xf32, #tpu.memory_space<vmem_shared>>
      %dma_start3A_92 = arith.constant 0 : i32
      %dma_start3A_93 = tpu.memref_slice %arg8[%add3A_45, %dma_start3A_92] : memref<10240x128xf32, #tpu.memory_space<vmem_shared>> -> memref<128x128xf32, #tpu.memory_space<vmem_shared>>
      %dma_start3A_94 = arith.constant 128 : i32
      %dma_start3A_95 = arith.constant 0 : i32
      %dma_start3A_96 = tpu.memref_slice %arg7[%dma_start3A_94, %dma_start3A_95] : memref<256x128xf32, #tpu.memory_space<vmem>> -> memref<128x128xf32, #tpu.memory_space<vmem>>
      tpu.enqueue_dma source(%dma_start3A_96 : memref<128x128xf32, #tpu.memory_space<vmem>>) target(%dma_start3A_93 : memref<128x128xf32, #tpu.memory_space<vmem_shared>>) target_semaphore(%run_scoped3A_86 : memref<!tpu.dma_semaphore, #tpu.memory_space<semaphore_mem>>)
      %dma_wait3A_97 = arith.constant 128 : i32
      %dma_wait3A_98 = arith.constant 0 : i32
      %dma_wait3A_99 = tpu.memref_slice %arg7[%dma_wait3A_97, %dma_wait3A_98] : memref<256x128xf32, #tpu.memory_space<vmem>> -> memref<128x128xf32, #tpu.memory_space<vmem>>
      %dma_wait3A_100 = arith.constant 0 : i32
      %dma_wait3A_101 = tpu.memref_slice %arg8[%add3A_45, %dma_wait3A_100] : memref<10240x128xf32, #tpu.memory_space<vmem_shared>> -> memref<128x128xf32, #tpu.memory_space<vmem_shared>>
      %dma_wait3A_102 = arith.constant 0 : i32
      %dma_wait3A_103 = tpu.memref_slice %arg8[%add3A_45, %dma_wait3A_102] : memref<10240x128xf32, #tpu.memory_space<vmem_shared>> -> memref<128x128xf32, #tpu.memory_space<vmem_shared>>
      %dma_wait3A_104 = arith.constant 128 : i32
      %dma_wait3A_105 = arith.constant 0 : i32
      %dma_wait3A_106 = tpu.memref_slice %arg7[%dma_wait3A_104, %dma_wait3A_105] : memref<256x128xf32, #tpu.memory_space<vmem>> -> memref<128x128xf32, #tpu.memory_space<vmem>>
      tpu.wait_dma2 semaphore(%run_scoped3A_86 : memref<!tpu.dma_semaphore, #tpu.memory_space<semaphore_mem>>) src(%dma_wait3A_106 : memref<128x128xf32, #tpu.memory_space<vmem>>) dst(%dma_wait3A_103 : memref<128x128xf32, #tpu.memory_space<vmem_shared>>)
      tpu.yield
    }) : () -> ()
    %mul3A_46 = arith.constant 640 : i32
    %mul3A_47 = arith.muli %arg1, %mul3A_46 : i32
    %add3A_48 = arith.constant 512 : i32
    %add3A_49 = arith.addi %mul3A_47, %add3A_48 : i32
    "tpu.region"() ({
      %run_scoped3A_86 = tpu.sem_alloc : memref<!tpu.dma_semaphore, #tpu.memory_space<semaphore_mem>>
      %dma_start3A_87 = arith.constant 128 : i32
      %dma_start3A_88 = arith.constant 0 : i32
      %dma_start3A_89 = tpu.memref_slice %arg7[%dma_start3A_87, %dma_start3A_88] : memref<256x128xf32, #tpu.memory_space<vmem>> -> memref<128x128xf32, #tpu.memory_space<vmem>>
      %dma_start3A_90 = arith.constant 0 : i32
      %dma_start3A_91 = tpu.memref_slice %arg8[%add3A_49, %dma_start3A_90] : memref<10240x128xf32, #tpu.memory_space<vmem_shared>> -> memref<128x128xf32, #tpu.memory_space<vmem_shared>>
      %dma_start3A_92 = arith.constant 0 : i32
      %dma_start3A_93 = tpu.memref_slice %arg8[%add3A_49, %dma_start3A_92] : memref<10240x128xf32, #tpu.memory_space<vmem_shared>> -> memref<128x128xf32, #tpu.memory_space<vmem_shared>>
      %dma_start3A_94 = arith.constant 128 : i32
      %dma_start3A_95 = arith.constant 0 : i32
      %dma_start3A_96 = tpu.memref_slice %arg7[%dma_start3A_94, %dma_start3A_95] : memref<256x128xf32, #tpu.memory_space<vmem>> -> memref<128x128xf32, #tpu.memory_space<vmem>>
      tpu.enqueue_dma source(%dma_start3A_96 : memref<128x128xf32, #tpu.memory_space<vmem>>) target(%dma_start3A_93 : memref<128x128xf32, #tpu.memory_space<vmem_shared>>) target_semaphore(%run_scoped3A_86 : memref<!tpu.dma_semaphore, #tpu.memory_space<semaphore_mem>>)
      %dma_wait3A_97 = arith.constant 128 : i32
      %dma_wait3A_98 = arith.constant 0 : i32
      %dma_wait3A_99 = tpu.memref_slice %arg7[%dma_wait3A_97, %dma_wait3A_98] : memref<256x128xf32, #tpu.memory_space<vmem>> -> memref<128x128xf32, #tpu.memory_space<vmem>>
      %dma_wait3A_100 = arith.constant 0 : i32
      %dma_wait3A_101 = tpu.memref_slice %arg8[%add3A_49, %dma_wait3A_100] : memref<10240x128xf32, #tpu.memory_space<vmem_shared>> -> memref<128x128xf32, #tpu.memory_space<vmem_shared>>
      %dma_wait3A_102 = arith.constant 0 : i32
      %dma_wait3A_103 = tpu.memref_slice %arg8[%add3A_49, %dma_wait3A_102] : memref<10240x128xf32, #tpu.memory_space<vmem_shared>> -> memref<128x128xf32, #tpu.memory_space<vmem_shared>>
      %dma_wait3A_104 = arith.constant 128 : i32
      %dma_wait3A_105 = arith.constant 0 : i32
      %dma_wait3A_106 = tpu.memref_slice %arg7[%dma_wait3A_104, %dma_wait3A_105] : memref<256x128xf32, #tpu.memory_space<vmem>> -> memref<128x128xf32, #tpu.memory_space<vmem>>
      tpu.wait_dma2 semaphore(%run_scoped3A_86 : memref<!tpu.dma_semaphore, #tpu.memory_space<semaphore_mem>>) src(%dma_wait3A_106 : memref<128x128xf32, #tpu.memory_space<vmem>>) dst(%dma_wait3A_103 : memref<128x128xf32, #tpu.memory_space<vmem_shared>>)
      tpu.yield
    }) : () -> ()
    %barrier3A = arith.constant 0 : index
    tpu.barrier barrier_id(%barrier3A)
    %while3A = arith.constant 0 : i32
    %while3A_50 = arith.constant 0 : i32
    %while3A_51 = arith.subi %select_n3A, %while3A_50 : i32
    %while3A_52 = arith.addi %while3A_50, %while3A_51 : i32
    %while3A_53 = arith.constant 1 : i32
    %while3A_54 = arith.divsi %while3A_51, %while3A_53 : i32
    %while3A_55 = arith.muli %while3A_54, %while3A_53 : i32
    %while3A_56 = arith.addi %while3A_50, %while3A_55 : i32
    %while3A_57 = arith.constant 1 : i32
    scf.for %while3A_86 = %while3A_50 to %while3A_56 step %while3A_57  : i32 {
      %gt3A = arith.constant 0 : i32
      %gt3A_87 = arith.cmpi sgt, %while3A_86, %gt3A : i32
      %convert_element_type3A_88 = arith.extui %gt3A_87 : i1 to i32
      %cond3A_89 = arith.constant 0 : i32
      %cond3A_90 = arith.cmpi ne, %convert_element_type3A_88, %cond3A_89 : i32
      scf.if %cond3A_90 {
        %dma_wait3A_97 = arith.constant 0 : i32
        %dma_wait3A_98 = arith.constant 128 : i32
        %dma_wait3A_99 = arith.constant 0 : i32
        %dma_wait3A_100 = tpu.memref_slice %arg7[%dma_wait3A_98, %dma_wait3A_99] : memref<256x128xf32, #tpu.memory_space<vmem>> -> memref<64x128xf32, #tpu.memory_space<vmem>>
        %dma_wait3A_101 = arith.constant 0 : i32
        %dma_wait3A_102 = tpu.memref_slice %arg6[%dma_wait3A_97, %dma_wait3A_101] : memref<40x64xi32, #tpu.memory_space<vmem>> -> memref<1x64xi32, #tpu.memory_space<vmem>>
        %dma_wait3A_103 = tpu.memref_squeeze %dma_wait3A_102 : memref<1x64xi32, #tpu.memory_space<vmem>> -> memref<64xi32, #tpu.memory_space<vmem>>
        %dma_wait3A_104 = arith.constant 0 : i32
        %dma_wait3A_105 = arith.constant 0 : i32
        %dma_wait3A_106 = tpu.memref_slice %arg8[%dma_wait3A_104, %dma_wait3A_105] : memref<10240x128xf32, #tpu.memory_space<vmem_shared>> -> memref<10240x128xf32, #tpu.memory_space<vmem_shared>>
        tpu.wait_indirect_dma semaphore(%arg15 : memref<!tpu.dma_semaphore, #tpu.memory_space<semaphore_mem>>) src(%dma_wait3A_100 : memref<64x128xf32, #tpu.memory_space<vmem>>) dst(%dma_wait3A_106 : memref<10240x128xf32, #tpu.memory_space<vmem_shared>>)
        %dma_wait3A_107 = arith.constant 0 : i32
        %dma_wait3A_108 = arith.constant 192 : i32
        %dma_wait3A_109 = arith.constant 0 : i32
        %dma_wait3A_110 = tpu.memref_slice %arg7[%dma_wait3A_108, %dma_wait3A_109] : memref<256x128xf32, #tpu.memory_space<vmem>> -> memref<64x128xf32, #tpu.memory_space<vmem>>
        %dma_wait3A_111 = arith.constant 0 : i32
        %dma_wait3A_112 = tpu.memref_slice %arg6[%dma_wait3A_107, %dma_wait3A_111] : memref<40x64xi32, #tpu.memory_space<vmem>> -> memref<1x64xi32, #tpu.memory_space<vmem>>
        %dma_wait3A_113 = tpu.memref_squeeze %dma_wait3A_112 : memref<1x64xi32, #tpu.memory_space<vmem>> -> memref<64xi32, #tpu.memory_space<vmem>>
        %dma_wait3A_114 = arith.constant 0 : i32
        %dma_wait3A_115 = arith.constant 0 : i32
        %dma_wait3A_116 = tpu.memref_slice %arg8[%dma_wait3A_114, %dma_wait3A_115] : memref<10240x128xf32, #tpu.memory_space<vmem_shared>> -> memref<10240x128xf32, #tpu.memory_space<vmem_shared>>
        tpu.wait_indirect_dma semaphore(%arg16 : memref<!tpu.dma_semaphore, #tpu.memory_space<semaphore_mem>>) src(%dma_wait3A_110 : memref<64x128xf32, #tpu.memory_space<vmem>>) dst(%dma_wait3A_116 : memref<10240x128xf32, #tpu.memory_space<vmem_shared>>)
        %mul3A_117 = arith.constant 160 : i32
        %mul3A_118 = arith.muli %add3A, %mul3A_117 : i32
        %mul3A_119 = arith.constant 40 : i32
        %mul3A_120 = arith.muli %while3A_86, %mul3A_119 : i32
        %add3A_121 = arith.addi %mul3A_118, %mul3A_120 : i32
        %run_scoped3A_122 = arith.constant 0 : i32
        "tpu.region"() ({
          %run_scoped3A_144 = tpu.sem_alloc : memref<!tpu.dma_semaphore, #tpu.memory_space<semaphore_mem>>
          %dma_start3A_145 = arith.constant 0 : i32
          %dma_start3A_146 = tpu.memref_slice %arg3[%run_scoped3A_122, %add3A_121, %dma_start3A_145] : memref<2x5000x64xi32, #tpu.memory_space<hbm>> -> memref<1x40x64xi32, #tpu.memory_space<hbm>>
          %dma_start3A_147 = tpu.memref_squeeze %dma_start3A_146 : memref<1x40x64xi32, #tpu.memory_space<hbm>> -> memref<40x64xi32, #tpu.memory_space<hbm>>
          %dma_start3A_148 = arith.constant 0 : i32
          %dma_start3A_149 = tpu.memref_slice %arg3[%run_scoped3A_122, %add3A_121, %dma_start3A_148] : memref<2x5000x64xi32, #tpu.memory_space<hbm>> -> memref<1x40x64xi32, #tpu.memory_space<hbm>>
          %dma_start3A_150 = tpu.memref_squeeze %dma_start3A_149 : memref<1x40x64xi32, #tpu.memory_space<hbm>> -> memref<40x64xi32, #tpu.memory_space<hbm>>
          tpu.enqueue_dma source(%dma_start3A_150 : memref<40x64xi32, #tpu.memory_space<hbm>>) target(%arg5 : memref<40x64xi32, #tpu.memory_space<vmem>>) target_semaphore(%run_scoped3A_144 : memref<!tpu.dma_semaphore, #tpu.memory_space<semaphore_mem>>)
          %dma_wait3A_151 = arith.constant 0 : i32
          %dma_wait3A_152 = tpu.memref_slice %arg3[%run_scoped3A_122, %add3A_121, %dma_wait3A_151] : memref<2x5000x64xi32, #tpu.memory_space<hbm>> -> memref<1x40x64xi32, #tpu.memory_space<hbm>>
          %dma_wait3A_153 = tpu.memref_squeeze %dma_wait3A_152 : memref<1x40x64xi32, #tpu.memory_space<hbm>> -> memref<40x64xi32, #tpu.memory_space<hbm>>
          %dma_wait3A_154 = arith.constant 0 : i32
          %dma_wait3A_155 = tpu.memref_slice %arg3[%run_scoped3A_122, %add3A_121, %dma_wait3A_154] : memref<2x5000x64xi32, #tpu.memory_space<hbm>> -> memref<1x40x64xi32, #tpu.memory_space<hbm>>
          %dma_wait3A_156 = tpu.memref_squeeze %dma_wait3A_155 : memref<1x40x64xi32, #tpu.memory_space<hbm>> -> memref<40x64xi32, #tpu.memory_space<hbm>>
          tpu.wait_dma2 semaphore(%run_scoped3A_144 : memref<!tpu.dma_semaphore, #tpu.memory_space<semaphore_mem>>) src(%dma_wait3A_156 : memref<40x64xi32, #tpu.memory_space<hbm>>) dst(%arg5 : memref<40x64xi32, #tpu.memory_space<vmem>>)
          tpu.yield
        }) : () -> ()
        %run_scoped3A_123 = arith.constant 1 : i32
        "tpu.region"() ({
          %run_scoped3A_144 = tpu.sem_alloc : memref<!tpu.dma_semaphore, #tpu.memory_space<semaphore_mem>>
          %dma_start3A_145 = arith.constant 0 : i32
          %dma_start3A_146 = tpu.memref_slice %arg3[%run_scoped3A_123, %add3A_121, %dma_start3A_145] : memref<2x5000x64xi32, #tpu.memory_space<hbm>> -> memref<1x40x64xi32, #tpu.memory_space<hbm>>
          %dma_start3A_147 = tpu.memref_squeeze %dma_start3A_146 : memref<1x40x64xi32, #tpu.memory_space<hbm>> -> memref<40x64xi32, #tpu.memory_space<hbm>>
          %dma_start3A_148 = arith.constant 0 : i32
          %dma_start3A_149 = tpu.memref_slice %arg3[%run_scoped3A_123, %add3A_121, %dma_start3A_148] : memref<2x5000x64xi32, #tpu.memory_space<hbm>> -> memref<1x40x64xi32, #tpu.memory_space<hbm>>
          %dma_start3A_150 = tpu.memref_squeeze %dma_start3A_149 : memref<1x40x64xi32, #tpu.memory_space<hbm>> -> memref<40x64xi32, #tpu.memory_space<hbm>>
          tpu.enqueue_dma source(%dma_start3A_150 : memref<40x64xi32, #tpu.memory_space<hbm>>) target(%arg6 : memref<40x64xi32, #tpu.memory_space<vmem>>) target_semaphore(%run_scoped3A_144 : memref<!tpu.dma_semaphore, #tpu.memory_space<semaphore_mem>>)
          %dma_wait3A_151 = arith.constant 0 : i32
          %dma_wait3A_152 = tpu.memref_slice %arg3[%run_scoped3A_123, %add3A_121, %dma_wait3A_151] : memref<2x5000x64xi32, #tpu.memory_space<hbm>> -> memref<1x40x64xi32, #tpu.memory_space<hbm>>
          %dma_wait3A_153 = tpu.memref_squeeze %dma_wait3A_152 : memref<1x40x64xi32, #tpu.memory_space<hbm>> -> memref<40x64xi32, #tpu.memory_space<hbm>>
          %dma_wait3A_154 = arith.constant 0 : i32
          %dma_wait3A_155 = tpu.memref_slice %arg3[%run_scoped3A_123, %add3A_121, %dma_wait3A_154] : memref<2x5000x64xi32, #tpu.memory_space<hbm>> -> memref<1x40x64xi32, #tpu.memory_space<hbm>>
          %dma_wait3A_156 = tpu.memref_squeeze %dma_wait3A_155 : memref<1x40x64xi32, #tpu.memory_space<hbm>> -> memref<40x64xi32, #tpu.memory_space<hbm>>
          tpu.wait_dma2 semaphore(%run_scoped3A_144 : memref<!tpu.dma_semaphore, #tpu.memory_space<semaphore_mem>>) src(%dma_wait3A_156 : memref<40x64xi32, #tpu.memory_space<hbm>>) dst(%arg6 : memref<40x64xi32, #tpu.memory_space<vmem>>)
          tpu.yield
        }) : () -> ()
        %dma_start3A_124 = arith.constant 0 : i32
        %dma_start3A_125 = arith.constant 0 : i32
        %dma_start3A_126 = arith.constant 0 : i32
        %dma_start3A_127 = tpu.memref_slice %arg7[%dma_start3A_125, %dma_start3A_126] : memref<256x128xf32, #tpu.memory_space<vmem>> -> memref<64x128xf32, #tpu.memory_space<vmem>>
        %dma_start3A_128 = arith.constant 0 : i32
        %dma_start3A_129 = tpu.memref_slice %arg5[%dma_start3A_124, %dma_start3A_128] : memref<40x64xi32, #tpu.memory_space<vmem>> -> memref<1x64xi32, #tpu.memory_space<vmem>>
        %dma_start3A_130 = tpu.memref_squeeze %dma_start3A_129 : memref<1x64xi32, #tpu.memory_space<vmem>> -> memref<64xi32, #tpu.memory_space<vmem>>
        %dma_start3A_131 = arith.constant 0 : i32
        %dma_start3A_132 = arith.constant 0 : i32
        %dma_start3A_133 = tpu.memref_slice %arg2[%dma_start3A_131, %dma_start3A_132] : memref<10000x128xf32, #tpu.memory_space<hbm>> -> memref<10000x128xf32, #tpu.memory_space<hbm>>
        tpu.enqueue_indirect_dma source(%dma_start3A_133 : memref<10000x128xf32, #tpu.memory_space<hbm>>) target(%dma_start3A_127 : memref<64x128xf32, #tpu.memory_space<vmem>>) offsets(%dma_start3A_130 : memref<64xi32, #tpu.memory_space<vmem>>) semaphore(%arg9 : memref<!tpu.dma_semaphore, #tpu.memory_space<semaphore_mem>>)
        %dma_start3A_134 = arith.constant 1 : i32
        %dma_start3A_135 = arith.constant 64 : i32
        %dma_start3A_136 = arith.constant 0 : i32
        %dma_start3A_137 = tpu.memref_slice %arg7[%dma_start3A_135, %dma_start3A_136] : memref<256x128xf32, #tpu.memory_space<vmem>> -> memref<64x128xf32, #tpu.memory_space<vmem>>
        %dma_start3A_138 = arith.constant 0 : i32
        %dma_start3A_139 = tpu.memref_slice %arg5[%dma_start3A_134, %dma_start3A_138] : memref<40x64xi32, #tpu.memory_space<vmem>> -> memref<1x64xi32, #tpu.memory_space<vmem>>
        %dma_start3A_140 = tpu.memref_squeeze %dma_start3A_139 : memref<1x64xi32, #tpu.memory_space<vmem>> -> memref<64xi32, #tpu.memory_space<vmem>>
        %dma_start3A_141 = arith.constant 0 : i32
        %dma_start3A_142 = arith.constant 0 : i32
        %dma_start3A_143 = tpu.memref_slice %arg2[%dma_start3A_141, %dma_start3A_142] : memref<10000x128xf32, #tpu.memory_space<hbm>> -> memref<10000x128xf32, #tpu.memory_space<hbm>>
        tpu.enqueue_indirect_dma source(%dma_start3A_143 : memref<10000x128xf32, #tpu.memory_space<hbm>>) target(%dma_start3A_137 : memref<64x128xf32, #tpu.memory_space<vmem>>) offsets(%dma_start3A_140 : memref<64xi32, #tpu.memory_space<vmem>>) semaphore(%arg10 : memref<!tpu.dma_semaphore, #tpu.memory_space<semaphore_mem>>)
      } else {
      }
      %scan3A_91 = arith.constant 0 : i32
      %scan3A_92 = arith.constant 0 : i32
      %scan3A_93 = arith.constant 10 : i32
      %scan3A_94 = arith.addi %scan3A_92, %scan3A_93 : i32
      %scan3A_95 = arith.constant 1 : i32
      scf.for %scan3A_97 = %scan3A_92 to %scan3A_94 step %scan3A_95  : i32 {
        %mul3A_98 = arith.constant 4 : i32
        %mul3A_99 = arith.muli %mul3A_98, %scan3A_97 : i32
        %add3A_100 = arith.constant 0 : i32
        %add3A_101 = arith.addi %mul3A_99, %add3A_100 : i32
        %ge3A = arith.constant 1 : i32
        %ge3A_102 = arith.cmpi sge, %scan3A_97, %ge3A : i32
        %convert_element_type3A_103 = arith.extui %ge3A_102 : i1 to i32
        %cond3A_104 = arith.constant 0 : i32
        %cond3A_105 = arith.cmpi ne, %convert_element_type3A_103, %cond3A_104 : i32
        scf.if %cond3A_105 {
          %dma_wait3A_259 = arith.constant 0 : i32
          %dma_wait3A_260 = arith.constant 128 : i32
          %dma_wait3A_261 = arith.constant 0 : i32
          %dma_wait3A_262 = tpu.memref_slice %arg7[%dma_wait3A_260, %dma_wait3A_261] : memref<256x128xf32, #tpu.memory_space<vmem>> -> memref<64x128xf32, #tpu.memory_space<vmem>>
          %dma_wait3A_263 = arith.constant 0 : i32
          %dma_wait3A_264 = tpu.memref_slice %arg6[%dma_wait3A_259, %dma_wait3A_263] : memref<40x64xi32, #tpu.memory_space<vmem>> -> memref<1x64xi32, #tpu.memory_space<vmem>>
          %dma_wait3A_265 = tpu.memref_squeeze %dma_wait3A_264 : memref<1x64xi32, #tpu.memory_space<vmem>> -> memref<64xi32, #tpu.memory_space<vmem>>
          %dma_wait3A_266 = arith.constant 0 : i32
          %dma_wait3A_267 = arith.constant 0 : i32
          %dma_wait3A_268 = tpu.memref_slice %arg8[%dma_wait3A_266, %dma_wait3A_267] : memref<10240x128xf32, #tpu.memory_space<vmem_shared>> -> memref<10240x128xf32, #tpu.memory_space<vmem_shared>>
          tpu.wait_indirect_dma semaphore(%arg15 : memref<!tpu.dma_semaphore, #tpu.memory_space<semaphore_mem>>) src(%dma_wait3A_262 : memref<64x128xf32, #tpu.memory_space<vmem>>) dst(%dma_wait3A_268 : memref<10240x128xf32, #tpu.memory_space<vmem_shared>>)
        } else {
        }
        %add3A_106 = arith.constant 2 : i32
        %add3A_107 = arith.addi %add3A_101, %add3A_106 : i32
        %dma_start3A_108 = arith.constant 128 : i32
        %dma_start3A_109 = arith.constant 0 : i32
        %dma_start3A_110 = tpu.memref_slice %arg7[%dma_start3A_108, %dma_start3A_109] : memref<256x128xf32, #tpu.memory_space<vmem>> -> memref<64x128xf32, #tpu.memory_space<vmem>>
        %dma_start3A_111 = arith.constant 0 : i32
        %dma_start3A_112 = tpu.memref_slice %arg5[%add3A_107, %dma_start3A_111] : memref<40x64xi32, #tpu.memory_space<vmem>> -> memref<1x64xi32, #tpu.memory_space<vmem>>
        %dma_start3A_113 = tpu.memref_squeeze %dma_start3A_112 : memref<1x64xi32, #tpu.memory_space<vmem>> -> memref<64xi32, #tpu.memory_space<vmem>>
        %dma_start3A_114 = arith.constant 0 : i32
        %dma_start3A_115 = arith.constant 0 : i32
        %dma_start3A_116 = tpu.memref_slice %arg2[%dma_start3A_114, %dma_start3A_115] : memref<10000x128xf32, #tpu.memory_space<hbm>> -> memref<10000x128xf32, #tpu.memory_space<hbm>>
        tpu.enqueue_indirect_dma source(%dma_start3A_116 : memref<10000x128xf32, #tpu.memory_space<hbm>>) target(%dma_start3A_110 : memref<64x128xf32, #tpu.memory_space<vmem>>) offsets(%dma_start3A_113 : memref<64xi32, #tpu.memory_space<vmem>>) semaphore(%arg11 : memref<!tpu.dma_semaphore, #tpu.memory_space<semaphore_mem>>)
        %dma_wait3A_117 = arith.constant 0 : i32
        %dma_wait3A_118 = arith.constant 0 : i32
        %dma_wait3A_119 = tpu.memref_slice %arg7[%dma_wait3A_117, %dma_wait3A_118] : memref<256x128xf32, #tpu.memory_space<vmem>> -> memref<64x128xf32, #tpu.memory_space<vmem>>
        %dma_wait3A_120 = arith.constant 0 : i32
        %dma_wait3A_121 = arith.constant 0 : i32
        %dma_wait3A_122 = tpu.memref_slice %arg2[%dma_wait3A_120, %dma_wait3A_121] : memref<10000x128xf32, #tpu.memory_space<hbm>> -> memref<64x128xf32, #tpu.memory_space<hbm>>
        %dma_wait3A_123 = arith.constant 0 : i32
        %dma_wait3A_124 = arith.constant 0 : i32
        %dma_wait3A_125 = tpu.memref_slice %arg7[%dma_wait3A_123, %dma_wait3A_124] : memref<256x128xf32, #tpu.memory_space<vmem>> -> memref<64x128xf32, #tpu.memory_space<vmem>>
        %dma_wait3A_126 = arith.constant 0 : i32
        %dma_wait3A_127 = arith.constant 0 : i32
        %dma_wait3A_128 = tpu.memref_slice %arg2[%dma_wait3A_126, %dma_wait3A_127] : memref<10000x128xf32, #tpu.memory_space<hbm>> -> memref<64x128xf32, #tpu.memory_space<hbm>>
        tpu.wait_dma2 semaphore(%arg9 : memref<!tpu.dma_semaphore, #tpu.memory_space<semaphore_mem>>) src(%dma_wait3A_128 : memref<64x128xf32, #tpu.memory_space<hbm>>) dst(%dma_wait3A_125 : memref<64x128xf32, #tpu.memory_space<vmem>>)
        %dma_start3A_129 = arith.constant 0 : i32
        %dma_start3A_130 = arith.constant 0 : i32
        %dma_start3A_131 = tpu.memref_slice %arg7[%dma_start3A_129, %dma_start3A_130] : memref<256x128xf32, #tpu.memory_space<vmem>> -> memref<64x128xf32, #tpu.memory_space<vmem>>
        %dma_start3A_132 = arith.constant 0 : i32
        %dma_start3A_133 = tpu.memref_slice %arg6[%add3A_101, %dma_start3A_132] : memref<40x64xi32, #tpu.memory_space<vmem>> -> memref<1x64xi32, #tpu.memory_space<vmem>>
        %dma_start3A_134 = tpu.memref_squeeze %dma_start3A_133 : memref<1x64xi32, #tpu.memory_space<vmem>> -> memref<64xi32, #tpu.memory_space<vmem>>
        %dma_start3A_135 = arith.constant 0 : i32
        %dma_start3A_136 = arith.constant 0 : i32
        %dma_start3A_137 = tpu.memref_slice %arg8[%dma_start3A_135, %dma_start3A_136] : memref<10240x128xf32, #tpu.memory_space<vmem_shared>> -> memref<10240x128xf32, #tpu.memory_space<vmem_shared>>
        tpu.enqueue_indirect_dma source(%dma_start3A_131 : memref<64x128xf32, #tpu.memory_space<vmem>>) target(%dma_start3A_137 : memref<10240x128xf32, #tpu.memory_space<vmem_shared>>) offsets(%dma_start3A_134 : memref<64xi32, #tpu.memory_space<vmem>>) semaphore(%arg13 : memref<!tpu.dma_semaphore, #tpu.memory_space<semaphore_mem>>) {add = true}
        %mul3A_138 = arith.constant 4 : i32
        %mul3A_139 = arith.muli %mul3A_138, %scan3A_97 : i32
        %add3A_140 = arith.constant 1 : i32
        %add3A_141 = arith.addi %mul3A_139, %add3A_140 : i32
        %ge3A_142 = arith.constant 1 : i32
        %ge3A_143 = arith.cmpi sge, %scan3A_97, %ge3A_142 : i32
        %convert_element_type3A_144 = arith.extui %ge3A_143 : i1 to i32
        %cond3A_145 = arith.constant 0 : i32
        %cond3A_146 = arith.cmpi ne, %convert_element_type3A_144, %cond3A_145 : i32
        scf.if %cond3A_146 {
          %dma_wait3A_259 = arith.constant 0 : i32
          %dma_wait3A_260 = arith.constant 192 : i32
          %dma_wait3A_261 = arith.constant 0 : i32
          %dma_wait3A_262 = tpu.memref_slice %arg7[%dma_wait3A_260, %dma_wait3A_261] : memref<256x128xf32, #tpu.memory_space<vmem>> -> memref<64x128xf32, #tpu.memory_space<vmem>>
          %dma_wait3A_263 = arith.constant 0 : i32
          %dma_wait3A_264 = tpu.memref_slice %arg6[%dma_wait3A_259, %dma_wait3A_263] : memref<40x64xi32, #tpu.memory_space<vmem>> -> memref<1x64xi32, #tpu.memory_space<vmem>>
          %dma_wait3A_265 = tpu.memref_squeeze %dma_wait3A_264 : memref<1x64xi32, #tpu.memory_space<vmem>> -> memref<64xi32, #tpu.memory_space<vmem>>
          %dma_wait3A_266 = arith.constant 0 : i32
          %dma_wait3A_267 = arith.constant 0 : i32
          %dma_wait3A_268 = tpu.memref_slice %arg8[%dma_wait3A_266, %dma_wait3A_267] : memref<10240x128xf32, #tpu.memory_space<vmem_shared>> -> memref<10240x128xf32, #tpu.memory_space<vmem_shared>>
          tpu.wait_indirect_dma semaphore(%arg16 : memref<!tpu.dma_semaphore, #tpu.memory_space<semaphore_mem>>) src(%dma_wait3A_262 : memref<64x128xf32, #tpu.memory_space<vmem>>) dst(%dma_wait3A_268 : memref<10240x128xf32, #tpu.memory_space<vmem_shared>>)
        } else {
        }
        %add3A_147 = arith.constant 2 : i32
        %add3A_148 = arith.addi %add3A_141, %add3A_147 : i32
        %dma_start3A_149 = arith.constant 192 : i32
        %dma_start3A_150 = arith.constant 0 : i32
        %dma_start3A_151 = tpu.memref_slice %arg7[%dma_start3A_149, %dma_start3A_150] : memref<256x128xf32, #tpu.memory_space<vmem>> -> memref<64x128xf32, #tpu.memory_space<vmem>>
        %dma_start3A_152 = arith.constant 0 : i32
        %dma_start3A_153 = tpu.memref_slice %arg5[%add3A_148, %dma_start3A_152] : memref<40x64xi32, #tpu.memory_space<vmem>> -> memref<1x64xi32, #tpu.memory_space<vmem>>
        %dma_start3A_154 = tpu.memref_squeeze %dma_start3A_153 : memref<1x64xi32, #tpu.memory_space<vmem>> -> memref<64xi32, #tpu.memory_space<vmem>>
        %dma_start3A_155 = arith.constant 0 : i32
        %dma_start3A_156 = arith.constant 0 : i32
        %dma_start3A_157 = tpu.memref_slice %arg2[%dma_start3A_155, %dma_start3A_156] : memref<10000x128xf32, #tpu.memory_space<hbm>> -> memref<10000x128xf32, #tpu.memory_space<hbm>>
        tpu.enqueue_indirect_dma source(%dma_start3A_157 : memref<10000x128xf32, #tpu.memory_space<hbm>>) target(%dma_start3A_151 : memref<64x128xf32, #tpu.memory_space<vmem>>) offsets(%dma_start3A_154 : memref<64xi32, #tpu.memory_space<vmem>>) semaphore(%arg12 : memref<!tpu.dma_semaphore, #tpu.memory_space<semaphore_mem>>)
        %dma_wait3A_158 = arith.constant 64 : i32
        %dma_wait3A_159 = arith.constant 0 : i32
        %dma_wait3A_160 = tpu.memref_slice %arg7[%dma_wait3A_158, %dma_wait3A_159] : memref<256x128xf32, #tpu.memory_space<vmem>> -> memref<64x128xf32, #tpu.memory_space<vmem>>
        %dma_wait3A_161 = arith.constant 0 : i32
        %dma_wait3A_162 = arith.constant 0 : i32
        %dma_wait3A_163 = tpu.memref_slice %arg2[%dma_wait3A_161, %dma_wait3A_162] : memref<10000x128xf32, #tpu.memory_space<hbm>> -> memref<64x128xf32, #tpu.memory_space<hbm>>
        %dma_wait3A_164 = arith.constant 64 : i32
        %dma_wait3A_165 = arith.constant 0 : i32
        %dma_wait3A_166 = tpu.memref_slice %arg7[%dma_wait3A_164, %dma_wait3A_165] : memref<256x128xf32, #tpu.memory_space<vmem>> -> memref<64x128xf32, #tpu.memory_space<vmem>>
        %dma_wait3A_167 = arith.constant 0 : i32
        %dma_wait3A_168 = arith.constant 0 : i32
        %dma_wait3A_169 = tpu.memref_slice %arg2[%dma_wait3A_167, %dma_wait3A_168] : memref<10000x128xf32, #tpu.memory_space<hbm>> -> memref<64x128xf32, #tpu.memory_space<hbm>>
        tpu.wait_dma2 semaphore(%arg10 : memref<!tpu.dma_semaphore, #tpu.memory_space<semaphore_mem>>) src(%dma_wait3A_169 : memref<64x128xf32, #tpu.memory_space<hbm>>) dst(%dma_wait3A_166 : memref<64x128xf32, #tpu.memory_space<vmem>>)
        %dma_start3A_170 = arith.constant 64 : i32
        %dma_start3A_171 = arith.constant 0 : i32
        %dma_start3A_172 = tpu.memref_slice %arg7[%dma_start3A_170, %dma_start3A_171] : memref<256x128xf32, #tpu.memory_space<vmem>> -> memref<64x128xf32, #tpu.memory_space<vmem>>
        %dma_start3A_173 = arith.constant 0 : i32
        %dma_start3A_174 = tpu.memref_slice %arg6[%add3A_141, %dma_start3A_173] : memref<40x64xi32, #tpu.memory_space<vmem>> -> memref<1x64xi32, #tpu.memory_space<vmem>>
        %dma_start3A_175 = tpu.memref_squeeze %dma_start3A_174 : memref<1x64xi32, #tpu.memory_space<vmem>> -> memref<64xi32, #tpu.memory_space<vmem>>
        %dma_start3A_176 = arith.constant 0 : i32
        %dma_start3A_177 = arith.constant 0 : i32
        %dma_start3A_178 = tpu.memref_slice %arg8[%dma_start3A_176, %dma_start3A_177] : memref<10240x128xf32, #tpu.memory_space<vmem_shared>> -> memref<10240x128xf32, #tpu.memory_space<vmem_shared>>
        tpu.enqueue_indirect_dma source(%dma_start3A_172 : memref<64x128xf32, #tpu.memory_space<vmem>>) target(%dma_start3A_178 : memref<10240x128xf32, #tpu.memory_space<vmem_shared>>) offsets(%dma_start3A_175 : memref<64xi32, #tpu.memory_space<vmem>>) semaphore(%arg14 : memref<!tpu.dma_semaphore, #tpu.memory_space<semaphore_mem>>) {add = true}
        %mul3A_179 = arith.constant 4 : i32
        %mul3A_180 = arith.muli %mul3A_179, %scan3A_97 : i32
        %add3A_181 = arith.constant 2 : i32
        %add3A_182 = arith.addi %mul3A_180, %add3A_181 : i32
        %dma_wait3A_183 = arith.constant 0 : i32
        %dma_wait3A_184 = arith.constant 0 : i32
        %dma_wait3A_185 = arith.constant 0 : i32
        %dma_wait3A_186 = tpu.memref_slice %arg7[%dma_wait3A_184, %dma_wait3A_185] : memref<256x128xf32, #tpu.memory_space<vmem>> -> memref<64x128xf32, #tpu.memory_space<vmem>>
        %dma_wait3A_187 = arith.constant 0 : i32
        %dma_wait3A_188 = tpu.memref_slice %arg6[%dma_wait3A_183, %dma_wait3A_187] : memref<40x64xi32, #tpu.memory_space<vmem>> -> memref<1x64xi32, #tpu.memory_space<vmem>>
        %dma_wait3A_189 = tpu.memref_squeeze %dma_wait3A_188 : memref<1x64xi32, #tpu.memory_space<vmem>> -> memref<64xi32, #tpu.memory_space<vmem>>
        %dma_wait3A_190 = arith.constant 0 : i32
        %dma_wait3A_191 = arith.constant 0 : i32
        %dma_wait3A_192 = tpu.memref_slice %arg8[%dma_wait3A_190, %dma_wait3A_191] : memref<10240x128xf32, #tpu.memory_space<vmem_shared>> -> memref<10240x128xf32, #tpu.memory_space<vmem_shared>>
        tpu.wait_indirect_dma semaphore(%arg13 : memref<!tpu.dma_semaphore, #tpu.memory_space<semaphore_mem>>) src(%dma_wait3A_186 : memref<64x128xf32, #tpu.memory_space<vmem>>) dst(%dma_wait3A_192 : memref<10240x128xf32, #tpu.memory_space<vmem_shared>>)
        %lt3A_193 = arith.constant 9 : i32
        %lt3A_194 = arith.cmpi slt, %scan3A_97, %lt3A_193 : i32
        %convert_element_type3A_195 = arith.extui %lt3A_194 : i1 to i32
        %cond3A_196 = arith.constant 0 : i32
        %cond3A_197 = arith.cmpi ne, %convert_element_type3A_195, %cond3A_196 : i32
        scf.if %cond3A_197 {
          %add3A_259 = arith.constant 2 : i32
          %add3A_260 = arith.addi %add3A_182, %add3A_259 : i32
          %dma_start3A_261 = arith.constant 0 : i32
          %dma_start3A_262 = arith.constant 0 : i32
          %dma_start3A_263 = tpu.memref_slice %arg7[%dma_start3A_261, %dma_start3A_262] : memref<256x128xf32, #tpu.memory_space<vmem>> -> memref<64x128xf32, #tpu.memory_space<vmem>>
          %dma_start3A_264 = arith.constant 0 : i32
          %dma_start3A_265 = tpu.memref_slice %arg5[%add3A_260, %dma_start3A_264] : memref<40x64xi32, #tpu.memory_space<vmem>> -> memref<1x64xi32, #tpu.memory_space<vmem>>
          %dma_start3A_266 = tpu.memref_squeeze %dma_start3A_265 : memref<1x64xi32, #tpu.memory_space<vmem>> -> memref<64xi32, #tpu.memory_space<vmem>>
          %dma_start3A_267 = arith.constant 0 : i32
          %dma_start3A_268 = arith.constant 0 : i32
          %dma_start3A_269 = tpu.memref_slice %arg2[%dma_start3A_267, %dma_start3A_268] : memref<10000x128xf32, #tpu.memory_space<hbm>> -> memref<10000x128xf32, #tpu.memory_space<hbm>>
          tpu.enqueue_indirect_dma source(%dma_start3A_269 : memref<10000x128xf32, #tpu.memory_space<hbm>>) target(%dma_start3A_263 : memref<64x128xf32, #tpu.memory_space<vmem>>) offsets(%dma_start3A_266 : memref<64xi32, #tpu.memory_space<vmem>>) semaphore(%arg9 : memref<!tpu.dma_semaphore, #tpu.memory_space<semaphore_mem>>)
        } else {
        }
        %dma_wait3A_198 = arith.constant 128 : i32
        %dma_wait3A_199 = arith.constant 0 : i32
        %dma_wait3A_200 = tpu.memref_slice %arg7[%dma_wait3A_198, %dma_wait3A_199] : memref<256x128xf32, #tpu.memory_space<vmem>> -> memref<64x128xf32, #tpu.memory_space<vmem>>
        %dma_wait3A_201 = arith.constant 0 : i32
        %dma_wait3A_202 = arith.constant 0 : i32
        %dma_wait3A_203 = tpu.memref_slice %arg2[%dma_wait3A_201, %dma_wait3A_202] : memref<10000x128xf32, #tpu.memory_space<hbm>> -> memref<64x128xf32, #tpu.memory_space<hbm>>
        %dma_wait3A_204 = arith.constant 128 : i32
        %dma_wait3A_205 = arith.constant 0 : i32
        %dma_wait3A_206 = tpu.memref_slice %arg7[%dma_wait3A_204, %dma_wait3A_205] : memref<256x128xf32, #tpu.memory_space<vmem>> -> memref<64x128xf32, #tpu.memory_space<vmem>>
        %dma_wait3A_207 = arith.constant 0 : i32
        %dma_wait3A_208 = arith.constant 0 : i32
        %dma_wait3A_209 = tpu.memref_slice %arg2[%dma_wait3A_207, %dma_wait3A_208] : memref<10000x128xf32, #tpu.memory_space<hbm>> -> memref<64x128xf32, #tpu.memory_space<hbm>>
        tpu.wait_dma2 semaphore(%arg11 : memref<!tpu.dma_semaphore, #tpu.memory_space<semaphore_mem>>) src(%dma_wait3A_209 : memref<64x128xf32, #tpu.memory_space<hbm>>) dst(%dma_wait3A_206 : memref<64x128xf32, #tpu.memory_space<vmem>>)
        %dma_start3A_210 = arith.constant 128 : i32
        %dma_start3A_211 = arith.constant 0 : i32
        %dma_start3A_212 = tpu.memref_slice %arg7[%dma_start3A_210, %dma_start3A_211] : memref<256x128xf32, #tpu.memory_space<vmem>> -> memref<64x128xf32, #tpu.memory_space<vmem>>
        %dma_start3A_213 = arith.constant 0 : i32
        %dma_start3A_214 = tpu.memref_slice %arg6[%add3A_182, %dma_start3A_213] : memref<40x64xi32, #tpu.memory_space<vmem>> -> memref<1x64xi32, #tpu.memory_space<vmem>>
        %dma_start3A_215 = tpu.memref_squeeze %dma_start3A_214 : memref<1x64xi32, #tpu.memory_space<vmem>> -> memref<64xi32, #tpu.memory_space<vmem>>
        %dma_start3A_216 = arith.constant 0 : i32
        %dma_start3A_217 = arith.constant 0 : i32
        %dma_start3A_218 = tpu.memref_slice %arg8[%dma_start3A_216, %dma_start3A_217] : memref<10240x128xf32, #tpu.memory_space<vmem_shared>> -> memref<10240x128xf32, #tpu.memory_space<vmem_shared>>
        tpu.enqueue_indirect_dma source(%dma_start3A_212 : memref<64x128xf32, #tpu.memory_space<vmem>>) target(%dma_start3A_218 : memref<10240x128xf32, #tpu.memory_space<vmem_shared>>) offsets(%dma_start3A_215 : memref<64xi32, #tpu.memory_space<vmem>>) semaphore(%arg15 : memref<!tpu.dma_semaphore, #tpu.memory_space<semaphore_mem>>) {add = true}
        %mul3A_219 = arith.constant 4 : i32
        %mul3A_220 = arith.muli %mul3A_219, %scan3A_97 : i32
        %add3A_221 = arith.constant 3 : i32
        %add3A_222 = arith.addi %mul3A_220, %add3A_221 : i32
        %dma_wait3A_223 = arith.constant 0 : i32
        %dma_wait3A_224 = arith.constant 64 : i32
        %dma_wait3A_225 = arith.constant 0 : i32
        %dma_wait3A_226 = tpu.memref_slice %arg7[%dma_wait3A_224, %dma_wait3A_225] : memref<256x128xf32, #tpu.memory_space<vmem>> -> memref<64x128xf32, #tpu.memory_space<vmem>>
        %dma_wait3A_227 = arith.constant 0 : i32
        %dma_wait3A_228 = tpu.memref_slice %arg6[%dma_wait3A_223, %dma_wait3A_227] : memref<40x64xi32, #tpu.memory_space<vmem>> -> memref<1x64xi32, #tpu.memory_space<vmem>>
        %dma_wait3A_229 = tpu.memref_squeeze %dma_wait3A_228 : memref<1x64xi32, #tpu.memory_space<vmem>> -> memref<64xi32, #tpu.memory_space<vmem>>
        %dma_wait3A_230 = arith.constant 0 : i32
        %dma_wait3A_231 = arith.constant 0 : i32
        %dma_wait3A_232 = tpu.memref_slice %arg8[%dma_wait3A_230, %dma_wait3A_231] : memref<10240x128xf32, #tpu.memory_space<vmem_shared>> -> memref<10240x128xf32, #tpu.memory_space<vmem_shared>>
        tpu.wait_indirect_dma semaphore(%arg14 : memref<!tpu.dma_semaphore, #tpu.memory_space<semaphore_mem>>) src(%dma_wait3A_226 : memref<64x128xf32, #tpu.memory_space<vmem>>) dst(%dma_wait3A_232 : memref<10240x128xf32, #tpu.memory_space<vmem_shared>>)
        %lt3A_233 = arith.constant 9 : i32
        %lt3A_234 = arith.cmpi slt, %scan3A_97, %lt3A_233 : i32
        %convert_element_type3A_235 = arith.extui %lt3A_234 : i1 to i32
        %cond3A_236 = arith.constant 0 : i32
        %cond3A_237 = arith.cmpi ne, %convert_element_type3A_235, %cond3A_236 : i32
        scf.if %cond3A_237 {
          %add3A_259 = arith.constant 2 : i32
          %add3A_260 = arith.addi %add3A_222, %add3A_259 : i32
          %dma_start3A_261 = arith.constant 64 : i32
          %dma_start3A_262 = arith.constant 0 : i32
          %dma_start3A_263 = tpu.memref_slice %arg7[%dma_start3A_261, %dma_start3A_262] : memref<256x128xf32, #tpu.memory_space<vmem>> -> memref<64x128xf32, #tpu.memory_space<vmem>>
          %dma_start3A_264 = arith.constant 0 : i32
          %dma_start3A_265 = tpu.memref_slice %arg5[%add3A_260, %dma_start3A_264] : memref<40x64xi32, #tpu.memory_space<vmem>> -> memref<1x64xi32, #tpu.memory_space<vmem>>
          %dma_start3A_266 = tpu.memref_squeeze %dma_start3A_265 : memref<1x64xi32, #tpu.memory_space<vmem>> -> memref<64xi32, #tpu.memory_space<vmem>>
          %dma_start3A_267 = arith.constant 0 : i32
          %dma_start3A_268 = arith.constant 0 : i32
          %dma_start3A_269 = tpu.memref_slice %arg2[%dma_start3A_267, %dma_start3A_268] : memref<10000x128xf32, #tpu.memory_space<hbm>> -> memref<10000x128xf32, #tpu.memory_space<hbm>>
          tpu.enqueue_indirect_dma source(%dma_start3A_269 : memref<10000x128xf32, #tpu.memory_space<hbm>>) target(%dma_start3A_263 : memref<64x128xf32, #tpu.memory_space<vmem>>) offsets(%dma_start3A_266 : memref<64xi32, #tpu.memory_space<vmem>>) semaphore(%arg10 : memref<!tpu.dma_semaphore, #tpu.memory_space<semaphore_mem>>)
        } else {
        }
        %dma_wait3A_238 = arith.constant 192 : i32
        %dma_wait3A_239 = arith.constant 0 : i32
        %dma_wait3A_240 = tpu.memref_slice %arg7[%dma_wait3A_238, %dma_wait3A_239] : memref<256x128xf32, #tpu.memory_space<vmem>> -> memref<64x128xf32, #tpu.memory_space<vmem>>
        %dma_wait3A_241 = arith.constant 0 : i32
        %dma_wait3A_242 = arith.constant 0 : i32
        %dma_wait3A_243 = tpu.memref_slice %arg2[%dma_wait3A_241, %dma_wait3A_242] : memref<10000x128xf32, #tpu.memory_space<hbm>> -> memref<64x128xf32, #tpu.memory_space<hbm>>
        %dma_wait3A_244 = arith.constant 192 : i32
        %dma_wait3A_245 = arith.constant 0 : i32
        %dma_wait3A_246 = tpu.memref_slice %arg7[%dma_wait3A_244, %dma_wait3A_245] : memref<256x128xf32, #tpu.memory_space<vmem>> -> memref<64x128xf32, #tpu.memory_space<vmem>>
        %dma_wait3A_247 = arith.constant 0 : i32
        %dma_wait3A_248 = arith.constant 0 : i32
        %dma_wait3A_249 = tpu.memref_slice %arg2[%dma_wait3A_247, %dma_wait3A_248] : memref<10000x128xf32, #tpu.memory_space<hbm>> -> memref<64x128xf32, #tpu.memory_space<hbm>>
        tpu.wait_dma2 semaphore(%arg12 : memref<!tpu.dma_semaphore, #tpu.memory_space<semaphore_mem>>) src(%dma_wait3A_249 : memref<64x128xf32, #tpu.memory_space<hbm>>) dst(%dma_wait3A_246 : memref<64x128xf32, #tpu.memory_space<vmem>>)
        %dma_start3A_250 = arith.constant 192 : i32
        %dma_start3A_251 = arith.constant 0 : i32
        %dma_start3A_252 = tpu.memref_slice %arg7[%dma_start3A_250, %dma_start3A_251] : memref<256x128xf32, #tpu.memory_space<vmem>> -> memref<64x128xf32, #tpu.memory_space<vmem>>
        %dma_start3A_253 = arith.constant 0 : i32
        %dma_start3A_254 = tpu.memref_slice %arg6[%add3A_222, %dma_start3A_253] : memref<40x64xi32, #tpu.memory_space<vmem>> -> memref<1x64xi32, #tpu.memory_space<vmem>>
        %dma_start3A_255 = tpu.memref_squeeze %dma_start3A_254 : memref<1x64xi32, #tpu.memory_space<vmem>> -> memref<64xi32, #tpu.memory_space<vmem>>
        %dma_start3A_256 = arith.constant 0 : i32
        %dma_start3A_257 = arith.constant 0 : i32
        %dma_start3A_258 = tpu.memref_slice %arg8[%dma_start3A_256, %dma_start3A_257] : memref<10240x128xf32, #tpu.memory_space<vmem_shared>> -> memref<10240x128xf32, #tpu.memory_space<vmem_shared>>
        tpu.enqueue_indirect_dma source(%dma_start3A_252 : memref<64x128xf32, #tpu.memory_space<vmem>>) target(%dma_start3A_258 : memref<10240x128xf32, #tpu.memory_space<vmem_shared>>) offsets(%dma_start3A_255 : memref<64xi32, #tpu.memory_space<vmem>>) semaphore(%arg16 : memref<!tpu.dma_semaphore, #tpu.memory_space<semaphore_mem>>) {add = true}
      }
      %scan3A_96 = arith.constant 10 : i32
    }
    %while3A_58 = arith.constant 1 : i32
    scf.for %while3A_86 = %while3A_56 to %while3A_52 step %while3A_58  : i32 {
      %gt3A = arith.constant 0 : i32
      %gt3A_87 = arith.cmpi sgt, %while3A_86, %gt3A : i32
      %convert_element_type3A_88 = arith.extui %gt3A_87 : i1 to i32
      %cond3A_89 = arith.constant 0 : i32
      %cond3A_90 = arith.cmpi ne, %convert_element_type3A_88, %cond3A_89 : i32
      scf.if %cond3A_90 {
        %dma_wait3A_97 = arith.constant 0 : i32
        %dma_wait3A_98 = arith.constant 128 : i32
        %dma_wait3A_99 = arith.constant 0 : i32
        %dma_wait3A_100 = tpu.memref_slice %arg7[%dma_wait3A_98, %dma_wait3A_99] : memref<256x128xf32, #tpu.memory_space<vmem>> -> memref<64x128xf32, #tpu.memory_space<vmem>>
        %dma_wait3A_101 = arith.constant 0 : i32
        %dma_wait3A_102 = tpu.memref_slice %arg6[%dma_wait3A_97, %dma_wait3A_101] : memref<40x64xi32, #tpu.memory_space<vmem>> -> memref<1x64xi32, #tpu.memory_space<vmem>>
        %dma_wait3A_103 = tpu.memref_squeeze %dma_wait3A_102 : memref<1x64xi32, #tpu.memory_space<vmem>> -> memref<64xi32, #tpu.memory_space<vmem>>
        %dma_wait3A_104 = arith.constant 0 : i32
        %dma_wait3A_105 = arith.constant 0 : i32
        %dma_wait3A_106 = tpu.memref_slice %arg8[%dma_wait3A_104, %dma_wait3A_105] : memref<10240x128xf32, #tpu.memory_space<vmem_shared>> -> memref<10240x128xf32, #tpu.memory_space<vmem_shared>>
        tpu.wait_indirect_dma semaphore(%arg15 : memref<!tpu.dma_semaphore, #tpu.memory_space<semaphore_mem>>) src(%dma_wait3A_100 : memref<64x128xf32, #tpu.memory_space<vmem>>) dst(%dma_wait3A_106 : memref<10240x128xf32, #tpu.memory_space<vmem_shared>>)
        %dma_wait3A_107 = arith.constant 0 : i32
        %dma_wait3A_108 = arith.constant 192 : i32
        %dma_wait3A_109 = arith.constant 0 : i32
        %dma_wait3A_110 = tpu.memref_slice %arg7[%dma_wait3A_108, %dma_wait3A_109] : memref<256x128xf32, #tpu.memory_space<vmem>> -> memref<64x128xf32, #tpu.memory_space<vmem>>
        %dma_wait3A_111 = arith.constant 0 : i32
        %dma_wait3A_112 = tpu.memref_slice %arg6[%dma_wait3A_107, %dma_wait3A_111] : memref<40x64xi32, #tpu.memory_space<vmem>> -> memref<1x64xi32, #tpu.memory_space<vmem>>
        %dma_wait3A_113 = tpu.memref_squeeze %dma_wait3A_112 : memref<1x64xi32, #tpu.memory_space<vmem>> -> memref<64xi32, #tpu.memory_space<vmem>>
        %dma_wait3A_114 = arith.constant 0 : i32
        %dma_wait3A_115 = arith.constant 0 : i32
        %dma_wait3A_116 = tpu.memref_slice %arg8[%dma_wait3A_114, %dma_wait3A_115] : memref<10240x128xf32, #tpu.memory_space<vmem_shared>> -> memref<10240x128xf32, #tpu.memory_space<vmem_shared>>
        tpu.wait_indirect_dma semaphore(%arg16 : memref<!tpu.dma_semaphore, #tpu.memory_space<semaphore_mem>>) src(%dma_wait3A_110 : memref<64x128xf32, #tpu.memory_space<vmem>>) dst(%dma_wait3A_116 : memref<10240x128xf32, #tpu.memory_space<vmem_shared>>)
        %mul3A_117 = arith.constant 160 : i32
        %mul3A_118 = arith.muli %add3A, %mul3A_117 : i32
        %mul3A_119 = arith.constant 40 : i32
        %mul3A_120 = arith.muli %while3A_86, %mul3A_119 : i32
        %add3A_121 = arith.addi %mul3A_118, %mul3A_120 : i32
        %run_scoped3A_122 = arith.constant 0 : i32
        "tpu.region"() ({
          %run_scoped3A_144 = tpu.sem_alloc : memref<!tpu.dma_semaphore, #tpu.memory_space<semaphore_mem>>
          %dma_start3A_145 = arith.constant 0 : i32
          %dma_start3A_146 = tpu.memref_slice %arg3[%run_scoped3A_122, %add3A_121, %dma_start3A_145] : memref<2x5000x64xi32, #tpu.memory_space<hbm>> -> memref<1x40x64xi32, #tpu.memory_space<hbm>>
          %dma_start3A_147 = tpu.memref_squeeze %dma_start3A_146 : memref<1x40x64xi32, #tpu.memory_space<hbm>> -> memref<40x64xi32, #tpu.memory_space<hbm>>
          %dma_start3A_148 = arith.constant 0 : i32
          %dma_start3A_149 = tpu.memref_slice %arg3[%run_scoped3A_122, %add3A_121, %dma_start3A_148] : memref<2x5000x64xi32, #tpu.memory_space<hbm>> -> memref<1x40x64xi32, #tpu.memory_space<hbm>>
          %dma_start3A_150 = tpu.memref_squeeze %dma_start3A_149 : memref<1x40x64xi32, #tpu.memory_space<hbm>> -> memref<40x64xi32, #tpu.memory_space<hbm>>
          tpu.enqueue_dma source(%dma_start3A_150 : memref<40x64xi32, #tpu.memory_space<hbm>>) target(%arg5 : memref<40x64xi32, #tpu.memory_space<vmem>>) target_semaphore(%run_scoped3A_144 : memref<!tpu.dma_semaphore, #tpu.memory_space<semaphore_mem>>)
          %dma_wait3A_151 = arith.constant 0 : i32
          %dma_wait3A_152 = tpu.memref_slice %arg3[%run_scoped3A_122, %add3A_121, %dma_wait3A_151] : memref<2x5000x64xi32, #tpu.memory_space<hbm>> -> memref<1x40x64xi32, #tpu.memory_space<hbm>>
          %dma_wait3A_153 = tpu.memref_squeeze %dma_wait3A_152 : memref<1x40x64xi32, #tpu.memory_space<hbm>> -> memref<40x64xi32, #tpu.memory_space<hbm>>
          %dma_wait3A_154 = arith.constant 0 : i32
          %dma_wait3A_155 = tpu.memref_slice %arg3[%run_scoped3A_122, %add3A_121, %dma_wait3A_154] : memref<2x5000x64xi32, #tpu.memory_space<hbm>> -> memref<1x40x64xi32, #tpu.memory_space<hbm>>
          %dma_wait3A_156 = tpu.memref_squeeze %dma_wait3A_155 : memref<1x40x64xi32, #tpu.memory_space<hbm>> -> memref<40x64xi32, #tpu.memory_space<hbm>>
          tpu.wait_dma2 semaphore(%run_scoped3A_144 : memref<!tpu.dma_semaphore, #tpu.memory_space<semaphore_mem>>) src(%dma_wait3A_156 : memref<40x64xi32, #tpu.memory_space<hbm>>) dst(%arg5 : memref<40x64xi32, #tpu.memory_space<vmem>>)
          tpu.yield
        }) : () -> ()
        %run_scoped3A_123 = arith.constant 1 : i32
        "tpu.region"() ({
          %run_scoped3A_144 = tpu.sem_alloc : memref<!tpu.dma_semaphore, #tpu.memory_space<semaphore_mem>>
          %dma_start3A_145 = arith.constant 0 : i32
          %dma_start3A_146 = tpu.memref_slice %arg3[%run_scoped3A_123, %add3A_121, %dma_start3A_145] : memref<2x5000x64xi32, #tpu.memory_space<hbm>> -> memref<1x40x64xi32, #tpu.memory_space<hbm>>
          %dma_start3A_147 = tpu.memref_squeeze %dma_start3A_146 : memref<1x40x64xi32, #tpu.memory_space<hbm>> -> memref<40x64xi32, #tpu.memory_space<hbm>>
          %dma_start3A_148 = arith.constant 0 : i32
          %dma_start3A_149 = tpu.memref_slice %arg3[%run_scoped3A_123, %add3A_121, %dma_start3A_148] : memref<2x5000x64xi32, #tpu.memory_space<hbm>> -> memref<1x40x64xi32, #tpu.memory_space<hbm>>
          %dma_start3A_150 = tpu.memref_squeeze %dma_start3A_149 : memref<1x40x64xi32, #tpu.memory_space<hbm>> -> memref<40x64xi32, #tpu.memory_space<hbm>>
          tpu.enqueue_dma source(%dma_start3A_150 : memref<40x64xi32, #tpu.memory_space<hbm>>) target(%arg6 : memref<40x64xi32, #tpu.memory_space<vmem>>) target_semaphore(%run_scoped3A_144 : memref<!tpu.dma_semaphore, #tpu.memory_space<semaphore_mem>>)
          %dma_wait3A_151 = arith.constant 0 : i32
          %dma_wait3A_152 = tpu.memref_slice %arg3[%run_scoped3A_123, %add3A_121, %dma_wait3A_151] : memref<2x5000x64xi32, #tpu.memory_space<hbm>> -> memref<1x40x64xi32, #tpu.memory_space<hbm>>
          %dma_wait3A_153 = tpu.memref_squeeze %dma_wait3A_152 : memref<1x40x64xi32, #tpu.memory_space<hbm>> -> memref<40x64xi32, #tpu.memory_space<hbm>>
          %dma_wait3A_154 = arith.constant 0 : i32
          %dma_wait3A_155 = tpu.memref_slice %arg3[%run_scoped3A_123, %add3A_121, %dma_wait3A_154] : memref<2x5000x64xi32, #tpu.memory_space<hbm>> -> memref<1x40x64xi32, #tpu.memory_space<hbm>>
          %dma_wait3A_156 = tpu.memref_squeeze %dma_wait3A_155 : memref<1x40x64xi32, #tpu.memory_space<hbm>> -> memref<40x64xi32, #tpu.memory_space<hbm>>
          tpu.wait_dma2 semaphore(%run_scoped3A_144 : memref<!tpu.dma_semaphore, #tpu.memory_space<semaphore_mem>>) src(%dma_wait3A_156 : memref<40x64xi32, #tpu.memory_space<hbm>>) dst(%arg6 : memref<40x64xi32, #tpu.memory_space<vmem>>)
          tpu.yield
        }) : () -> ()
        %dma_start3A_124 = arith.constant 0 : i32
        %dma_start3A_125 = arith.constant 0 : i32
        %dma_start3A_126 = arith.constant 0 : i32
        %dma_start3A_127 = tpu.memref_slice %arg7[%dma_start3A_125, %dma_start3A_126] : memref<256x128xf32, #tpu.memory_space<vmem>> -> memref<64x128xf32, #tpu.memory_space<vmem>>
        %dma_start3A_128 = arith.constant 0 : i32
        %dma_start3A_129 = tpu.memref_slice %arg5[%dma_start3A_124, %dma_start3A_128] : memref<40x64xi32, #tpu.memory_space<vmem>> -> memref<1x64xi32, #tpu.memory_space<vmem>>
        %dma_start3A_130 = tpu.memref_squeeze %dma_start3A_129 : memref<1x64xi32, #tpu.memory_space<vmem>> -> memref<64xi32, #tpu.memory_space<vmem>>
        %dma_start3A_131 = arith.constant 0 : i32
        %dma_start3A_132 = arith.constant 0 : i32
        %dma_start3A_133 = tpu.memref_slice %arg2[%dma_start3A_131, %dma_start3A_132] : memref<10000x128xf32, #tpu.memory_space<hbm>> -> memref<10000x128xf32, #tpu.memory_space<hbm>>
        tpu.enqueue_indirect_dma source(%dma_start3A_133 : memref<10000x128xf32, #tpu.memory_space<hbm>>) target(%dma_start3A_127 : memref<64x128xf32, #tpu.memory_space<vmem>>) offsets(%dma_start3A_130 : memref<64xi32, #tpu.memory_space<vmem>>) semaphore(%arg9 : memref<!tpu.dma_semaphore, #tpu.memory_space<semaphore_mem>>)
        %dma_start3A_134 = arith.constant 1 : i32
        %dma_start3A_135 = arith.constant 64 : i32
        %dma_start3A_136 = arith.constant 0 : i32
        %dma_start3A_137 = tpu.memref_slice %arg7[%dma_start3A_135, %dma_start3A_136] : memref<256x128xf32, #tpu.memory_space<vmem>> -> memref<64x128xf32, #tpu.memory_space<vmem>>
        %dma_start3A_138 = arith.constant 0 : i32
        %dma_start3A_139 = tpu.memref_slice %arg5[%dma_start3A_134, %dma_start3A_138] : memref<40x64xi32, #tpu.memory_space<vmem>> -> memref<1x64xi32, #tpu.memory_space<vmem>>
        %dma_start3A_140 = tpu.memref_squeeze %dma_start3A_139 : memref<1x64xi32, #tpu.memory_space<vmem>> -> memref<64xi32, #tpu.memory_space<vmem>>
        %dma_start3A_141 = arith.constant 0 : i32
        %dma_start3A_142 = arith.constant 0 : i32
        %dma_start3A_143 = tpu.memref_slice %arg2[%dma_start3A_141, %dma_start3A_142] : memref<10000x128xf32, #tpu.memory_space<hbm>> -> memref<10000x128xf32, #tpu.memory_space<hbm>>
        tpu.enqueue_indirect_dma source(%dma_start3A_143 : memref<10000x128xf32, #tpu.memory_space<hbm>>) target(%dma_start3A_137 : memref<64x128xf32, #tpu.memory_space<vmem>>) offsets(%dma_start3A_140 : memref<64xi32, #tpu.memory_space<vmem>>) semaphore(%arg10 : memref<!tpu.dma_semaphore, #tpu.memory_space<semaphore_mem>>)
      } else {
      }
      %scan3A_91 = arith.constant 0 : i32
      %scan3A_92 = arith.constant 0 : i32
      %scan3A_93 = arith.constant 10 : i32
      %scan3A_94 = arith.addi %scan3A_92, %scan3A_93 : i32
      %scan3A_95 = arith.constant 1 : i32
      scf.for %scan3A_97 = %scan3A_92 to %scan3A_94 step %scan3A_95  : i32 {
        %mul3A_98 = arith.constant 4 : i32
        %mul3A_99 = arith.muli %mul3A_98, %scan3A_97 : i32
        %add3A_100 = arith.constant 0 : i32
        %add3A_101 = arith.addi %mul3A_99, %add3A_100 : i32
        %ge3A = arith.constant 1 : i32
        %ge3A_102 = arith.cmpi sge, %scan3A_97, %ge3A : i32
        %convert_element_type3A_103 = arith.extui %ge3A_102 : i1 to i32
        %cond3A_104 = arith.constant 0 : i32
        %cond3A_105 = arith.cmpi ne, %convert_element_type3A_103, %cond3A_104 : i32
        scf.if %cond3A_105 {
          %dma_wait3A_259 = arith.constant 0 : i32
          %dma_wait3A_260 = arith.constant 128 : i32
          %dma_wait3A_261 = arith.constant 0 : i32
          %dma_wait3A_262 = tpu.memref_slice %arg7[%dma_wait3A_260, %dma_wait3A_261] : memref<256x128xf32, #tpu.memory_space<vmem>> -> memref<64x128xf32, #tpu.memory_space<vmem>>
          %dma_wait3A_263 = arith.constant 0 : i32
          %dma_wait3A_264 = tpu.memref_slice %arg6[%dma_wait3A_259, %dma_wait3A_263] : memref<40x64xi32, #tpu.memory_space<vmem>> -> memref<1x64xi32, #tpu.memory_space<vmem>>
          %dma_wait3A_265 = tpu.memref_squeeze %dma_wait3A_264 : memref<1x64xi32, #tpu.memory_space<vmem>> -> memref<64xi32, #tpu.memory_space<vmem>>
          %dma_wait3A_266 = arith.constant 0 : i32
          %dma_wait3A_267 = arith.constant 0 : i32
          %dma_wait3A_268 = tpu.memref_slice %arg8[%dma_wait3A_266, %dma_wait3A_267] : memref<10240x128xf32, #tpu.memory_space<vmem_shared>> -> memref<10240x128xf32, #tpu.memory_space<vmem_shared>>
          tpu.wait_indirect_dma semaphore(%arg15 : memref<!tpu.dma_semaphore, #tpu.memory_space<semaphore_mem>>) src(%dma_wait3A_262 : memref<64x128xf32, #tpu.memory_space<vmem>>) dst(%dma_wait3A_268 : memref<10240x128xf32, #tpu.memory_space<vmem_shared>>)
        } else {
        }
        %add3A_106 = arith.constant 2 : i32
        %add3A_107 = arith.addi %add3A_101, %add3A_106 : i32
        %dma_start3A_108 = arith.constant 128 : i32
        %dma_start3A_109 = arith.constant 0 : i32
        %dma_start3A_110 = tpu.memref_slice %arg7[%dma_start3A_108, %dma_start3A_109] : memref<256x128xf32, #tpu.memory_space<vmem>> -> memref<64x128xf32, #tpu.memory_space<vmem>>
        %dma_start3A_111 = arith.constant 0 : i32
        %dma_start3A_112 = tpu.memref_slice %arg5[%add3A_107, %dma_start3A_111] : memref<40x64xi32, #tpu.memory_space<vmem>> -> memref<1x64xi32, #tpu.memory_space<vmem>>
        %dma_start3A_113 = tpu.memref_squeeze %dma_start3A_112 : memref<1x64xi32, #tpu.memory_space<vmem>> -> memref<64xi32, #tpu.memory_space<vmem>>
        %dma_start3A_114 = arith.constant 0 : i32
        %dma_start3A_115 = arith.constant 0 : i32
        %dma_start3A_116 = tpu.memref_slice %arg2[%dma_start3A_114, %dma_start3A_115] : memref<10000x128xf32, #tpu.memory_space<hbm>> -> memref<10000x128xf32, #tpu.memory_space<hbm>>
        tpu.enqueue_indirect_dma source(%dma_start3A_116 : memref<10000x128xf32, #tpu.memory_space<hbm>>) target(%dma_start3A_110 : memref<64x128xf32, #tpu.memory_space<vmem>>) offsets(%dma_start3A_113 : memref<64xi32, #tpu.memory_space<vmem>>) semaphore(%arg11 : memref<!tpu.dma_semaphore, #tpu.memory_space<semaphore_mem>>)
        %dma_wait3A_117 = arith.constant 0 : i32
        %dma_wait3A_118 = arith.constant 0 : i32
        %dma_wait3A_119 = tpu.memref_slice %arg7[%dma_wait3A_117, %dma_wait3A_118] : memref<256x128xf32, #tpu.memory_space<vmem>> -> memref<64x128xf32, #tpu.memory_space<vmem>>
        %dma_wait3A_120 = arith.constant 0 : i32
        %dma_wait3A_121 = arith.constant 0 : i32
        %dma_wait3A_122 = tpu.memref_slice %arg2[%dma_wait3A_120, %dma_wait3A_121] : memref<10000x128xf32, #tpu.memory_space<hbm>> -> memref<64x128xf32, #tpu.memory_space<hbm>>
        %dma_wait3A_123 = arith.constant 0 : i32
        %dma_wait3A_124 = arith.constant 0 : i32
        %dma_wait3A_125 = tpu.memref_slice %arg7[%dma_wait3A_123, %dma_wait3A_124] : memref<256x128xf32, #tpu.memory_space<vmem>> -> memref<64x128xf32, #tpu.memory_space<vmem>>
        %dma_wait3A_126 = arith.constant 0 : i32
        %dma_wait3A_127 = arith.constant 0 : i32
        %dma_wait3A_128 = tpu.memref_slice %arg2[%dma_wait3A_126, %dma_wait3A_127] : memref<10000x128xf32, #tpu.memory_space<hbm>> -> memref<64x128xf32, #tpu.memory_space<hbm>>
        tpu.wait_dma2 semaphore(%arg9 : memref<!tpu.dma_semaphore, #tpu.memory_space<semaphore_mem>>) src(%dma_wait3A_128 : memref<64x128xf32, #tpu.memory_space<hbm>>) dst(%dma_wait3A_125 : memref<64x128xf32, #tpu.memory_space<vmem>>)
        %dma_start3A_129 = arith.constant 0 : i32
        %dma_start3A_130 = arith.constant 0 : i32
        %dma_start3A_131 = tpu.memref_slice %arg7[%dma_start3A_129, %dma_start3A_130] : memref<256x128xf32, #tpu.memory_space<vmem>> -> memref<64x128xf32, #tpu.memory_space<vmem>>
        %dma_start3A_132 = arith.constant 0 : i32
        %dma_start3A_133 = tpu.memref_slice %arg6[%add3A_101, %dma_start3A_132] : memref<40x64xi32, #tpu.memory_space<vmem>> -> memref<1x64xi32, #tpu.memory_space<vmem>>
        %dma_start3A_134 = tpu.memref_squeeze %dma_start3A_133 : memref<1x64xi32, #tpu.memory_space<vmem>> -> memref<64xi32, #tpu.memory_space<vmem>>
        %dma_start3A_135 = arith.constant 0 : i32
        %dma_start3A_136 = arith.constant 0 : i32
        %dma_start3A_137 = tpu.memref_slice %arg8[%dma_start3A_135, %dma_start3A_136] : memref<10240x128xf32, #tpu.memory_space<vmem_shared>> -> memref<10240x128xf32, #tpu.memory_space<vmem_shared>>
        tpu.enqueue_indirect_dma source(%dma_start3A_131 : memref<64x128xf32, #tpu.memory_space<vmem>>) target(%dma_start3A_137 : memref<10240x128xf32, #tpu.memory_space<vmem_shared>>) offsets(%dma_start3A_134 : memref<64xi32, #tpu.memory_space<vmem>>) semaphore(%arg13 : memref<!tpu.dma_semaphore, #tpu.memory_space<semaphore_mem>>) {add = true}
        %mul3A_138 = arith.constant 4 : i32
        %mul3A_139 = arith.muli %mul3A_138, %scan3A_97 : i32
        %add3A_140 = arith.constant 1 : i32
        %add3A_141 = arith.addi %mul3A_139, %add3A_140 : i32
        %ge3A_142 = arith.constant 1 : i32
        %ge3A_143 = arith.cmpi sge, %scan3A_97, %ge3A_142 : i32
        %convert_element_type3A_144 = arith.extui %ge3A_143 : i1 to i32
        %cond3A_145 = arith.constant 0 : i32
        %cond3A_146 = arith.cmpi ne, %convert_element_type3A_144, %cond3A_145 : i32
        scf.if %cond3A_146 {
          %dma_wait3A_259 = arith.constant 0 : i32
          %dma_wait3A_260 = arith.constant 192 : i32
          %dma_wait3A_261 = arith.constant 0 : i32
          %dma_wait3A_262 = tpu.memref_slice %arg7[%dma_wait3A_260, %dma_wait3A_261] : memref<256x128xf32, #tpu.memory_space<vmem>> -> memref<64x128xf32, #tpu.memory_space<vmem>>
          %dma_wait3A_263 = arith.constant 0 : i32
          %dma_wait3A_264 = tpu.memref_slice %arg6[%dma_wait3A_259, %dma_wait3A_263] : memref<40x64xi32, #tpu.memory_space<vmem>> -> memref<1x64xi32, #tpu.memory_space<vmem>>
          %dma_wait3A_265 = tpu.memref_squeeze %dma_wait3A_264 : memref<1x64xi32, #tpu.memory_space<vmem>> -> memref<64xi32, #tpu.memory_space<vmem>>
          %dma_wait3A_266 = arith.constant 0 : i32
          %dma_wait3A_267 = arith.constant 0 : i32
          %dma_wait3A_268 = tpu.memref_slice %arg8[%dma_wait3A_266, %dma_wait3A_267] : memref<10240x128xf32, #tpu.memory_space<vmem_shared>> -> memref<10240x128xf32, #tpu.memory_space<vmem_shared>>
          tpu.wait_indirect_dma semaphore(%arg16 : memref<!tpu.dma_semaphore, #tpu.memory_space<semaphore_mem>>) src(%dma_wait3A_262 : memref<64x128xf32, #tpu.memory_space<vmem>>) dst(%dma_wait3A_268 : memref<10240x128xf32, #tpu.memory_space<vmem_shared>>)
        } else {
        }
        %add3A_147 = arith.constant 2 : i32
        %add3A_148 = arith.addi %add3A_141, %add3A_147 : i32
        %dma_start3A_149 = arith.constant 192 : i32
        %dma_start3A_150 = arith.constant 0 : i32
        %dma_start3A_151 = tpu.memref_slice %arg7[%dma_start3A_149, %dma_start3A_150] : memref<256x128xf32, #tpu.memory_space<vmem>> -> memref<64x128xf32, #tpu.memory_space<vmem>>
        %dma_start3A_152 = arith.constant 0 : i32
        %dma_start3A_153 = tpu.memref_slice %arg5[%add3A_148, %dma_start3A_152] : memref<40x64xi32, #tpu.memory_space<vmem>> -> memref<1x64xi32, #tpu.memory_space<vmem>>
        %dma_start3A_154 = tpu.memref_squeeze %dma_start3A_153 : memref<1x64xi32, #tpu.memory_space<vmem>> -> memref<64xi32, #tpu.memory_space<vmem>>
        %dma_start3A_155 = arith.constant 0 : i32
        %dma_start3A_156 = arith.constant 0 : i32
        %dma_start3A_157 = tpu.memref_slice %arg2[%dma_start3A_155, %dma_start3A_156] : memref<10000x128xf32, #tpu.memory_space<hbm>> -> memref<10000x128xf32, #tpu.memory_space<hbm>>
        tpu.enqueue_indirect_dma source(%dma_start3A_157 : memref<10000x128xf32, #tpu.memory_space<hbm>>) target(%dma_start3A_151 : memref<64x128xf32, #tpu.memory_space<vmem>>) offsets(%dma_start3A_154 : memref<64xi32, #tpu.memory_space<vmem>>) semaphore(%arg12 : memref<!tpu.dma_semaphore, #tpu.memory_space<semaphore_mem>>)
        %dma_wait3A_158 = arith.constant 64 : i32
        %dma_wait3A_159 = arith.constant 0 : i32
        %dma_wait3A_160 = tpu.memref_slice %arg7[%dma_wait3A_158, %dma_wait3A_159] : memref<256x128xf32, #tpu.memory_space<vmem>> -> memref<64x128xf32, #tpu.memory_space<vmem>>
        %dma_wait3A_161 = arith.constant 0 : i32
        %dma_wait3A_162 = arith.constant 0 : i32
        %dma_wait3A_163 = tpu.memref_slice %arg2[%dma_wait3A_161, %dma_wait3A_162] : memref<10000x128xf32, #tpu.memory_space<hbm>> -> memref<64x128xf32, #tpu.memory_space<hbm>>
        %dma_wait3A_164 = arith.constant 64 : i32
        %dma_wait3A_165 = arith.constant 0 : i32
        %dma_wait3A_166 = tpu.memref_slice %arg7[%dma_wait3A_164, %dma_wait3A_165] : memref<256x128xf32, #tpu.memory_space<vmem>> -> memref<64x128xf32, #tpu.memory_space<vmem>>
        %dma_wait3A_167 = arith.constant 0 : i32
        %dma_wait3A_168 = arith.constant 0 : i32
        %dma_wait3A_169 = tpu.memref_slice %arg2[%dma_wait3A_167, %dma_wait3A_168] : memref<10000x128xf32, #tpu.memory_space<hbm>> -> memref<64x128xf32, #tpu.memory_space<hbm>>
        tpu.wait_dma2 semaphore(%arg10 : memref<!tpu.dma_semaphore, #tpu.memory_space<semaphore_mem>>) src(%dma_wait3A_169 : memref<64x128xf32, #tpu.memory_space<hbm>>) dst(%dma_wait3A_166 : memref<64x128xf32, #tpu.memory_space<vmem>>)
        %dma_start3A_170 = arith.constant 64 : i32
        %dma_start3A_171 = arith.constant 0 : i32
        %dma_start3A_172 = tpu.memref_slice %arg7[%dma_start3A_170, %dma_start3A_171] : memref<256x128xf32, #tpu.memory_space<vmem>> -> memref<64x128xf32, #tpu.memory_space<vmem>>
        %dma_start3A_173 = arith.constant 0 : i32
        %dma_start3A_174 = tpu.memref_slice %arg6[%add3A_141, %dma_start3A_173] : memref<40x64xi32, #tpu.memory_space<vmem>> -> memref<1x64xi32, #tpu.memory_space<vmem>>
        %dma_start3A_175 = tpu.memref_squeeze %dma_start3A_174 : memref<1x64xi32, #tpu.memory_space<vmem>> -> memref<64xi32, #tpu.memory_space<vmem>>
        %dma_start3A_176 = arith.constant 0 : i32
        %dma_start3A_177 = arith.constant 0 : i32
        %dma_start3A_178 = tpu.memref_slice %arg8[%dma_start3A_176, %dma_start3A_177] : memref<10240x128xf32, #tpu.memory_space<vmem_shared>> -> memref<10240x128xf32, #tpu.memory_space<vmem_shared>>
        tpu.enqueue_indirect_dma source(%dma_start3A_172 : memref<64x128xf32, #tpu.memory_space<vmem>>) target(%dma_start3A_178 : memref<10240x128xf32, #tpu.memory_space<vmem_shared>>) offsets(%dma_start3A_175 : memref<64xi32, #tpu.memory_space<vmem>>) semaphore(%arg14 : memref<!tpu.dma_semaphore, #tpu.memory_space<semaphore_mem>>) {add = true}
        %mul3A_179 = arith.constant 4 : i32
        %mul3A_180 = arith.muli %mul3A_179, %scan3A_97 : i32
        %add3A_181 = arith.constant 2 : i32
        %add3A_182 = arith.addi %mul3A_180, %add3A_181 : i32
        %dma_wait3A_183 = arith.constant 0 : i32
        %dma_wait3A_184 = arith.constant 0 : i32
        %dma_wait3A_185 = arith.constant 0 : i32
        %dma_wait3A_186 = tpu.memref_slice %arg7[%dma_wait3A_184, %dma_wait3A_185] : memref<256x128xf32, #tpu.memory_space<vmem>> -> memref<64x128xf32, #tpu.memory_space<vmem>>
        %dma_wait3A_187 = arith.constant 0 : i32
        %dma_wait3A_188 = tpu.memref_slice %arg6[%dma_wait3A_183, %dma_wait3A_187] : memref<40x64xi32, #tpu.memory_space<vmem>> -> memref<1x64xi32, #tpu.memory_space<vmem>>
        %dma_wait3A_189 = tpu.memref_squeeze %dma_wait3A_188 : memref<1x64xi32, #tpu.memory_space<vmem>> -> memref<64xi32, #tpu.memory_space<vmem>>
        %dma_wait3A_190 = arith.constant 0 : i32
        %dma_wait3A_191 = arith.constant 0 : i32
        %dma_wait3A_192 = tpu.memref_slice %arg8[%dma_wait3A_190, %dma_wait3A_191] : memref<10240x128xf32, #tpu.memory_space<vmem_shared>> -> memref<10240x128xf32, #tpu.memory_space<vmem_shared>>
        tpu.wait_indirect_dma semaphore(%arg13 : memref<!tpu.dma_semaphore, #tpu.memory_space<semaphore_mem>>) src(%dma_wait3A_186 : memref<64x128xf32, #tpu.memory_space<vmem>>) dst(%dma_wait3A_192 : memref<10240x128xf32, #tpu.memory_space<vmem_shared>>)
        %lt3A_193 = arith.constant 9 : i32
        %lt3A_194 = arith.cmpi slt, %scan3A_97, %lt3A_193 : i32
        %convert_element_type3A_195 = arith.extui %lt3A_194 : i1 to i32
        %cond3A_196 = arith.constant 0 : i32
        %cond3A_197 = arith.cmpi ne, %convert_element_type3A_195, %cond3A_196 : i32
        scf.if %cond3A_197 {
          %add3A_259 = arith.constant 2 : i32
          %add3A_260 = arith.addi %add3A_182, %add3A_259 : i32
          %dma_start3A_261 = arith.constant 0 : i32
          %dma_start3A_262 = arith.constant 0 : i32
          %dma_start3A_263 = tpu.memref_slice %arg7[%dma_start3A_261, %dma_start3A_262] : memref<256x128xf32, #tpu.memory_space<vmem>> -> memref<64x128xf32, #tpu.memory_space<vmem>>
          %dma_start3A_264 = arith.constant 0 : i32
          %dma_start3A_265 = tpu.memref_slice %arg5[%add3A_260, %dma_start3A_264] : memref<40x64xi32, #tpu.memory_space<vmem>> -> memref<1x64xi32, #tpu.memory_space<vmem>>
          %dma_start3A_266 = tpu.memref_squeeze %dma_start3A_265 : memref<1x64xi32, #tpu.memory_space<vmem>> -> memref<64xi32, #tpu.memory_space<vmem>>
          %dma_start3A_267 = arith.constant 0 : i32
          %dma_start3A_268 = arith.constant 0 : i32
          %dma_start3A_269 = tpu.memref_slice %arg2[%dma_start3A_267, %dma_start3A_268] : memref<10000x128xf32, #tpu.memory_space<hbm>> -> memref<10000x128xf32, #tpu.memory_space<hbm>>
          tpu.enqueue_indirect_dma source(%dma_start3A_269 : memref<10000x128xf32, #tpu.memory_space<hbm>>) target(%dma_start3A_263 : memref<64x128xf32, #tpu.memory_space<vmem>>) offsets(%dma_start3A_266 : memref<64xi32, #tpu.memory_space<vmem>>) semaphore(%arg9 : memref<!tpu.dma_semaphore, #tpu.memory_space<semaphore_mem>>)
        } else {
        }
        %dma_wait3A_198 = arith.constant 128 : i32
        %dma_wait3A_199 = arith.constant 0 : i32
        %dma_wait3A_200 = tpu.memref_slice %arg7[%dma_wait3A_198, %dma_wait3A_199] : memref<256x128xf32, #tpu.memory_space<vmem>> -> memref<64x128xf32, #tpu.memory_space<vmem>>
        %dma_wait3A_201 = arith.constant 0 : i32
        %dma_wait3A_202 = arith.constant 0 : i32
        %dma_wait3A_203 = tpu.memref_slice %arg2[%dma_wait3A_201, %dma_wait3A_202] : memref<10000x128xf32, #tpu.memory_space<hbm>> -> memref<64x128xf32, #tpu.memory_space<hbm>>
        %dma_wait3A_204 = arith.constant 128 : i32
        %dma_wait3A_205 = arith.constant 0 : i32
        %dma_wait3A_206 = tpu.memref_slice %arg7[%dma_wait3A_204, %dma_wait3A_205] : memref<256x128xf32, #tpu.memory_space<vmem>> -> memref<64x128xf32, #tpu.memory_space<vmem>>
        %dma_wait3A_207 = arith.constant 0 : i32
        %dma_wait3A_208 = arith.constant 0 : i32
        %dma_wait3A_209 = tpu.memref_slice %arg2[%dma_wait3A_207, %dma_wait3A_208] : memref<10000x128xf32, #tpu.memory_space<hbm>> -> memref<64x128xf32, #tpu.memory_space<hbm>>
        tpu.wait_dma2 semaphore(%arg11 : memref<!tpu.dma_semaphore, #tpu.memory_space<semaphore_mem>>) src(%dma_wait3A_209 : memref<64x128xf32, #tpu.memory_space<hbm>>) dst(%dma_wait3A_206 : memref<64x128xf32, #tpu.memory_space<vmem>>)
        %dma_start3A_210 = arith.constant 128 : i32
        %dma_start3A_211 = arith.constant 0 : i32
        %dma_start3A_212 = tpu.memref_slice %arg7[%dma_start3A_210, %dma_start3A_211] : memref<256x128xf32, #tpu.memory_space<vmem>> -> memref<64x128xf32, #tpu.memory_space<vmem>>
        %dma_start3A_213 = arith.constant 0 : i32
        %dma_start3A_214 = tpu.memref_slice %arg6[%add3A_182, %dma_start3A_213] : memref<40x64xi32, #tpu.memory_space<vmem>> -> memref<1x64xi32, #tpu.memory_space<vmem>>
        %dma_start3A_215 = tpu.memref_squeeze %dma_start3A_214 : memref<1x64xi32, #tpu.memory_space<vmem>> -> memref<64xi32, #tpu.memory_space<vmem>>
        %dma_start3A_216 = arith.constant 0 : i32
        %dma_start3A_217 = arith.constant 0 : i32
        %dma_start3A_218 = tpu.memref_slice %arg8[%dma_start3A_216, %dma_start3A_217] : memref<10240x128xf32, #tpu.memory_space<vmem_shared>> -> memref<10240x128xf32, #tpu.memory_space<vmem_shared>>
        tpu.enqueue_indirect_dma source(%dma_start3A_212 : memref<64x128xf32, #tpu.memory_space<vmem>>) target(%dma_start3A_218 : memref<10240x128xf32, #tpu.memory_space<vmem_shared>>) offsets(%dma_start3A_215 : memref<64xi32, #tpu.memory_space<vmem>>) semaphore(%arg15 : memref<!tpu.dma_semaphore, #tpu.memory_space<semaphore_mem>>) {add = true}
        %mul3A_219 = arith.constant 4 : i32
        %mul3A_220 = arith.muli %mul3A_219, %scan3A_97 : i32
        %add3A_221 = arith.constant 3 : i32
        %add3A_222 = arith.addi %mul3A_220, %add3A_221 : i32
        %dma_wait3A_223 = arith.constant 0 : i32
        %dma_wait3A_224 = arith.constant 64 : i32
        %dma_wait3A_225 = arith.constant 0 : i32
        %dma_wait3A_226 = tpu.memref_slice %arg7[%dma_wait3A_224, %dma_wait3A_225] : memref<256x128xf32, #tpu.memory_space<vmem>> -> memref<64x128xf32, #tpu.memory_space<vmem>>
        %dma_wait3A_227 = arith.constant 0 : i32
        %dma_wait3A_228 = tpu.memref_slice %arg6[%dma_wait3A_223, %dma_wait3A_227] : memref<40x64xi32, #tpu.memory_space<vmem>> -> memref<1x64xi32, #tpu.memory_space<vmem>>
        %dma_wait3A_229 = tpu.memref_squeeze %dma_wait3A_228 : memref<1x64xi32, #tpu.memory_space<vmem>> -> memref<64xi32, #tpu.memory_space<vmem>>
        %dma_wait3A_230 = arith.constant 0 : i32
        %dma_wait3A_231 = arith.constant 0 : i32
        %dma_wait3A_232 = tpu.memref_slice %arg8[%dma_wait3A_230, %dma_wait3A_231] : memref<10240x128xf32, #tpu.memory_space<vmem_shared>> -> memref<10240x128xf32, #tpu.memory_space<vmem_shared>>
        tpu.wait_indirect_dma semaphore(%arg14 : memref<!tpu.dma_semaphore, #tpu.memory_space<semaphore_mem>>) src(%dma_wait3A_226 : memref<64x128xf32, #tpu.memory_space<vmem>>) dst(%dma_wait3A_232 : memref<10240x128xf32, #tpu.memory_space<vmem_shared>>)
        %lt3A_233 = arith.constant 9 : i32
        %lt3A_234 = arith.cmpi slt, %scan3A_97, %lt3A_233 : i32
        %convert_element_type3A_235 = arith.extui %lt3A_234 : i1 to i32
        %cond3A_236 = arith.constant 0 : i32
        %cond3A_237 = arith.cmpi ne, %convert_element_type3A_235, %cond3A_236 : i32
        scf.if %cond3A_237 {
          %add3A_259 = arith.constant 2 : i32
          %add3A_260 = arith.addi %add3A_222, %add3A_259 : i32
          %dma_start3A_261 = arith.constant 64 : i32
          %dma_start3A_262 = arith.constant 0 : i32
          %dma_start3A_263 = tpu.memref_slice %arg7[%dma_start3A_261, %dma_start3A_262] : memref<256x128xf32, #tpu.memory_space<vmem>> -> memref<64x128xf32, #tpu.memory_space<vmem>>
          %dma_start3A_264 = arith.constant 0 : i32
          %dma_start3A_265 = tpu.memref_slice %arg5[%add3A_260, %dma_start3A_264] : memref<40x64xi32, #tpu.memory_space<vmem>> -> memref<1x64xi32, #tpu.memory_space<vmem>>
          %dma_start3A_266 = tpu.memref_squeeze %dma_start3A_265 : memref<1x64xi32, #tpu.memory_space<vmem>> -> memref<64xi32, #tpu.memory_space<vmem>>
          %dma_start3A_267 = arith.constant 0 : i32
          %dma_start3A_268 = arith.constant 0 : i32
          %dma_start3A_269 = tpu.memref_slice %arg2[%dma_start3A_267, %dma_start3A_268] : memref<10000x128xf32, #tpu.memory_space<hbm>> -> memref<10000x128xf32, #tpu.memory_space<hbm>>
          tpu.enqueue_indirect_dma source(%dma_start3A_269 : memref<10000x128xf32, #tpu.memory_space<hbm>>) target(%dma_start3A_263 : memref<64x128xf32, #tpu.memory_space<vmem>>) offsets(%dma_start3A_266 : memref<64xi32, #tpu.memory_space<vmem>>) semaphore(%arg10 : memref<!tpu.dma_semaphore, #tpu.memory_space<semaphore_mem>>)
        } else {
        }
        %dma_wait3A_238 = arith.constant 192 : i32
        %dma_wait3A_239 = arith.constant 0 : i32
        %dma_wait3A_240 = tpu.memref_slice %arg7[%dma_wait3A_238, %dma_wait3A_239] : memref<256x128xf32, #tpu.memory_space<vmem>> -> memref<64x128xf32, #tpu.memory_space<vmem>>
        %dma_wait3A_241 = arith.constant 0 : i32
        %dma_wait3A_242 = arith.constant 0 : i32
        %dma_wait3A_243 = tpu.memref_slice %arg2[%dma_wait3A_241, %dma_wait3A_242] : memref<10000x128xf32, #tpu.memory_space<hbm>> -> memref<64x128xf32, #tpu.memory_space<hbm>>
        %dma_wait3A_244 = arith.constant 192 : i32
        %dma_wait3A_245 = arith.constant 0 : i32
        %dma_wait3A_246 = tpu.memref_slice %arg7[%dma_wait3A_244, %dma_wait3A_245] : memref<256x128xf32, #tpu.memory_space<vmem>> -> memref<64x128xf32, #tpu.memory_space<vmem>>
        %dma_wait3A_247 = arith.constant 0 : i32
        %dma_wait3A_248 = arith.constant 0 : i32
        %dma_wait3A_249 = tpu.memref_slice %arg2[%dma_wait3A_247, %dma_wait3A_248] : memref<10000x128xf32, #tpu.memory_space<hbm>> -> memref<64x128xf32, #tpu.memory_space<hbm>>
        tpu.wait_dma2 semaphore(%arg12 : memref<!tpu.dma_semaphore, #tpu.memory_space<semaphore_mem>>) src(%dma_wait3A_249 : memref<64x128xf32, #tpu.memory_space<hbm>>) dst(%dma_wait3A_246 : memref<64x128xf32, #tpu.memory_space<vmem>>)
        %dma_start3A_250 = arith.constant 192 : i32
        %dma_start3A_251 = arith.constant 0 : i32
        %dma_start3A_252 = tpu.memref_slice %arg7[%dma_start3A_250, %dma_start3A_251] : memref<256x128xf32, #tpu.memory_space<vmem>> -> memref<64x128xf32, #tpu.memory_space<vmem>>
        %dma_start3A_253 = arith.constant 0 : i32
        %dma_start3A_254 = tpu.memref_slice %arg6[%add3A_222, %dma_start3A_253] : memref<40x64xi32, #tpu.memory_space<vmem>> -> memref<1x64xi32, #tpu.memory_space<vmem>>
        %dma_start3A_255 = tpu.memref_squeeze %dma_start3A_254 : memref<1x64xi32, #tpu.memory_space<vmem>> -> memref<64xi32, #tpu.memory_space<vmem>>
        %dma_start3A_256 = arith.constant 0 : i32
        %dma_start3A_257 = arith.constant 0 : i32
        %dma_start3A_258 = tpu.memref_slice %arg8[%dma_start3A_256, %dma_start3A_257] : memref<10240x128xf32, #tpu.memory_space<vmem_shared>> -> memref<10240x128xf32, #tpu.memory_space<vmem_shared>>
        tpu.enqueue_indirect_dma source(%dma_start3A_252 : memref<64x128xf32, #tpu.memory_space<vmem>>) target(%dma_start3A_258 : memref<10240x128xf32, #tpu.memory_space<vmem_shared>>) offsets(%dma_start3A_255 : memref<64xi32, #tpu.memory_space<vmem>>) semaphore(%arg16 : memref<!tpu.dma_semaphore, #tpu.memory_space<semaphore_mem>>) {add = true}
      }
      %scan3A_96 = arith.constant 10 : i32
    }
    %dma_wait3A = arith.constant 0 : i32
    %dma_wait3A_59 = arith.constant 128 : i32
    %dma_wait3A_60 = arith.constant 0 : i32
    %dma_wait3A_61 = tpu.memref_slice %arg7[%dma_wait3A_59, %dma_wait3A_60] : memref<256x128xf32, #tpu.memory_space<vmem>> -> memref<64x128xf32, #tpu.memory_space<vmem>>
    %dma_wait3A_62 = arith.constant 0 : i32
    %dma_wait3A_63 = tpu.memref_slice %arg6[%dma_wait3A, %dma_wait3A_62] : memref<40x64xi32, #tpu.memory_space<vmem>> -> memref<1x64xi32, #tpu.memory_space<vmem>>
    %dma_wait3A_64 = tpu.memref_squeeze %dma_wait3A_63 : memref<1x64xi32, #tpu.memory_space<vmem>> -> memref<64xi32, #tpu.memory_space<vmem>>
    %dma_wait3A_65 = arith.constant 0 : i32
    %dma_wait3A_66 = arith.constant 0 : i32
    %dma_wait3A_67 = tpu.memref_slice %arg8[%dma_wait3A_65, %dma_wait3A_66] : memref<10240x128xf32, #tpu.memory_space<vmem_shared>> -> memref<10240x128xf32, #tpu.memory_space<vmem_shared>>
    tpu.wait_indirect_dma semaphore(%arg15 : memref<!tpu.dma_semaphore, #tpu.memory_space<semaphore_mem>>) src(%dma_wait3A_61 : memref<64x128xf32, #tpu.memory_space<vmem>>) dst(%dma_wait3A_67 : memref<10240x128xf32, #tpu.memory_space<vmem_shared>>)
    %dma_wait3A_68 = arith.constant 0 : i32
    %dma_wait3A_69 = arith.constant 192 : i32
    %dma_wait3A_70 = arith.constant 0 : i32
    %dma_wait3A_71 = tpu.memref_slice %arg7[%dma_wait3A_69, %dma_wait3A_70] : memref<256x128xf32, #tpu.memory_space<vmem>> -> memref<64x128xf32, #tpu.memory_space<vmem>>
    %dma_wait3A_72 = arith.constant 0 : i32
    %dma_wait3A_73 = tpu.memref_slice %arg6[%dma_wait3A_68, %dma_wait3A_72] : memref<40x64xi32, #tpu.memory_space<vmem>> -> memref<1x64xi32, #tpu.memory_space<vmem>>
    %dma_wait3A_74 = tpu.memref_squeeze %dma_wait3A_73 : memref<1x64xi32, #tpu.memory_space<vmem>> -> memref<64xi32, #tpu.memory_space<vmem>>
    %dma_wait3A_75 = arith.constant 0 : i32
    %dma_wait3A_76 = arith.constant 0 : i32
    %dma_wait3A_77 = tpu.memref_slice %arg8[%dma_wait3A_75, %dma_wait3A_76] : memref<10240x128xf32, #tpu.memory_space<vmem_shared>> -> memref<10240x128xf32, #tpu.memory_space<vmem_shared>>
    tpu.wait_indirect_dma semaphore(%arg16 : memref<!tpu.dma_semaphore, #tpu.memory_space<semaphore_mem>>) src(%dma_wait3A_71 : memref<64x128xf32, #tpu.memory_space<vmem>>) dst(%dma_wait3A_77 : memref<10240x128xf32, #tpu.memory_space<vmem_shared>>)
    %barrier3A_78 = arith.constant 0 : index
    tpu.barrier barrier_id(%barrier3A_78)
    %lt3A = arith.constant 15 : i32
    %lt3A_79 = arith.cmpi slt, %arg1, %lt3A : i32
    %convert_element_type3A = arith.extui %lt3A_79 : i1 to i32
    %cond3A = arith.constant 0 : i32
    %cond3A_80 = arith.cmpi ne, %convert_element_type3A, %cond3A : i32
    scf.if %cond3A_80 {
      %mul3A_86 = arith.constant 640 : i32
      %mul3A_87 = arith.muli %arg1, %mul3A_86 : i32
      %mul3A_88 = arith.constant 10000 : i32
      %mul3A_89 = arith.muli %arg0, %mul3A_88 : i32
      %mul3A_90 = arith.constant 640 : i32
      %mul3A_91 = arith.muli %arg1, %mul3A_90 : i32
      %add3A_92 = arith.addi %mul3A_89, %mul3A_91 : i32
      "tpu.region"() ({
        %run_scoped3A_93 = tpu.sem_alloc : memref<!tpu.dma_semaphore, #tpu.memory_space<semaphore_mem>>
        %dma_start3A_94 = arith.constant 0 : i32
        %dma_start3A_95 = tpu.memref_slice %arg4[%add3A_92, %dma_start3A_94] : memref<20000x128xf32, #tpu.memory_space<hbm>> -> memref<640x128xf32, #tpu.memory_space<hbm>>
        %dma_start3A_96 = arith.constant 0 : i32
        %dma_start3A_97 = tpu.memref_slice %arg8[%mul3A_87, %dma_start3A_96] : memref<10240x128xf32, #tpu.memory_space<vmem_shared>> -> memref<640x128xf32, #tpu.memory_space<vmem_shared>>
        tpu.enqueue_dma source(%dma_start3A_97 : memref<640x128xf32, #tpu.memory_space<vmem_shared>>) target(%dma_start3A_95 : memref<640x128xf32, #tpu.memory_space<hbm>>) target_semaphore(%run_scoped3A_93 : memref<!tpu.dma_semaphore, #tpu.memory_space<semaphore_mem>>)
        %dma_wait3A_98 = arith.constant 0 : i32
        %dma_wait3A_99 = tpu.memref_slice %arg4[%add3A_92, %dma_wait3A_98] : memref<20000x128xf32, #tpu.memory_space<hbm>> -> memref<640x128xf32, #tpu.memory_space<hbm>>
        %dma_wait3A_100 = arith.constant 0 : i32
        %dma_wait3A_101 = tpu.memref_slice %arg8[%mul3A_87, %dma_wait3A_100] : memref<10240x128xf32, #tpu.memory_space<vmem_shared>> -> memref<640x128xf32, #tpu.memory_space<vmem_shared>>
        tpu.wait_dma2 semaphore(%run_scoped3A_93 : memref<!tpu.dma_semaphore, #tpu.memory_space<semaphore_mem>>) src(%dma_wait3A_101 : memref<640x128xf32, #tpu.memory_space<vmem_shared>>) dst(%dma_wait3A_99 : memref<640x128xf32, #tpu.memory_space<hbm>>)
        tpu.yield
      }) : () -> ()
    } else {
    }
    %eq3A_81 = arith.constant 15 : i32
    %eq3A_82 = arith.cmpi eq, %arg1, %eq3A_81 : i32
    %convert_element_type3A_83 = arith.extui %eq3A_82 : i1 to i32
    %cond3A_84 = arith.constant 0 : i32
    %cond3A_85 = arith.cmpi ne, %convert_element_type3A_83, %cond3A_84 : i32
    scf.if %cond3A_85 {
      %mul3A_86 = arith.constant 10000 : i32
      %mul3A_87 = arith.muli %arg0, %mul3A_86 : i32
      %add3A_88 = arith.constant 9600 : i32
      %add3A_89 = arith.addi %mul3A_87, %add3A_88 : i32
      "tpu.region"() ({
        %run_scoped3A_90 = tpu.sem_alloc : memref<!tpu.dma_semaphore, #tpu.memory_space<semaphore_mem>>
        %dma_start3A_91 = arith.constant 0 : i32
        %dma_start3A_92 = tpu.memref_slice %arg4[%add3A_89, %dma_start3A_91] : memref<20000x128xf32, #tpu.memory_space<hbm>> -> memref<400x128xf32, #tpu.memory_space<hbm>>
        %dma_start3A_93 = arith.constant 9600 : i32
        %dma_start3A_94 = arith.constant 0 : i32
        %dma_start3A_95 = tpu.memref_slice %arg8[%dma_start3A_93, %dma_start3A_94] : memref<10240x128xf32, #tpu.memory_space<vmem_shared>> -> memref<400x128xf32, #tpu.memory_space<vmem_shared>>
        tpu.enqueue_dma source(%dma_start3A_95 : memref<400x128xf32, #tpu.memory_space<vmem_shared>>) target(%dma_start3A_92 : memref<400x128xf32, #tpu.memory_space<hbm>>) target_semaphore(%run_scoped3A_90 : memref<!tpu.dma_semaphore, #tpu.memory_space<semaphore_mem>>)
        %dma_wait3A_96 = arith.constant 0 : i32
        %dma_wait3A_97 = tpu.memref_slice %arg4[%add3A_89, %dma_wait3A_96] : memref<20000x128xf32, #tpu.memory_space<hbm>> -> memref<400x128xf32, #tpu.memory_space<hbm>>
        %dma_wait3A_98 = arith.constant 9600 : i32
        %dma_wait3A_99 = arith.constant 0 : i32
        %dma_wait3A_100 = tpu.memref_slice %arg8[%dma_wait3A_98, %dma_wait3A_99] : memref<10240x128xf32, #tpu.memory_space<vmem_shared>> -> memref<400x128xf32, #tpu.memory_space<vmem_shared>>
        tpu.wait_dma2 semaphore(%run_scoped3A_90 : memref<!tpu.dma_semaphore, #tpu.memory_space<semaphore_mem>>) src(%dma_wait3A_100 : memref<400x128xf32, #tpu.memory_space<vmem_shared>>) dst(%dma_wait3A_97 : memref<400x128xf32, #tpu.memory_space<hbm>>)
        tpu.yield
      }) : () -> ()
    } else {
    }
    return
  }
}

#map = affine_map<(d0, d1) -> (0, 0)>
#map1 = affine_map<(d0, d1) -> (0, 0, 0)>
module attributes {stable_mosaic.version = 14 : i64} {
  func.func @body(%arg0: i32, %arg1: i32, %arg2: memref<10000x128xf32, #tpu.memory_space<hbm>>, %arg3: memref<2x5000x64xi32, #tpu.memory_space<hbm>>, %arg4: memref<20000x128xf32, #tpu.memory_space<hbm>>, %arg5: memref<40x64xi32, #tpu.memory_space<vmem>>, %arg6: memref<40x64xi32, #tpu.memory_space<vmem>>, %arg7: memref<256x128xf32, #tpu.memory_space<vmem>>, %arg8: memref<10240x128xf32, #tpu.memory_space<vmem_shared>>, %arg9: memref<!tpu.dma_semaphore, #tpu.memory_space<semaphore_mem>>, %arg10: memref<!tpu.dma_semaphore, #tpu.memory_space<semaphore_mem>>, %arg11: memref<!tpu.dma_semaphore, #tpu.memory_space<semaphore_mem>>, %arg12: memref<!tpu.dma_semaphore, #tpu.memory_space<semaphore_mem>>, %arg13: memref<!tpu.dma_semaphore, #tpu.memory_space<semaphore_mem>>, %arg14: memref<!tpu.dma_semaphore, #tpu.memory_space<semaphore_mem>>, %arg15: memref<!tpu.dma_semaphore, #tpu.memory_space<semaphore_mem>>, %arg16: memref<!tpu.dma_semaphore, #tpu.memory_space<semaphore_mem>>) attributes {dimension_semantics = [#tpu.dimension_semantics<core_parallel>, #tpu.dimension_semantics<subcore_parallel>], iteration_bounds = array<i64: 2, 16>, scalar_prefetch = 0 : i64, scratch_operands = 12 : i64, tpu.core_type = #tpu.core_type<sc_vector_subcore>, window_params = [{transform_indices = #map}, {transform_indices = #map1}, {transform_indices = #map}]} {
    %mul3A = arith.constant 16 : i32
    %mul3A_0 = arith.muli %arg0, %mul3A : i32
    %add3A = arith.addi %mul3A_0, %arg1 : i32
    %eq3A = arith.constant 31 : i32
    %eq3A_1 = arith.cmpi eq, %add3A, %eq3A : i32
    %jit3A = arith.constant 1 : i32
    %jit3A_2 = arith.constant 4 : i32
    %select_n3A = arith.select %eq3A_1, %jit3A, %jit3A_2 : i32
    %mul3A_3 = arith.constant 160 : i32
    %mul3A_4 = arith.muli %add3A, %mul3A_3 : i32
    %run_scoped3A = arith.constant 0 : i32
    "tpu.region"() ({
      %run_scoped3A_86 = tpu.sem_alloc : memref<!tpu.dma_semaphore, #tpu.memory_space<semaphore_mem>>
      %dma_start3A_87 = arith.constant 0 : i32
      %dma_start3A_88 = tpu.memref_slice %arg3[%run_scoped3A, %mul3A_4, %dma_start3A_87] : memref<2x5000x64xi32, #tpu.memory_space<hbm>> -> memref<1x40x64xi32, #tpu.memory_space<hbm>>
      %dma_start3A_89 = tpu.memref_squeeze %dma_start3A_88 : memref<1x40x64xi32, #tpu.memory_space<hbm>> -> memref<40x64xi32, #tpu.memory_space<hbm>>
      %dma_start3A_90 = arith.constant 0 : i32
      %dma_start3A_91 = tpu.memref_slice %arg3[%run_scoped3A, %mul3A_4, %dma_start3A_90] : memref<2x5000x64xi32, #tpu.memory_space<hbm>> -> memref<1x40x64xi32, #tpu.memory_space<hbm>>
      %dma_start3A_92 = tpu.memref_squeeze %dma_start3A_91 : memref<1x40x64xi32, #tpu.memory_space<hbm>> -> memref<40x64xi32, #tpu.memory_space<hbm>>
      tpu.enqueue_dma source(%dma_start3A_92 : memref<40x64xi32, #tpu.memory_space<hbm>>) target(%arg5 : memref<40x64xi32, #tpu.memory_space<vmem>>) target_semaphore(%run_scoped3A_86 : memref<!tpu.dma_semaphore, #tpu.memory_space<semaphore_mem>>)
      %dma_wait3A_93 = arith.constant 0 : i32
      %dma_wait3A_94 = tpu.memref_slice %arg3[%run_scoped3A, %mul3A_4, %dma_wait3A_93] : memref<2x5000x64xi32, #tpu.memory_space<hbm>> -> memref<1x40x64xi32, #tpu.memory_space<hbm>>
      %dma_wait3A_95 = tpu.memref_squeeze %dma_wait3A_94 : memref<1x40x64xi32, #tpu.memory_space<hbm>> -> memref<40x64xi32, #tpu.memory_space<hbm>>
      %dma_wait3A_96 = arith.constant 0 : i32
      %dma_wait3A_97 = tpu.memref_slice %arg3[%run_scoped3A, %mul3A_4, %dma_wait3A_96] : memref<2x5000x64xi32, #tpu.memory_space<hbm>> -> memref<1x40x64xi32, #tpu.memory_space<hbm>>
      %dma_wait3A_98 = tpu.memref_squeeze %dma_wait3A_97 : memref<1x40x64xi32, #tpu.memory_space<hbm>> -> memref<40x64xi32, #tpu.memory_space<hbm>>
      tpu.wait_dma2 semaphore(%run_scoped3A_86 : memref<!tpu.dma_semaphore, #tpu.memory_space<semaphore_mem>>) src(%dma_wait3A_98 : memref<40x64xi32, #tpu.memory_space<hbm>>) dst(%arg5 : memref<40x64xi32, #tpu.memory_space<vmem>>)
      tpu.yield
    }) : () -> ()
    %run_scoped3A_5 = arith.constant 1 : i32
    "tpu.region"() ({
      %run_scoped3A_86 = tpu.sem_alloc : memref<!tpu.dma_semaphore, #tpu.memory_space<semaphore_mem>>
      %dma_start3A_87 = arith.constant 0 : i32
      %dma_start3A_88 = tpu.memref_slice %arg3[%run_scoped3A_5, %mul3A_4, %dma_start3A_87] : memref<2x5000x64xi32, #tpu.memory_space<hbm>> -> memref<1x40x64xi32, #tpu.memory_space<hbm>>
      %dma_start3A_89 = tpu.memref_squeeze %dma_start3A_88 : memref<1x40x64xi32, #tpu.memory_space<hbm>> -> memref<40x64xi32, #tpu.memory_space<hbm>>
      %dma_start3A_90 = arith.constant 0 : i32
      %dma_start3A_91 = tpu.memref_slice %arg3[%run_scoped3A_5, %mul3A_4, %dma_start3A_90] : memref<2x5000x64xi32, #tpu.memory_space<hbm>> -> memref<1x40x64xi32, #tpu.memory_space<hbm>>
      %dma_start3A_92 = tpu.memref_squeeze %dma_start3A_91 : memref<1x40x64xi32, #tpu.memory_space<hbm>> -> memref<40x64xi32, #tpu.memory_space<hbm>>
      tpu.enqueue_dma source(%dma_start3A_92 : memref<40x64xi32, #tpu.memory_space<hbm>>) target(%arg6 : memref<40x64xi32, #tpu.memory_space<vmem>>) target_semaphore(%run_scoped3A_86 : memref<!tpu.dma_semaphore, #tpu.memory_space<semaphore_mem>>)
      %dma_wait3A_93 = arith.constant 0 : i32
      %dma_wait3A_94 = tpu.memref_slice %arg3[%run_scoped3A_5, %mul3A_4, %dma_wait3A_93] : memref<2x5000x64xi32, #tpu.memory_space<hbm>> -> memref<1x40x64xi32, #tpu.memory_space<hbm>>
      %dma_wait3A_95 = tpu.memref_squeeze %dma_wait3A_94 : memref<1x40x64xi32, #tpu.memory_space<hbm>> -> memref<40x64xi32, #tpu.memory_space<hbm>>
      %dma_wait3A_96 = arith.constant 0 : i32
      %dma_wait3A_97 = tpu.memref_slice %arg3[%run_scoped3A_5, %mul3A_4, %dma_wait3A_96] : memref<2x5000x64xi32, #tpu.memory_space<hbm>> -> memref<1x40x64xi32, #tpu.memory_space<hbm>>
      %dma_wait3A_98 = tpu.memref_squeeze %dma_wait3A_97 : memref<1x40x64xi32, #tpu.memory_space<hbm>> -> memref<40x64xi32, #tpu.memory_space<hbm>>
      tpu.wait_dma2 semaphore(%run_scoped3A_86 : memref<!tpu.dma_semaphore, #tpu.memory_space<semaphore_mem>>) src(%dma_wait3A_98 : memref<40x64xi32, #tpu.memory_space<hbm>>) dst(%arg6 : memref<40x64xi32, #tpu.memory_space<vmem>>)
      tpu.yield
    }) : () -> ()
    %dma_start3A = arith.constant 0 : i32
    %dma_start3A_6 = arith.constant 0 : i32
    %dma_start3A_7 = arith.constant 0 : i32
    %dma_start3A_8 = tpu.memref_slice %arg7[%dma_start3A_6, %dma_start3A_7] : memref<256x128xf32, #tpu.memory_space<vmem>> -> memref<64x128xf32, #tpu.memory_space<vmem>>
    %dma_start3A_9 = arith.constant 0 : i32
    %dma_start3A_10 = tpu.memref_slice %arg5[%dma_start3A, %dma_start3A_9] : memref<40x64xi32, #tpu.memory_space<vmem>> -> memref<1x64xi32, #tpu.memory_space<vmem>>
    %dma_start3A_11 = tpu.memref_squeeze %dma_start3A_10 : memref<1x64xi32, #tpu.memory_space<vmem>> -> memref<64xi32, #tpu.memory_space<vmem>>
    %dma_start3A_12 = arith.constant 0 : i32
    %dma_start3A_13 = arith.constant 0 : i32
    %dma_start3A_14 = tpu.memref_slice %arg2[%dma_start3A_12, %dma_start3A_13] : memref<10000x128xf32, #tpu.memory_space<hbm>> -> memref<10000x128xf32, #tpu.memory_space<hbm>>
    tpu.enqueue_indirect_dma source(%dma_start3A_14 : memref<10000x128xf32, #tpu.memory_space<hbm>>) target(%dma_start3A_8 : memref<64x128xf32, #tpu.memory_space<vmem>>) offsets(%dma_start3A_11 : memref<64xi32, #tpu.memory_space<vmem>>) semaphore(%arg9 : memref<!tpu.dma_semaphore, #tpu.memory_space<semaphore_mem>>)
    %dma_start3A_15 = arith.constant 1 : i32
    %dma_start3A_16 = arith.constant 64 : i32
    %dma_start3A_17 = arith.constant 0 : i32
    %dma_start3A_18 = tpu.memref_slice %arg7[%dma_start3A_16, %dma_start3A_17] : memref<256x128xf32, #tpu.memory_space<vmem>> -> memref<64x128xf32, #tpu.memory_space<vmem>>
    %dma_start3A_19 = arith.constant 0 : i32
    %dma_start3A_20 = tpu.memref_slice %arg5[%dma_start3A_15, %dma_start3A_19] : memref<40x64xi32, #tpu.memory_space<vmem>> -> memref<1x64xi32, #tpu.memory_space<vmem>>
    %dma_start3A_21 = tpu.memref_squeeze %dma_start3A_20 : memref<1x64xi32, #tpu.memory_space<vmem>> -> memref<64xi32, #tpu.memory_space<vmem>>
    %dma_start3A_22 = arith.constant 0 : i32
    %dma_start3A_23 = arith.constant 0 : i32
    %dma_start3A_24 = tpu.memref_slice %arg2[%dma_start3A_22, %dma_start3A_23] : memref<10000x128xf32, #tpu.memory_space<hbm>> -> memref<10000x128xf32, #tpu.memory_space<hbm>>
    tpu.enqueue_indirect_dma source(%dma_start3A_24 : memref<10000x128xf32, #tpu.memory_space<hbm>>) target(%dma_start3A_18 : memref<64x128xf32, #tpu.memory_space<vmem>>) offsets(%dma_start3A_21 : memref<64xi32, #tpu.memory_space<vmem>>) semaphore(%arg10 : memref<!tpu.dma_semaphore, #tpu.memory_space<semaphore_mem>>)
    %scan3A = arith.constant 0 : i32
    %scan3A_25 = arith.constant 0 : i32
    %scan3A_26 = arith.constant 128 : i32
    %scan3A_27 = arith.addi %scan3A_25, %scan3A_26 : i32
    %scan3A_28 = arith.constant 1 : i32
    scf.for %scan3A_86 = %scan3A_25 to %scan3A_27 step %scan3A_28  : i32 {
      %broadcast_in_dim3A = arith.constant 0.000000e+00 : f32
      %broadcast_in_dim3A_87 = vector.broadcast %broadcast_in_dim3A : f32 to vector<16xf32>
      %add3A_88 = arith.constant 128 : i32
      %add3A_89 = arith.addi %add3A_88, %scan3A_86 : i32
      %swap3A = arith.index_cast %add3A_89 : i32 to index
      %swap3A_90 = arith.constant 0 : index
      %swap3A_91 = tpu.vector_load %arg7[%swap3A, %swap3A_90] {strides = array<i32>} : memref<256x128xf32, #tpu.memory_space<vmem>>, vector<1x16xf32>,
      %swap3A_92 = vector.shape_cast %swap3A_91 : vector<1x16xf32> to vector<16xf32>
      %swap3A_93 = vector.shape_cast %broadcast_in_dim3A_87 : vector<16xf32> to vector<1x16xf32>
      tpu.vector_store %arg7[%swap3A, %swap3A_90], %swap3A_93 {strides = array<i32>} : memref<256x128xf32, #tpu.memory_space<vmem>>, vector<1x16xf32>,
      %broadcast_in_dim3A_94 = arith.constant 0.000000e+00 : f32
      %broadcast_in_dim3A_95 = vector.broadcast %broadcast_in_dim3A_94 : f32 to vector<16xf32>
      %add3A_96 = arith.constant 128 : i32
      %add3A_97 = arith.addi %add3A_96, %scan3A_86 : i32
      %swap3A_98 = arith.index_cast %add3A_97 : i32 to index
      %swap3A_99 = arith.constant 16 : index
      %swap3A_100 = tpu.vector_load %arg7[%swap3A_98, %swap3A_99] {strides = array<i32>} : memref<256x128xf32, #tpu.memory_space<vmem>>, vector<1x16xf32>,
      %swap3A_101 = vector.shape_cast %swap3A_100 : vector<1x16xf32> to vector<16xf32>
      %swap3A_102 = vector.shape_cast %broadcast_in_dim3A_95 : vector<16xf32> to vector<1x16xf32>
      tpu.vector_store %arg7[%swap3A_98, %swap3A_99], %swap3A_102 {strides = array<i32>} : memref<256x128xf32, #tpu.memory_space<vmem>>, vector<1x16xf32>,
      %broadcast_in_dim3A_103 = arith.constant 0.000000e+00 : f32
      %broadcast_in_dim3A_104 = vector.broadcast %broadcast_in_dim3A_103 : f32 to vector<16xf32>
      %add3A_105 = arith.constant 128 : i32
      %add3A_106 = arith.addi %add3A_105, %scan3A_86 : i32
      %swap3A_107 = arith.index_cast %add3A_106 : i32 to index
      %swap3A_108 = arith.constant 32 : index
      %swap3A_109 = tpu.vector_load %arg7[%swap3A_107, %swap3A_108] {strides = array<i32>} : memref<256x128xf32, #tpu.memory_space<vmem>>, vector<1x16xf32>,
      %swap3A_110 = vector.shape_cast %swap3A_109 : vector<1x16xf32> to vector<16xf32>
      %swap3A_111 = vector.shape_cast %broadcast_in_dim3A_104 : vector<16xf32> to vector<1x16xf32>
      tpu.vector_store %arg7[%swap3A_107, %swap3A_108], %swap3A_111 {strides = array<i32>} : memref<256x128xf32, #tpu.memory_space<vmem>>, vector<1x16xf32>,
      %broadcast_in_dim3A_112 = arith.constant 0.000000e+00 : f32
      %broadcast_in_dim3A_113 = vector.broadcast %broadcast_in_dim3A_112 : f32 to vector<16xf32>
      %add3A_114 = arith.constant 128 : i32
      %add3A_115 = arith.addi %add3A_114, %scan3A_86 : i32
      %swap3A_116 = arith.index_cast %add3A_115 : i32 to index
      %swap3A_117 = arith.constant 48 : index
      %swap3A_118 = tpu.vector_load %arg7[%swap3A_116, %swap3A_117] {strides = array<i32>} : memref<256x128xf32, #tpu.memory_space<vmem>>, vector<1x16xf32>,
      %swap3A_119 = vector.shape_cast %swap3A_118 : vector<1x16xf32> to vector<16xf32>
      %swap3A_120 = vector.shape_cast %broadcast_in_dim3A_113 : vector<16xf32> to vector<1x16xf32>
      tpu.vector_store %arg7[%swap3A_116, %swap3A_117], %swap3A_120 {strides = array<i32>} : memref<256x128xf32, #tpu.memory_space<vmem>>, vector<1x16xf32>,
      %broadcast_in_dim3A_121 = arith.constant 0.000000e+00 : f32
      %broadcast_in_dim3A_122 = vector.broadcast %broadcast_in_dim3A_121 : f32 to vector<16xf32>
      %add3A_123 = arith.constant 128 : i32
      %add3A_124 = arith.addi %add3A_123, %scan3A_86 : i32
      %swap3A_125 = arith.index_cast %add3A_124 : i32 to index
      %swap3A_126 = arith.constant 64 : index
      %swap3A_127 = tpu.vector_load %arg7[%swap3A_125, %swap3A_126] {strides = array<i32>} : memref<256x128xf32, #tpu.memory_space<vmem>>, vector<1x16xf32>,
      %swap3A_128 = vector.shape_cast %swap3A_127 : vector<1x16xf32> to vector<16xf32>
      %swap3A_129 = vector.shape_cast %broadcast_in_dim3A_122 : vector<16xf32> to vector<1x16xf32>
      tpu.vector_store %arg7[%swap3A_125, %swap3A_126], %swap3A_129 {strides = array<i32>} : memref<256x128xf32, #tpu.memory_space<vmem>>, vector<1x16xf32>,
      %broadcast_in_dim3A_130 = arith.constant 0.000000e+00 : f32
      %broadcast_in_dim3A_131 = vector.broadcast %broadcast_in_dim3A_130 : f32 to vector<16xf32>
      %add3A_132 = arith.constant 128 : i32
      %add3A_133 = arith.addi %add3A_132, %scan3A_86 : i32
      %swap3A_134 = arith.index_cast %add3A_133 : i32 to index
      %swap3A_135 = arith.constant 80 : index
      %swap3A_136 = tpu.vector_load %arg7[%swap3A_134, %swap3A_135] {strides = array<i32>} : memref<256x128xf32, #tpu.memory_space<vmem>>, vector<1x16xf32>,
      %swap3A_137 = vector.shape_cast %swap3A_136 : vector<1x16xf32> to vector<16xf32>
      %swap3A_138 = vector.shape_cast %broadcast_in_dim3A_131 : vector<16xf32> to vector<1x16xf32>
      tpu.vector_store %arg7[%swap3A_134, %swap3A_135], %swap3A_138 {strides = array<i32>} : memref<256x128xf32, #tpu.memory_space<vmem>>, vector<1x16xf32>,
      %broadcast_in_dim3A_139 = arith.constant 0.000000e+00 : f32
      %broadcast_in_dim3A_140 = vector.broadcast %broadcast_in_dim3A_139 : f32 to vector<16xf32>
      %add3A_141 = arith.constant 128 : i32
      %add3A_142 = arith.addi %add3A_141, %scan3A_86 : i32
      %swap3A_143 = arith.index_cast %add3A_142 : i32 to index
      %swap3A_144 = arith.constant 96 : index
      %swap3A_145 = tpu.vector_load %arg7[%swap3A_143, %swap3A_144] {strides = array<i32>} : memref<256x128xf32, #tpu.memory_space<vmem>>, vector<1x16xf32>,
      %swap3A_146 = vector.shape_cast %swap3A_145 : vector<1x16xf32> to vector<16xf32>
      %swap3A_147 = vector.shape_cast %broadcast_in_dim3A_140 : vector<16xf32> to vector<1x16xf32>
      tpu.vector_store %arg7[%swap3A_143, %swap3A_144], %swap3A_147 {strides = array<i32>} : memref<256x128xf32, #tpu.memory_space<vmem>>, vector<1x16xf32>,
      %broadcast_in_dim3A_148 = arith.constant 0.000000e+00 : f32
      %broadcast_in_dim3A_149 = vector.broadcast %broadcast_in_dim3A_148 : f32 to vector<16xf32>
      %add3A_150 = arith.constant 128 : i32
      %add3A_151 = arith.addi %add3A_150, %scan3A_86 : i32
      %swap3A_152 = arith.index_cast %add3A_151 : i32 to index
      %swap3A_153 = arith.constant 112 : index
      %swap3A_154 = tpu.vector_load %arg7[%swap3A_152, %swap3A_153] {strides = array<i32>} : memref<256x128xf32, #tpu.memory_space<vmem>>, vector<1x16xf32>,
      %swap3A_155 = vector.shape_cast %swap3A_154 : vector<1x16xf32> to vector<16xf32>
      %swap3A_156 = vector.shape_cast %broadcast_in_dim3A_149 : vector<16xf32> to vector<1x16xf32>
      tpu.vector_store %arg7[%swap3A_152, %swap3A_153], %swap3A_156 {strides = array<i32>} : memref<256x128xf32, #tpu.memory_space<vmem>>, vector<1x16xf32>,
    }
    %scan3A_29 = arith.constant 128 : i32
    %mul3A_30 = arith.constant 640 : i32
    %mul3A_31 = arith.muli %arg1, %mul3A_30 : i32
    %add3A_32 = arith.constant 0 : i32
    %add3A_33 = arith.addi %mul3A_31, %add3A_32 : i32
    "tpu.region"() ({
      %run_scoped3A_86 = tpu.sem_alloc : memref<!tpu.dma_semaphore, #tpu.memory_space<semaphore_mem>>
      %dma_start3A_87 = arith.constant 128 : i32
      %dma_start3A_88 = arith.constant 0 : i32
      %dma_start3A_89 = tpu.memref_slice %arg7[%dma_start3A_87, %dma_start3A_88] : memref<256x128xf32, #tpu.memory_space<vmem>> -> memref<128x128xf32, #tpu.memory_space<vmem>>
      %dma_start3A_90 = arith.constant 0 : i32
      %dma_start3A_91 = tpu.memref_slice %arg8[%add3A_33, %dma_start3A_90] : memref<10240x128xf32, #tpu.memory_space<vmem_shared>> -> memref<128x128xf32, #tpu.memory_space<vmem_shared>>
      %dma_start3A_92 = arith.constant 0 : i32
      %dma_start3A_93 = tpu.memref_slice %arg8[%add3A_33, %dma_start3A_92] : memref<10240x128xf32, #tpu.memory_space<vmem_shared>> -> memref<128x128xf32, #tpu.memory_space<vmem_shared>>
      %dma_start3A_94 = arith.constant 128 : i32
      %dma_start3A_95 = arith.constant 0 : i32
      %dma_start3A_96 = tpu.memref_slice %arg7[%dma_start3A_94, %dma_start3A_95] : memref<256x128xf32, #tpu.memory_space<vmem>> -> memref<128x128xf32, #tpu.memory_space<vmem>>
      tpu.enqueue_dma source(%dma_start3A_96 : memref<128x128xf32, #tpu.memory_space<vmem>>) target(%dma_start3A_93 : memref<128x128xf32, #tpu.memory_space<vmem_shared>>) target_semaphore(%run_scoped3A_86 : memref<!tpu.dma_semaphore, #tpu.memory_space<semaphore_mem>>)
      %dma_wait3A_97 = arith.constant 128 : i32
      %dma_wait3A_98 = arith.constant 0 : i32
      %dma_wait3A_99 = tpu.memref_slice %arg7[%dma_wait3A_97, %dma_wait3A_98] : memref<256x128xf32, #tpu.memory_space<vmem>> -> memref<128x128xf32, #tpu.memory_space<vmem>>
      %dma_wait3A_100 = arith.constant 0 : i32
      %dma_wait3A_101 = tpu.memref_slice %arg8[%add3A_33, %dma_wait3A_100] : memref<10240x128xf32, #tpu.memory_space<vmem_shared>> -> memref<128x128xf32, #tpu.memory_space<vmem_shared>>
      %dma_wait3A_102 = arith.constant 0 : i32
      %dma_wait3A_103 = tpu.memref_slice %arg8[%add3A_33, %dma_wait3A_102] : memref<10240x128xf32, #tpu.memory_space<vmem_shared>> -> memref<128x128xf32, #tpu.memory_space<vmem_shared>>
      %dma_wait3A_104 = arith.constant 128 : i32
      %dma_wait3A_105 = arith.constant 0 : i32
      %dma_wait3A_106 = tpu.memref_slice %arg7[%dma_wait3A_104, %dma_wait3A_105] : memref<256x128xf32, #tpu.memory_space<vmem>> -> memref<128x128xf32, #tpu.memory_space<vmem>>
      tpu.wait_dma2 semaphore(%run_scoped3A_86 : memref<!tpu.dma_semaphore, #tpu.memory_space<semaphore_mem>>) src(%dma_wait3A_106 : memref<128x128xf32, #tpu.memory_space<vmem>>) dst(%dma_wait3A_103 : memref<128x128xf32, #tpu.memory_space<vmem_shared>>)
      tpu.yield
    }) : () -> ()
    %mul3A_34 = arith.constant 640 : i32
    %mul3A_35 = arith.muli %arg1, %mul3A_34 : i32
    %add3A_36 = arith.constant 128 : i32
    %add3A_37 = arith.addi %mul3A_35, %add3A_36 : i32
    "tpu.region"() ({
      %run_scoped3A_86 = tpu.sem_alloc : memref<!tpu.dma_semaphore, #tpu.memory_space<semaphore_mem>>
      %dma_start3A_87 = arith.constant 128 : i32
      %dma_start3A_88 = arith.constant 0 : i32
      %dma_start3A_89 = tpu.memref_slice %arg7[%dma_start3A_87, %dma_start3A_88] : memref<256x128xf32, #tpu.memory_space<vmem>> -> memref<128x128xf32, #tpu.memory_space<vmem>>
      %dma_start3A_90 = arith.constant 0 : i32
      %dma_start3A_91 = tpu.memref_slice %arg8[%add3A_37, %dma_start3A_90] : memref<10240x128xf32, #tpu.memory_space<vmem_shared>> -> memref<128x128xf32, #tpu.memory_space<vmem_shared>>
      %dma_start3A_92 = arith.constant 0 : i32
      %dma_start3A_93 = tpu.memref_slice %arg8[%add3A_37, %dma_start3A_92] : memref<10240x128xf32, #tpu.memory_space<vmem_shared>> -> memref<128x128xf32, #tpu.memory_space<vmem_shared>>
      %dma_start3A_94 = arith.constant 128 : i32
      %dma_start3A_95 = arith.constant 0 : i32
      %dma_start3A_96 = tpu.memref_slice %arg7[%dma_start3A_94, %dma_start3A_95] : memref<256x128xf32, #tpu.memory_space<vmem>> -> memref<128x128xf32, #tpu.memory_space<vmem>>
      tpu.enqueue_dma source(%dma_start3A_96 : memref<128x128xf32, #tpu.memory_space<vmem>>) target(%dma_start3A_93 : memref<128x128xf32, #tpu.memory_space<vmem_shared>>) target_semaphore(%run_scoped3A_86 : memref<!tpu.dma_semaphore, #tpu.memory_space<semaphore_mem>>)
      %dma_wait3A_97 = arith.constant 128 : i32
      %dma_wait3A_98 = arith.constant 0 : i32
      %dma_wait3A_99 = tpu.memref_slice %arg7[%dma_wait3A_97, %dma_wait3A_98] : memref<256x128xf32, #tpu.memory_space<vmem>> -> memref<128x128xf32, #tpu.memory_space<vmem>>
      %dma_wait3A_100 = arith.constant 0 : i32
      %dma_wait3A_101 = tpu.memref_slice %arg8[%add3A_37, %dma_wait3A_100] : memref<10240x128xf32, #tpu.memory_space<vmem_shared>> -> memref<128x128xf32, #tpu.memory_space<vmem_shared>>
      %dma_wait3A_102 = arith.constant 0 : i32
      %dma_wait3A_103 = tpu.memref_slice %arg8[%add3A_37, %dma_wait3A_102] : memref<10240x128xf32, #tpu.memory_space<vmem_shared>> -> memref<128x128xf32, #tpu.memory_space<vmem_shared>>
      %dma_wait3A_104 = arith.constant 128 : i32
      %dma_wait3A_105 = arith.constant 0 : i32
      %dma_wait3A_106 = tpu.memref_slice %arg7[%dma_wait3A_104, %dma_wait3A_105] : memref<256x128xf32, #tpu.memory_space<vmem>> -> memref<128x128xf32, #tpu.memory_space<vmem>>
      tpu.wait_dma2 semaphore(%run_scoped3A_86 : memref<!tpu.dma_semaphore, #tpu.memory_space<semaphore_mem>>) src(%dma_wait3A_106 : memref<128x128xf32, #tpu.memory_space<vmem>>) dst(%dma_wait3A_103 : memref<128x128xf32, #tpu.memory_space<vmem_shared>>)
      tpu.yield
    }) : () -> ()
    %mul3A_38 = arith.constant 640 : i32
    %mul3A_39 = arith.muli %arg1, %mul3A_38 : i32
    %add3A_40 = arith.constant 256 : i32
    %add3A_41 = arith.addi %mul3A_39, %add3A_40 : i32
    "tpu.region"() ({
      %run_scoped3A_86 = tpu.sem_alloc : memref<!tpu.dma_semaphore, #tpu.memory_space<semaphore_mem>>
      %dma_start3A_87 = arith.constant 128 : i32
      %dma_start3A_88 = arith.constant 0 : i32
      %dma_start3A_89 = tpu.memref_slice %arg7[%dma_start3A_87, %dma_start3A_88] : memref<256x128xf32, #tpu.memory_space<vmem>> -> memref<128x128xf32, #tpu.memory_space<vmem>>
      %dma_start3A_90 = arith.constant 0 : i32
      %dma_start3A_91 = tpu.memref_slice %arg8[%add3A_41, %dma_start3A_90] : memref<10240x128xf32, #tpu.memory_space<vmem_shared>> -> memref<128x128xf32, #tpu.memory_space<vmem_shared>>
      %dma_start3A_92 = arith.constant 0 : i32
      %dma_start3A_93 = tpu.memref_slice %arg8[%add3A_41, %dma_start3A_92] : memref<10240x128xf32, #tpu.memory_space<vmem_shared>> -> memref<128x128xf32, #tpu.memory_space<vmem_shared>>
      %dma_start3A_94 = arith.constant 128 : i32
      %dma_start3A_95 = arith.constant 0 : i32
      %dma_start3A_96 = tpu.memref_slice %arg7[%dma_start3A_94, %dma_start3A_95] : memref<256x128xf32, #tpu.memory_space<vmem>> -> memref<128x128xf32, #tpu.memory_space<vmem>>
      tpu.enqueue_dma source(%dma_start3A_96 : memref<128x128xf32, #tpu.memory_space<vmem>>) target(%dma_start3A_93 : memref<128x128xf32, #tpu.memory_space<vmem_shared>>) target_semaphore(%run_scoped3A_86 : memref<!tpu.dma_semaphore, #tpu.memory_space<semaphore_mem>>)
      %dma_wait3A_97 = arith.constant 128 : i32
      %dma_wait3A_98 = arith.constant 0 : i32
      %dma_wait3A_99 = tpu.memref_slice %arg7[%dma_wait3A_97, %dma_wait3A_98] : memref<256x128xf32, #tpu.memory_space<vmem>> -> memref<128x128xf32, #tpu.memory_space<vmem>>
      %dma_wait3A_100 = arith.constant 0 : i32
      %dma_wait3A_101 = tpu.memref_slice %arg8[%add3A_41, %dma_wait3A_100] : memref<10240x128xf32, #tpu.memory_space<vmem_shared>> -> memref<128x128xf32, #tpu.memory_space<vmem_shared>>
      %dma_wait3A_102 = arith.constant 0 : i32
      %dma_wait3A_103 = tpu.memref_slice %arg8[%add3A_41, %dma_wait3A_102] : memref<10240x128xf32, #tpu.memory_space<vmem_shared>> -> memref<128x128xf32, #tpu.memory_space<vmem_shared>>
      %dma_wait3A_104 = arith.constant 128 : i32
      %dma_wait3A_105 = arith.constant 0 : i32
      %dma_wait3A_106 = tpu.memref_slice %arg7[%dma_wait3A_104, %dma_wait3A_105] : memref<256x128xf32, #tpu.memory_space<vmem>> -> memref<128x128xf32, #tpu.memory_space<vmem>>
      tpu.wait_dma2 semaphore(%run_scoped3A_86 : memref<!tpu.dma_semaphore, #tpu.memory_space<semaphore_mem>>) src(%dma_wait3A_106 : memref<128x128xf32, #tpu.memory_space<vmem>>) dst(%dma_wait3A_103 : memref<128x128xf32, #tpu.memory_space<vmem_shared>>)
      tpu.yield
    }) : () -> ()
    %mul3A_42 = arith.constant 640 : i32
    %mul3A_43 = arith.muli %arg1, %mul3A_42 : i32
    %add3A_44 = arith.constant 384 : i32
    %add3A_45 = arith.addi %mul3A_43, %add3A_44 : i32
    "tpu.region"() ({
      %run_scoped3A_86 = tpu.sem_alloc : memref<!tpu.dma_semaphore, #tpu.memory_space<semaphore_mem>>
      %dma_start3A_87 = arith.constant 128 : i32
      %dma_start3A_88 = arith.constant 0 : i32
      %dma_start3A_89 = tpu.memref_slice %arg7[%dma_start3A_87, %dma_start3A_88] : memref<256x128xf32, #tpu.memory_space<vmem>> -> memref<128x128xf32, #tpu.memory_space<vmem>>
      %dma_start3A_90 = arith.constant 0 : i32
      %dma_start3A_91 = tpu.memref_slice %arg8[%add3A_45, %dma_start3A_90] : memref<10240x128xf32, #tpu.memory_space<vmem_shared>> -> memref<128x128xf32, #tpu.memory_space<vmem_shared>>
      %dma_start3A_92 = arith.constant 0 : i32
      %dma_start3A_93 = tpu.memref_slice %arg8[%add3A_45, %dma_start3A_92] : memref<10240x128xf32, #tpu.memory_space<vmem_shared>> -> memref<128x128xf32, #tpu.memory_space<vmem_shared>>
      %dma_start3A_94 = arith.constant 128 : i32
      %dma_start3A_95 = arith.constant 0 : i32
      %dma_start3A_96 = tpu.memref_slice %arg7[%dma_start3A_94, %dma_start3A_95] : memref<256x128xf32, #tpu.memory_space<vmem>> -> memref<128x128xf32, #tpu.memory_space<vmem>>
      tpu.enqueue_dma source(%dma_start3A_96 : memref<128x128xf32, #tpu.memory_space<vmem>>) target(%dma_start3A_93 : memref<128x128xf32, #tpu.memory_space<vmem_shared>>) target_semaphore(%run_scoped3A_86 : memref<!tpu.dma_semaphore, #tpu.memory_space<semaphore_mem>>)
      %dma_wait3A_97 = arith.constant 128 : i32
      %dma_wait3A_98 = arith.constant 0 : i32
      %dma_wait3A_99 = tpu.memref_slice %arg7[%dma_wait3A_97, %dma_wait3A_98] : memref<256x128xf32, #tpu.memory_space<vmem>> -> memref<128x128xf32, #tpu.memory_space<vmem>>
      %dma_wait3A_100 = arith.constant 0 : i32
      %dma_wait3A_101 = tpu.memref_slice %arg8[%add3A_45, %dma_wait3A_100] : memref<10240x128xf32, #tpu.memory_space<vmem_shared>> -> memref<128x128xf32, #tpu.memory_space<vmem_shared>>
      %dma_wait3A_102 = arith.constant 0 : i32
      %dma_wait3A_103 = tpu.memref_slice %arg8[%add3A_45, %dma_wait3A_102] : memref<10240x128xf32, #tpu.memory_space<vmem_shared>> -> memref<128x128xf32, #tpu.memory_space<vmem_shared>>
      %dma_wait3A_104 = arith.constant 128 : i32
      %dma_wait3A_105 = arith.constant 0 : i32
      %dma_wait3A_106 = tpu.memref_slice %arg7[%dma_wait3A_104, %dma_wait3A_105] : memref<256x128xf32, #tpu.memory_space<vmem>> -> memref<128x128xf32, #tpu.memory_space<vmem>>
      tpu.wait_dma2 semaphore(%run_scoped3A_86 : memref<!tpu.dma_semaphore, #tpu.memory_space<semaphore_mem>>) src(%dma_wait3A_106 : memref<128x128xf32, #tpu.memory_space<vmem>>) dst(%dma_wait3A_103 : memref<128x128xf32, #tpu.memory_space<vmem_shared>>)
      tpu.yield
    }) : () -> ()
    %mul3A_46 = arith.constant 640 : i32
    %mul3A_47 = arith.muli %arg1, %mul3A_46 : i32
    %add3A_48 = arith.constant 512 : i32
    %add3A_49 = arith.addi %mul3A_47, %add3A_48 : i32
    "tpu.region"() ({
      %run_scoped3A_86 = tpu.sem_alloc : memref<!tpu.dma_semaphore, #tpu.memory_space<semaphore_mem>>
      %dma_start3A_87 = arith.constant 128 : i32
      %dma_start3A_88 = arith.constant 0 : i32
      %dma_start3A_89 = tpu.memref_slice %arg7[%dma_start3A_87, %dma_start3A_88] : memref<256x128xf32, #tpu.memory_space<vmem>> -> memref<128x128xf32, #tpu.memory_space<vmem>>
      %dma_start3A_90 = arith.constant 0 : i32
      %dma_start3A_91 = tpu.memref_slice %arg8[%add3A_49, %dma_start3A_90] : memref<10240x128xf32, #tpu.memory_space<vmem_shared>> -> memref<128x128xf32, #tpu.memory_space<vmem_shared>>
      %dma_start3A_92 = arith.constant 0 : i32
      %dma_start3A_93 = tpu.memref_slice %arg8[%add3A_49, %dma_start3A_92] : memref<10240x128xf32, #tpu.memory_space<vmem_shared>> -> memref<128x128xf32, #tpu.memory_space<vmem_shared>>
      %dma_start3A_94 = arith.constant 128 : i32
      %dma_start3A_95 = arith.constant 0 : i32
      %dma_start3A_96 = tpu.memref_slice %arg7[%dma_start3A_94, %dma_start3A_95] : memref<256x128xf32, #tpu.memory_space<vmem>> -> memref<128x128xf32, #tpu.memory_space<vmem>>
      tpu.enqueue_dma source(%dma_start3A_96 : memref<128x128xf32, #tpu.memory_space<vmem>>) target(%dma_start3A_93 : memref<128x128xf32, #tpu.memory_space<vmem_shared>>) target_semaphore(%run_scoped3A_86 : memref<!tpu.dma_semaphore, #tpu.memory_space<semaphore_mem>>)
      %dma_wait3A_97 = arith.constant 128 : i32
      %dma_wait3A_98 = arith.constant 0 : i32
      %dma_wait3A_99 = tpu.memref_slice %arg7[%dma_wait3A_97, %dma_wait3A_98] : memref<256x128xf32, #tpu.memory_space<vmem>> -> memref<128x128xf32, #tpu.memory_space<vmem>>
      %dma_wait3A_100 = arith.constant 0 : i32
      %dma_wait3A_101 = tpu.memref_slice %arg8[%add3A_49, %dma_wait3A_100] : memref<10240x128xf32, #tpu.memory_space<vmem_shared>> -> memref<128x128xf32, #tpu.memory_space<vmem_shared>>
      %dma_wait3A_102 = arith.constant 0 : i32
      %dma_wait3A_103 = tpu.memref_slice %arg8[%add3A_49, %dma_wait3A_102] : memref<10240x128xf32, #tpu.memory_space<vmem_shared>> -> memref<128x128xf32, #tpu.memory_space<vmem_shared>>
      %dma_wait3A_104 = arith.constant 128 : i32
      %dma_wait3A_105 = arith.constant 0 : i32
      %dma_wait3A_106 = tpu.memref_slice %arg7[%dma_wait3A_104, %dma_wait3A_105] : memref<256x128xf32, #tpu.memory_space<vmem>> -> memref<128x128xf32, #tpu.memory_space<vmem>>
      tpu.wait_dma2 semaphore(%run_scoped3A_86 : memref<!tpu.dma_semaphore, #tpu.memory_space<semaphore_mem>>) src(%dma_wait3A_106 : memref<128x128xf32, #tpu.memory_space<vmem>>) dst(%dma_wait3A_103 : memref<128x128xf32, #tpu.memory_space<vmem_shared>>)
      tpu.yield
    }) : () -> ()
    %barrier3A = arith.constant 0 : index
    tpu.barrier barrier_id(%barrier3A)
    %while3A = arith.constant 0 : i32
    %while3A_50 = arith.constant 0 : i32
    %while3A_51 = arith.subi %select_n3A, %while3A_50 : i32
    %while3A_52 = arith.addi %while3A_50, %while3A_51 : i32
    %while3A_53 = arith.constant 1 : i32
    %while3A_54 = arith.divsi %while3A_51, %while3A_53 : i32
    %while3A_55 = arith.muli %while3A_54, %while3A_53 : i32
    %while3A_56 = arith.addi %while3A_50, %while3A_55 : i32
    %while3A_57 = arith.constant 1 : i32
    scf.for %while3A_86 = %while3A_50 to %while3A_56 step %while3A_57  : i32 {
      %gt3A = arith.constant 0 : i32
      %gt3A_87 = arith.cmpi sgt, %while3A_86, %gt3A : i32
      %convert_element_type3A_88 = arith.extui %gt3A_87 : i1 to i32
      %cond3A_89 = arith.constant 0 : i32
      %cond3A_90 = arith.cmpi ne, %convert_element_type3A_88, %cond3A_89 : i32
      scf.if %cond3A_90 {
        %dma_wait3A_97 = arith.constant 0 : i32
        %dma_wait3A_98 = arith.constant 128 : i32
        %dma_wait3A_99 = arith.constant 0 : i32
        %dma_wait3A_100 = tpu.memref_slice %arg7[%dma_wait3A_98, %dma_wait3A_99] : memref<256x128xf32, #tpu.memory_space<vmem>> -> memref<64x128xf32, #tpu.memory_space<vmem>>
        %dma_wait3A_101 = arith.constant 0 : i32
        %dma_wait3A_102 = tpu.memref_slice %arg6[%dma_wait3A_97, %dma_wait3A_101] : memref<40x64xi32, #tpu.memory_space<vmem>> -> memref<1x64xi32, #tpu.memory_space<vmem>>
        %dma_wait3A_103 = tpu.memref_squeeze %dma_wait3A_102 : memref<1x64xi32, #tpu.memory_space<vmem>> -> memref<64xi32, #tpu.memory_space<vmem>>
        %dma_wait3A_104 = arith.constant 0 : i32
        %dma_wait3A_105 = arith.constant 0 : i32
        %dma_wait3A_106 = tpu.memref_slice %arg8[%dma_wait3A_104, %dma_wait3A_105] : memref<10240x128xf32, #tpu.memory_space<vmem_shared>> -> memref<10240x128xf32, #tpu.memory_space<vmem_shared>>
        tpu.wait_indirect_dma semaphore(%arg15 : memref<!tpu.dma_semaphore, #tpu.memory_space<semaphore_mem>>) src(%dma_wait3A_100 : memref<64x128xf32, #tpu.memory_space<vmem>>) dst(%dma_wait3A_106 : memref<10240x128xf32, #tpu.memory_space<vmem_shared>>)
        %dma_wait3A_107 = arith.constant 0 : i32
        %dma_wait3A_108 = arith.constant 192 : i32
        %dma_wait3A_109 = arith.constant 0 : i32
        %dma_wait3A_110 = tpu.memref_slice %arg7[%dma_wait3A_108, %dma_wait3A_109] : memref<256x128xf32, #tpu.memory_space<vmem>> -> memref<64x128xf32, #tpu.memory_space<vmem>>
        %dma_wait3A_111 = arith.constant 0 : i32
        %dma_wait3A_112 = tpu.memref_slice %arg6[%dma_wait3A_107, %dma_wait3A_111] : memref<40x64xi32, #tpu.memory_space<vmem>> -> memref<1x64xi32, #tpu.memory_space<vmem>>
        %dma_wait3A_113 = tpu.memref_squeeze %dma_wait3A_112 : memref<1x64xi32, #tpu.memory_space<vmem>> -> memref<64xi32, #tpu.memory_space<vmem>>
        %dma_wait3A_114 = arith.constant 0 : i32
        %dma_wait3A_115 = arith.constant 0 : i32
        %dma_wait3A_116 = tpu.memref_slice %arg8[%dma_wait3A_114, %dma_wait3A_115] : memref<10240x128xf32, #tpu.memory_space<vmem_shared>> -> memref<10240x128xf32, #tpu.memory_space<vmem_shared>>
        tpu.wait_indirect_dma semaphore(%arg16 : memref<!tpu.dma_semaphore, #tpu.memory_space<semaphore_mem>>) src(%dma_wait3A_110 : memref<64x128xf32, #tpu.memory_space<vmem>>) dst(%dma_wait3A_116 : memref<10240x128xf32, #tpu.memory_space<vmem_shared>>)
        %mul3A_117 = arith.constant 160 : i32
        %mul3A_118 = arith.muli %add3A, %mul3A_117 : i32
        %mul3A_119 = arith.constant 40 : i32
        %mul3A_120 = arith.muli %while3A_86, %mul3A_119 : i32
        %add3A_121 = arith.addi %mul3A_118, %mul3A_120 : i32
        %run_scoped3A_122 = arith.constant 0 : i32
        "tpu.region"() ({
          %run_scoped3A_144 = tpu.sem_alloc : memref<!tpu.dma_semaphore, #tpu.memory_space<semaphore_mem>>
          %dma_start3A_145 = arith.constant 0 : i32
          %dma_start3A_146 = tpu.memref_slice %arg3[%run_scoped3A_122, %add3A_121, %dma_start3A_145] : memref<2x5000x64xi32, #tpu.memory_space<hbm>> -> memref<1x40x64xi32, #tpu.memory_space<hbm>>
          %dma_start3A_147 = tpu.memref_squeeze %dma_start3A_146 : memref<1x40x64xi32, #tpu.memory_space<hbm>> -> memref<40x64xi32, #tpu.memory_space<hbm>>
          %dma_start3A_148 = arith.constant 0 : i32
          %dma_start3A_149 = tpu.memref_slice %arg3[%run_scoped3A_122, %add3A_121, %dma_start3A_148] : memref<2x5000x64xi32, #tpu.memory_space<hbm>> -> memref<1x40x64xi32, #tpu.memory_space<hbm>>
          %dma_start3A_150 = tpu.memref_squeeze %dma_start3A_149 : memref<1x40x64xi32, #tpu.memory_space<hbm>> -> memref<40x64xi32, #tpu.memory_space<hbm>>
          tpu.enqueue_dma source(%dma_start3A_150 : memref<40x64xi32, #tpu.memory_space<hbm>>) target(%arg5 : memref<40x64xi32, #tpu.memory_space<vmem>>) target_semaphore(%run_scoped3A_144 : memref<!tpu.dma_semaphore, #tpu.memory_space<semaphore_mem>>)
          %dma_wait3A_151 = arith.constant 0 : i32
          %dma_wait3A_152 = tpu.memref_slice %arg3[%run_scoped3A_122, %add3A_121, %dma_wait3A_151] : memref<2x5000x64xi32, #tpu.memory_space<hbm>> -> memref<1x40x64xi32, #tpu.memory_space<hbm>>
          %dma_wait3A_153 = tpu.memref_squeeze %dma_wait3A_152 : memref<1x40x64xi32, #tpu.memory_space<hbm>> -> memref<40x64xi32, #tpu.memory_space<hbm>>
          %dma_wait3A_154 = arith.constant 0 : i32
          %dma_wait3A_155 = tpu.memref_slice %arg3[%run_scoped3A_122, %add3A_121, %dma_wait3A_154] : memref<2x5000x64xi32, #tpu.memory_space<hbm>> -> memref<1x40x64xi32, #tpu.memory_space<hbm>>
          %dma_wait3A_156 = tpu.memref_squeeze %dma_wait3A_155 : memref<1x40x64xi32, #tpu.memory_space<hbm>> -> memref<40x64xi32, #tpu.memory_space<hbm>>
          tpu.wait_dma2 semaphore(%run_scoped3A_144 : memref<!tpu.dma_semaphore, #tpu.memory_space<semaphore_mem>>) src(%dma_wait3A_156 : memref<40x64xi32, #tpu.memory_space<hbm>>) dst(%arg5 : memref<40x64xi32, #tpu.memory_space<vmem>>)
          tpu.yield
        }) : () -> ()
        %run_scoped3A_123 = arith.constant 1 : i32
        "tpu.region"() ({
          %run_scoped3A_144 = tpu.sem_alloc : memref<!tpu.dma_semaphore, #tpu.memory_space<semaphore_mem>>
          %dma_start3A_145 = arith.constant 0 : i32
          %dma_start3A_146 = tpu.memref_slice %arg3[%run_scoped3A_123, %add3A_121, %dma_start3A_145] : memref<2x5000x64xi32, #tpu.memory_space<hbm>> -> memref<1x40x64xi32, #tpu.memory_space<hbm>>
          %dma_start3A_147 = tpu.memref_squeeze %dma_start3A_146 : memref<1x40x64xi32, #tpu.memory_space<hbm>> -> memref<40x64xi32, #tpu.memory_space<hbm>>
          %dma_start3A_148 = arith.constant 0 : i32
          %dma_start3A_149 = tpu.memref_slice %arg3[%run_scoped3A_123, %add3A_121, %dma_start3A_148] : memref<2x5000x64xi32, #tpu.memory_space<hbm>> -> memref<1x40x64xi32, #tpu.memory_space<hbm>>
          %dma_start3A_150 = tpu.memref_squeeze %dma_start3A_149 : memref<1x40x64xi32, #tpu.memory_space<hbm>> -> memref<40x64xi32, #tpu.memory_space<hbm>>
          tpu.enqueue_dma source(%dma_start3A_150 : memref<40x64xi32, #tpu.memory_space<hbm>>) target(%arg6 : memref<40x64xi32, #tpu.memory_space<vmem>>) target_semaphore(%run_scoped3A_144 : memref<!tpu.dma_semaphore, #tpu.memory_space<semaphore_mem>>)
          %dma_wait3A_151 = arith.constant 0 : i32
          %dma_wait3A_152 = tpu.memref_slice %arg3[%run_scoped3A_123, %add3A_121, %dma_wait3A_151] : memref<2x5000x64xi32, #tpu.memory_space<hbm>> -> memref<1x40x64xi32, #tpu.memory_space<hbm>>
          %dma_wait3A_153 = tpu.memref_squeeze %dma_wait3A_152 : memref<1x40x64xi32, #tpu.memory_space<hbm>> -> memref<40x64xi32, #tpu.memory_space<hbm>>
          %dma_wait3A_154 = arith.constant 0 : i32
          %dma_wait3A_155 = tpu.memref_slice %arg3[%run_scoped3A_123, %add3A_121, %dma_wait3A_154] : memref<2x5000x64xi32, #tpu.memory_space<hbm>> -> memref<1x40x64xi32, #tpu.memory_space<hbm>>
          %dma_wait3A_156 = tpu.memref_squeeze %dma_wait3A_155 : memref<1x40x64xi32, #tpu.memory_space<hbm>> -> memref<40x64xi32, #tpu.memory_space<hbm>>
          tpu.wait_dma2 semaphore(%run_scoped3A_144 : memref<!tpu.dma_semaphore, #tpu.memory_space<semaphore_mem>>) src(%dma_wait3A_156 : memref<40x64xi32, #tpu.memory_space<hbm>>) dst(%arg6 : memref<40x64xi32, #tpu.memory_space<vmem>>)
          tpu.yield
        }) : () -> ()
        %dma_start3A_124 = arith.constant 0 : i32
        %dma_start3A_125 = arith.constant 0 : i32
        %dma_start3A_126 = arith.constant 0 : i32
        %dma_start3A_127 = tpu.memref_slice %arg7[%dma_start3A_125, %dma_start3A_126] : memref<256x128xf32, #tpu.memory_space<vmem>> -> memref<64x128xf32, #tpu.memory_space<vmem>>
        %dma_start3A_128 = arith.constant 0 : i32
        %dma_start3A_129 = tpu.memref_slice %arg5[%dma_start3A_124, %dma_start3A_128] : memref<40x64xi32, #tpu.memory_space<vmem>> -> memref<1x64xi32, #tpu.memory_space<vmem>>
        %dma_start3A_130 = tpu.memref_squeeze %dma_start3A_129 : memref<1x64xi32, #tpu.memory_space<vmem>> -> memref<64xi32, #tpu.memory_space<vmem>>
        %dma_start3A_131 = arith.constant 0 : i32
        %dma_start3A_132 = arith.constant 0 : i32
        %dma_start3A_133 = tpu.memref_slice %arg2[%dma_start3A_131, %dma_start3A_132] : memref<10000x128xf32, #tpu.memory_space<hbm>> -> memref<10000x128xf32, #tpu.memory_space<hbm>>
        tpu.enqueue_indirect_dma source(%dma_start3A_133 : memref<10000x128xf32, #tpu.memory_space<hbm>>) target(%dma_start3A_127 : memref<64x128xf32, #tpu.memory_space<vmem>>) offsets(%dma_start3A_130 : memref<64xi32, #tpu.memory_space<vmem>>) semaphore(%arg9 : memref<!tpu.dma_semaphore, #tpu.memory_space<semaphore_mem>>)
        %dma_start3A_134 = arith.constant 1 : i32
        %dma_start3A_135 = arith.constant 64 : i32
        %dma_start3A_136 = arith.constant 0 : i32
        %dma_start3A_137 = tpu.memref_slice %arg7[%dma_start3A_135, %dma_start3A_136] : memref<256x128xf32, #tpu.memory_space<vmem>> -> memref<64x128xf32, #tpu.memory_space<vmem>>
        %dma_start3A_138 = arith.constant 0 : i32
        %dma_start3A_139 = tpu.memref_slice %arg5[%dma_start3A_134, %dma_start3A_138] : memref<40x64xi32, #tpu.memory_space<vmem>> -> memref<1x64xi32, #tpu.memory_space<vmem>>
        %dma_start3A_140 = tpu.memref_squeeze %dma_start3A_139 : memref<1x64xi32, #tpu.memory_space<vmem>> -> memref<64xi32, #tpu.memory_space<vmem>>
        %dma_start3A_141 = arith.constant 0 : i32
        %dma_start3A_142 = arith.constant 0 : i32
        %dma_start3A_143 = tpu.memref_slice %arg2[%dma_start3A_141, %dma_start3A_142] : memref<10000x128xf32, #tpu.memory_space<hbm>> -> memref<10000x128xf32, #tpu.memory_space<hbm>>
        tpu.enqueue_indirect_dma source(%dma_start3A_143 : memref<10000x128xf32, #tpu.memory_space<hbm>>) target(%dma_start3A_137 : memref<64x128xf32, #tpu.memory_space<vmem>>) offsets(%dma_start3A_140 : memref<64xi32, #tpu.memory_space<vmem>>) semaphore(%arg10 : memref<!tpu.dma_semaphore, #tpu.memory_space<semaphore_mem>>)
      } else {
      }
      %scan3A_91 = arith.constant 0 : i32
      %scan3A_92 = arith.constant 0 : i32
      %scan3A_93 = arith.constant 10 : i32
      %scan3A_94 = arith.addi %scan3A_92, %scan3A_93 : i32
      %scan3A_95 = arith.constant 1 : i32
      scf.for %scan3A_97 = %scan3A_92 to %scan3A_94 step %scan3A_95  : i32 {
        %mul3A_98 = arith.constant 4 : i32
        %mul3A_99 = arith.muli %mul3A_98, %scan3A_97 : i32
        %add3A_100 = arith.constant 0 : i32
        %add3A_101 = arith.addi %mul3A_99, %add3A_100 : i32
        %ge3A = arith.constant 1 : i32
        %ge3A_102 = arith.cmpi sge, %scan3A_97, %ge3A : i32
        %convert_element_type3A_103 = arith.extui %ge3A_102 : i1 to i32
        %cond3A_104 = arith.constant 0 : i32
        %cond3A_105 = arith.cmpi ne, %convert_element_type3A_103, %cond3A_104 : i32
        scf.if %cond3A_105 {
          %dma_wait3A_259 = arith.constant 0 : i32
          %dma_wait3A_260 = arith.constant 128 : i32
          %dma_wait3A_261 = arith.constant 0 : i32
          %dma_wait3A_262 = tpu.memref_slice %arg7[%dma_wait3A_260, %dma_wait3A_261] : memref<256x128xf32, #tpu.memory_space<vmem>> -> memref<64x128xf32, #tpu.memory_space<vmem>>
          %dma_wait3A_263 = arith.constant 0 : i32
          %dma_wait3A_264 = tpu.memref_slice %arg6[%dma_wait3A_259, %dma_wait3A_263] : memref<40x64xi32, #tpu.memory_space<vmem>> -> memref<1x64xi32, #tpu.memory_space<vmem>>
          %dma_wait3A_265 = tpu.memref_squeeze %dma_wait3A_264 : memref<1x64xi32, #tpu.memory_space<vmem>> -> memref<64xi32, #tpu.memory_space<vmem>>
          %dma_wait3A_266 = arith.constant 0 : i32
          %dma_wait3A_267 = arith.constant 0 : i32
          %dma_wait3A_268 = tpu.memref_slice %arg8[%dma_wait3A_266, %dma_wait3A_267] : memref<10240x128xf32, #tpu.memory_space<vmem_shared>> -> memref<10240x128xf32, #tpu.memory_space<vmem_shared>>
          tpu.wait_indirect_dma semaphore(%arg15 : memref<!tpu.dma_semaphore, #tpu.memory_space<semaphore_mem>>) src(%dma_wait3A_262 : memref<64x128xf32, #tpu.memory_space<vmem>>) dst(%dma_wait3A_268 : memref<10240x128xf32, #tpu.memory_space<vmem_shared>>)
        } else {
        }
        %add3A_106 = arith.constant 2 : i32
        %add3A_107 = arith.addi %add3A_101, %add3A_106 : i32
        %dma_start3A_108 = arith.constant 128 : i32
        %dma_start3A_109 = arith.constant 0 : i32
        %dma_start3A_110 = tpu.memref_slice %arg7[%dma_start3A_108, %dma_start3A_109] : memref<256x128xf32, #tpu.memory_space<vmem>> -> memref<64x128xf32, #tpu.memory_space<vmem>>
        %dma_start3A_111 = arith.constant 0 : i32
        %dma_start3A_112 = tpu.memref_slice %arg5[%add3A_107, %dma_start3A_111] : memref<40x64xi32, #tpu.memory_space<vmem>> -> memref<1x64xi32, #tpu.memory_space<vmem>>
        %dma_start3A_113 = tpu.memref_squeeze %dma_start3A_112 : memref<1x64xi32, #tpu.memory_space<vmem>> -> memref<64xi32, #tpu.memory_space<vmem>>
        %dma_start3A_114 = arith.constant 0 : i32
        %dma_start3A_115 = arith.constant 0 : i32
        %dma_start3A_116 = tpu.memref_slice %arg2[%dma_start3A_114, %dma_start3A_115] : memref<10000x128xf32, #tpu.memory_space<hbm>> -> memref<10000x128xf32, #tpu.memory_space<hbm>>
        tpu.enqueue_indirect_dma source(%dma_start3A_116 : memref<10000x128xf32, #tpu.memory_space<hbm>>) target(%dma_start3A_110 : memref<64x128xf32, #tpu.memory_space<vmem>>) offsets(%dma_start3A_113 : memref<64xi32, #tpu.memory_space<vmem>>) semaphore(%arg11 : memref<!tpu.dma_semaphore, #tpu.memory_space<semaphore_mem>>)
        %dma_wait3A_117 = arith.constant 0 : i32
        %dma_wait3A_118 = arith.constant 0 : i32
        %dma_wait3A_119 = tpu.memref_slice %arg7[%dma_wait3A_117, %dma_wait3A_118] : memref<256x128xf32, #tpu.memory_space<vmem>> -> memref<64x128xf32, #tpu.memory_space<vmem>>
        %dma_wait3A_120 = arith.constant 0 : i32
        %dma_wait3A_121 = arith.constant 0 : i32
        %dma_wait3A_122 = tpu.memref_slice %arg2[%dma_wait3A_120, %dma_wait3A_121] : memref<10000x128xf32, #tpu.memory_space<hbm>> -> memref<64x128xf32, #tpu.memory_space<hbm>>
        %dma_wait3A_123 = arith.constant 0 : i32
        %dma_wait3A_124 = arith.constant 0 : i32
        %dma_wait3A_125 = tpu.memref_slice %arg7[%dma_wait3A_123, %dma_wait3A_124] : memref<256x128xf32, #tpu.memory_space<vmem>> -> memref<64x128xf32, #tpu.memory_space<vmem>>
        %dma_wait3A_126 = arith.constant 0 : i32
        %dma_wait3A_127 = arith.constant 0 : i32
        %dma_wait3A_128 = tpu.memref_slice %arg2[%dma_wait3A_126, %dma_wait3A_127] : memref<10000x128xf32, #tpu.memory_space<hbm>> -> memref<64x128xf32, #tpu.memory_space<hbm>>
        tpu.wait_dma2 semaphore(%arg9 : memref<!tpu.dma_semaphore, #tpu.memory_space<semaphore_mem>>) src(%dma_wait3A_128 : memref<64x128xf32, #tpu.memory_space<hbm>>) dst(%dma_wait3A_125 : memref<64x128xf32, #tpu.memory_space<vmem>>)
        %dma_start3A_129 = arith.constant 0 : i32
        %dma_start3A_130 = arith.constant 0 : i32
        %dma_start3A_131 = tpu.memref_slice %arg7[%dma_start3A_129, %dma_start3A_130] : memref<256x128xf32, #tpu.memory_space<vmem>> -> memref<64x128xf32, #tpu.memory_space<vmem>>
        %dma_start3A_132 = arith.constant 0 : i32
        %dma_start3A_133 = tpu.memref_slice %arg6[%add3A_101, %dma_start3A_132] : memref<40x64xi32, #tpu.memory_space<vmem>> -> memref<1x64xi32, #tpu.memory_space<vmem>>
        %dma_start3A_134 = tpu.memref_squeeze %dma_start3A_133 : memref<1x64xi32, #tpu.memory_space<vmem>> -> memref<64xi32, #tpu.memory_space<vmem>>
        %dma_start3A_135 = arith.constant 0 : i32
        %dma_start3A_136 = arith.constant 0 : i32
        %dma_start3A_137 = tpu.memref_slice %arg8[%dma_start3A_135, %dma_start3A_136] : memref<10240x128xf32, #tpu.memory_space<vmem_shared>> -> memref<10240x128xf32, #tpu.memory_space<vmem_shared>>
        tpu.enqueue_indirect_dma source(%dma_start3A_131 : memref<64x128xf32, #tpu.memory_space<vmem>>) target(%dma_start3A_137 : memref<10240x128xf32, #tpu.memory_space<vmem_shared>>) offsets(%dma_start3A_134 : memref<64xi32, #tpu.memory_space<vmem>>) semaphore(%arg13 : memref<!tpu.dma_semaphore, #tpu.memory_space<semaphore_mem>>) {add = true}
        %mul3A_138 = arith.constant 4 : i32
        %mul3A_139 = arith.muli %mul3A_138, %scan3A_97 : i32
        %add3A_140 = arith.constant 1 : i32
        %add3A_141 = arith.addi %mul3A_139, %add3A_140 : i32
        %ge3A_142 = arith.constant 1 : i32
        %ge3A_143 = arith.cmpi sge, %scan3A_97, %ge3A_142 : i32
        %convert_element_type3A_144 = arith.extui %ge3A_143 : i1 to i32
        %cond3A_145 = arith.constant 0 : i32
        %cond3A_146 = arith.cmpi ne, %convert_element_type3A_144, %cond3A_145 : i32
        scf.if %cond3A_146 {
          %dma_wait3A_259 = arith.constant 0 : i32
          %dma_wait3A_260 = arith.constant 192 : i32
          %dma_wait3A_261 = arith.constant 0 : i32
          %dma_wait3A_262 = tpu.memref_slice %arg7[%dma_wait3A_260, %dma_wait3A_261] : memref<256x128xf32, #tpu.memory_space<vmem>> -> memref<64x128xf32, #tpu.memory_space<vmem>>
          %dma_wait3A_263 = arith.constant 0 : i32
          %dma_wait3A_264 = tpu.memref_slice %arg6[%dma_wait3A_259, %dma_wait3A_263] : memref<40x64xi32, #tpu.memory_space<vmem>> -> memref<1x64xi32, #tpu.memory_space<vmem>>
          %dma_wait3A_265 = tpu.memref_squeeze %dma_wait3A_264 : memref<1x64xi32, #tpu.memory_space<vmem>> -> memref<64xi32, #tpu.memory_space<vmem>>
          %dma_wait3A_266 = arith.constant 0 : i32
          %dma_wait3A_267 = arith.constant 0 : i32
          %dma_wait3A_268 = tpu.memref_slice %arg8[%dma_wait3A_266, %dma_wait3A_267] : memref<10240x128xf32, #tpu.memory_space<vmem_shared>> -> memref<10240x128xf32, #tpu.memory_space<vmem_shared>>
          tpu.wait_indirect_dma semaphore(%arg16 : memref<!tpu.dma_semaphore, #tpu.memory_space<semaphore_mem>>) src(%dma_wait3A_262 : memref<64x128xf32, #tpu.memory_space<vmem>>) dst(%dma_wait3A_268 : memref<10240x128xf32, #tpu.memory_space<vmem_shared>>)
        } else {
        }
        %add3A_147 = arith.constant 2 : i32
        %add3A_148 = arith.addi %add3A_141, %add3A_147 : i32
        %dma_start3A_149 = arith.constant 192 : i32
        %dma_start3A_150 = arith.constant 0 : i32
        %dma_start3A_151 = tpu.memref_slice %arg7[%dma_start3A_149, %dma_start3A_150] : memref<256x128xf32, #tpu.memory_space<vmem>> -> memref<64x128xf32, #tpu.memory_space<vmem>>
        %dma_start3A_152 = arith.constant 0 : i32
        %dma_start3A_153 = tpu.memref_slice %arg5[%add3A_148, %dma_start3A_152] : memref<40x64xi32, #tpu.memory_space<vmem>> -> memref<1x64xi32, #tpu.memory_space<vmem>>
        %dma_start3A_154 = tpu.memref_squeeze %dma_start3A_153 : memref<1x64xi32, #tpu.memory_space<vmem>> -> memref<64xi32, #tpu.memory_space<vmem>>
        %dma_start3A_155 = arith.constant 0 : i32
        %dma_start3A_156 = arith.constant 0 : i32
        %dma_start3A_157 = tpu.memref_slice %arg2[%dma_start3A_155, %dma_start3A_156] : memref<10000x128xf32, #tpu.memory_space<hbm>> -> memref<10000x128xf32, #tpu.memory_space<hbm>>
        tpu.enqueue_indirect_dma source(%dma_start3A_157 : memref<10000x128xf32, #tpu.memory_space<hbm>>) target(%dma_start3A_151 : memref<64x128xf32, #tpu.memory_space<vmem>>) offsets(%dma_start3A_154 : memref<64xi32, #tpu.memory_space<vmem>>) semaphore(%arg12 : memref<!tpu.dma_semaphore, #tpu.memory_space<semaphore_mem>>)
        %dma_wait3A_158 = arith.constant 64 : i32
        %dma_wait3A_159 = arith.constant 0 : i32
        %dma_wait3A_160 = tpu.memref_slice %arg7[%dma_wait3A_158, %dma_wait3A_159] : memref<256x128xf32, #tpu.memory_space<vmem>> -> memref<64x128xf32, #tpu.memory_space<vmem>>
        %dma_wait3A_161 = arith.constant 0 : i32
        %dma_wait3A_162 = arith.constant 0 : i32
        %dma_wait3A_163 = tpu.memref_slice %arg2[%dma_wait3A_161, %dma_wait3A_162] : memref<10000x128xf32, #tpu.memory_space<hbm>> -> memref<64x128xf32, #tpu.memory_space<hbm>>
        %dma_wait3A_164 = arith.constant 64 : i32
        %dma_wait3A_165 = arith.constant 0 : i32
        %dma_wait3A_166 = tpu.memref_slice %arg7[%dma_wait3A_164, %dma_wait3A_165] : memref<256x128xf32, #tpu.memory_space<vmem>> -> memref<64x128xf32, #tpu.memory_space<vmem>>
        %dma_wait3A_167 = arith.constant 0 : i32
        %dma_wait3A_168 = arith.constant 0 : i32
        %dma_wait3A_169 = tpu.memref_slice %arg2[%dma_wait3A_167, %dma_wait3A_168] : memref<10000x128xf32, #tpu.memory_space<hbm>> -> memref<64x128xf32, #tpu.memory_space<hbm>>
        tpu.wait_dma2 semaphore(%arg10 : memref<!tpu.dma_semaphore, #tpu.memory_space<semaphore_mem>>) src(%dma_wait3A_169 : memref<64x128xf32, #tpu.memory_space<hbm>>) dst(%dma_wait3A_166 : memref<64x128xf32, #tpu.memory_space<vmem>>)
        %dma_start3A_170 = arith.constant 64 : i32
        %dma_start3A_171 = arith.constant 0 : i32
        %dma_start3A_172 = tpu.memref_slice %arg7[%dma_start3A_170, %dma_start3A_171] : memref<256x128xf32, #tpu.memory_space<vmem>> -> memref<64x128xf32, #tpu.memory_space<vmem>>
        %dma_start3A_173 = arith.constant 0 : i32
        %dma_start3A_174 = tpu.memref_slice %arg6[%add3A_141, %dma_start3A_173] : memref<40x64xi32, #tpu.memory_space<vmem>> -> memref<1x64xi32, #tpu.memory_space<vmem>>
        %dma_start3A_175 = tpu.memref_squeeze %dma_start3A_174 : memref<1x64xi32, #tpu.memory_space<vmem>> -> memref<64xi32, #tpu.memory_space<vmem>>
        %dma_start3A_176 = arith.constant 0 : i32
        %dma_start3A_177 = arith.constant 0 : i32
        %dma_start3A_178 = tpu.memref_slice %arg8[%dma_start3A_176, %dma_start3A_177] : memref<10240x128xf32, #tpu.memory_space<vmem_shared>> -> memref<10240x128xf32, #tpu.memory_space<vmem_shared>>
        tpu.enqueue_indirect_dma source(%dma_start3A_172 : memref<64x128xf32, #tpu.memory_space<vmem>>) target(%dma_start3A_178 : memref<10240x128xf32, #tpu.memory_space<vmem_shared>>) offsets(%dma_start3A_175 : memref<64xi32, #tpu.memory_space<vmem>>) semaphore(%arg14 : memref<!tpu.dma_semaphore, #tpu.memory_space<semaphore_mem>>) {add = true}
        %mul3A_179 = arith.constant 4 : i32
        %mul3A_180 = arith.muli %mul3A_179, %scan3A_97 : i32
        %add3A_181 = arith.constant 2 : i32
        %add3A_182 = arith.addi %mul3A_180, %add3A_181 : i32
        %dma_wait3A_183 = arith.constant 0 : i32
        %dma_wait3A_184 = arith.constant 0 : i32
        %dma_wait3A_185 = arith.constant 0 : i32
        %dma_wait3A_186 = tpu.memref_slice %arg7[%dma_wait3A_184, %dma_wait3A_185] : memref<256x128xf32, #tpu.memory_space<vmem>> -> memref<64x128xf32, #tpu.memory_space<vmem>>
        %dma_wait3A_187 = arith.constant 0 : i32
        %dma_wait3A_188 = tpu.memref_slice %arg6[%dma_wait3A_183, %dma_wait3A_187] : memref<40x64xi32, #tpu.memory_space<vmem>> -> memref<1x64xi32, #tpu.memory_space<vmem>>
        %dma_wait3A_189 = tpu.memref_squeeze %dma_wait3A_188 : memref<1x64xi32, #tpu.memory_space<vmem>> -> memref<64xi32, #tpu.memory_space<vmem>>
        %dma_wait3A_190 = arith.constant 0 : i32
        %dma_wait3A_191 = arith.constant 0 : i32
        %dma_wait3A_192 = tpu.memref_slice %arg8[%dma_wait3A_190, %dma_wait3A_191] : memref<10240x128xf32, #tpu.memory_space<vmem_shared>> -> memref<10240x128xf32, #tpu.memory_space<vmem_shared>>
        tpu.wait_indirect_dma semaphore(%arg13 : memref<!tpu.dma_semaphore, #tpu.memory_space<semaphore_mem>>) src(%dma_wait3A_186 : memref<64x128xf32, #tpu.memory_space<vmem>>) dst(%dma_wait3A_192 : memref<10240x128xf32, #tpu.memory_space<vmem_shared>>)
        %lt3A_193 = arith.constant 9 : i32
        %lt3A_194 = arith.cmpi slt, %scan3A_97, %lt3A_193 : i32
        %convert_element_type3A_195 = arith.extui %lt3A_194 : i1 to i32
        %cond3A_196 = arith.constant 0 : i32
        %cond3A_197 = arith.cmpi ne, %convert_element_type3A_195, %cond3A_196 : i32
        scf.if %cond3A_197 {
          %add3A_259 = arith.constant 2 : i32
          %add3A_260 = arith.addi %add3A_182, %add3A_259 : i32
          %dma_start3A_261 = arith.constant 0 : i32
          %dma_start3A_262 = arith.constant 0 : i32
          %dma_start3A_263 = tpu.memref_slice %arg7[%dma_start3A_261, %dma_start3A_262] : memref<256x128xf32, #tpu.memory_space<vmem>> -> memref<64x128xf32, #tpu.memory_space<vmem>>
          %dma_start3A_264 = arith.constant 0 : i32
          %dma_start3A_265 = tpu.memref_slice %arg5[%add3A_260, %dma_start3A_264] : memref<40x64xi32, #tpu.memory_space<vmem>> -> memref<1x64xi32, #tpu.memory_space<vmem>>
          %dma_start3A_266 = tpu.memref_squeeze %dma_start3A_265 : memref<1x64xi32, #tpu.memory_space<vmem>> -> memref<64xi32, #tpu.memory_space<vmem>>
          %dma_start3A_267 = arith.constant 0 : i32
          %dma_start3A_268 = arith.constant 0 : i32
          %dma_start3A_269 = tpu.memref_slice %arg2[%dma_start3A_267, %dma_start3A_268] : memref<10000x128xf32, #tpu.memory_space<hbm>> -> memref<10000x128xf32, #tpu.memory_space<hbm>>
          tpu.enqueue_indirect_dma source(%dma_start3A_269 : memref<10000x128xf32, #tpu.memory_space<hbm>>) target(%dma_start3A_263 : memref<64x128xf32, #tpu.memory_space<vmem>>) offsets(%dma_start3A_266 : memref<64xi32, #tpu.memory_space<vmem>>) semaphore(%arg9 : memref<!tpu.dma_semaphore, #tpu.memory_space<semaphore_mem>>)
        } else {
        }
        %dma_wait3A_198 = arith.constant 128 : i32
        %dma_wait3A_199 = arith.constant 0 : i32
        %dma_wait3A_200 = tpu.memref_slice %arg7[%dma_wait3A_198, %dma_wait3A_199] : memref<256x128xf32, #tpu.memory_space<vmem>> -> memref<64x128xf32, #tpu.memory_space<vmem>>
        %dma_wait3A_201 = arith.constant 0 : i32
        %dma_wait3A_202 = arith.constant 0 : i32
        %dma_wait3A_203 = tpu.memref_slice %arg2[%dma_wait3A_201, %dma_wait3A_202] : memref<10000x128xf32, #tpu.memory_space<hbm>> -> memref<64x128xf32, #tpu.memory_space<hbm>>
        %dma_wait3A_204 = arith.constant 128 : i32
        %dma_wait3A_205 = arith.constant 0 : i32
        %dma_wait3A_206 = tpu.memref_slice %arg7[%dma_wait3A_204, %dma_wait3A_205] : memref<256x128xf32, #tpu.memory_space<vmem>> -> memref<64x128xf32, #tpu.memory_space<vmem>>
        %dma_wait3A_207 = arith.constant 0 : i32
        %dma_wait3A_208 = arith.constant 0 : i32
        %dma_wait3A_209 = tpu.memref_slice %arg2[%dma_wait3A_207, %dma_wait3A_208] : memref<10000x128xf32, #tpu.memory_space<hbm>> -> memref<64x128xf32, #tpu.memory_space<hbm>>
        tpu.wait_dma2 semaphore(%arg11 : memref<!tpu.dma_semaphore, #tpu.memory_space<semaphore_mem>>) src(%dma_wait3A_209 : memref<64x128xf32, #tpu.memory_space<hbm>>) dst(%dma_wait3A_206 : memref<64x128xf32, #tpu.memory_space<vmem>>)
        %dma_start3A_210 = arith.constant 128 : i32
        %dma_start3A_211 = arith.constant 0 : i32
        %dma_start3A_212 = tpu.memref_slice %arg7[%dma_start3A_210, %dma_start3A_211] : memref<256x128xf32, #tpu.memory_space<vmem>> -> memref<64x128xf32, #tpu.memory_space<vmem>>
        %dma_start3A_213 = arith.constant 0 : i32
        %dma_start3A_214 = tpu.memref_slice %arg6[%add3A_182, %dma_start3A_213] : memref<40x64xi32, #tpu.memory_space<vmem>> -> memref<1x64xi32, #tpu.memory_space<vmem>>
        %dma_start3A_215 = tpu.memref_squeeze %dma_start3A_214 : memref<1x64xi32, #tpu.memory_space<vmem>> -> memref<64xi32, #tpu.memory_space<vmem>>
        %dma_start3A_216 = arith.constant 0 : i32
        %dma_start3A_217 = arith.constant 0 : i32
        %dma_start3A_218 = tpu.memref_slice %arg8[%dma_start3A_216, %dma_start3A_217] : memref<10240x128xf32, #tpu.memory_space<vmem_shared>> -> memref<10240x128xf32, #tpu.memory_space<vmem_shared>>
        tpu.enqueue_indirect_dma source(%dma_start3A_212 : memref<64x128xf32, #tpu.memory_space<vmem>>) target(%dma_start3A_218 : memref<10240x128xf32, #tpu.memory_space<vmem_shared>>) offsets(%dma_start3A_215 : memref<64xi32, #tpu.memory_space<vmem>>) semaphore(%arg15 : memref<!tpu.dma_semaphore, #tpu.memory_space<semaphore_mem>>) {add = true}
        %mul3A_219 = arith.constant 4 : i32
        %mul3A_220 = arith.muli %mul3A_219, %scan3A_97 : i32
        %add3A_221 = arith.constant 3 : i32
        %add3A_222 = arith.addi %mul3A_220, %add3A_221 : i32
        %dma_wait3A_223 = arith.constant 0 : i32
        %dma_wait3A_224 = arith.constant 64 : i32
        %dma_wait3A_225 = arith.constant 0 : i32
        %dma_wait3A_226 = tpu.memref_slice %arg7[%dma_wait3A_224, %dma_wait3A_225] : memref<256x128xf32, #tpu.memory_space<vmem>> -> memref<64x128xf32, #tpu.memory_space<vmem>>
        %dma_wait3A_227 = arith.constant 0 : i32
        %dma_wait3A_228 = tpu.memref_slice %arg6[%dma_wait3A_223, %dma_wait3A_227] : memref<40x64xi32, #tpu.memory_space<vmem>> -> memref<1x64xi32, #tpu.memory_space<vmem>>
        %dma_wait3A_229 = tpu.memref_squeeze %dma_wait3A_228 : memref<1x64xi32, #tpu.memory_space<vmem>> -> memref<64xi32, #tpu.memory_space<vmem>>
        %dma_wait3A_230 = arith.constant 0 : i32
        %dma_wait3A_231 = arith.constant 0 : i32
        %dma_wait3A_232 = tpu.memref_slice %arg8[%dma_wait3A_230, %dma_wait3A_231] : memref<10240x128xf32, #tpu.memory_space<vmem_shared>> -> memref<10240x128xf32, #tpu.memory_space<vmem_shared>>
        tpu.wait_indirect_dma semaphore(%arg14 : memref<!tpu.dma_semaphore, #tpu.memory_space<semaphore_mem>>) src(%dma_wait3A_226 : memref<64x128xf32, #tpu.memory_space<vmem>>) dst(%dma_wait3A_232 : memref<10240x128xf32, #tpu.memory_space<vmem_shared>>)
        %lt3A_233 = arith.constant 9 : i32
        %lt3A_234 = arith.cmpi slt, %scan3A_97, %lt3A_233 : i32
        %convert_element_type3A_235 = arith.extui %lt3A_234 : i1 to i32
        %cond3A_236 = arith.constant 0 : i32
        %cond3A_237 = arith.cmpi ne, %convert_element_type3A_235, %cond3A_236 : i32
        scf.if %cond3A_237 {
          %add3A_259 = arith.constant 2 : i32
          %add3A_260 = arith.addi %add3A_222, %add3A_259 : i32
          %dma_start3A_261 = arith.constant 64 : i32
          %dma_start3A_262 = arith.constant 0 : i32
          %dma_start3A_263 = tpu.memref_slice %arg7[%dma_start3A_261, %dma_start3A_262] : memref<256x128xf32, #tpu.memory_space<vmem>> -> memref<64x128xf32, #tpu.memory_space<vmem>>
          %dma_start3A_264 = arith.constant 0 : i32
          %dma_start3A_265 = tpu.memref_slice %arg5[%add3A_260, %dma_start3A_264] : memref<40x64xi32, #tpu.memory_space<vmem>> -> memref<1x64xi32, #tpu.memory_space<vmem>>
          %dma_start3A_266 = tpu.memref_squeeze %dma_start3A_265 : memref<1x64xi32, #tpu.memory_space<vmem>> -> memref<64xi32, #tpu.memory_space<vmem>>
          %dma_start3A_267 = arith.constant 0 : i32
          %dma_start3A_268 = arith.constant 0 : i32
          %dma_start3A_269 = tpu.memref_slice %arg2[%dma_start3A_267, %dma_start3A_268] : memref<10000x128xf32, #tpu.memory_space<hbm>> -> memref<10000x128xf32, #tpu.memory_space<hbm>>
          tpu.enqueue_indirect_dma source(%dma_start3A_269 : memref<10000x128xf32, #tpu.memory_space<hbm>>) target(%dma_start3A_263 : memref<64x128xf32, #tpu.memory_space<vmem>>) offsets(%dma_start3A_266 : memref<64xi32, #tpu.memory_space<vmem>>) semaphore(%arg10 : memref<!tpu.dma_semaphore, #tpu.memory_space<semaphore_mem>>)
        } else {
        }
        %dma_wait3A_238 = arith.constant 192 : i32
        %dma_wait3A_239 = arith.constant 0 : i32
        %dma_wait3A_240 = tpu.memref_slice %arg7[%dma_wait3A_238, %dma_wait3A_239] : memref<256x128xf32, #tpu.memory_space<vmem>> -> memref<64x128xf32, #tpu.memory_space<vmem>>
        %dma_wait3A_241 = arith.constant 0 : i32
        %dma_wait3A_242 = arith.constant 0 : i32
        %dma_wait3A_243 = tpu.memref_slice %arg2[%dma_wait3A_241, %dma_wait3A_242] : memref<10000x128xf32, #tpu.memory_space<hbm>> -> memref<64x128xf32, #tpu.memory_space<hbm>>
        %dma_wait3A_244 = arith.constant 192 : i32
        %dma_wait3A_245 = arith.constant 0 : i32
        %dma_wait3A_246 = tpu.memref_slice %arg7[%dma_wait3A_244, %dma_wait3A_245] : memref<256x128xf32, #tpu.memory_space<vmem>> -> memref<64x128xf32, #tpu.memory_space<vmem>>
        %dma_wait3A_247 = arith.constant 0 : i32
        %dma_wait3A_248 = arith.constant 0 : i32
        %dma_wait3A_249 = tpu.memref_slice %arg2[%dma_wait3A_247, %dma_wait3A_248] : memref<10000x128xf32, #tpu.memory_space<hbm>> -> memref<64x128xf32, #tpu.memory_space<hbm>>
        tpu.wait_dma2 semaphore(%arg12 : memref<!tpu.dma_semaphore, #tpu.memory_space<semaphore_mem>>) src(%dma_wait3A_249 : memref<64x128xf32, #tpu.memory_space<hbm>>) dst(%dma_wait3A_246 : memref<64x128xf32, #tpu.memory_space<vmem>>)
        %dma_start3A_250 = arith.constant 192 : i32
        %dma_start3A_251 = arith.constant 0 : i32
        %dma_start3A_252 = tpu.memref_slice %arg7[%dma_start3A_250, %dma_start3A_251] : memref<256x128xf32, #tpu.memory_space<vmem>> -> memref<64x128xf32, #tpu.memory_space<vmem>>
        %dma_start3A_253 = arith.constant 0 : i32
        %dma_start3A_254 = tpu.memref_slice %arg6[%add3A_222, %dma_start3A_253] : memref<40x64xi32, #tpu.memory_space<vmem>> -> memref<1x64xi32, #tpu.memory_space<vmem>>
        %dma_start3A_255 = tpu.memref_squeeze %dma_start3A_254 : memref<1x64xi32, #tpu.memory_space<vmem>> -> memref<64xi32, #tpu.memory_space<vmem>>
        %dma_start3A_256 = arith.constant 0 : i32
        %dma_start3A_257 = arith.constant 0 : i32
        %dma_start3A_258 = tpu.memref_slice %arg8[%dma_start3A_256, %dma_start3A_257] : memref<10240x128xf32, #tpu.memory_space<vmem_shared>> -> memref<10240x128xf32, #tpu.memory_space<vmem_shared>>
        tpu.enqueue_indirect_dma source(%dma_start3A_252 : memref<64x128xf32, #tpu.memory_space<vmem>>) target(%dma_start3A_258 : memref<10240x128xf32, #tpu.memory_space<vmem_shared>>) offsets(%dma_start3A_255 : memref<64xi32, #tpu.memory_space<vmem>>) semaphore(%arg16 : memref<!tpu.dma_semaphore, #tpu.memory_space<semaphore_mem>>) {add = true}
      }
      %scan3A_96 = arith.constant 10 : i32
    }
    %while3A_58 = arith.constant 1 : i32
    scf.for %while3A_86 = %while3A_56 to %while3A_52 step %while3A_58  : i32 {
      %gt3A = arith.constant 0 : i32
      %gt3A_87 = arith.cmpi sgt, %while3A_86, %gt3A : i32
      %convert_element_type3A_88 = arith.extui %gt3A_87 : i1 to i32
      %cond3A_89 = arith.constant 0 : i32
      %cond3A_90 = arith.cmpi ne, %convert_element_type3A_88, %cond3A_89 : i32
      scf.if %cond3A_90 {
        %dma_wait3A_97 = arith.constant 0 : i32
        %dma_wait3A_98 = arith.constant 128 : i32
        %dma_wait3A_99 = arith.constant 0 : i32
        %dma_wait3A_100 = tpu.memref_slice %arg7[%dma_wait3A_98, %dma_wait3A_99] : memref<256x128xf32, #tpu.memory_space<vmem>> -> memref<64x128xf32, #tpu.memory_space<vmem>>
        %dma_wait3A_101 = arith.constant 0 : i32
        %dma_wait3A_102 = tpu.memref_slice %arg6[%dma_wait3A_97, %dma_wait3A_101] : memref<40x64xi32, #tpu.memory_space<vmem>> -> memref<1x64xi32, #tpu.memory_space<vmem>>
        %dma_wait3A_103 = tpu.memref_squeeze %dma_wait3A_102 : memref<1x64xi32, #tpu.memory_space<vmem>> -> memref<64xi32, #tpu.memory_space<vmem>>
        %dma_wait3A_104 = arith.constant 0 : i32
        %dma_wait3A_105 = arith.constant 0 : i32
        %dma_wait3A_106 = tpu.memref_slice %arg8[%dma_wait3A_104, %dma_wait3A_105] : memref<10240x128xf32, #tpu.memory_space<vmem_shared>> -> memref<10240x128xf32, #tpu.memory_space<vmem_shared>>
        tpu.wait_indirect_dma semaphore(%arg15 : memref<!tpu.dma_semaphore, #tpu.memory_space<semaphore_mem>>) src(%dma_wait3A_100 : memref<64x128xf32, #tpu.memory_space<vmem>>) dst(%dma_wait3A_106 : memref<10240x128xf32, #tpu.memory_space<vmem_shared>>)
        %dma_wait3A_107 = arith.constant 0 : i32
        %dma_wait3A_108 = arith.constant 192 : i32
        %dma_wait3A_109 = arith.constant 0 : i32
        %dma_wait3A_110 = tpu.memref_slice %arg7[%dma_wait3A_108, %dma_wait3A_109] : memref<256x128xf32, #tpu.memory_space<vmem>> -> memref<64x128xf32, #tpu.memory_space<vmem>>
        %dma_wait3A_111 = arith.constant 0 : i32
        %dma_wait3A_112 = tpu.memref_slice %arg6[%dma_wait3A_107, %dma_wait3A_111] : memref<40x64xi32, #tpu.memory_space<vmem>> -> memref<1x64xi32, #tpu.memory_space<vmem>>
        %dma_wait3A_113 = tpu.memref_squeeze %dma_wait3A_112 : memref<1x64xi32, #tpu.memory_space<vmem>> -> memref<64xi32, #tpu.memory_space<vmem>>
        %dma_wait3A_114 = arith.constant 0 : i32
        %dma_wait3A_115 = arith.constant 0 : i32
        %dma_wait3A_116 = tpu.memref_slice %arg8[%dma_wait3A_114, %dma_wait3A_115] : memref<10240x128xf32, #tpu.memory_space<vmem_shared>> -> memref<10240x128xf32, #tpu.memory_space<vmem_shared>>
        tpu.wait_indirect_dma semaphore(%arg16 : memref<!tpu.dma_semaphore, #tpu.memory_space<semaphore_mem>>) src(%dma_wait3A_110 : memref<64x128xf32, #tpu.memory_space<vmem>>) dst(%dma_wait3A_116 : memref<10240x128xf32, #tpu.memory_space<vmem_shared>>)
        %mul3A_117 = arith.constant 160 : i32
        %mul3A_118 = arith.muli %add3A, %mul3A_117 : i32
        %mul3A_119 = arith.constant 40 : i32
        %mul3A_120 = arith.muli %while3A_86, %mul3A_119 : i32
        %add3A_121 = arith.addi %mul3A_118, %mul3A_120 : i32
        %run_scoped3A_122 = arith.constant 0 : i32
        "tpu.region"() ({
          %run_scoped3A_144 = tpu.sem_alloc : memref<!tpu.dma_semaphore, #tpu.memory_space<semaphore_mem>>
          %dma_start3A_145 = arith.constant 0 : i32
          %dma_start3A_146 = tpu.memref_slice %arg3[%run_scoped3A_122, %add3A_121, %dma_start3A_145] : memref<2x5000x64xi32, #tpu.memory_space<hbm>> -> memref<1x40x64xi32, #tpu.memory_space<hbm>>
          %dma_start3A_147 = tpu.memref_squeeze %dma_start3A_146 : memref<1x40x64xi32, #tpu.memory_space<hbm>> -> memref<40x64xi32, #tpu.memory_space<hbm>>
          %dma_start3A_148 = arith.constant 0 : i32
          %dma_start3A_149 = tpu.memref_slice %arg3[%run_scoped3A_122, %add3A_121, %dma_start3A_148] : memref<2x5000x64xi32, #tpu.memory_space<hbm>> -> memref<1x40x64xi32, #tpu.memory_space<hbm>>
          %dma_start3A_150 = tpu.memref_squeeze %dma_start3A_149 : memref<1x40x64xi32, #tpu.memory_space<hbm>> -> memref<40x64xi32, #tpu.memory_space<hbm>>
          tpu.enqueue_dma source(%dma_start3A_150 : memref<40x64xi32, #tpu.memory_space<hbm>>) target(%arg5 : memref<40x64xi32, #tpu.memory_space<vmem>>) target_semaphore(%run_scoped3A_144 : memref<!tpu.dma_semaphore, #tpu.memory_space<semaphore_mem>>)
          %dma_wait3A_151 = arith.constant 0 : i32
          %dma_wait3A_152 = tpu.memref_slice %arg3[%run_scoped3A_122, %add3A_121, %dma_wait3A_151] : memref<2x5000x64xi32, #tpu.memory_space<hbm>> -> memref<1x40x64xi32, #tpu.memory_space<hbm>>
          %dma_wait3A_153 = tpu.memref_squeeze %dma_wait3A_152 : memref<1x40x64xi32, #tpu.memory_space<hbm>> -> memref<40x64xi32, #tpu.memory_space<hbm>>
          %dma_wait3A_154 = arith.constant 0 : i32
          %dma_wait3A_155 = tpu.memref_slice %arg3[%run_scoped3A_122, %add3A_121, %dma_wait3A_154] : memref<2x5000x64xi32, #tpu.memory_space<hbm>> -> memref<1x40x64xi32, #tpu.memory_space<hbm>>
          %dma_wait3A_156 = tpu.memref_squeeze %dma_wait3A_155 : memref<1x40x64xi32, #tpu.memory_space<hbm>> -> memref<40x64xi32, #tpu.memory_space<hbm>>
          tpu.wait_dma2 semaphore(%run_scoped3A_144 : memref<!tpu.dma_semaphore, #tpu.memory_space<semaphore_mem>>) src(%dma_wait3A_156 : memref<40x64xi32, #tpu.memory_space<hbm>>) dst(%arg5 : memref<40x64xi32, #tpu.memory_space<vmem>>)
          tpu.yield
        }) : () -> ()
        %run_scoped3A_123 = arith.constant 1 : i32
        "tpu.region"() ({
          %run_scoped3A_144 = tpu.sem_alloc : memref<!tpu.dma_semaphore, #tpu.memory_space<semaphore_mem>>
          %dma_start3A_145 = arith.constant 0 : i32
          %dma_start3A_146 = tpu.memref_slice %arg3[%run_scoped3A_123, %add3A_121, %dma_start3A_145] : memref<2x5000x64xi32, #tpu.memory_space<hbm>> -> memref<1x40x64xi32, #tpu.memory_space<hbm>>
          %dma_start3A_147 = tpu.memref_squeeze %dma_start3A_146 : memref<1x40x64xi32, #tpu.memory_space<hbm>> -> memref<40x64xi32, #tpu.memory_space<hbm>>
          %dma_start3A_148 = arith.constant 0 : i32
          %dma_start3A_149 = tpu.memref_slice %arg3[%run_scoped3A_123, %add3A_121, %dma_start3A_148] : memref<2x5000x64xi32, #tpu.memory_space<hbm>> -> memref<1x40x64xi32, #tpu.memory_space<hbm>>
          %dma_start3A_150 = tpu.memref_squeeze %dma_start3A_149 : memref<1x40x64xi32, #tpu.memory_space<hbm>> -> memref<40x64xi32, #tpu.memory_space<hbm>>
          tpu.enqueue_dma source(%dma_start3A_150 : memref<40x64xi32, #tpu.memory_space<hbm>>) target(%arg6 : memref<40x64xi32, #tpu.memory_space<vmem>>) target_semaphore(%run_scoped3A_144 : memref<!tpu.dma_semaphore, #tpu.memory_space<semaphore_mem>>)
          %dma_wait3A_151 = arith.constant 0 : i32
          %dma_wait3A_152 = tpu.memref_slice %arg3[%run_scoped3A_123, %add3A_121, %dma_wait3A_151] : memref<2x5000x64xi32, #tpu.memory_space<hbm>> -> memref<1x40x64xi32, #tpu.memory_space<hbm>>
          %dma_wait3A_153 = tpu.memref_squeeze %dma_wait3A_152 : memref<1x40x64xi32, #tpu.memory_space<hbm>> -> memref<40x64xi32, #tpu.memory_space<hbm>>
          %dma_wait3A_154 = arith.constant 0 : i32
          %dma_wait3A_155 = tpu.memref_slice %arg3[%run_scoped3A_123, %add3A_121, %dma_wait3A_154] : memref<2x5000x64xi32, #tpu.memory_space<hbm>> -> memref<1x40x64xi32, #tpu.memory_space<hbm>>
          %dma_wait3A_156 = tpu.memref_squeeze %dma_wait3A_155 : memref<1x40x64xi32, #tpu.memory_space<hbm>> -> memref<40x64xi32, #tpu.memory_space<hbm>>
          tpu.wait_dma2 semaphore(%run_scoped3A_144 : memref<!tpu.dma_semaphore, #tpu.memory_space<semaphore_mem>>) src(%dma_wait3A_156 : memref<40x64xi32, #tpu.memory_space<hbm>>) dst(%arg6 : memref<40x64xi32, #tpu.memory_space<vmem>>)
          tpu.yield
        }) : () -> ()
        %dma_start3A_124 = arith.constant 0 : i32
        %dma_start3A_125 = arith.constant 0 : i32
        %dma_start3A_126 = arith.constant 0 : i32
        %dma_start3A_127 = tpu.memref_slice %arg7[%dma_start3A_125, %dma_start3A_126] : memref<256x128xf32, #tpu.memory_space<vmem>> -> memref<64x128xf32, #tpu.memory_space<vmem>>
        %dma_start3A_128 = arith.constant 0 : i32
        %dma_start3A_129 = tpu.memref_slice %arg5[%dma_start3A_124, %dma_start3A_128] : memref<40x64xi32, #tpu.memory_space<vmem>> -> memref<1x64xi32, #tpu.memory_space<vmem>>
        %dma_start3A_130 = tpu.memref_squeeze %dma_start3A_129 : memref<1x64xi32, #tpu.memory_space<vmem>> -> memref<64xi32, #tpu.memory_space<vmem>>
        %dma_start3A_131 = arith.constant 0 : i32
        %dma_start3A_132 = arith.constant 0 : i32
        %dma_start3A_133 = tpu.memref_slice %arg2[%dma_start3A_131, %dma_start3A_132] : memref<10000x128xf32, #tpu.memory_space<hbm>> -> memref<10000x128xf32, #tpu.memory_space<hbm>>
        tpu.enqueue_indirect_dma source(%dma_start3A_133 : memref<10000x128xf32, #tpu.memory_space<hbm>>) target(%dma_start3A_127 : memref<64x128xf32, #tpu.memory_space<vmem>>) offsets(%dma_start3A_130 : memref<64xi32, #tpu.memory_space<vmem>>) semaphore(%arg9 : memref<!tpu.dma_semaphore, #tpu.memory_space<semaphore_mem>>)
        %dma_start3A_134 = arith.constant 1 : i32
        %dma_start3A_135 = arith.constant 64 : i32
        %dma_start3A_136 = arith.constant 0 : i32
        %dma_start3A_137 = tpu.memref_slice %arg7[%dma_start3A_135, %dma_start3A_136] : memref<256x128xf32, #tpu.memory_space<vmem>> -> memref<64x128xf32, #tpu.memory_space<vmem>>
        %dma_start3A_138 = arith.constant 0 : i32
        %dma_start3A_139 = tpu.memref_slice %arg5[%dma_start3A_134, %dma_start3A_138] : memref<40x64xi32, #tpu.memory_space<vmem>> -> memref<1x64xi32, #tpu.memory_space<vmem>>
        %dma_start3A_140 = tpu.memref_squeeze %dma_start3A_139 : memref<1x64xi32, #tpu.memory_space<vmem>> -> memref<64xi32, #tpu.memory_space<vmem>>
        %dma_start3A_141 = arith.constant 0 : i32
        %dma_start3A_142 = arith.constant 0 : i32
        %dma_start3A_143 = tpu.memref_slice %arg2[%dma_start3A_141, %dma_start3A_142] : memref<10000x128xf32, #tpu.memory_space<hbm>> -> memref<10000x128xf32, #tpu.memory_space<hbm>>
        tpu.enqueue_indirect_dma source(%dma_start3A_143 : memref<10000x128xf32, #tpu.memory_space<hbm>>) target(%dma_start3A_137 : memref<64x128xf32, #tpu.memory_space<vmem>>) offsets(%dma_start3A_140 : memref<64xi32, #tpu.memory_space<vmem>>) semaphore(%arg10 : memref<!tpu.dma_semaphore, #tpu.memory_space<semaphore_mem>>)
      } else {
      }
      %scan3A_91 = arith.constant 0 : i32
      %scan3A_92 = arith.constant 0 : i32
      %scan3A_93 = arith.constant 10 : i32
      %scan3A_94 = arith.addi %scan3A_92, %scan3A_93 : i32
      %scan3A_95 = arith.constant 1 : i32
      scf.for %scan3A_97 = %scan3A_92 to %scan3A_94 step %scan3A_95  : i32 {
        %mul3A_98 = arith.constant 4 : i32
        %mul3A_99 = arith.muli %mul3A_98, %scan3A_97 : i32
        %add3A_100 = arith.constant 0 : i32
        %add3A_101 = arith.addi %mul3A_99, %add3A_100 : i32
        %ge3A = arith.constant 1 : i32
        %ge3A_102 = arith.cmpi sge, %scan3A_97, %ge3A : i32
        %convert_element_type3A_103 = arith.extui %ge3A_102 : i1 to i32
        %cond3A_104 = arith.constant 0 : i32
        %cond3A_105 = arith.cmpi ne, %convert_element_type3A_103, %cond3A_104 : i32
        scf.if %cond3A_105 {
          %dma_wait3A_259 = arith.constant 0 : i32
          %dma_wait3A_260 = arith.constant 128 : i32
          %dma_wait3A_261 = arith.constant 0 : i32
          %dma_wait3A_262 = tpu.memref_slice %arg7[%dma_wait3A_260, %dma_wait3A_261] : memref<256x128xf32, #tpu.memory_space<vmem>> -> memref<64x128xf32, #tpu.memory_space<vmem>>
          %dma_wait3A_263 = arith.constant 0 : i32
          %dma_wait3A_264 = tpu.memref_slice %arg6[%dma_wait3A_259, %dma_wait3A_263] : memref<40x64xi32, #tpu.memory_space<vmem>> -> memref<1x64xi32, #tpu.memory_space<vmem>>
          %dma_wait3A_265 = tpu.memref_squeeze %dma_wait3A_264 : memref<1x64xi32, #tpu.memory_space<vmem>> -> memref<64xi32, #tpu.memory_space<vmem>>
          %dma_wait3A_266 = arith.constant 0 : i32
          %dma_wait3A_267 = arith.constant 0 : i32
          %dma_wait3A_268 = tpu.memref_slice %arg8[%dma_wait3A_266, %dma_wait3A_267] : memref<10240x128xf32, #tpu.memory_space<vmem_shared>> -> memref<10240x128xf32, #tpu.memory_space<vmem_shared>>
          tpu.wait_indirect_dma semaphore(%arg15 : memref<!tpu.dma_semaphore, #tpu.memory_space<semaphore_mem>>) src(%dma_wait3A_262 : memref<64x128xf32, #tpu.memory_space<vmem>>) dst(%dma_wait3A_268 : memref<10240x128xf32, #tpu.memory_space<vmem_shared>>)
        } else {
        }
        %add3A_106 = arith.constant 2 : i32
        %add3A_107 = arith.addi %add3A_101, %add3A_106 : i32
        %dma_start3A_108 = arith.constant 128 : i32
        %dma_start3A_109 = arith.constant 0 : i32
        %dma_start3A_110 = tpu.memref_slice %arg7[%dma_start3A_108, %dma_start3A_109] : memref<256x128xf32, #tpu.memory_space<vmem>> -> memref<64x128xf32, #tpu.memory_space<vmem>>
        %dma_start3A_111 = arith.constant 0 : i32
        %dma_start3A_112 = tpu.memref_slice %arg5[%add3A_107, %dma_start3A_111] : memref<40x64xi32, #tpu.memory_space<vmem>> -> memref<1x64xi32, #tpu.memory_space<vmem>>
        %dma_start3A_113 = tpu.memref_squeeze %dma_start3A_112 : memref<1x64xi32, #tpu.memory_space<vmem>> -> memref<64xi32, #tpu.memory_space<vmem>>
        %dma_start3A_114 = arith.constant 0 : i32
        %dma_start3A_115 = arith.constant 0 : i32
        %dma_start3A_116 = tpu.memref_slice %arg2[%dma_start3A_114, %dma_start3A_115] : memref<10000x128xf32, #tpu.memory_space<hbm>> -> memref<10000x128xf32, #tpu.memory_space<hbm>>
        tpu.enqueue_indirect_dma source(%dma_start3A_116 : memref<10000x128xf32, #tpu.memory_space<hbm>>) target(%dma_start3A_110 : memref<64x128xf32, #tpu.memory_space<vmem>>) offsets(%dma_start3A_113 : memref<64xi32, #tpu.memory_space<vmem>>) semaphore(%arg11 : memref<!tpu.dma_semaphore, #tpu.memory_space<semaphore_mem>>)
        %dma_wait3A_117 = arith.constant 0 : i32
        %dma_wait3A_118 = arith.constant 0 : i32
        %dma_wait3A_119 = tpu.memref_slice %arg7[%dma_wait3A_117, %dma_wait3A_118] : memref<256x128xf32, #tpu.memory_space<vmem>> -> memref<64x128xf32, #tpu.memory_space<vmem>>
        %dma_wait3A_120 = arith.constant 0 : i32
        %dma_wait3A_121 = arith.constant 0 : i32
        %dma_wait3A_122 = tpu.memref_slice %arg2[%dma_wait3A_120, %dma_wait3A_121] : memref<10000x128xf32, #tpu.memory_space<hbm>> -> memref<64x128xf32, #tpu.memory_space<hbm>>
        %dma_wait3A_123 = arith.constant 0 : i32
        %dma_wait3A_124 = arith.constant 0 : i32
        %dma_wait3A_125 = tpu.memref_slice %arg7[%dma_wait3A_123, %dma_wait3A_124] : memref<256x128xf32, #tpu.memory_space<vmem>> -> memref<64x128xf32, #tpu.memory_space<vmem>>
        %dma_wait3A_126 = arith.constant 0 : i32
        %dma_wait3A_127 = arith.constant 0 : i32
        %dma_wait3A_128 = tpu.memref_slice %arg2[%dma_wait3A_126, %dma_wait3A_127] : memref<10000x128xf32, #tpu.memory_space<hbm>> -> memref<64x128xf32, #tpu.memory_space<hbm>>
        tpu.wait_dma2 semaphore(%arg9 : memref<!tpu.dma_semaphore, #tpu.memory_space<semaphore_mem>>) src(%dma_wait3A_128 : memref<64x128xf32, #tpu.memory_space<hbm>>) dst(%dma_wait3A_125 : memref<64x128xf32, #tpu.memory_space<vmem>>)
        %dma_start3A_129 = arith.constant 0 : i32
        %dma_start3A_130 = arith.constant 0 : i32
        %dma_start3A_131 = tpu.memref_slice %arg7[%dma_start3A_129, %dma_start3A_130] : memref<256x128xf32, #tpu.memory_space<vmem>> -> memref<64x128xf32, #tpu.memory_space<vmem>>
        %dma_start3A_132 = arith.constant 0 : i32
        %dma_start3A_133 = tpu.memref_slice %arg6[%add3A_101, %dma_start3A_132] : memref<40x64xi32, #tpu.memory_space<vmem>> -> memref<1x64xi32, #tpu.memory_space<vmem>>
        %dma_start3A_134 = tpu.memref_squeeze %dma_start3A_133 : memref<1x64xi32, #tpu.memory_space<vmem>> -> memref<64xi32, #tpu.memory_space<vmem>>
        %dma_start3A_135 = arith.constant 0 : i32
        %dma_start3A_136 = arith.constant 0 : i32
        %dma_start3A_137 = tpu.memref_slice %arg8[%dma_start3A_135, %dma_start3A_136] : memref<10240x128xf32, #tpu.memory_space<vmem_shared>> -> memref<10240x128xf32, #tpu.memory_space<vmem_shared>>
        tpu.enqueue_indirect_dma source(%dma_start3A_131 : memref<64x128xf32, #tpu.memory_space<vmem>>) target(%dma_start3A_137 : memref<10240x128xf32, #tpu.memory_space<vmem_shared>>) offsets(%dma_start3A_134 : memref<64xi32, #tpu.memory_space<vmem>>) semaphore(%arg13 : memref<!tpu.dma_semaphore, #tpu.memory_space<semaphore_mem>>) {add = true}
        %mul3A_138 = arith.constant 4 : i32
        %mul3A_139 = arith.muli %mul3A_138, %scan3A_97 : i32
        %add3A_140 = arith.constant 1 : i32
        %add3A_141 = arith.addi %mul3A_139, %add3A_140 : i32
        %ge3A_142 = arith.constant 1 : i32
        %ge3A_143 = arith.cmpi sge, %scan3A_97, %ge3A_142 : i32
        %convert_element_type3A_144 = arith.extui %ge3A_143 : i1 to i32
        %cond3A_145 = arith.constant 0 : i32
        %cond3A_146 = arith.cmpi ne, %convert_element_type3A_144, %cond3A_145 : i32
        scf.if %cond3A_146 {
          %dma_wait3A_259 = arith.constant 0 : i32
          %dma_wait3A_260 = arith.constant 192 : i32
          %dma_wait3A_261 = arith.constant 0 : i32
          %dma_wait3A_262 = tpu.memref_slice %arg7[%dma_wait3A_260, %dma_wait3A_261] : memref<256x128xf32, #tpu.memory_space<vmem>> -> memref<64x128xf32, #tpu.memory_space<vmem>>
          %dma_wait3A_263 = arith.constant 0 : i32
          %dma_wait3A_264 = tpu.memref_slice %arg6[%dma_wait3A_259, %dma_wait3A_263] : memref<40x64xi32, #tpu.memory_space<vmem>> -> memref<1x64xi32, #tpu.memory_space<vmem>>
          %dma_wait3A_265 = tpu.memref_squeeze %dma_wait3A_264 : memref<1x64xi32, #tpu.memory_space<vmem>> -> memref<64xi32, #tpu.memory_space<vmem>>
          %dma_wait3A_266 = arith.constant 0 : i32
          %dma_wait3A_267 = arith.constant 0 : i32
          %dma_wait3A_268 = tpu.memref_slice %arg8[%dma_wait3A_266, %dma_wait3A_267] : memref<10240x128xf32, #tpu.memory_space<vmem_shared>> -> memref<10240x128xf32, #tpu.memory_space<vmem_shared>>
          tpu.wait_indirect_dma semaphore(%arg16 : memref<!tpu.dma_semaphore, #tpu.memory_space<semaphore_mem>>) src(%dma_wait3A_262 : memref<64x128xf32, #tpu.memory_space<vmem>>) dst(%dma_wait3A_268 : memref<10240x128xf32, #tpu.memory_space<vmem_shared>>)
        } else {
        }
        %add3A_147 = arith.constant 2 : i32
        %add3A_148 = arith.addi %add3A_141, %add3A_147 : i32
        %dma_start3A_149 = arith.constant 192 : i32
        %dma_start3A_150 = arith.constant 0 : i32
        %dma_start3A_151 = tpu.memref_slice %arg7[%dma_start3A_149, %dma_start3A_150] : memref<256x128xf32, #tpu.memory_space<vmem>> -> memref<64x128xf32, #tpu.memory_space<vmem>>
        %dma_start3A_152 = arith.constant 0 : i32
        %dma_start3A_153 = tpu.memref_slice %arg5[%add3A_148, %dma_start3A_152] : memref<40x64xi32, #tpu.memory_space<vmem>> -> memref<1x64xi32, #tpu.memory_space<vmem>>
        %dma_start3A_154 = tpu.memref_squeeze %dma_start3A_153 : memref<1x64xi32, #tpu.memory_space<vmem>> -> memref<64xi32, #tpu.memory_space<vmem>>
        %dma_start3A_155 = arith.constant 0 : i32
        %dma_start3A_156 = arith.constant 0 : i32
        %dma_start3A_157 = tpu.memref_slice %arg2[%dma_start3A_155, %dma_start3A_156] : memref<10000x128xf32, #tpu.memory_space<hbm>> -> memref<10000x128xf32, #tpu.memory_space<hbm>>
        tpu.enqueue_indirect_dma source(%dma_start3A_157 : memref<10000x128xf32, #tpu.memory_space<hbm>>) target(%dma_start3A_151 : memref<64x128xf32, #tpu.memory_space<vmem>>) offsets(%dma_start3A_154 : memref<64xi32, #tpu.memory_space<vmem>>) semaphore(%arg12 : memref<!tpu.dma_semaphore, #tpu.memory_space<semaphore_mem>>)
        %dma_wait3A_158 = arith.constant 64 : i32
        %dma_wait3A_159 = arith.constant 0 : i32
        %dma_wait3A_160 = tpu.memref_slice %arg7[%dma_wait3A_158, %dma_wait3A_159] : memref<256x128xf32, #tpu.memory_space<vmem>> -> memref<64x128xf32, #tpu.memory_space<vmem>>
        %dma_wait3A_161 = arith.constant 0 : i32
        %dma_wait3A_162 = arith.constant 0 : i32
        %dma_wait3A_163 = tpu.memref_slice %arg2[%dma_wait3A_161, %dma_wait3A_162] : memref<10000x128xf32, #tpu.memory_space<hbm>> -> memref<64x128xf32, #tpu.memory_space<hbm>>
        %dma_wait3A_164 = arith.constant 64 : i32
        %dma_wait3A_165 = arith.constant 0 : i32
        %dma_wait3A_166 = tpu.memref_slice %arg7[%dma_wait3A_164, %dma_wait3A_165] : memref<256x128xf32, #tpu.memory_space<vmem>> -> memref<64x128xf32, #tpu.memory_space<vmem>>
        %dma_wait3A_167 = arith.constant 0 : i32
        %dma_wait3A_168 = arith.constant 0 : i32
        %dma_wait3A_169 = tpu.memref_slice %arg2[%dma_wait3A_167, %dma_wait3A_168] : memref<10000x128xf32, #tpu.memory_space<hbm>> -> memref<64x128xf32, #tpu.memory_space<hbm>>
        tpu.wait_dma2 semaphore(%arg10 : memref<!tpu.dma_semaphore, #tpu.memory_space<semaphore_mem>>) src(%dma_wait3A_169 : memref<64x128xf32, #tpu.memory_space<hbm>>) dst(%dma_wait3A_166 : memref<64x128xf32, #tpu.memory_space<vmem>>)
        %dma_start3A_170 = arith.constant 64 : i32
        %dma_start3A_171 = arith.constant 0 : i32
        %dma_start3A_172 = tpu.memref_slice %arg7[%dma_start3A_170, %dma_start3A_171] : memref<256x128xf32, #tpu.memory_space<vmem>> -> memref<64x128xf32, #tpu.memory_space<vmem>>
        %dma_start3A_173 = arith.constant 0 : i32
        %dma_start3A_174 = tpu.memref_slice %arg6[%add3A_141, %dma_start3A_173] : memref<40x64xi32, #tpu.memory_space<vmem>> -> memref<1x64xi32, #tpu.memory_space<vmem>>
        %dma_start3A_175 = tpu.memref_squeeze %dma_start3A_174 : memref<1x64xi32, #tpu.memory_space<vmem>> -> memref<64xi32, #tpu.memory_space<vmem>>
        %dma_start3A_176 = arith.constant 0 : i32
        %dma_start3A_177 = arith.constant 0 : i32
        %dma_start3A_178 = tpu.memref_slice %arg8[%dma_start3A_176, %dma_start3A_177] : memref<10240x128xf32, #tpu.memory_space<vmem_shared>> -> memref<10240x128xf32, #tpu.memory_space<vmem_shared>>
        tpu.enqueue_indirect_dma source(%dma_start3A_172 : memref<64x128xf32, #tpu.memory_space<vmem>>) target(%dma_start3A_178 : memref<10240x128xf32, #tpu.memory_space<vmem_shared>>) offsets(%dma_start3A_175 : memref<64xi32, #tpu.memory_space<vmem>>) semaphore(%arg14 : memref<!tpu.dma_semaphore, #tpu.memory_space<semaphore_mem>>) {add = true}
        %mul3A_179 = arith.constant 4 : i32
        %mul3A_180 = arith.muli %mul3A_179, %scan3A_97 : i32
        %add3A_181 = arith.constant 2 : i32
        %add3A_182 = arith.addi %mul3A_180, %add3A_181 : i32
        %dma_wait3A_183 = arith.constant 0 : i32
        %dma_wait3A_184 = arith.constant 0 : i32
        %dma_wait3A_185 = arith.constant 0 : i32
        %dma_wait3A_186 = tpu.memref_slice %arg7[%dma_wait3A_184, %dma_wait3A_185] : memref<256x128xf32, #tpu.memory_space<vmem>> -> memref<64x128xf32, #tpu.memory_space<vmem>>
        %dma_wait3A_187 = arith.constant 0 : i32
        %dma_wait3A_188 = tpu.memref_slice %arg6[%dma_wait3A_183, %dma_wait3A_187] : memref<40x64xi32, #tpu.memory_space<vmem>> -> memref<1x64xi32, #tpu.memory_space<vmem>>
        %dma_wait3A_189 = tpu.memref_squeeze %dma_wait3A_188 : memref<1x64xi32, #tpu.memory_space<vmem>> -> memref<64xi32, #tpu.memory_space<vmem>>
        %dma_wait3A_190 = arith.constant 0 : i32
        %dma_wait3A_191 = arith.constant 0 : i32
        %dma_wait3A_192 = tpu.memref_slice %arg8[%dma_wait3A_190, %dma_wait3A_191] : memref<10240x128xf32, #tpu.memory_space<vmem_shared>> -> memref<10240x128xf32, #tpu.memory_space<vmem_shared>>
        tpu.wait_indirect_dma semaphore(%arg13 : memref<!tpu.dma_semaphore, #tpu.memory_space<semaphore_mem>>) src(%dma_wait3A_186 : memref<64x128xf32, #tpu.memory_space<vmem>>) dst(%dma_wait3A_192 : memref<10240x128xf32, #tpu.memory_space<vmem_shared>>)
        %lt3A_193 = arith.constant 9 : i32
        %lt3A_194 = arith.cmpi slt, %scan3A_97, %lt3A_193 : i32
        %convert_element_type3A_195 = arith.extui %lt3A_194 : i1 to i32
        %cond3A_196 = arith.constant 0 : i32
        %cond3A_197 = arith.cmpi ne, %convert_element_type3A_195, %cond3A_196 : i32
        scf.if %cond3A_197 {
          %add3A_259 = arith.constant 2 : i32
          %add3A_260 = arith.addi %add3A_182, %add3A_259 : i32
          %dma_start3A_261 = arith.constant 0 : i32
          %dma_start3A_262 = arith.constant 0 : i32
          %dma_start3A_263 = tpu.memref_slice %arg7[%dma_start3A_261, %dma_start3A_262] : memref<256x128xf32, #tpu.memory_space<vmem>> -> memref<64x128xf32, #tpu.memory_space<vmem>>
          %dma_start3A_264 = arith.constant 0 : i32
          %dma_start3A_265 = tpu.memref_slice %arg5[%add3A_260, %dma_start3A_264] : memref<40x64xi32, #tpu.memory_space<vmem>> -> memref<1x64xi32, #tpu.memory_space<vmem>>
          %dma_start3A_266 = tpu.memref_squeeze %dma_start3A_265 : memref<1x64xi32, #tpu.memory_space<vmem>> -> memref<64xi32, #tpu.memory_space<vmem>>
          %dma_start3A_267 = arith.constant 0 : i32
          %dma_start3A_268 = arith.constant 0 : i32
          %dma_start3A_269 = tpu.memref_slice %arg2[%dma_start3A_267, %dma_start3A_268] : memref<10000x128xf32, #tpu.memory_space<hbm>> -> memref<10000x128xf32, #tpu.memory_space<hbm>>
          tpu.enqueue_indirect_dma source(%dma_start3A_269 : memref<10000x128xf32, #tpu.memory_space<hbm>>) target(%dma_start3A_263 : memref<64x128xf32, #tpu.memory_space<vmem>>) offsets(%dma_start3A_266 : memref<64xi32, #tpu.memory_space<vmem>>) semaphore(%arg9 : memref<!tpu.dma_semaphore, #tpu.memory_space<semaphore_mem>>)
        } else {
        }
        %dma_wait3A_198 = arith.constant 128 : i32
        %dma_wait3A_199 = arith.constant 0 : i32
        %dma_wait3A_200 = tpu.memref_slice %arg7[%dma_wait3A_198, %dma_wait3A_199] : memref<256x128xf32, #tpu.memory_space<vmem>> -> memref<64x128xf32, #tpu.memory_space<vmem>>
        %dma_wait3A_201 = arith.constant 0 : i32
        %dma_wait3A_202 = arith.constant 0 : i32
        %dma_wait3A_203 = tpu.memref_slice %arg2[%dma_wait3A_201, %dma_wait3A_202] : memref<10000x128xf32, #tpu.memory_space<hbm>> -> memref<64x128xf32, #tpu.memory_space<hbm>>
        %dma_wait3A_204 = arith.constant 128 : i32
        %dma_wait3A_205 = arith.constant 0 : i32
        %dma_wait3A_206 = tpu.memref_slice %arg7[%dma_wait3A_204, %dma_wait3A_205] : memref<256x128xf32, #tpu.memory_space<vmem>> -> memref<64x128xf32, #tpu.memory_space<vmem>>
        %dma_wait3A_207 = arith.constant 0 : i32
        %dma_wait3A_208 = arith.constant 0 : i32
        %dma_wait3A_209 = tpu.memref_slice %arg2[%dma_wait3A_207, %dma_wait3A_208] : memref<10000x128xf32, #tpu.memory_space<hbm>> -> memref<64x128xf32, #tpu.memory_space<hbm>>
        tpu.wait_dma2 semaphore(%arg11 : memref<!tpu.dma_semaphore, #tpu.memory_space<semaphore_mem>>) src(%dma_wait3A_209 : memref<64x128xf32, #tpu.memory_space<hbm>>) dst(%dma_wait3A_206 : memref<64x128xf32, #tpu.memory_space<vmem>>)
        %dma_start3A_210 = arith.constant 128 : i32
        %dma_start3A_211 = arith.constant 0 : i32
        %dma_start3A_212 = tpu.memref_slice %arg7[%dma_start3A_210, %dma_start3A_211] : memref<256x128xf32, #tpu.memory_space<vmem>> -> memref<64x128xf32, #tpu.memory_space<vmem>>
        %dma_start3A_213 = arith.constant 0 : i32
        %dma_start3A_214 = tpu.memref_slice %arg6[%add3A_182, %dma_start3A_213] : memref<40x64xi32, #tpu.memory_space<vmem>> -> memref<1x64xi32, #tpu.memory_space<vmem>>
        %dma_start3A_215 = tpu.memref_squeeze %dma_start3A_214 : memref<1x64xi32, #tpu.memory_space<vmem>> -> memref<64xi32, #tpu.memory_space<vmem>>
        %dma_start3A_216 = arith.constant 0 : i32
        %dma_start3A_217 = arith.constant 0 : i32
        %dma_start3A_218 = tpu.memref_slice %arg8[%dma_start3A_216, %dma_start3A_217] : memref<10240x128xf32, #tpu.memory_space<vmem_shared>> -> memref<10240x128xf32, #tpu.memory_space<vmem_shared>>
        tpu.enqueue_indirect_dma source(%dma_start3A_212 : memref<64x128xf32, #tpu.memory_space<vmem>>) target(%dma_start3A_218 : memref<10240x128xf32, #tpu.memory_space<vmem_shared>>) offsets(%dma_start3A_215 : memref<64xi32, #tpu.memory_space<vmem>>) semaphore(%arg15 : memref<!tpu.dma_semaphore, #tpu.memory_space<semaphore_mem>>) {add = true}
        %mul3A_219 = arith.constant 4 : i32
        %mul3A_220 = arith.muli %mul3A_219, %scan3A_97 : i32
        %add3A_221 = arith.constant 3 : i32
        %add3A_222 = arith.addi %mul3A_220, %add3A_221 : i32
        %dma_wait3A_223 = arith.constant 0 : i32
        %dma_wait3A_224 = arith.constant 64 : i32
        %dma_wait3A_225 = arith.constant 0 : i32
        %dma_wait3A_226 = tpu.memref_slice %arg7[%dma_wait3A_224, %dma_wait3A_225] : memref<256x128xf32, #tpu.memory_space<vmem>> -> memref<64x128xf32, #tpu.memory_space<vmem>>
        %dma_wait3A_227 = arith.constant 0 : i32
        %dma_wait3A_228 = tpu.memref_slice %arg6[%dma_wait3A_223, %dma_wait3A_227] : memref<40x64xi32, #tpu.memory_space<vmem>> -> memref<1x64xi32, #tpu.memory_space<vmem>>
        %dma_wait3A_229 = tpu.memref_squeeze %dma_wait3A_228 : memref<1x64xi32, #tpu.memory_space<vmem>> -> memref<64xi32, #tpu.memory_space<vmem>>
        %dma_wait3A_230 = arith.constant 0 : i32
        %dma_wait3A_231 = arith.constant 0 : i32
        %dma_wait3A_232 = tpu.memref_slice %arg8[%dma_wait3A_230, %dma_wait3A_231] : memref<10240x128xf32, #tpu.memory_space<vmem_shared>> -> memref<10240x128xf32, #tpu.memory_space<vmem_shared>>
        tpu.wait_indirect_dma semaphore(%arg14 : memref<!tpu.dma_semaphore, #tpu.memory_space<semaphore_mem>>) src(%dma_wait3A_226 : memref<64x128xf32, #tpu.memory_space<vmem>>) dst(%dma_wait3A_232 : memref<10240x128xf32, #tpu.memory_space<vmem_shared>>)
        %lt3A_233 = arith.constant 9 : i32
        %lt3A_234 = arith.cmpi slt, %scan3A_97, %lt3A_233 : i32
        %convert_element_type3A_235 = arith.extui %lt3A_234 : i1 to i32
        %cond3A_236 = arith.constant 0 : i32
        %cond3A_237 = arith.cmpi ne, %convert_element_type3A_235, %cond3A_236 : i32
        scf.if %cond3A_237 {
          %add3A_259 = arith.constant 2 : i32
          %add3A_260 = arith.addi %add3A_222, %add3A_259 : i32
          %dma_start3A_261 = arith.constant 64 : i32
          %dma_start3A_262 = arith.constant 0 : i32
          %dma_start3A_263 = tpu.memref_slice %arg7[%dma_start3A_261, %dma_start3A_262] : memref<256x128xf32, #tpu.memory_space<vmem>> -> memref<64x128xf32, #tpu.memory_space<vmem>>
          %dma_start3A_264 = arith.constant 0 : i32
          %dma_start3A_265 = tpu.memref_slice %arg5[%add3A_260, %dma_start3A_264] : memref<40x64xi32, #tpu.memory_space<vmem>> -> memref<1x64xi32, #tpu.memory_space<vmem>>
          %dma_start3A_266 = tpu.memref_squeeze %dma_start3A_265 : memref<1x64xi32, #tpu.memory_space<vmem>> -> memref<64xi32, #tpu.memory_space<vmem>>
          %dma_start3A_267 = arith.constant 0 : i32
          %dma_start3A_268 = arith.constant 0 : i32
          %dma_start3A_269 = tpu.memref_slice %arg2[%dma_start3A_267, %dma_start3A_268] : memref<10000x128xf32, #tpu.memory_space<hbm>> -> memref<10000x128xf32, #tpu.memory_space<hbm>>
          tpu.enqueue_indirect_dma source(%dma_start3A_269 : memref<10000x128xf32, #tpu.memory_space<hbm>>) target(%dma_start3A_263 : memref<64x128xf32, #tpu.memory_space<vmem>>) offsets(%dma_start3A_266 : memref<64xi32, #tpu.memory_space<vmem>>) semaphore(%arg10 : memref<!tpu.dma_semaphore, #tpu.memory_space<semaphore_mem>>)
        } else {
        }
        %dma_wait3A_238 = arith.constant 192 : i32
        %dma_wait3A_239 = arith.constant 0 : i32
        %dma_wait3A_240 = tpu.memref_slice %arg7[%dma_wait3A_238, %dma_wait3A_239] : memref<256x128xf32, #tpu.memory_space<vmem>> -> memref<64x128xf32, #tpu.memory_space<vmem>>
        %dma_wait3A_241 = arith.constant 0 : i32
        %dma_wait3A_242 = arith.constant 0 : i32
        %dma_wait3A_243 = tpu.memref_slice %arg2[%dma_wait3A_241, %dma_wait3A_242] : memref<10000x128xf32, #tpu.memory_space<hbm>> -> memref<64x128xf32, #tpu.memory_space<hbm>>
        %dma_wait3A_244 = arith.constant 192 : i32
        %dma_wait3A_245 = arith.constant 0 : i32
        %dma_wait3A_246 = tpu.memref_slice %arg7[%dma_wait3A_244, %dma_wait3A_245] : memref<256x128xf32, #tpu.memory_space<vmem>> -> memref<64x128xf32, #tpu.memory_space<vmem>>
        %dma_wait3A_247 = arith.constant 0 : i32
        %dma_wait3A_248 = arith.constant 0 : i32
        %dma_wait3A_249 = tpu.memref_slice %arg2[%dma_wait3A_247, %dma_wait3A_248] : memref<10000x128xf32, #tpu.memory_space<hbm>> -> memref<64x128xf32, #tpu.memory_space<hbm>>
        tpu.wait_dma2 semaphore(%arg12 : memref<!tpu.dma_semaphore, #tpu.memory_space<semaphore_mem>>) src(%dma_wait3A_249 : memref<64x128xf32, #tpu.memory_space<hbm>>) dst(%dma_wait3A_246 : memref<64x128xf32, #tpu.memory_space<vmem>>)
        %dma_start3A_250 = arith.constant 192 : i32
        %dma_start3A_251 = arith.constant 0 : i32
        %dma_start3A_252 = tpu.memref_slice %arg7[%dma_start3A_250, %dma_start3A_251] : memref<256x128xf32, #tpu.memory_space<vmem>> -> memref<64x128xf32, #tpu.memory_space<vmem>>
        %dma_start3A_253 = arith.constant 0 : i32
        %dma_start3A_254 = tpu.memref_slice %arg6[%add3A_222, %dma_start3A_253] : memref<40x64xi32, #tpu.memory_space<vmem>> -> memref<1x64xi32, #tpu.memory_space<vmem>>
        %dma_start3A_255 = tpu.memref_squeeze %dma_start3A_254 : memref<1x64xi32, #tpu.memory_space<vmem>> -> memref<64xi32, #tpu.memory_space<vmem>>
        %dma_start3A_256 = arith.constant 0 : i32
        %dma_start3A_257 = arith.constant 0 : i32
        %dma_start3A_258 = tpu.memref_slice %arg8[%dma_start3A_256, %dma_start3A_257] : memref<10240x128xf32, #tpu.memory_space<vmem_shared>> -> memref<10240x128xf32, #tpu.memory_space<vmem_shared>>
        tpu.enqueue_indirect_dma source(%dma_start3A_252 : memref<64x128xf32, #tpu.memory_space<vmem>>) target(%dma_start3A_258 : memref<10240x128xf32, #tpu.memory_space<vmem_shared>>) offsets(%dma_start3A_255 : memref<64xi32, #tpu.memory_space<vmem>>) semaphore(%arg16 : memref<!tpu.dma_semaphore, #tpu.memory_space<semaphore_mem>>) {add = true}
      }
      %scan3A_96 = arith.constant 10 : i32
    }
    %dma_wait3A = arith.constant 0 : i32
    %dma_wait3A_59 = arith.constant 128 : i32
    %dma_wait3A_60 = arith.constant 0 : i32
    %dma_wait3A_61 = tpu.memref_slice %arg7[%dma_wait3A_59, %dma_wait3A_60] : memref<256x128xf32, #tpu.memory_space<vmem>> -> memref<64x128xf32, #tpu.memory_space<vmem>>
    %dma_wait3A_62 = arith.constant 0 : i32
    %dma_wait3A_63 = tpu.memref_slice %arg6[%dma_wait3A, %dma_wait3A_62] : memref<40x64xi32, #tpu.memory_space<vmem>> -> memref<1x64xi32, #tpu.memory_space<vmem>>
    %dma_wait3A_64 = tpu.memref_squeeze %dma_wait3A_63 : memref<1x64xi32, #tpu.memory_space<vmem>> -> memref<64xi32, #tpu.memory_space<vmem>>
    %dma_wait3A_65 = arith.constant 0 : i32
    %dma_wait3A_66 = arith.constant 0 : i32
    %dma_wait3A_67 = tpu.memref_slice %arg8[%dma_wait3A_65, %dma_wait3A_66] : memref<10240x128xf32, #tpu.memory_space<vmem_shared>> -> memref<10240x128xf32, #tpu.memory_space<vmem_shared>>
    tpu.wait_indirect_dma semaphore(%arg15 : memref<!tpu.dma_semaphore, #tpu.memory_space<semaphore_mem>>) src(%dma_wait3A_61 : memref<64x128xf32, #tpu.memory_space<vmem>>) dst(%dma_wait3A_67 : memref<10240x128xf32, #tpu.memory_space<vmem_shared>>)
    %dma_wait3A_68 = arith.constant 0 : i32
    %dma_wait3A_69 = arith.constant 192 : i32
    %dma_wait3A_70 = arith.constant 0 : i32
    %dma_wait3A_71 = tpu.memref_slice %arg7[%dma_wait3A_69, %dma_wait3A_70] : memref<256x128xf32, #tpu.memory_space<vmem>> -> memref<64x128xf32, #tpu.memory_space<vmem>>
    %dma_wait3A_72 = arith.constant 0 : i32
    %dma_wait3A_73 = tpu.memref_slice %arg6[%dma_wait3A_68, %dma_wait3A_72] : memref<40x64xi32, #tpu.memory_space<vmem>> -> memref<1x64xi32, #tpu.memory_space<vmem>>
    %dma_wait3A_74 = tpu.memref_squeeze %dma_wait3A_73 : memref<1x64xi32, #tpu.memory_space<vmem>> -> memref<64xi32, #tpu.memory_space<vmem>>
    %dma_wait3A_75 = arith.constant 0 : i32
    %dma_wait3A_76 = arith.constant 0 : i32
    %dma_wait3A_77 = tpu.memref_slice %arg8[%dma_wait3A_75, %dma_wait3A_76] : memref<10240x128xf32, #tpu.memory_space<vmem_shared>> -> memref<10240x128xf32, #tpu.memory_space<vmem_shared>>
    tpu.wait_indirect_dma semaphore(%arg16 : memref<!tpu.dma_semaphore, #tpu.memory_space<semaphore_mem>>) src(%dma_wait3A_71 : memref<64x128xf32, #tpu.memory_space<vmem>>) dst(%dma_wait3A_77 : memref<10240x128xf32, #tpu.memory_space<vmem_shared>>)
    %barrier3A_78 = arith.constant 0 : index
    tpu.barrier barrier_id(%barrier3A_78)
    %lt3A = arith.constant 15 : i32
    %lt3A_79 = arith.cmpi slt, %arg1, %lt3A : i32
    %convert_element_type3A = arith.extui %lt3A_79 : i1 to i32
    %cond3A = arith.constant 0 : i32
    %cond3A_80 = arith.cmpi ne, %convert_element_type3A, %cond3A : i32
    scf.if %cond3A_80 {
      %mul3A_86 = arith.constant 640 : i32
      %mul3A_87 = arith.muli %arg1, %mul3A_86 : i32
      %mul3A_88 = arith.constant 10000 : i32
      %mul3A_89 = arith.muli %arg0, %mul3A_88 : i32
      %mul3A_90 = arith.constant 640 : i32
      %mul3A_91 = arith.muli %arg1, %mul3A_90 : i32
      %add3A_92 = arith.addi %mul3A_89, %mul3A_91 : i32
      "tpu.region"() ({
        %run_scoped3A_93 = tpu.sem_alloc : memref<!tpu.dma_semaphore, #tpu.memory_space<semaphore_mem>>
        %dma_start3A_94 = arith.constant 0 : i32
        %dma_start3A_95 = tpu.memref_slice %arg4[%add3A_92, %dma_start3A_94] : memref<20000x128xf32, #tpu.memory_space<hbm>> -> memref<640x128xf32, #tpu.memory_space<hbm>>
        %dma_start3A_96 = arith.constant 0 : i32
        %dma_start3A_97 = tpu.memref_slice %arg8[%mul3A_87, %dma_start3A_96] : memref<10240x128xf32, #tpu.memory_space<vmem_shared>> -> memref<640x128xf32, #tpu.memory_space<vmem_shared>>
        tpu.enqueue_dma source(%dma_start3A_97 : memref<640x128xf32, #tpu.memory_space<vmem_shared>>) target(%dma_start3A_95 : memref<640x128xf32, #tpu.memory_space<hbm>>) target_semaphore(%run_scoped3A_93 : memref<!tpu.dma_semaphore, #tpu.memory_space<semaphore_mem>>)
        %dma_wait3A_98 = arith.constant 0 : i32
        %dma_wait3A_99 = tpu.memref_slice %arg4[%add3A_92, %dma_wait3A_98] : memref<20000x128xf32, #tpu.memory_space<hbm>> -> memref<640x128xf32, #tpu.memory_space<hbm>>
        %dma_wait3A_100 = arith.constant 0 : i32
        %dma_wait3A_101 = tpu.memref_slice %arg8[%mul3A_87, %dma_wait3A_100] : memref<10240x128xf32, #tpu.memory_space<vmem_shared>> -> memref<640x128xf32, #tpu.memory_space<vmem_shared>>
        tpu.wait_dma2 semaphore(%run_scoped3A_93 : memref<!tpu.dma_semaphore, #tpu.memory_space<semaphore_mem>>) src(%dma_wait3A_101 : memref<640x128xf32, #tpu.memory_space<vmem_shared>>) dst(%dma_wait3A_99 : memref<640x128xf32, #tpu.memory_space<hbm>>)
        tpu.yield
      }) : () -> ()
    } else {
    }
    %eq3A_81 = arith.constant 15 : i32
    %eq3A_82 = arith.cmpi eq, %arg1, %eq3A_81 : i32
    %convert_element_type3A_83 = arith.extui %eq3A_82 : i1 to i32
    %cond3A_84 = arith.constant 0 : i32
    %cond3A_85 = arith.cmpi ne, %convert_element_type3A_83, %cond3A_84 : i32
    scf.if %cond3A_85 {
      %mul3A_86 = arith.constant 10000 : i32
      %mul3A_87 = arith.muli %arg0, %mul3A_86 : i32
      %add3A_88 = arith.constant 9600 : i32
      %add3A_89 = arith.addi %mul3A_87, %add3A_88 : i32
      "tpu.region"() ({
        %run_scoped3A_90 = tpu.sem_alloc : memref<!tpu.dma_semaphore, #tpu.memory_space<semaphore_mem>>
        %dma_start3A_91 = arith.constant 0 : i32
        %dma_start3A_92 = tpu.memref_slice %arg4[%add3A_89, %dma_start3A_91] : memref<20000x128xf32, #tpu.memory_space<hbm>> -> memref<400x128xf32, #tpu.memory_space<hbm>>
        %dma_start3A_93 = arith.constant 9600 : i32
        %dma_start3A_94 = arith.constant 0 : i32
        %dma_start3A_95 = tpu.memref_slice %arg8[%dma_start3A_93, %dma_start3A_94] : memref<10240x128xf32, #tpu.memory_space<vmem_shared>> -> memref<400x128xf32, #tpu.memory_space<vmem_shared>>
        tpu.enqueue_dma source(%dma_start3A_95 : memref<400x128xf32, #tpu.memory_space<vmem_shared>>) target(%dma_start3A_92 : memref<400x128xf32, #tpu.memory_space<hbm>>) target_semaphore(%run_scoped3A_90 : memref<!tpu.dma_semaphore, #tpu.memory_space<semaphore_mem>>)
        %dma_wait3A_96 = arith.constant 0 : i32
        %dma_wait3A_97 = tpu.memref_slice %arg4[%add3A_89, %dma_wait3A_96] : memref<20000x128xf32, #tpu.memory_space<hbm>> -> memref<400x128xf32, #tpu.memory_space<hbm>>
        %dma_wait3A_98 = arith.constant 9600 : i32
        %dma_wait3A_99 = arith.constant 0 : i32
        %dma_wait3A_100 = tpu.memref_slice %arg8[%dma_wait3A_98, %dma_wait3A_99] : memref<10240x128xf32, #tpu.memory_space<vmem_shared>> -> memref<400x128xf32, #tpu.memory_space<vmem_shared>>
        tpu.wait_dma2 semaphore(%run_scoped3A_90 : memref<!tpu.dma_semaphore, #tpu.memory_space<semaphore_mem>>) src(%dma_wait3A_100 : memref<400x128xf32, #tpu.memory_space<vmem_shared>>) dst(%dma_wait3A_97 : memref<400x128xf32, #tpu.memory_space<hbm>>)
        tpu.yield
      }) : () -> ()
    } else {
    }
    return
  }
}

#map = affine_map<(d0, d1) -> (0, 0)>
#map1 = affine_map<(d0, d1) -> (0, 0, 0)>
module attributes {stable_mosaic.version = 14 : i64} {
  func.func @body(%arg0: i32, %arg1: i32, %arg2: memref<10000x128xf32, #tpu.memory_space<hbm>>, %arg3: memref<2x5000x64xi32, #tpu.memory_space<hbm>>, %arg4: memref<20000x128xf32, #tpu.memory_space<hbm>>, %arg5: memref<40x64xi32, #tpu.memory_space<vmem>>, %arg6: memref<40x64xi32, #tpu.memory_space<vmem>>, %arg7: memref<256x128xf32, #tpu.memory_space<vmem>>, %arg8: memref<10240x128xf32, #tpu.memory_space<vmem_shared>>, %arg9: memref<!tpu.dma_semaphore, #tpu.memory_space<semaphore_mem>>, %arg10: memref<!tpu.dma_semaphore, #tpu.memory_space<semaphore_mem>>, %arg11: memref<!tpu.dma_semaphore, #tpu.memory_space<semaphore_mem>>, %arg12: memref<!tpu.dma_semaphore, #tpu.memory_space<semaphore_mem>>, %arg13: memref<!tpu.dma_semaphore, #tpu.memory_space<semaphore_mem>>, %arg14: memref<!tpu.dma_semaphore, #tpu.memory_space<semaphore_mem>>, %arg15: memref<!tpu.dma_semaphore, #tpu.memory_space<semaphore_mem>>, %arg16: memref<!tpu.dma_semaphore, #tpu.memory_space<semaphore_mem>>) attributes {dimension_semantics = [#tpu.dimension_semantics<core_parallel>, #tpu.dimension_semantics<subcore_parallel>], iteration_bounds = array<i64: 2, 16>, scalar_prefetch = 0 : i64, scratch_operands = 12 : i64, tpu.core_type = #tpu.core_type<sc_vector_subcore>, window_params = [{transform_indices = #map}, {transform_indices = #map1}, {transform_indices = #map}]} {
    %mul3A = arith.constant 16 : i32
    %mul3A_0 = arith.muli %arg0, %mul3A : i32
    %add3A = arith.addi %mul3A_0, %arg1 : i32
    %eq3A = arith.constant 31 : i32
    %eq3A_1 = arith.cmpi eq, %add3A, %eq3A : i32
    %jit3A = arith.constant 1 : i32
    %jit3A_2 = arith.constant 4 : i32
    %select_n3A = arith.select %eq3A_1, %jit3A, %jit3A_2 : i32
    %mul3A_3 = arith.constant 160 : i32
    %mul3A_4 = arith.muli %add3A, %mul3A_3 : i32
    %run_scoped3A = arith.constant 0 : i32
    "tpu.region"() ({
      %run_scoped3A_86 = tpu.sem_alloc : memref<!tpu.dma_semaphore, #tpu.memory_space<semaphore_mem>>
      %dma_start3A_87 = arith.constant 0 : i32
      %dma_start3A_88 = tpu.memref_slice %arg3[%run_scoped3A, %mul3A_4, %dma_start3A_87] : memref<2x5000x64xi32, #tpu.memory_space<hbm>> -> memref<1x40x64xi32, #tpu.memory_space<hbm>>
      %dma_start3A_89 = tpu.memref_squeeze %dma_start3A_88 : memref<1x40x64xi32, #tpu.memory_space<hbm>> -> memref<40x64xi32, #tpu.memory_space<hbm>>
      %dma_start3A_90 = arith.constant 0 : i32
      %dma_start3A_91 = tpu.memref_slice %arg3[%run_scoped3A, %mul3A_4, %dma_start3A_90] : memref<2x5000x64xi32, #tpu.memory_space<hbm>> -> memref<1x40x64xi32, #tpu.memory_space<hbm>>
      %dma_start3A_92 = tpu.memref_squeeze %dma_start3A_91 : memref<1x40x64xi32, #tpu.memory_space<hbm>> -> memref<40x64xi32, #tpu.memory_space<hbm>>
      tpu.enqueue_dma source(%dma_start3A_92 : memref<40x64xi32, #tpu.memory_space<hbm>>) target(%arg5 : memref<40x64xi32, #tpu.memory_space<vmem>>) target_semaphore(%run_scoped3A_86 : memref<!tpu.dma_semaphore, #tpu.memory_space<semaphore_mem>>)
      %dma_wait3A_93 = arith.constant 0 : i32
      %dma_wait3A_94 = tpu.memref_slice %arg3[%run_scoped3A, %mul3A_4, %dma_wait3A_93] : memref<2x5000x64xi32, #tpu.memory_space<hbm>> -> memref<1x40x64xi32, #tpu.memory_space<hbm>>
      %dma_wait3A_95 = tpu.memref_squeeze %dma_wait3A_94 : memref<1x40x64xi32, #tpu.memory_space<hbm>> -> memref<40x64xi32, #tpu.memory_space<hbm>>
      %dma_wait3A_96 = arith.constant 0 : i32
      %dma_wait3A_97 = tpu.memref_slice %arg3[%run_scoped3A, %mul3A_4, %dma_wait3A_96] : memref<2x5000x64xi32, #tpu.memory_space<hbm>> -> memref<1x40x64xi32, #tpu.memory_space<hbm>>
      %dma_wait3A_98 = tpu.memref_squeeze %dma_wait3A_97 : memref<1x40x64xi32, #tpu.memory_space<hbm>> -> memref<40x64xi32, #tpu.memory_space<hbm>>
      tpu.wait_dma2 semaphore(%run_scoped3A_86 : memref<!tpu.dma_semaphore, #tpu.memory_space<semaphore_mem>>) src(%dma_wait3A_98 : memref<40x64xi32, #tpu.memory_space<hbm>>) dst(%arg5 : memref<40x64xi32, #tpu.memory_space<vmem>>)
      tpu.yield
    }) : () -> ()
    %run_scoped3A_5 = arith.constant 1 : i32
    "tpu.region"() ({
      %run_scoped3A_86 = tpu.sem_alloc : memref<!tpu.dma_semaphore, #tpu.memory_space<semaphore_mem>>
      %dma_start3A_87 = arith.constant 0 : i32
      %dma_start3A_88 = tpu.memref_slice %arg3[%run_scoped3A_5, %mul3A_4, %dma_start3A_87] : memref<2x5000x64xi32, #tpu.memory_space<hbm>> -> memref<1x40x64xi32, #tpu.memory_space<hbm>>
      %dma_start3A_89 = tpu.memref_squeeze %dma_start3A_88 : memref<1x40x64xi32, #tpu.memory_space<hbm>> -> memref<40x64xi32, #tpu.memory_space<hbm>>
      %dma_start3A_90 = arith.constant 0 : i32
      %dma_start3A_91 = tpu.memref_slice %arg3[%run_scoped3A_5, %mul3A_4, %dma_start3A_90] : memref<2x5000x64xi32, #tpu.memory_space<hbm>> -> memref<1x40x64xi32, #tpu.memory_space<hbm>>
      %dma_start3A_92 = tpu.memref_squeeze %dma_start3A_91 : memref<1x40x64xi32, #tpu.memory_space<hbm>> -> memref<40x64xi32, #tpu.memory_space<hbm>>
      tpu.enqueue_dma source(%dma_start3A_92 : memref<40x64xi32, #tpu.memory_space<hbm>>) target(%arg6 : memref<40x64xi32, #tpu.memory_space<vmem>>) target_semaphore(%run_scoped3A_86 : memref<!tpu.dma_semaphore, #tpu.memory_space<semaphore_mem>>)
      %dma_wait3A_93 = arith.constant 0 : i32
      %dma_wait3A_94 = tpu.memref_slice %arg3[%run_scoped3A_5, %mul3A_4, %dma_wait3A_93] : memref<2x5000x64xi32, #tpu.memory_space<hbm>> -> memref<1x40x64xi32, #tpu.memory_space<hbm>>
      %dma_wait3A_95 = tpu.memref_squeeze %dma_wait3A_94 : memref<1x40x64xi32, #tpu.memory_space<hbm>> -> memref<40x64xi32, #tpu.memory_space<hbm>>
      %dma_wait3A_96 = arith.constant 0 : i32
      %dma_wait3A_97 = tpu.memref_slice %arg3[%run_scoped3A_5, %mul3A_4, %dma_wait3A_96] : memref<2x5000x64xi32, #tpu.memory_space<hbm>> -> memref<1x40x64xi32, #tpu.memory_space<hbm>>
      %dma_wait3A_98 = tpu.memref_squeeze %dma_wait3A_97 : memref<1x40x64xi32, #tpu.memory_space<hbm>> -> memref<40x64xi32, #tpu.memory_space<hbm>>
      tpu.wait_dma2 semaphore(%run_scoped3A_86 : memref<!tpu.dma_semaphore, #tpu.memory_space<semaphore_mem>>) src(%dma_wait3A_98 : memref<40x64xi32, #tpu.memory_space<hbm>>) dst(%arg6 : memref<40x64xi32, #tpu.memory_space<vmem>>)
      tpu.yield
    }) : () -> ()
    %dma_start3A = arith.constant 0 : i32
    %dma_start3A_6 = arith.constant 0 : i32
    %dma_start3A_7 = arith.constant 0 : i32
    %dma_start3A_8 = tpu.memref_slice %arg7[%dma_start3A_6, %dma_start3A_7] : memref<256x128xf32, #tpu.memory_space<vmem>> -> memref<64x128xf32, #tpu.memory_space<vmem>>
    %dma_start3A_9 = arith.constant 0 : i32
    %dma_start3A_10 = tpu.memref_slice %arg5[%dma_start3A, %dma_start3A_9] : memref<40x64xi32, #tpu.memory_space<vmem>> -> memref<1x64xi32, #tpu.memory_space<vmem>>
    %dma_start3A_11 = tpu.memref_squeeze %dma_start3A_10 : memref<1x64xi32, #tpu.memory_space<vmem>> -> memref<64xi32, #tpu.memory_space<vmem>>
    %dma_start3A_12 = arith.constant 0 : i32
    %dma_start3A_13 = arith.constant 0 : i32
    %dma_start3A_14 = tpu.memref_slice %arg2[%dma_start3A_12, %dma_start3A_13] : memref<10000x128xf32, #tpu.memory_space<hbm>> -> memref<10000x128xf32, #tpu.memory_space<hbm>>
    tpu.enqueue_indirect_dma source(%dma_start3A_14 : memref<10000x128xf32, #tpu.memory_space<hbm>>) target(%dma_start3A_8 : memref<64x128xf32, #tpu.memory_space<vmem>>) offsets(%dma_start3A_11 : memref<64xi32, #tpu.memory_space<vmem>>) semaphore(%arg9 : memref<!tpu.dma_semaphore, #tpu.memory_space<semaphore_mem>>)
    %dma_start3A_15 = arith.constant 1 : i32
    %dma_start3A_16 = arith.constant 64 : i32
    %dma_start3A_17 = arith.constant 0 : i32
    %dma_start3A_18 = tpu.memref_slice %arg7[%dma_start3A_16, %dma_start3A_17] : memref<256x128xf32, #tpu.memory_space<vmem>> -> memref<64x128xf32, #tpu.memory_space<vmem>>
    %dma_start3A_19 = arith.constant 0 : i32
    %dma_start3A_20 = tpu.memref_slice %arg5[%dma_start3A_15, %dma_start3A_19] : memref<40x64xi32, #tpu.memory_space<vmem>> -> memref<1x64xi32, #tpu.memory_space<vmem>>
    %dma_start3A_21 = tpu.memref_squeeze %dma_start3A_20 : memref<1x64xi32, #tpu.memory_space<vmem>> -> memref<64xi32, #tpu.memory_space<vmem>>
    %dma_start3A_22 = arith.constant 0 : i32
    %dma_start3A_23 = arith.constant 0 : i32
    %dma_start3A_24 = tpu.memref_slice %arg2[%dma_start3A_22, %dma_start3A_23] : memref<10000x128xf32, #tpu.memory_space<hbm>> -> memref<10000x128xf32, #tpu.memory_space<hbm>>
    tpu.enqueue_indirect_dma source(%dma_start3A_24 : memref<10000x128xf32, #tpu.memory_space<hbm>>) target(%dma_start3A_18 : memref<64x128xf32, #tpu.memory_space<vmem>>) offsets(%dma_start3A_21 : memref<64xi32, #tpu.memory_space<vmem>>) semaphore(%arg10 : memref<!tpu.dma_semaphore, #tpu.memory_space<semaphore_mem>>)
    %scan3A = arith.constant 0 : i32
    %scan3A_25 = arith.constant 0 : i32
    %scan3A_26 = arith.constant 128 : i32
    %scan3A_27 = arith.addi %scan3A_25, %scan3A_26 : i32
    %scan3A_28 = arith.constant 1 : i32
    scf.for %scan3A_86 = %scan3A_25 to %scan3A_27 step %scan3A_28  : i32 {
      %broadcast_in_dim3A = arith.constant 0.000000e+00 : f32
      %broadcast_in_dim3A_87 = vector.broadcast %broadcast_in_dim3A : f32 to vector<16xf32>
      %add3A_88 = arith.constant 128 : i32
      %add3A_89 = arith.addi %add3A_88, %scan3A_86 : i32
      %swap3A = arith.index_cast %add3A_89 : i32 to index
      %swap3A_90 = arith.constant 0 : index
      %swap3A_91 = tpu.vector_load %arg7[%swap3A, %swap3A_90] {strides = array<i32>} : memref<256x128xf32, #tpu.memory_space<vmem>>, vector<1x16xf32>,
      %swap3A_92 = vector.shape_cast %swap3A_91 : vector<1x16xf32> to vector<16xf32>
      %swap3A_93 = vector.shape_cast %broadcast_in_dim3A_87 : vector<16xf32> to vector<1x16xf32>
      tpu.vector_store %arg7[%swap3A, %swap3A_90], %swap3A_93 {strides = array<i32>} : memref<256x128xf32, #tpu.memory_space<vmem>>, vector<1x16xf32>,
      %broadcast_in_dim3A_94 = arith.constant 0.000000e+00 : f32
      %broadcast_in_dim3A_95 = vector.broadcast %broadcast_in_dim3A_94 : f32 to vector<16xf32>
      %add3A_96 = arith.constant 128 : i32
      %add3A_97 = arith.addi %add3A_96, %scan3A_86 : i32
      %swap3A_98 = arith.index_cast %add3A_97 : i32 to index
      %swap3A_99 = arith.constant 16 : index
      %swap3A_100 = tpu.vector_load %arg7[%swap3A_98, %swap3A_99] {strides = array<i32>} : memref<256x128xf32, #tpu.memory_space<vmem>>, vector<1x16xf32>,
      %swap3A_101 = vector.shape_cast %swap3A_100 : vector<1x16xf32> to vector<16xf32>
      %swap3A_102 = vector.shape_cast %broadcast_in_dim3A_95 : vector<16xf32> to vector<1x16xf32>
      tpu.vector_store %arg7[%swap3A_98, %swap3A_99], %swap3A_102 {strides = array<i32>} : memref<256x128xf32, #tpu.memory_space<vmem>>, vector<1x16xf32>,
      %broadcast_in_dim3A_103 = arith.constant 0.000000e+00 : f32
      %broadcast_in_dim3A_104 = vector.broadcast %broadcast_in_dim3A_103 : f32 to vector<16xf32>
      %add3A_105 = arith.constant 128 : i32
      %add3A_106 = arith.addi %add3A_105, %scan3A_86 : i32
      %swap3A_107 = arith.index_cast %add3A_106 : i32 to index
      %swap3A_108 = arith.constant 32 : index
      %swap3A_109 = tpu.vector_load %arg7[%swap3A_107, %swap3A_108] {strides = array<i32>} : memref<256x128xf32, #tpu.memory_space<vmem>>, vector<1x16xf32>,
      %swap3A_110 = vector.shape_cast %swap3A_109 : vector<1x16xf32> to vector<16xf32>
      %swap3A_111 = vector.shape_cast %broadcast_in_dim3A_104 : vector<16xf32> to vector<1x16xf32>
      tpu.vector_store %arg7[%swap3A_107, %swap3A_108], %swap3A_111 {strides = array<i32>} : memref<256x128xf32, #tpu.memory_space<vmem>>, vector<1x16xf32>,
      %broadcast_in_dim3A_112 = arith.constant 0.000000e+00 : f32
      %broadcast_in_dim3A_113 = vector.broadcast %broadcast_in_dim3A_112 : f32 to vector<16xf32>
      %add3A_114 = arith.constant 128 : i32
      %add3A_115 = arith.addi %add3A_114, %scan3A_86 : i32
      %swap3A_116 = arith.index_cast %add3A_115 : i32 to index
      %swap3A_117 = arith.constant 48 : index
      %swap3A_118 = tpu.vector_load %arg7[%swap3A_116, %swap3A_117] {strides = array<i32>} : memref<256x128xf32, #tpu.memory_space<vmem>>, vector<1x16xf32>,
      %swap3A_119 = vector.shape_cast %swap3A_118 : vector<1x16xf32> to vector<16xf32>
      %swap3A_120 = vector.shape_cast %broadcast_in_dim3A_113 : vector<16xf32> to vector<1x16xf32>
      tpu.vector_store %arg7[%swap3A_116, %swap3A_117], %swap3A_120 {strides = array<i32>} : memref<256x128xf32, #tpu.memory_space<vmem>>, vector<1x16xf32>,
      %broadcast_in_dim3A_121 = arith.constant 0.000000e+00 : f32
      %broadcast_in_dim3A_122 = vector.broadcast %broadcast_in_dim3A_121 : f32 to vector<16xf32>
      %add3A_123 = arith.constant 128 : i32
      %add3A_124 = arith.addi %add3A_123, %scan3A_86 : i32
      %swap3A_125 = arith.index_cast %add3A_124 : i32 to index
      %swap3A_126 = arith.constant 64 : index
      %swap3A_127 = tpu.vector_load %arg7[%swap3A_125, %swap3A_126] {strides = array<i32>} : memref<256x128xf32, #tpu.memory_space<vmem>>, vector<1x16xf32>,
      %swap3A_128 = vector.shape_cast %swap3A_127 : vector<1x16xf32> to vector<16xf32>
      %swap3A_129 = vector.shape_cast %broadcast_in_dim3A_122 : vector<16xf32> to vector<1x16xf32>
      tpu.vector_store %arg7[%swap3A_125, %swap3A_126], %swap3A_129 {strides = array<i32>} : memref<256x128xf32, #tpu.memory_space<vmem>>, vector<1x16xf32>,
      %broadcast_in_dim3A_130 = arith.constant 0.000000e+00 : f32
      %broadcast_in_dim3A_131 = vector.broadcast %broadcast_in_dim3A_130 : f32 to vector<16xf32>
      %add3A_132 = arith.constant 128 : i32
      %add3A_133 = arith.addi %add3A_132, %scan3A_86 : i32
      %swap3A_134 = arith.index_cast %add3A_133 : i32 to index
      %swap3A_135 = arith.constant 80 : index
      %swap3A_136 = tpu.vector_load %arg7[%swap3A_134, %swap3A_135] {strides = array<i32>} : memref<256x128xf32, #tpu.memory_space<vmem>>, vector<1x16xf32>,
      %swap3A_137 = vector.shape_cast %swap3A_136 : vector<1x16xf32> to vector<16xf32>
      %swap3A_138 = vector.shape_cast %broadcast_in_dim3A_131 : vector<16xf32> to vector<1x16xf32>
      tpu.vector_store %arg7[%swap3A_134, %swap3A_135], %swap3A_138 {strides = array<i32>} : memref<256x128xf32, #tpu.memory_space<vmem>>, vector<1x16xf32>,
      %broadcast_in_dim3A_139 = arith.constant 0.000000e+00 : f32
      %broadcast_in_dim3A_140 = vector.broadcast %broadcast_in_dim3A_139 : f32 to vector<16xf32>
      %add3A_141 = arith.constant 128 : i32
      %add3A_142 = arith.addi %add3A_141, %scan3A_86 : i32
      %swap3A_143 = arith.index_cast %add3A_142 : i32 to index
      %swap3A_144 = arith.constant 96 : index
      %swap3A_145 = tpu.vector_load %arg7[%swap3A_143, %swap3A_144] {strides = array<i32>} : memref<256x128xf32, #tpu.memory_space<vmem>>, vector<1x16xf32>,
      %swap3A_146 = vector.shape_cast %swap3A_145 : vector<1x16xf32> to vector<16xf32>
      %swap3A_147 = vector.shape_cast %broadcast_in_dim3A_140 : vector<16xf32> to vector<1x16xf32>
      tpu.vector_store %arg7[%swap3A_143, %swap3A_144], %swap3A_147 {strides = array<i32>} : memref<256x128xf32, #tpu.memory_space<vmem>>, vector<1x16xf32>,
      %broadcast_in_dim3A_148 = arith.constant 0.000000e+00 : f32
      %broadcast_in_dim3A_149 = vector.broadcast %broadcast_in_dim3A_148 : f32 to vector<16xf32>
      %add3A_150 = arith.constant 128 : i32
      %add3A_151 = arith.addi %add3A_150, %scan3A_86 : i32
      %swap3A_152 = arith.index_cast %add3A_151 : i32 to index
      %swap3A_153 = arith.constant 112 : index
      %swap3A_154 = tpu.vector_load %arg7[%swap3A_152, %swap3A_153] {strides = array<i32>} : memref<256x128xf32, #tpu.memory_space<vmem>>, vector<1x16xf32>,
      %swap3A_155 = vector.shape_cast %swap3A_154 : vector<1x16xf32> to vector<16xf32>
      %swap3A_156 = vector.shape_cast %broadcast_in_dim3A_149 : vector<16xf32> to vector<1x16xf32>
      tpu.vector_store %arg7[%swap3A_152, %swap3A_153], %swap3A_156 {strides = array<i32>} : memref<256x128xf32, #tpu.memory_space<vmem>>, vector<1x16xf32>,
    }
    %scan3A_29 = arith.constant 128 : i32
    %mul3A_30 = arith.constant 640 : i32
    %mul3A_31 = arith.muli %arg1, %mul3A_30 : i32
    %add3A_32 = arith.constant 0 : i32
    %add3A_33 = arith.addi %mul3A_31, %add3A_32 : i32
    "tpu.region"() ({
      %run_scoped3A_86 = tpu.sem_alloc : memref<!tpu.dma_semaphore, #tpu.memory_space<semaphore_mem>>
      %dma_start3A_87 = arith.constant 128 : i32
      %dma_start3A_88 = arith.constant 0 : i32
      %dma_start3A_89 = tpu.memref_slice %arg7[%dma_start3A_87, %dma_start3A_88] : memref<256x128xf32, #tpu.memory_space<vmem>> -> memref<128x128xf32, #tpu.memory_space<vmem>>
      %dma_start3A_90 = arith.constant 0 : i32
      %dma_start3A_91 = tpu.memref_slice %arg8[%add3A_33, %dma_start3A_90] : memref<10240x128xf32, #tpu.memory_space<vmem_shared>> -> memref<128x128xf32, #tpu.memory_space<vmem_shared>>
      %dma_start3A_92 = arith.constant 0 : i32
      %dma_start3A_93 = tpu.memref_slice %arg8[%add3A_33, %dma_start3A_92] : memref<10240x128xf32, #tpu.memory_space<vmem_shared>> -> memref<128x128xf32, #tpu.memory_space<vmem_shared>>
      %dma_start3A_94 = arith.constant 128 : i32
      %dma_start3A_95 = arith.constant 0 : i32
      %dma_start3A_96 = tpu.memref_slice %arg7[%dma_start3A_94, %dma_start3A_95] : memref<256x128xf32, #tpu.memory_space<vmem>> -> memref<128x128xf32, #tpu.memory_space<vmem>>
      tpu.enqueue_dma source(%dma_start3A_96 : memref<128x128xf32, #tpu.memory_space<vmem>>) target(%dma_start3A_93 : memref<128x128xf32, #tpu.memory_space<vmem_shared>>) target_semaphore(%run_scoped3A_86 : memref<!tpu.dma_semaphore, #tpu.memory_space<semaphore_mem>>)
      %dma_wait3A_97 = arith.constant 128 : i32
      %dma_wait3A_98 = arith.constant 0 : i32
      %dma_wait3A_99 = tpu.memref_slice %arg7[%dma_wait3A_97, %dma_wait3A_98] : memref<256x128xf32, #tpu.memory_space<vmem>> -> memref<128x128xf32, #tpu.memory_space<vmem>>
      %dma_wait3A_100 = arith.constant 0 : i32
      %dma_wait3A_101 = tpu.memref_slice %arg8[%add3A_33, %dma_wait3A_100] : memref<10240x128xf32, #tpu.memory_space<vmem_shared>> -> memref<128x128xf32, #tpu.memory_space<vmem_shared>>
      %dma_wait3A_102 = arith.constant 0 : i32
      %dma_wait3A_103 = tpu.memref_slice %arg8[%add3A_33, %dma_wait3A_102] : memref<10240x128xf32, #tpu.memory_space<vmem_shared>> -> memref<128x128xf32, #tpu.memory_space<vmem_shared>>
      %dma_wait3A_104 = arith.constant 128 : i32
      %dma_wait3A_105 = arith.constant 0 : i32
      %dma_wait3A_106 = tpu.memref_slice %arg7[%dma_wait3A_104, %dma_wait3A_105] : memref<256x128xf32, #tpu.memory_space<vmem>> -> memref<128x128xf32, #tpu.memory_space<vmem>>
      tpu.wait_dma2 semaphore(%run_scoped3A_86 : memref<!tpu.dma_semaphore, #tpu.memory_space<semaphore_mem>>) src(%dma_wait3A_106 : memref<128x128xf32, #tpu.memory_space<vmem>>) dst(%dma_wait3A_103 : memref<128x128xf32, #tpu.memory_space<vmem_shared>>)
      tpu.yield
    }) : () -> ()
    %mul3A_34 = arith.constant 640 : i32
    %mul3A_35 = arith.muli %arg1, %mul3A_34 : i32
    %add3A_36 = arith.constant 128 : i32
    %add3A_37 = arith.addi %mul3A_35, %add3A_36 : i32
    "tpu.region"() ({
      %run_scoped3A_86 = tpu.sem_alloc : memref<!tpu.dma_semaphore, #tpu.memory_space<semaphore_mem>>
      %dma_start3A_87 = arith.constant 128 : i32
      %dma_start3A_88 = arith.constant 0 : i32
      %dma_start3A_89 = tpu.memref_slice %arg7[%dma_start3A_87, %dma_start3A_88] : memref<256x128xf32, #tpu.memory_space<vmem>> -> memref<128x128xf32, #tpu.memory_space<vmem>>
      %dma_start3A_90 = arith.constant 0 : i32
      %dma_start3A_91 = tpu.memref_slice %arg8[%add3A_37, %dma_start3A_90] : memref<10240x128xf32, #tpu.memory_space<vmem_shared>> -> memref<128x128xf32, #tpu.memory_space<vmem_shared>>
      %dma_start3A_92 = arith.constant 0 : i32
      %dma_start3A_93 = tpu.memref_slice %arg8[%add3A_37, %dma_start3A_92] : memref<10240x128xf32, #tpu.memory_space<vmem_shared>> -> memref<128x128xf32, #tpu.memory_space<vmem_shared>>
      %dma_start3A_94 = arith.constant 128 : i32
      %dma_start3A_95 = arith.constant 0 : i32
      %dma_start3A_96 = tpu.memref_slice %arg7[%dma_start3A_94, %dma_start3A_95] : memref<256x128xf32, #tpu.memory_space<vmem>> -> memref<128x128xf32, #tpu.memory_space<vmem>>
      tpu.enqueue_dma source(%dma_start3A_96 : memref<128x128xf32, #tpu.memory_space<vmem>>) target(%dma_start3A_93 : memref<128x128xf32, #tpu.memory_space<vmem_shared>>) target_semaphore(%run_scoped3A_86 : memref<!tpu.dma_semaphore, #tpu.memory_space<semaphore_mem>>)
      %dma_wait3A_97 = arith.constant 128 : i32
      %dma_wait3A_98 = arith.constant 0 : i32
      %dma_wait3A_99 = tpu.memref_slice %arg7[%dma_wait3A_97, %dma_wait3A_98] : memref<256x128xf32, #tpu.memory_space<vmem>> -> memref<128x128xf32, #tpu.memory_space<vmem>>
      %dma_wait3A_100 = arith.constant 0 : i32
      %dma_wait3A_101 = tpu.memref_slice %arg8[%add3A_37, %dma_wait3A_100] : memref<10240x128xf32, #tpu.memory_space<vmem_shared>> -> memref<128x128xf32, #tpu.memory_space<vmem_shared>>
      %dma_wait3A_102 = arith.constant 0 : i32
      %dma_wait3A_103 = tpu.memref_slice %arg8[%add3A_37, %dma_wait3A_102] : memref<10240x128xf32, #tpu.memory_space<vmem_shared>> -> memref<128x128xf32, #tpu.memory_space<vmem_shared>>
      %dma_wait3A_104 = arith.constant 128 : i32
      %dma_wait3A_105 = arith.constant 0 : i32
      %dma_wait3A_106 = tpu.memref_slice %arg7[%dma_wait3A_104, %dma_wait3A_105] : memref<256x128xf32, #tpu.memory_space<vmem>> -> memref<128x128xf32, #tpu.memory_space<vmem>>
      tpu.wait_dma2 semaphore(%run_scoped3A_86 : memref<!tpu.dma_semaphore, #tpu.memory_space<semaphore_mem>>) src(%dma_wait3A_106 : memref<128x128xf32, #tpu.memory_space<vmem>>) dst(%dma_wait3A_103 : memref<128x128xf32, #tpu.memory_space<vmem_shared>>)
      tpu.yield
    }) : () -> ()
    %mul3A_38 = arith.constant 640 : i32
    %mul3A_39 = arith.muli %arg1, %mul3A_38 : i32
    %add3A_40 = arith.constant 256 : i32
    %add3A_41 = arith.addi %mul3A_39, %add3A_40 : i32
    "tpu.region"() ({
      %run_scoped3A_86 = tpu.sem_alloc : memref<!tpu.dma_semaphore, #tpu.memory_space<semaphore_mem>>
      %dma_start3A_87 = arith.constant 128 : i32
      %dma_start3A_88 = arith.constant 0 : i32
      %dma_start3A_89 = tpu.memref_slice %arg7[%dma_start3A_87, %dma_start3A_88] : memref<256x128xf32, #tpu.memory_space<vmem>> -> memref<128x128xf32, #tpu.memory_space<vmem>>
      %dma_start3A_90 = arith.constant 0 : i32
      %dma_start3A_91 = tpu.memref_slice %arg8[%add3A_41, %dma_start3A_90] : memref<10240x128xf32, #tpu.memory_space<vmem_shared>> -> memref<128x128xf32, #tpu.memory_space<vmem_shared>>
      %dma_start3A_92 = arith.constant 0 : i32
      %dma_start3A_93 = tpu.memref_slice %arg8[%add3A_41, %dma_start3A_92] : memref<10240x128xf32, #tpu.memory_space<vmem_shared>> -> memref<128x128xf32, #tpu.memory_space<vmem_shared>>
      %dma_start3A_94 = arith.constant 128 : i32
      %dma_start3A_95 = arith.constant 0 : i32
      %dma_start3A_96 = tpu.memref_slice %arg7[%dma_start3A_94, %dma_start3A_95] : memref<256x128xf32, #tpu.memory_space<vmem>> -> memref<128x128xf32, #tpu.memory_space<vmem>>
      tpu.enqueue_dma source(%dma_start3A_96 : memref<128x128xf32, #tpu.memory_space<vmem>>) target(%dma_start3A_93 : memref<128x128xf32, #tpu.memory_space<vmem_shared>>) target_semaphore(%run_scoped3A_86 : memref<!tpu.dma_semaphore, #tpu.memory_space<semaphore_mem>>)
      %dma_wait3A_97 = arith.constant 128 : i32
      %dma_wait3A_98 = arith.constant 0 : i32
      %dma_wait3A_99 = tpu.memref_slice %arg7[%dma_wait3A_97, %dma_wait3A_98] : memref<256x128xf32, #tpu.memory_space<vmem>> -> memref<128x128xf32, #tpu.memory_space<vmem>>
      %dma_wait3A_100 = arith.constant 0 : i32
      %dma_wait3A_101 = tpu.memref_slice %arg8[%add3A_41, %dma_wait3A_100] : memref<10240x128xf32, #tpu.memory_space<vmem_shared>> -> memref<128x128xf32, #tpu.memory_space<vmem_shared>>
      %dma_wait3A_102 = arith.constant 0 : i32
      %dma_wait3A_103 = tpu.memref_slice %arg8[%add3A_41, %dma_wait3A_102] : memref<10240x128xf32, #tpu.memory_space<vmem_shared>> -> memref<128x128xf32, #tpu.memory_space<vmem_shared>>
      %dma_wait3A_104 = arith.constant 128 : i32
      %dma_wait3A_105 = arith.constant 0 : i32
      %dma_wait3A_106 = tpu.memref_slice %arg7[%dma_wait3A_104, %dma_wait3A_105] : memref<256x128xf32, #tpu.memory_space<vmem>> -> memref<128x128xf32, #tpu.memory_space<vmem>>
      tpu.wait_dma2 semaphore(%run_scoped3A_86 : memref<!tpu.dma_semaphore, #tpu.memory_space<semaphore_mem>>) src(%dma_wait3A_106 : memref<128x128xf32, #tpu.memory_space<vmem>>) dst(%dma_wait3A_103 : memref<128x128xf32, #tpu.memory_space<vmem_shared>>)
      tpu.yield
    }) : () -> ()
    %mul3A_42 = arith.constant 640 : i32
    %mul3A_43 = arith.muli %arg1, %mul3A_42 : i32
    %add3A_44 = arith.constant 384 : i32
    %add3A_45 = arith.addi %mul3A_43, %add3A_44 : i32
    "tpu.region"() ({
      %run_scoped3A_86 = tpu.sem_alloc : memref<!tpu.dma_semaphore, #tpu.memory_space<semaphore_mem>>
      %dma_start3A_87 = arith.constant 128 : i32
      %dma_start3A_88 = arith.constant 0 : i32
      %dma_start3A_89 = tpu.memref_slice %arg7[%dma_start3A_87, %dma_start3A_88] : memref<256x128xf32, #tpu.memory_space<vmem>> -> memref<128x128xf32, #tpu.memory_space<vmem>>
      %dma_start3A_90 = arith.constant 0 : i32
      %dma_start3A_91 = tpu.memref_slice %arg8[%add3A_45, %dma_start3A_90] : memref<10240x128xf32, #tpu.memory_space<vmem_shared>> -> memref<128x128xf32, #tpu.memory_space<vmem_shared>>
      %dma_start3A_92 = arith.constant 0 : i32
      %dma_start3A_93 = tpu.memref_slice %arg8[%add3A_45, %dma_start3A_92] : memref<10240x128xf32, #tpu.memory_space<vmem_shared>> -> memref<128x128xf32, #tpu.memory_space<vmem_shared>>
      %dma_start3A_94 = arith.constant 128 : i32
      %dma_start3A_95 = arith.constant 0 : i32
      %dma_start3A_96 = tpu.memref_slice %arg7[%dma_start3A_94, %dma_start3A_95] : memref<256x128xf32, #tpu.memory_space<vmem>> -> memref<128x128xf32, #tpu.memory_space<vmem>>
      tpu.enqueue_dma source(%dma_start3A_96 : memref<128x128xf32, #tpu.memory_space<vmem>>) target(%dma_start3A_93 : memref<128x128xf32, #tpu.memory_space<vmem_shared>>) target_semaphore(%run_scoped3A_86 : memref<!tpu.dma_semaphore, #tpu.memory_space<semaphore_mem>>)
      %dma_wait3A_97 = arith.constant 128 : i32
      %dma_wait3A_98 = arith.constant 0 : i32
      %dma_wait3A_99 = tpu.memref_slice %arg7[%dma_wait3A_97, %dma_wait3A_98] : memref<256x128xf32, #tpu.memory_space<vmem>> -> memref<128x128xf32, #tpu.memory_space<vmem>>
      %dma_wait3A_100 = arith.constant 0 : i32
      %dma_wait3A_101 = tpu.memref_slice %arg8[%add3A_45, %dma_wait3A_100] : memref<10240x128xf32, #tpu.memory_space<vmem_shared>> -> memref<128x128xf32, #tpu.memory_space<vmem_shared>>
      %dma_wait3A_102 = arith.constant 0 : i32
      %dma_wait3A_103 = tpu.memref_slice %arg8[%add3A_45, %dma_wait3A_102] : memref<10240x128xf32, #tpu.memory_space<vmem_shared>> -> memref<128x128xf32, #tpu.memory_space<vmem_shared>>
      %dma_wait3A_104 = arith.constant 128 : i32
      %dma_wait3A_105 = arith.constant 0 : i32
      %dma_wait3A_106 = tpu.memref_slice %arg7[%dma_wait3A_104, %dma_wait3A_105] : memref<256x128xf32, #tpu.memory_space<vmem>> -> memref<128x128xf32, #tpu.memory_space<vmem>>
      tpu.wait_dma2 semaphore(%run_scoped3A_86 : memref<!tpu.dma_semaphore, #tpu.memory_space<semaphore_mem>>) src(%dma_wait3A_106 : memref<128x128xf32, #tpu.memory_space<vmem>>) dst(%dma_wait3A_103 : memref<128x128xf32, #tpu.memory_space<vmem_shared>>)
      tpu.yield
    }) : () -> ()
    %mul3A_46 = arith.constant 640 : i32
    %mul3A_47 = arith.muli %arg1, %mul3A_46 : i32
    %add3A_48 = arith.constant 512 : i32
    %add3A_49 = arith.addi %mul3A_47, %add3A_48 : i32
    "tpu.region"() ({
      %run_scoped3A_86 = tpu.sem_alloc : memref<!tpu.dma_semaphore, #tpu.memory_space<semaphore_mem>>
      %dma_start3A_87 = arith.constant 128 : i32
      %dma_start3A_88 = arith.constant 0 : i32
      %dma_start3A_89 = tpu.memref_slice %arg7[%dma_start3A_87, %dma_start3A_88] : memref<256x128xf32, #tpu.memory_space<vmem>> -> memref<128x128xf32, #tpu.memory_space<vmem>>
      %dma_start3A_90 = arith.constant 0 : i32
      %dma_start3A_91 = tpu.memref_slice %arg8[%add3A_49, %dma_start3A_90] : memref<10240x128xf32, #tpu.memory_space<vmem_shared>> -> memref<128x128xf32, #tpu.memory_space<vmem_shared>>
      %dma_start3A_92 = arith.constant 0 : i32
      %dma_start3A_93 = tpu.memref_slice %arg8[%add3A_49, %dma_start3A_92] : memref<10240x128xf32, #tpu.memory_space<vmem_shared>> -> memref<128x128xf32, #tpu.memory_space<vmem_shared>>
      %dma_start3A_94 = arith.constant 128 : i32
      %dma_start3A_95 = arith.constant 0 : i32
      %dma_start3A_96 = tpu.memref_slice %arg7[%dma_start3A_94, %dma_start3A_95] : memref<256x128xf32, #tpu.memory_space<vmem>> -> memref<128x128xf32, #tpu.memory_space<vmem>>
      tpu.enqueue_dma source(%dma_start3A_96 : memref<128x128xf32, #tpu.memory_space<vmem>>) target(%dma_start3A_93 : memref<128x128xf32, #tpu.memory_space<vmem_shared>>) target_semaphore(%run_scoped3A_86 : memref<!tpu.dma_semaphore, #tpu.memory_space<semaphore_mem>>)
      %dma_wait3A_97 = arith.constant 128 : i32
      %dma_wait3A_98 = arith.constant 0 : i32
      %dma_wait3A_99 = tpu.memref_slice %arg7[%dma_wait3A_97, %dma_wait3A_98] : memref<256x128xf32, #tpu.memory_space<vmem>> -> memref<128x128xf32, #tpu.memory_space<vmem>>
      %dma_wait3A_100 = arith.constant 0 : i32
      %dma_wait3A_101 = tpu.memref_slice %arg8[%add3A_49, %dma_wait3A_100] : memref<10240x128xf32, #tpu.memory_space<vmem_shared>> -> memref<128x128xf32, #tpu.memory_space<vmem_shared>>
      %dma_wait3A_102 = arith.constant 0 : i32
      %dma_wait3A_103 = tpu.memref_slice %arg8[%add3A_49, %dma_wait3A_102] : memref<10240x128xf32, #tpu.memory_space<vmem_shared>> -> memref<128x128xf32, #tpu.memory_space<vmem_shared>>
      %dma_wait3A_104 = arith.constant 128 : i32
      %dma_wait3A_105 = arith.constant 0 : i32
      %dma_wait3A_106 = tpu.memref_slice %arg7[%dma_wait3A_104, %dma_wait3A_105] : memref<256x128xf32, #tpu.memory_space<vmem>> -> memref<128x128xf32, #tpu.memory_space<vmem>>
      tpu.wait_dma2 semaphore(%run_scoped3A_86 : memref<!tpu.dma_semaphore, #tpu.memory_space<semaphore_mem>>) src(%dma_wait3A_106 : memref<128x128xf32, #tpu.memory_space<vmem>>) dst(%dma_wait3A_103 : memref<128x128xf32, #tpu.memory_space<vmem_shared>>)
      tpu.yield
    }) : () -> ()
    %barrier3A = arith.constant 0 : index
    tpu.barrier barrier_id(%barrier3A)
    %while3A = arith.constant 0 : i32
    %while3A_50 = arith.constant 0 : i32
    %while3A_51 = arith.subi %select_n3A, %while3A_50 : i32
    %while3A_52 = arith.addi %while3A_50, %while3A_51 : i32
    %while3A_53 = arith.constant 1 : i32
    %while3A_54 = arith.divsi %while3A_51, %while3A_53 : i32
    %while3A_55 = arith.muli %while3A_54, %while3A_53 : i32
    %while3A_56 = arith.addi %while3A_50, %while3A_55 : i32
    %while3A_57 = arith.constant 1 : i32
    scf.for %while3A_86 = %while3A_50 to %while3A_56 step %while3A_57  : i32 {
      %gt3A = arith.constant 0 : i32
      %gt3A_87 = arith.cmpi sgt, %while3A_86, %gt3A : i32
      %convert_element_type3A_88 = arith.extui %gt3A_87 : i1 to i32
      %cond3A_89 = arith.constant 0 : i32
      %cond3A_90 = arith.cmpi ne, %convert_element_type3A_88, %cond3A_89 : i32
      scf.if %cond3A_90 {
        %dma_wait3A_97 = arith.constant 0 : i32
        %dma_wait3A_98 = arith.constant 128 : i32
        %dma_wait3A_99 = arith.constant 0 : i32
        %dma_wait3A_100 = tpu.memref_slice %arg7[%dma_wait3A_98, %dma_wait3A_99] : memref<256x128xf32, #tpu.memory_space<vmem>> -> memref<64x128xf32, #tpu.memory_space<vmem>>
        %dma_wait3A_101 = arith.constant 0 : i32
        %dma_wait3A_102 = tpu.memref_slice %arg6[%dma_wait3A_97, %dma_wait3A_101] : memref<40x64xi32, #tpu.memory_space<vmem>> -> memref<1x64xi32, #tpu.memory_space<vmem>>
        %dma_wait3A_103 = tpu.memref_squeeze %dma_wait3A_102 : memref<1x64xi32, #tpu.memory_space<vmem>> -> memref<64xi32, #tpu.memory_space<vmem>>
        %dma_wait3A_104 = arith.constant 0 : i32
        %dma_wait3A_105 = arith.constant 0 : i32
        %dma_wait3A_106 = tpu.memref_slice %arg8[%dma_wait3A_104, %dma_wait3A_105] : memref<10240x128xf32, #tpu.memory_space<vmem_shared>> -> memref<10240x128xf32, #tpu.memory_space<vmem_shared>>
        tpu.wait_indirect_dma semaphore(%arg15 : memref<!tpu.dma_semaphore, #tpu.memory_space<semaphore_mem>>) src(%dma_wait3A_100 : memref<64x128xf32, #tpu.memory_space<vmem>>) dst(%dma_wait3A_106 : memref<10240x128xf32, #tpu.memory_space<vmem_shared>>)
        %dma_wait3A_107 = arith.constant 0 : i32
        %dma_wait3A_108 = arith.constant 192 : i32
        %dma_wait3A_109 = arith.constant 0 : i32
        %dma_wait3A_110 = tpu.memref_slice %arg7[%dma_wait3A_108, %dma_wait3A_109] : memref<256x128xf32, #tpu.memory_space<vmem>> -> memref<64x128xf32, #tpu.memory_space<vmem>>
        %dma_wait3A_111 = arith.constant 0 : i32
        %dma_wait3A_112 = tpu.memref_slice %arg6[%dma_wait3A_107, %dma_wait3A_111] : memref<40x64xi32, #tpu.memory_space<vmem>> -> memref<1x64xi32, #tpu.memory_space<vmem>>
        %dma_wait3A_113 = tpu.memref_squeeze %dma_wait3A_112 : memref<1x64xi32, #tpu.memory_space<vmem>> -> memref<64xi32, #tpu.memory_space<vmem>>
        %dma_wait3A_114 = arith.constant 0 : i32
        %dma_wait3A_115 = arith.constant 0 : i32
        %dma_wait3A_116 = tpu.memref_slice %arg8[%dma_wait3A_114, %dma_wait3A_115] : memref<10240x128xf32, #tpu.memory_space<vmem_shared>> -> memref<10240x128xf32, #tpu.memory_space<vmem_shared>>
        tpu.wait_indirect_dma semaphore(%arg16 : memref<!tpu.dma_semaphore, #tpu.memory_space<semaphore_mem>>) src(%dma_wait3A_110 : memref<64x128xf32, #tpu.memory_space<vmem>>) dst(%dma_wait3A_116 : memref<10240x128xf32, #tpu.memory_space<vmem_shared>>)
        %mul3A_117 = arith.constant 160 : i32
        %mul3A_118 = arith.muli %add3A, %mul3A_117 : i32
        %mul3A_119 = arith.constant 40 : i32
        %mul3A_120 = arith.muli %while3A_86, %mul3A_119 : i32
        %add3A_121 = arith.addi %mul3A_118, %mul3A_120 : i32
        %run_scoped3A_122 = arith.constant 0 : i32
        "tpu.region"() ({
          %run_scoped3A_144 = tpu.sem_alloc : memref<!tpu.dma_semaphore, #tpu.memory_space<semaphore_mem>>
          %dma_start3A_145 = arith.constant 0 : i32
          %dma_start3A_146 = tpu.memref_slice %arg3[%run_scoped3A_122, %add3A_121, %dma_start3A_145] : memref<2x5000x64xi32, #tpu.memory_space<hbm>> -> memref<1x40x64xi32, #tpu.memory_space<hbm>>
          %dma_start3A_147 = tpu.memref_squeeze %dma_start3A_146 : memref<1x40x64xi32, #tpu.memory_space<hbm>> -> memref<40x64xi32, #tpu.memory_space<hbm>>
          %dma_start3A_148 = arith.constant 0 : i32
          %dma_start3A_149 = tpu.memref_slice %arg3[%run_scoped3A_122, %add3A_121, %dma_start3A_148] : memref<2x5000x64xi32, #tpu.memory_space<hbm>> -> memref<1x40x64xi32, #tpu.memory_space<hbm>>
          %dma_start3A_150 = tpu.memref_squeeze %dma_start3A_149 : memref<1x40x64xi32, #tpu.memory_space<hbm>> -> memref<40x64xi32, #tpu.memory_space<hbm>>
          tpu.enqueue_dma source(%dma_start3A_150 : memref<40x64xi32, #tpu.memory_space<hbm>>) target(%arg5 : memref<40x64xi32, #tpu.memory_space<vmem>>) target_semaphore(%run_scoped3A_144 : memref<!tpu.dma_semaphore, #tpu.memory_space<semaphore_mem>>)
          %dma_wait3A_151 = arith.constant 0 : i32
          %dma_wait3A_152 = tpu.memref_slice %arg3[%run_scoped3A_122, %add3A_121, %dma_wait3A_151] : memref<2x5000x64xi32, #tpu.memory_space<hbm>> -> memref<1x40x64xi32, #tpu.memory_space<hbm>>
          %dma_wait3A_153 = tpu.memref_squeeze %dma_wait3A_152 : memref<1x40x64xi32, #tpu.memory_space<hbm>> -> memref<40x64xi32, #tpu.memory_space<hbm>>
          %dma_wait3A_154 = arith.constant 0 : i32
          %dma_wait3A_155 = tpu.memref_slice %arg3[%run_scoped3A_122, %add3A_121, %dma_wait3A_154] : memref<2x5000x64xi32, #tpu.memory_space<hbm>> -> memref<1x40x64xi32, #tpu.memory_space<hbm>>
          %dma_wait3A_156 = tpu.memref_squeeze %dma_wait3A_155 : memref<1x40x64xi32, #tpu.memory_space<hbm>> -> memref<40x64xi32, #tpu.memory_space<hbm>>
          tpu.wait_dma2 semaphore(%run_scoped3A_144 : memref<!tpu.dma_semaphore, #tpu.memory_space<semaphore_mem>>) src(%dma_wait3A_156 : memref<40x64xi32, #tpu.memory_space<hbm>>) dst(%arg5 : memref<40x64xi32, #tpu.memory_space<vmem>>)
          tpu.yield
        }) : () -> ()
        %run_scoped3A_123 = arith.constant 1 : i32
        "tpu.region"() ({
          %run_scoped3A_144 = tpu.sem_alloc : memref<!tpu.dma_semaphore, #tpu.memory_space<semaphore_mem>>
          %dma_start3A_145 = arith.constant 0 : i32
          %dma_start3A_146 = tpu.memref_slice %arg3[%run_scoped3A_123, %add3A_121, %dma_start3A_145] : memref<2x5000x64xi32, #tpu.memory_space<hbm>> -> memref<1x40x64xi32, #tpu.memory_space<hbm>>
          %dma_start3A_147 = tpu.memref_squeeze %dma_start3A_146 : memref<1x40x64xi32, #tpu.memory_space<hbm>> -> memref<40x64xi32, #tpu.memory_space<hbm>>
          %dma_start3A_148 = arith.constant 0 : i32
          %dma_start3A_149 = tpu.memref_slice %arg3[%run_scoped3A_123, %add3A_121, %dma_start3A_148] : memref<2x5000x64xi32, #tpu.memory_space<hbm>> -> memref<1x40x64xi32, #tpu.memory_space<hbm>>
          %dma_start3A_150 = tpu.memref_squeeze %dma_start3A_149 : memref<1x40x64xi32, #tpu.memory_space<hbm>> -> memref<40x64xi32, #tpu.memory_space<hbm>>
          tpu.enqueue_dma source(%dma_start3A_150 : memref<40x64xi32, #tpu.memory_space<hbm>>) target(%arg6 : memref<40x64xi32, #tpu.memory_space<vmem>>) target_semaphore(%run_scoped3A_144 : memref<!tpu.dma_semaphore, #tpu.memory_space<semaphore_mem>>)
          %dma_wait3A_151 = arith.constant 0 : i32
          %dma_wait3A_152 = tpu.memref_slice %arg3[%run_scoped3A_123, %add3A_121, %dma_wait3A_151] : memref<2x5000x64xi32, #tpu.memory_space<hbm>> -> memref<1x40x64xi32, #tpu.memory_space<hbm>>
          %dma_wait3A_153 = tpu.memref_squeeze %dma_wait3A_152 : memref<1x40x64xi32, #tpu.memory_space<hbm>> -> memref<40x64xi32, #tpu.memory_space<hbm>>
          %dma_wait3A_154 = arith.constant 0 : i32
          %dma_wait3A_155 = tpu.memref_slice %arg3[%run_scoped3A_123, %add3A_121, %dma_wait3A_154] : memref<2x5000x64xi32, #tpu.memory_space<hbm>> -> memref<1x40x64xi32, #tpu.memory_space<hbm>>
          %dma_wait3A_156 = tpu.memref_squeeze %dma_wait3A_155 : memref<1x40x64xi32, #tpu.memory_space<hbm>> -> memref<40x64xi32, #tpu.memory_space<hbm>>
          tpu.wait_dma2 semaphore(%run_scoped3A_144 : memref<!tpu.dma_semaphore, #tpu.memory_space<semaphore_mem>>) src(%dma_wait3A_156 : memref<40x64xi32, #tpu.memory_space<hbm>>) dst(%arg6 : memref<40x64xi32, #tpu.memory_space<vmem>>)
          tpu.yield
        }) : () -> ()
        %dma_start3A_124 = arith.constant 0 : i32
        %dma_start3A_125 = arith.constant 0 : i32
        %dma_start3A_126 = arith.constant 0 : i32
        %dma_start3A_127 = tpu.memref_slice %arg7[%dma_start3A_125, %dma_start3A_126] : memref<256x128xf32, #tpu.memory_space<vmem>> -> memref<64x128xf32, #tpu.memory_space<vmem>>
        %dma_start3A_128 = arith.constant 0 : i32
        %dma_start3A_129 = tpu.memref_slice %arg5[%dma_start3A_124, %dma_start3A_128] : memref<40x64xi32, #tpu.memory_space<vmem>> -> memref<1x64xi32, #tpu.memory_space<vmem>>
        %dma_start3A_130 = tpu.memref_squeeze %dma_start3A_129 : memref<1x64xi32, #tpu.memory_space<vmem>> -> memref<64xi32, #tpu.memory_space<vmem>>
        %dma_start3A_131 = arith.constant 0 : i32
        %dma_start3A_132 = arith.constant 0 : i32
        %dma_start3A_133 = tpu.memref_slice %arg2[%dma_start3A_131, %dma_start3A_132] : memref<10000x128xf32, #tpu.memory_space<hbm>> -> memref<10000x128xf32, #tpu.memory_space<hbm>>
        tpu.enqueue_indirect_dma source(%dma_start3A_133 : memref<10000x128xf32, #tpu.memory_space<hbm>>) target(%dma_start3A_127 : memref<64x128xf32, #tpu.memory_space<vmem>>) offsets(%dma_start3A_130 : memref<64xi32, #tpu.memory_space<vmem>>) semaphore(%arg9 : memref<!tpu.dma_semaphore, #tpu.memory_space<semaphore_mem>>)
        %dma_start3A_134 = arith.constant 1 : i32
        %dma_start3A_135 = arith.constant 64 : i32
        %dma_start3A_136 = arith.constant 0 : i32
        %dma_start3A_137 = tpu.memref_slice %arg7[%dma_start3A_135, %dma_start3A_136] : memref<256x128xf32, #tpu.memory_space<vmem>> -> memref<64x128xf32, #tpu.memory_space<vmem>>
        %dma_start3A_138 = arith.constant 0 : i32
        %dma_start3A_139 = tpu.memref_slice %arg5[%dma_start3A_134, %dma_start3A_138] : memref<40x64xi32, #tpu.memory_space<vmem>> -> memref<1x64xi32, #tpu.memory_space<vmem>>
        %dma_start3A_140 = tpu.memref_squeeze %dma_start3A_139 : memref<1x64xi32, #tpu.memory_space<vmem>> -> memref<64xi32, #tpu.memory_space<vmem>>
        %dma_start3A_141 = arith.constant 0 : i32
        %dma_start3A_142 = arith.constant 0 : i32
        %dma_start3A_143 = tpu.memref_slice %arg2[%dma_start3A_141, %dma_start3A_142] : memref<10000x128xf32, #tpu.memory_space<hbm>> -> memref<10000x128xf32, #tpu.memory_space<hbm>>
        tpu.enqueue_indirect_dma source(%dma_start3A_143 : memref<10000x128xf32, #tpu.memory_space<hbm>>) target(%dma_start3A_137 : memref<64x128xf32, #tpu.memory_space<vmem>>) offsets(%dma_start3A_140 : memref<64xi32, #tpu.memory_space<vmem>>) semaphore(%arg10 : memref<!tpu.dma_semaphore, #tpu.memory_space<semaphore_mem>>)
      } else {
      }
      %scan3A_91 = arith.constant 0 : i32
      %scan3A_92 = arith.constant 0 : i32
      %scan3A_93 = arith.constant 10 : i32
      %scan3A_94 = arith.addi %scan3A_92, %scan3A_93 : i32
      %scan3A_95 = arith.constant 1 : i32
      scf.for %scan3A_97 = %scan3A_92 to %scan3A_94 step %scan3A_95  : i32 {
        %mul3A_98 = arith.constant 4 : i32
        %mul3A_99 = arith.muli %mul3A_98, %scan3A_97 : i32
        %add3A_100 = arith.constant 0 : i32
        %add3A_101 = arith.addi %mul3A_99, %add3A_100 : i32
        %ge3A = arith.constant 1 : i32
        %ge3A_102 = arith.cmpi sge, %scan3A_97, %ge3A : i32
        %convert_element_type3A_103 = arith.extui %ge3A_102 : i1 to i32
        %cond3A_104 = arith.constant 0 : i32
        %cond3A_105 = arith.cmpi ne, %convert_element_type3A_103, %cond3A_104 : i32
        scf.if %cond3A_105 {
          %dma_wait3A_259 = arith.constant 0 : i32
          %dma_wait3A_260 = arith.constant 128 : i32
          %dma_wait3A_261 = arith.constant 0 : i32
          %dma_wait3A_262 = tpu.memref_slice %arg7[%dma_wait3A_260, %dma_wait3A_261] : memref<256x128xf32, #tpu.memory_space<vmem>> -> memref<64x128xf32, #tpu.memory_space<vmem>>
          %dma_wait3A_263 = arith.constant 0 : i32
          %dma_wait3A_264 = tpu.memref_slice %arg6[%dma_wait3A_259, %dma_wait3A_263] : memref<40x64xi32, #tpu.memory_space<vmem>> -> memref<1x64xi32, #tpu.memory_space<vmem>>
          %dma_wait3A_265 = tpu.memref_squeeze %dma_wait3A_264 : memref<1x64xi32, #tpu.memory_space<vmem>> -> memref<64xi32, #tpu.memory_space<vmem>>
          %dma_wait3A_266 = arith.constant 0 : i32
          %dma_wait3A_267 = arith.constant 0 : i32
          %dma_wait3A_268 = tpu.memref_slice %arg8[%dma_wait3A_266, %dma_wait3A_267] : memref<10240x128xf32, #tpu.memory_space<vmem_shared>> -> memref<10240x128xf32, #tpu.memory_space<vmem_shared>>
          tpu.wait_indirect_dma semaphore(%arg15 : memref<!tpu.dma_semaphore, #tpu.memory_space<semaphore_mem>>) src(%dma_wait3A_262 : memref<64x128xf32, #tpu.memory_space<vmem>>) dst(%dma_wait3A_268 : memref<10240x128xf32, #tpu.memory_space<vmem_shared>>)
        } else {
        }
        %add3A_106 = arith.constant 2 : i32
        %add3A_107 = arith.addi %add3A_101, %add3A_106 : i32
        %dma_start3A_108 = arith.constant 128 : i32
        %dma_start3A_109 = arith.constant 0 : i32
        %dma_start3A_110 = tpu.memref_slice %arg7[%dma_start3A_108, %dma_start3A_109] : memref<256x128xf32, #tpu.memory_space<vmem>> -> memref<64x128xf32, #tpu.memory_space<vmem>>
        %dma_start3A_111 = arith.constant 0 : i32
        %dma_start3A_112 = tpu.memref_slice %arg5[%add3A_107, %dma_start3A_111] : memref<40x64xi32, #tpu.memory_space<vmem>> -> memref<1x64xi32, #tpu.memory_space<vmem>>
        %dma_start3A_113 = tpu.memref_squeeze %dma_start3A_112 : memref<1x64xi32, #tpu.memory_space<vmem>> -> memref<64xi32, #tpu.memory_space<vmem>>
        %dma_start3A_114 = arith.constant 0 : i32
        %dma_start3A_115 = arith.constant 0 : i32
        %dma_start3A_116 = tpu.memref_slice %arg2[%dma_start3A_114, %dma_start3A_115] : memref<10000x128xf32, #tpu.memory_space<hbm>> -> memref<10000x128xf32, #tpu.memory_space<hbm>>
        tpu.enqueue_indirect_dma source(%dma_start3A_116 : memref<10000x128xf32, #tpu.memory_space<hbm>>) target(%dma_start3A_110 : memref<64x128xf32, #tpu.memory_space<vmem>>) offsets(%dma_start3A_113 : memref<64xi32, #tpu.memory_space<vmem>>) semaphore(%arg11 : memref<!tpu.dma_semaphore, #tpu.memory_space<semaphore_mem>>)
        %dma_wait3A_117 = arith.constant 0 : i32
        %dma_wait3A_118 = arith.constant 0 : i32
        %dma_wait3A_119 = tpu.memref_slice %arg7[%dma_wait3A_117, %dma_wait3A_118] : memref<256x128xf32, #tpu.memory_space<vmem>> -> memref<64x128xf32, #tpu.memory_space<vmem>>
        %dma_wait3A_120 = arith.constant 0 : i32
        %dma_wait3A_121 = arith.constant 0 : i32
        %dma_wait3A_122 = tpu.memref_slice %arg2[%dma_wait3A_120, %dma_wait3A_121] : memref<10000x128xf32, #tpu.memory_space<hbm>> -> memref<64x128xf32, #tpu.memory_space<hbm>>
        %dma_wait3A_123 = arith.constant 0 : i32
        %dma_wait3A_124 = arith.constant 0 : i32
        %dma_wait3A_125 = tpu.memref_slice %arg7[%dma_wait3A_123, %dma_wait3A_124] : memref<256x128xf32, #tpu.memory_space<vmem>> -> memref<64x128xf32, #tpu.memory_space<vmem>>
        %dma_wait3A_126 = arith.constant 0 : i32
        %dma_wait3A_127 = arith.constant 0 : i32
        %dma_wait3A_128 = tpu.memref_slice %arg2[%dma_wait3A_126, %dma_wait3A_127] : memref<10000x128xf32, #tpu.memory_space<hbm>> -> memref<64x128xf32, #tpu.memory_space<hbm>>
        tpu.wait_dma2 semaphore(%arg9 : memref<!tpu.dma_semaphore, #tpu.memory_space<semaphore_mem>>) src(%dma_wait3A_128 : memref<64x128xf32, #tpu.memory_space<hbm>>) dst(%dma_wait3A_125 : memref<64x128xf32, #tpu.memory_space<vmem>>)
        %dma_start3A_129 = arith.constant 0 : i32
        %dma_start3A_130 = arith.constant 0 : i32
        %dma_start3A_131 = tpu.memref_slice %arg7[%dma_start3A_129, %dma_start3A_130] : memref<256x128xf32, #tpu.memory_space<vmem>> -> memref<64x128xf32, #tpu.memory_space<vmem>>
        %dma_start3A_132 = arith.constant 0 : i32
        %dma_start3A_133 = tpu.memref_slice %arg6[%add3A_101, %dma_start3A_132] : memref<40x64xi32, #tpu.memory_space<vmem>> -> memref<1x64xi32, #tpu.memory_space<vmem>>
        %dma_start3A_134 = tpu.memref_squeeze %dma_start3A_133 : memref<1x64xi32, #tpu.memory_space<vmem>> -> memref<64xi32, #tpu.memory_space<vmem>>
        %dma_start3A_135 = arith.constant 0 : i32
        %dma_start3A_136 = arith.constant 0 : i32
        %dma_start3A_137 = tpu.memref_slice %arg8[%dma_start3A_135, %dma_start3A_136] : memref<10240x128xf32, #tpu.memory_space<vmem_shared>> -> memref<10240x128xf32, #tpu.memory_space<vmem_shared>>
        tpu.enqueue_indirect_dma source(%dma_start3A_131 : memref<64x128xf32, #tpu.memory_space<vmem>>) target(%dma_start3A_137 : memref<10240x128xf32, #tpu.memory_space<vmem_shared>>) offsets(%dma_start3A_134 : memref<64xi32, #tpu.memory_space<vmem>>) semaphore(%arg13 : memref<!tpu.dma_semaphore, #tpu.memory_space<semaphore_mem>>) {add = true}
        %mul3A_138 = arith.constant 4 : i32
        %mul3A_139 = arith.muli %mul3A_138, %scan3A_97 : i32
        %add3A_140 = arith.constant 1 : i32
        %add3A_141 = arith.addi %mul3A_139, %add3A_140 : i32
        %ge3A_142 = arith.constant 1 : i32
        %ge3A_143 = arith.cmpi sge, %scan3A_97, %ge3A_142 : i32
        %convert_element_type3A_144 = arith.extui %ge3A_143 : i1 to i32
        %cond3A_145 = arith.constant 0 : i32
        %cond3A_146 = arith.cmpi ne, %convert_element_type3A_144, %cond3A_145 : i32
        scf.if %cond3A_146 {
          %dma_wait3A_259 = arith.constant 0 : i32
          %dma_wait3A_260 = arith.constant 192 : i32
          %dma_wait3A_261 = arith.constant 0 : i32
          %dma_wait3A_262 = tpu.memref_slice %arg7[%dma_wait3A_260, %dma_wait3A_261] : memref<256x128xf32, #tpu.memory_space<vmem>> -> memref<64x128xf32, #tpu.memory_space<vmem>>
          %dma_wait3A_263 = arith.constant 0 : i32
          %dma_wait3A_264 = tpu.memref_slice %arg6[%dma_wait3A_259, %dma_wait3A_263] : memref<40x64xi32, #tpu.memory_space<vmem>> -> memref<1x64xi32, #tpu.memory_space<vmem>>
          %dma_wait3A_265 = tpu.memref_squeeze %dma_wait3A_264 : memref<1x64xi32, #tpu.memory_space<vmem>> -> memref<64xi32, #tpu.memory_space<vmem>>
          %dma_wait3A_266 = arith.constant 0 : i32
          %dma_wait3A_267 = arith.constant 0 : i32
          %dma_wait3A_268 = tpu.memref_slice %arg8[%dma_wait3A_266, %dma_wait3A_267] : memref<10240x128xf32, #tpu.memory_space<vmem_shared>> -> memref<10240x128xf32, #tpu.memory_space<vmem_shared>>
          tpu.wait_indirect_dma semaphore(%arg16 : memref<!tpu.dma_semaphore, #tpu.memory_space<semaphore_mem>>) src(%dma_wait3A_262 : memref<64x128xf32, #tpu.memory_space<vmem>>) dst(%dma_wait3A_268 : memref<10240x128xf32, #tpu.memory_space<vmem_shared>>)
        } else {
        }
        %add3A_147 = arith.constant 2 : i32
        %add3A_148 = arith.addi %add3A_141, %add3A_147 : i32
        %dma_start3A_149 = arith.constant 192 : i32
        %dma_start3A_150 = arith.constant 0 : i32
        %dma_start3A_151 = tpu.memref_slice %arg7[%dma_start3A_149, %dma_start3A_150] : memref<256x128xf32, #tpu.memory_space<vmem>> -> memref<64x128xf32, #tpu.memory_space<vmem>>
        %dma_start3A_152 = arith.constant 0 : i32
        %dma_start3A_153 = tpu.memref_slice %arg5[%add3A_148, %dma_start3A_152] : memref<40x64xi32, #tpu.memory_space<vmem>> -> memref<1x64xi32, #tpu.memory_space<vmem>>
        %dma_start3A_154 = tpu.memref_squeeze %dma_start3A_153 : memref<1x64xi32, #tpu.memory_space<vmem>> -> memref<64xi32, #tpu.memory_space<vmem>>
        %dma_start3A_155 = arith.constant 0 : i32
        %dma_start3A_156 = arith.constant 0 : i32
        %dma_start3A_157 = tpu.memref_slice %arg2[%dma_start3A_155, %dma_start3A_156] : memref<10000x128xf32, #tpu.memory_space<hbm>> -> memref<10000x128xf32, #tpu.memory_space<hbm>>
        tpu.enqueue_indirect_dma source(%dma_start3A_157 : memref<10000x128xf32, #tpu.memory_space<hbm>>) target(%dma_start3A_151 : memref<64x128xf32, #tpu.memory_space<vmem>>) offsets(%dma_start3A_154 : memref<64xi32, #tpu.memory_space<vmem>>) semaphore(%arg12 : memref<!tpu.dma_semaphore, #tpu.memory_space<semaphore_mem>>)
        %dma_wait3A_158 = arith.constant 64 : i32
        %dma_wait3A_159 = arith.constant 0 : i32
        %dma_wait3A_160 = tpu.memref_slice %arg7[%dma_wait3A_158, %dma_wait3A_159] : memref<256x128xf32, #tpu.memory_space<vmem>> -> memref<64x128xf32, #tpu.memory_space<vmem>>
        %dma_wait3A_161 = arith.constant 0 : i32
        %dma_wait3A_162 = arith.constant 0 : i32
        %dma_wait3A_163 = tpu.memref_slice %arg2[%dma_wait3A_161, %dma_wait3A_162] : memref<10000x128xf32, #tpu.memory_space<hbm>> -> memref<64x128xf32, #tpu.memory_space<hbm>>
        %dma_wait3A_164 = arith.constant 64 : i32
        %dma_wait3A_165 = arith.constant 0 : i32
        %dma_wait3A_166 = tpu.memref_slice %arg7[%dma_wait3A_164, %dma_wait3A_165] : memref<256x128xf32, #tpu.memory_space<vmem>> -> memref<64x128xf32, #tpu.memory_space<vmem>>
        %dma_wait3A_167 = arith.constant 0 : i32
        %dma_wait3A_168 = arith.constant 0 : i32
        %dma_wait3A_169 = tpu.memref_slice %arg2[%dma_wait3A_167, %dma_wait3A_168] : memref<10000x128xf32, #tpu.memory_space<hbm>> -> memref<64x128xf32, #tpu.memory_space<hbm>>
        tpu.wait_dma2 semaphore(%arg10 : memref<!tpu.dma_semaphore, #tpu.memory_space<semaphore_mem>>) src(%dma_wait3A_169 : memref<64x128xf32, #tpu.memory_space<hbm>>) dst(%dma_wait3A_166 : memref<64x128xf32, #tpu.memory_space<vmem>>)
        %dma_start3A_170 = arith.constant 64 : i32
        %dma_start3A_171 = arith.constant 0 : i32
        %dma_start3A_172 = tpu.memref_slice %arg7[%dma_start3A_170, %dma_start3A_171] : memref<256x128xf32, #tpu.memory_space<vmem>> -> memref<64x128xf32, #tpu.memory_space<vmem>>
        %dma_start3A_173 = arith.constant 0 : i32
        %dma_start3A_174 = tpu.memref_slice %arg6[%add3A_141, %dma_start3A_173] : memref<40x64xi32, #tpu.memory_space<vmem>> -> memref<1x64xi32, #tpu.memory_space<vmem>>
        %dma_start3A_175 = tpu.memref_squeeze %dma_start3A_174 : memref<1x64xi32, #tpu.memory_space<vmem>> -> memref<64xi32, #tpu.memory_space<vmem>>
        %dma_start3A_176 = arith.constant 0 : i32
        %dma_start3A_177 = arith.constant 0 : i32
        %dma_start3A_178 = tpu.memref_slice %arg8[%dma_start3A_176, %dma_start3A_177] : memref<10240x128xf32, #tpu.memory_space<vmem_shared>> -> memref<10240x128xf32, #tpu.memory_space<vmem_shared>>
        tpu.enqueue_indirect_dma source(%dma_start3A_172 : memref<64x128xf32, #tpu.memory_space<vmem>>) target(%dma_start3A_178 : memref<10240x128xf32, #tpu.memory_space<vmem_shared>>) offsets(%dma_start3A_175 : memref<64xi32, #tpu.memory_space<vmem>>) semaphore(%arg14 : memref<!tpu.dma_semaphore, #tpu.memory_space<semaphore_mem>>) {add = true}
        %mul3A_179 = arith.constant 4 : i32
        %mul3A_180 = arith.muli %mul3A_179, %scan3A_97 : i32
        %add3A_181 = arith.constant 2 : i32
        %add3A_182 = arith.addi %mul3A_180, %add3A_181 : i32
        %dma_wait3A_183 = arith.constant 0 : i32
        %dma_wait3A_184 = arith.constant 0 : i32
        %dma_wait3A_185 = arith.constant 0 : i32
        %dma_wait3A_186 = tpu.memref_slice %arg7[%dma_wait3A_184, %dma_wait3A_185] : memref<256x128xf32, #tpu.memory_space<vmem>> -> memref<64x128xf32, #tpu.memory_space<vmem>>
        %dma_wait3A_187 = arith.constant 0 : i32
        %dma_wait3A_188 = tpu.memref_slice %arg6[%dma_wait3A_183, %dma_wait3A_187] : memref<40x64xi32, #tpu.memory_space<vmem>> -> memref<1x64xi32, #tpu.memory_space<vmem>>
        %dma_wait3A_189 = tpu.memref_squeeze %dma_wait3A_188 : memref<1x64xi32, #tpu.memory_space<vmem>> -> memref<64xi32, #tpu.memory_space<vmem>>
        %dma_wait3A_190 = arith.constant 0 : i32
        %dma_wait3A_191 = arith.constant 0 : i32
        %dma_wait3A_192 = tpu.memref_slice %arg8[%dma_wait3A_190, %dma_wait3A_191] : memref<10240x128xf32, #tpu.memory_space<vmem_shared>> -> memref<10240x128xf32, #tpu.memory_space<vmem_shared>>
        tpu.wait_indirect_dma semaphore(%arg13 : memref<!tpu.dma_semaphore, #tpu.memory_space<semaphore_mem>>) src(%dma_wait3A_186 : memref<64x128xf32, #tpu.memory_space<vmem>>) dst(%dma_wait3A_192 : memref<10240x128xf32, #tpu.memory_space<vmem_shared>>)
        %lt3A_193 = arith.constant 9 : i32
        %lt3A_194 = arith.cmpi slt, %scan3A_97, %lt3A_193 : i32
        %convert_element_type3A_195 = arith.extui %lt3A_194 : i1 to i32
        %cond3A_196 = arith.constant 0 : i32
        %cond3A_197 = arith.cmpi ne, %convert_element_type3A_195, %cond3A_196 : i32
        scf.if %cond3A_197 {
          %add3A_259 = arith.constant 2 : i32
          %add3A_260 = arith.addi %add3A_182, %add3A_259 : i32
          %dma_start3A_261 = arith.constant 0 : i32
          %dma_start3A_262 = arith.constant 0 : i32
          %dma_start3A_263 = tpu.memref_slice %arg7[%dma_start3A_261, %dma_start3A_262] : memref<256x128xf32, #tpu.memory_space<vmem>> -> memref<64x128xf32, #tpu.memory_space<vmem>>
          %dma_start3A_264 = arith.constant 0 : i32
          %dma_start3A_265 = tpu.memref_slice %arg5[%add3A_260, %dma_start3A_264] : memref<40x64xi32, #tpu.memory_space<vmem>> -> memref<1x64xi32, #tpu.memory_space<vmem>>
          %dma_start3A_266 = tpu.memref_squeeze %dma_start3A_265 : memref<1x64xi32, #tpu.memory_space<vmem>> -> memref<64xi32, #tpu.memory_space<vmem>>
          %dma_start3A_267 = arith.constant 0 : i32
          %dma_start3A_268 = arith.constant 0 : i32
          %dma_start3A_269 = tpu.memref_slice %arg2[%dma_start3A_267, %dma_start3A_268] : memref<10000x128xf32, #tpu.memory_space<hbm>> -> memref<10000x128xf32, #tpu.memory_space<hbm>>
          tpu.enqueue_indirect_dma source(%dma_start3A_269 : memref<10000x128xf32, #tpu.memory_space<hbm>>) target(%dma_start3A_263 : memref<64x128xf32, #tpu.memory_space<vmem>>) offsets(%dma_start3A_266 : memref<64xi32, #tpu.memory_space<vmem>>) semaphore(%arg9 : memref<!tpu.dma_semaphore, #tpu.memory_space<semaphore_mem>>)
        } else {
        }
        %dma_wait3A_198 = arith.constant 128 : i32
        %dma_wait3A_199 = arith.constant 0 : i32
        %dma_wait3A_200 = tpu.memref_slice %arg7[%dma_wait3A_198, %dma_wait3A_199] : memref<256x128xf32, #tpu.memory_space<vmem>> -> memref<64x128xf32, #tpu.memory_space<vmem>>
        %dma_wait3A_201 = arith.constant 0 : i32
        %dma_wait3A_202 = arith.constant 0 : i32
        %dma_wait3A_203 = tpu.memref_slice %arg2[%dma_wait3A_201, %dma_wait3A_202] : memref<10000x128xf32, #tpu.memory_space<hbm>> -> memref<64x128xf32, #tpu.memory_space<hbm>>
        %dma_wait3A_204 = arith.constant 128 : i32
        %dma_wait3A_205 = arith.constant 0 : i32
        %dma_wait3A_206 = tpu.memref_slice %arg7[%dma_wait3A_204, %dma_wait3A_205] : memref<256x128xf32, #tpu.memory_space<vmem>> -> memref<64x128xf32, #tpu.memory_space<vmem>>
        %dma_wait3A_207 = arith.constant 0 : i32
        %dma_wait3A_208 = arith.constant 0 : i32
        %dma_wait3A_209 = tpu.memref_slice %arg2[%dma_wait3A_207, %dma_wait3A_208] : memref<10000x128xf32, #tpu.memory_space<hbm>> -> memref<64x128xf32, #tpu.memory_space<hbm>>
        tpu.wait_dma2 semaphore(%arg11 : memref<!tpu.dma_semaphore, #tpu.memory_space<semaphore_mem>>) src(%dma_wait3A_209 : memref<64x128xf32, #tpu.memory_space<hbm>>) dst(%dma_wait3A_206 : memref<64x128xf32, #tpu.memory_space<vmem>>)
        %dma_start3A_210 = arith.constant 128 : i32
        %dma_start3A_211 = arith.constant 0 : i32
        %dma_start3A_212 = tpu.memref_slice %arg7[%dma_start3A_210, %dma_start3A_211] : memref<256x128xf32, #tpu.memory_space<vmem>> -> memref<64x128xf32, #tpu.memory_space<vmem>>
        %dma_start3A_213 = arith.constant 0 : i32
        %dma_start3A_214 = tpu.memref_slice %arg6[%add3A_182, %dma_start3A_213] : memref<40x64xi32, #tpu.memory_space<vmem>> -> memref<1x64xi32, #tpu.memory_space<vmem>>
        %dma_start3A_215 = tpu.memref_squeeze %dma_start3A_214 : memref<1x64xi32, #tpu.memory_space<vmem>> -> memref<64xi32, #tpu.memory_space<vmem>>
        %dma_start3A_216 = arith.constant 0 : i32
        %dma_start3A_217 = arith.constant 0 : i32
        %dma_start3A_218 = tpu.memref_slice %arg8[%dma_start3A_216, %dma_start3A_217] : memref<10240x128xf32, #tpu.memory_space<vmem_shared>> -> memref<10240x128xf32, #tpu.memory_space<vmem_shared>>
        tpu.enqueue_indirect_dma source(%dma_start3A_212 : memref<64x128xf32, #tpu.memory_space<vmem>>) target(%dma_start3A_218 : memref<10240x128xf32, #tpu.memory_space<vmem_shared>>) offsets(%dma_start3A_215 : memref<64xi32, #tpu.memory_space<vmem>>) semaphore(%arg15 : memref<!tpu.dma_semaphore, #tpu.memory_space<semaphore_mem>>) {add = true}
        %mul3A_219 = arith.constant 4 : i32
        %mul3A_220 = arith.muli %mul3A_219, %scan3A_97 : i32
        %add3A_221 = arith.constant 3 : i32
        %add3A_222 = arith.addi %mul3A_220, %add3A_221 : i32
        %dma_wait3A_223 = arith.constant 0 : i32
        %dma_wait3A_224 = arith.constant 64 : i32
        %dma_wait3A_225 = arith.constant 0 : i32
        %dma_wait3A_226 = tpu.memref_slice %arg7[%dma_wait3A_224, %dma_wait3A_225] : memref<256x128xf32, #tpu.memory_space<vmem>> -> memref<64x128xf32, #tpu.memory_space<vmem>>
        %dma_wait3A_227 = arith.constant 0 : i32
        %dma_wait3A_228 = tpu.memref_slice %arg6[%dma_wait3A_223, %dma_wait3A_227] : memref<40x64xi32, #tpu.memory_space<vmem>> -> memref<1x64xi32, #tpu.memory_space<vmem>>
        %dma_wait3A_229 = tpu.memref_squeeze %dma_wait3A_228 : memref<1x64xi32, #tpu.memory_space<vmem>> -> memref<64xi32, #tpu.memory_space<vmem>>
        %dma_wait3A_230 = arith.constant 0 : i32
        %dma_wait3A_231 = arith.constant 0 : i32
        %dma_wait3A_232 = tpu.memref_slice %arg8[%dma_wait3A_230, %dma_wait3A_231] : memref<10240x128xf32, #tpu.memory_space<vmem_shared>> -> memref<10240x128xf32, #tpu.memory_space<vmem_shared>>
        tpu.wait_indirect_dma semaphore(%arg14 : memref<!tpu.dma_semaphore, #tpu.memory_space<semaphore_mem>>) src(%dma_wait3A_226 : memref<64x128xf32, #tpu.memory_space<vmem>>) dst(%dma_wait3A_232 : memref<10240x128xf32, #tpu.memory_space<vmem_shared>>)
        %lt3A_233 = arith.constant 9 : i32
        %lt3A_234 = arith.cmpi slt, %scan3A_97, %lt3A_233 : i32
        %convert_element_type3A_235 = arith.extui %lt3A_234 : i1 to i32
        %cond3A_236 = arith.constant 0 : i32
        %cond3A_237 = arith.cmpi ne, %convert_element_type3A_235, %cond3A_236 : i32
        scf.if %cond3A_237 {
          %add3A_259 = arith.constant 2 : i32
          %add3A_260 = arith.addi %add3A_222, %add3A_259 : i32
          %dma_start3A_261 = arith.constant 64 : i32
          %dma_start3A_262 = arith.constant 0 : i32
          %dma_start3A_263 = tpu.memref_slice %arg7[%dma_start3A_261, %dma_start3A_262] : memref<256x128xf32, #tpu.memory_space<vmem>> -> memref<64x128xf32, #tpu.memory_space<vmem>>
          %dma_start3A_264 = arith.constant 0 : i32
          %dma_start3A_265 = tpu.memref_slice %arg5[%add3A_260, %dma_start3A_264] : memref<40x64xi32, #tpu.memory_space<vmem>> -> memref<1x64xi32, #tpu.memory_space<vmem>>
          %dma_start3A_266 = tpu.memref_squeeze %dma_start3A_265 : memref<1x64xi32, #tpu.memory_space<vmem>> -> memref<64xi32, #tpu.memory_space<vmem>>
          %dma_start3A_267 = arith.constant 0 : i32
          %dma_start3A_268 = arith.constant 0 : i32
          %dma_start3A_269 = tpu.memref_slice %arg2[%dma_start3A_267, %dma_start3A_268] : memref<10000x128xf32, #tpu.memory_space<hbm>> -> memref<10000x128xf32, #tpu.memory_space<hbm>>
          tpu.enqueue_indirect_dma source(%dma_start3A_269 : memref<10000x128xf32, #tpu.memory_space<hbm>>) target(%dma_start3A_263 : memref<64x128xf32, #tpu.memory_space<vmem>>) offsets(%dma_start3A_266 : memref<64xi32, #tpu.memory_space<vmem>>) semaphore(%arg10 : memref<!tpu.dma_semaphore, #tpu.memory_space<semaphore_mem>>)
        } else {
        }
        %dma_wait3A_238 = arith.constant 192 : i32
        %dma_wait3A_239 = arith.constant 0 : i32
        %dma_wait3A_240 = tpu.memref_slice %arg7[%dma_wait3A_238, %dma_wait3A_239] : memref<256x128xf32, #tpu.memory_space<vmem>> -> memref<64x128xf32, #tpu.memory_space<vmem>>
        %dma_wait3A_241 = arith.constant 0 : i32
        %dma_wait3A_242 = arith.constant 0 : i32
        %dma_wait3A_243 = tpu.memref_slice %arg2[%dma_wait3A_241, %dma_wait3A_242] : memref<10000x128xf32, #tpu.memory_space<hbm>> -> memref<64x128xf32, #tpu.memory_space<hbm>>
        %dma_wait3A_244 = arith.constant 192 : i32
        %dma_wait3A_245 = arith.constant 0 : i32
        %dma_wait3A_246 = tpu.memref_slice %arg7[%dma_wait3A_244, %dma_wait3A_245] : memref<256x128xf32, #tpu.memory_space<vmem>> -> memref<64x128xf32, #tpu.memory_space<vmem>>
        %dma_wait3A_247 = arith.constant 0 : i32
        %dma_wait3A_248 = arith.constant 0 : i32
        %dma_wait3A_249 = tpu.memref_slice %arg2[%dma_wait3A_247, %dma_wait3A_248] : memref<10000x128xf32, #tpu.memory_space<hbm>> -> memref<64x128xf32, #tpu.memory_space<hbm>>
        tpu.wait_dma2 semaphore(%arg12 : memref<!tpu.dma_semaphore, #tpu.memory_space<semaphore_mem>>) src(%dma_wait3A_249 : memref<64x128xf32, #tpu.memory_space<hbm>>) dst(%dma_wait3A_246 : memref<64x128xf32, #tpu.memory_space<vmem>>)
        %dma_start3A_250 = arith.constant 192 : i32
        %dma_start3A_251 = arith.constant 0 : i32
        %dma_start3A_252 = tpu.memref_slice %arg7[%dma_start3A_250, %dma_start3A_251] : memref<256x128xf32, #tpu.memory_space<vmem>> -> memref<64x128xf32, #tpu.memory_space<vmem>>
        %dma_start3A_253 = arith.constant 0 : i32
        %dma_start3A_254 = tpu.memref_slice %arg6[%add3A_222, %dma_start3A_253] : memref<40x64xi32, #tpu.memory_space<vmem>> -> memref<1x64xi32, #tpu.memory_space<vmem>>
        %dma_start3A_255 = tpu.memref_squeeze %dma_start3A_254 : memref<1x64xi32, #tpu.memory_space<vmem>> -> memref<64xi32, #tpu.memory_space<vmem>>
        %dma_start3A_256 = arith.constant 0 : i32
        %dma_start3A_257 = arith.constant 0 : i32
        %dma_start3A_258 = tpu.memref_slice %arg8[%dma_start3A_256, %dma_start3A_257] : memref<10240x128xf32, #tpu.memory_space<vmem_shared>> -> memref<10240x128xf32, #tpu.memory_space<vmem_shared>>
        tpu.enqueue_indirect_dma source(%dma_start3A_252 : memref<64x128xf32, #tpu.memory_space<vmem>>) target(%dma_start3A_258 : memref<10240x128xf32, #tpu.memory_space<vmem_shared>>) offsets(%dma_start3A_255 : memref<64xi32, #tpu.memory_space<vmem>>) semaphore(%arg16 : memref<!tpu.dma_semaphore, #tpu.memory_space<semaphore_mem>>) {add = true}
      }
      %scan3A_96 = arith.constant 10 : i32
    }
    %while3A_58 = arith.constant 1 : i32
    scf.for %while3A_86 = %while3A_56 to %while3A_52 step %while3A_58  : i32 {
      %gt3A = arith.constant 0 : i32
      %gt3A_87 = arith.cmpi sgt, %while3A_86, %gt3A : i32
      %convert_element_type3A_88 = arith.extui %gt3A_87 : i1 to i32
      %cond3A_89 = arith.constant 0 : i32
      %cond3A_90 = arith.cmpi ne, %convert_element_type3A_88, %cond3A_89 : i32
      scf.if %cond3A_90 {
        %dma_wait3A_97 = arith.constant 0 : i32
        %dma_wait3A_98 = arith.constant 128 : i32
        %dma_wait3A_99 = arith.constant 0 : i32
        %dma_wait3A_100 = tpu.memref_slice %arg7[%dma_wait3A_98, %dma_wait3A_99] : memref<256x128xf32, #tpu.memory_space<vmem>> -> memref<64x128xf32, #tpu.memory_space<vmem>>
        %dma_wait3A_101 = arith.constant 0 : i32
        %dma_wait3A_102 = tpu.memref_slice %arg6[%dma_wait3A_97, %dma_wait3A_101] : memref<40x64xi32, #tpu.memory_space<vmem>> -> memref<1x64xi32, #tpu.memory_space<vmem>>
        %dma_wait3A_103 = tpu.memref_squeeze %dma_wait3A_102 : memref<1x64xi32, #tpu.memory_space<vmem>> -> memref<64xi32, #tpu.memory_space<vmem>>
        %dma_wait3A_104 = arith.constant 0 : i32
        %dma_wait3A_105 = arith.constant 0 : i32
        %dma_wait3A_106 = tpu.memref_slice %arg8[%dma_wait3A_104, %dma_wait3A_105] : memref<10240x128xf32, #tpu.memory_space<vmem_shared>> -> memref<10240x128xf32, #tpu.memory_space<vmem_shared>>
        tpu.wait_indirect_dma semaphore(%arg15 : memref<!tpu.dma_semaphore, #tpu.memory_space<semaphore_mem>>) src(%dma_wait3A_100 : memref<64x128xf32, #tpu.memory_space<vmem>>) dst(%dma_wait3A_106 : memref<10240x128xf32, #tpu.memory_space<vmem_shared>>)
        %dma_wait3A_107 = arith.constant 0 : i32
        %dma_wait3A_108 = arith.constant 192 : i32
        %dma_wait3A_109 = arith.constant 0 : i32
        %dma_wait3A_110 = tpu.memref_slice %arg7[%dma_wait3A_108, %dma_wait3A_109] : memref<256x128xf32, #tpu.memory_space<vmem>> -> memref<64x128xf32, #tpu.memory_space<vmem>>
        %dma_wait3A_111 = arith.constant 0 : i32
        %dma_wait3A_112 = tpu.memref_slice %arg6[%dma_wait3A_107, %dma_wait3A_111] : memref<40x64xi32, #tpu.memory_space<vmem>> -> memref<1x64xi32, #tpu.memory_space<vmem>>
        %dma_wait3A_113 = tpu.memref_squeeze %dma_wait3A_112 : memref<1x64xi32, #tpu.memory_space<vmem>> -> memref<64xi32, #tpu.memory_space<vmem>>
        %dma_wait3A_114 = arith.constant 0 : i32
        %dma_wait3A_115 = arith.constant 0 : i32
        %dma_wait3A_116 = tpu.memref_slice %arg8[%dma_wait3A_114, %dma_wait3A_115] : memref<10240x128xf32, #tpu.memory_space<vmem_shared>> -> memref<10240x128xf32, #tpu.memory_space<vmem_shared>>
        tpu.wait_indirect_dma semaphore(%arg16 : memref<!tpu.dma_semaphore, #tpu.memory_space<semaphore_mem>>) src(%dma_wait3A_110 : memref<64x128xf32, #tpu.memory_space<vmem>>) dst(%dma_wait3A_116 : memref<10240x128xf32, #tpu.memory_space<vmem_shared>>)
        %mul3A_117 = arith.constant 160 : i32
        %mul3A_118 = arith.muli %add3A, %mul3A_117 : i32
        %mul3A_119 = arith.constant 40 : i32
        %mul3A_120 = arith.muli %while3A_86, %mul3A_119 : i32
        %add3A_121 = arith.addi %mul3A_118, %mul3A_120 : i32
        %run_scoped3A_122 = arith.constant 0 : i32
        "tpu.region"() ({
          %run_scoped3A_144 = tpu.sem_alloc : memref<!tpu.dma_semaphore, #tpu.memory_space<semaphore_mem>>
          %dma_start3A_145 = arith.constant 0 : i32
          %dma_start3A_146 = tpu.memref_slice %arg3[%run_scoped3A_122, %add3A_121, %dma_start3A_145] : memref<2x5000x64xi32, #tpu.memory_space<hbm>> -> memref<1x40x64xi32, #tpu.memory_space<hbm>>
          %dma_start3A_147 = tpu.memref_squeeze %dma_start3A_146 : memref<1x40x64xi32, #tpu.memory_space<hbm>> -> memref<40x64xi32, #tpu.memory_space<hbm>>
          %dma_start3A_148 = arith.constant 0 : i32
          %dma_start3A_149 = tpu.memref_slice %arg3[%run_scoped3A_122, %add3A_121, %dma_start3A_148] : memref<2x5000x64xi32, #tpu.memory_space<hbm>> -> memref<1x40x64xi32, #tpu.memory_space<hbm>>
          %dma_start3A_150 = tpu.memref_squeeze %dma_start3A_149 : memref<1x40x64xi32, #tpu.memory_space<hbm>> -> memref<40x64xi32, #tpu.memory_space<hbm>>
          tpu.enqueue_dma source(%dma_start3A_150 : memref<40x64xi32, #tpu.memory_space<hbm>>) target(%arg5 : memref<40x64xi32, #tpu.memory_space<vmem>>) target_semaphore(%run_scoped3A_144 : memref<!tpu.dma_semaphore, #tpu.memory_space<semaphore_mem>>)
          %dma_wait3A_151 = arith.constant 0 : i32
          %dma_wait3A_152 = tpu.memref_slice %arg3[%run_scoped3A_122, %add3A_121, %dma_wait3A_151] : memref<2x5000x64xi32, #tpu.memory_space<hbm>> -> memref<1x40x64xi32, #tpu.memory_space<hbm>>
          %dma_wait3A_153 = tpu.memref_squeeze %dma_wait3A_152 : memref<1x40x64xi32, #tpu.memory_space<hbm>> -> memref<40x64xi32, #tpu.memory_space<hbm>>
          %dma_wait3A_154 = arith.constant 0 : i32
          %dma_wait3A_155 = tpu.memref_slice %arg3[%run_scoped3A_122, %add3A_121, %dma_wait3A_154] : memref<2x5000x64xi32, #tpu.memory_space<hbm>> -> memref<1x40x64xi32, #tpu.memory_space<hbm>>
          %dma_wait3A_156 = tpu.memref_squeeze %dma_wait3A_155 : memref<1x40x64xi32, #tpu.memory_space<hbm>> -> memref<40x64xi32, #tpu.memory_space<hbm>>
          tpu.wait_dma2 semaphore(%run_scoped3A_144 : memref<!tpu.dma_semaphore, #tpu.memory_space<semaphore_mem>>) src(%dma_wait3A_156 : memref<40x64xi32, #tpu.memory_space<hbm>>) dst(%arg5 : memref<40x64xi32, #tpu.memory_space<vmem>>)
          tpu.yield
        }) : () -> ()
        %run_scoped3A_123 = arith.constant 1 : i32
        "tpu.region"() ({
          %run_scoped3A_144 = tpu.sem_alloc : memref<!tpu.dma_semaphore, #tpu.memory_space<semaphore_mem>>
          %dma_start3A_145 = arith.constant 0 : i32
          %dma_start3A_146 = tpu.memref_slice %arg3[%run_scoped3A_123, %add3A_121, %dma_start3A_145] : memref<2x5000x64xi32, #tpu.memory_space<hbm>> -> memref<1x40x64xi32, #tpu.memory_space<hbm>>
          %dma_start3A_147 = tpu.memref_squeeze %dma_start3A_146 : memref<1x40x64xi32, #tpu.memory_space<hbm>> -> memref<40x64xi32, #tpu.memory_space<hbm>>
          %dma_start3A_148 = arith.constant 0 : i32
          %dma_start3A_149 = tpu.memref_slice %arg3[%run_scoped3A_123, %add3A_121, %dma_start3A_148] : memref<2x5000x64xi32, #tpu.memory_space<hbm>> -> memref<1x40x64xi32, #tpu.memory_space<hbm>>
          %dma_start3A_150 = tpu.memref_squeeze %dma_start3A_149 : memref<1x40x64xi32, #tpu.memory_space<hbm>> -> memref<40x64xi32, #tpu.memory_space<hbm>>
          tpu.enqueue_dma source(%dma_start3A_150 : memref<40x64xi32, #tpu.memory_space<hbm>>) target(%arg6 : memref<40x64xi32, #tpu.memory_space<vmem>>) target_semaphore(%run_scoped3A_144 : memref<!tpu.dma_semaphore, #tpu.memory_space<semaphore_mem>>)
          %dma_wait3A_151 = arith.constant 0 : i32
          %dma_wait3A_152 = tpu.memref_slice %arg3[%run_scoped3A_123, %add3A_121, %dma_wait3A_151] : memref<2x5000x64xi32, #tpu.memory_space<hbm>> -> memref<1x40x64xi32, #tpu.memory_space<hbm>>
          %dma_wait3A_153 = tpu.memref_squeeze %dma_wait3A_152 : memref<1x40x64xi32, #tpu.memory_space<hbm>> -> memref<40x64xi32, #tpu.memory_space<hbm>>
          %dma_wait3A_154 = arith.constant 0 : i32
          %dma_wait3A_155 = tpu.memref_slice %arg3[%run_scoped3A_123, %add3A_121, %dma_wait3A_154] : memref<2x5000x64xi32, #tpu.memory_space<hbm>> -> memref<1x40x64xi32, #tpu.memory_space<hbm>>
          %dma_wait3A_156 = tpu.memref_squeeze %dma_wait3A_155 : memref<1x40x64xi32, #tpu.memory_space<hbm>> -> memref<40x64xi32, #tpu.memory_space<hbm>>
          tpu.wait_dma2 semaphore(%run_scoped3A_144 : memref<!tpu.dma_semaphore, #tpu.memory_space<semaphore_mem>>) src(%dma_wait3A_156 : memref<40x64xi32, #tpu.memory_space<hbm>>) dst(%arg6 : memref<40x64xi32, #tpu.memory_space<vmem>>)
          tpu.yield
        }) : () -> ()
        %dma_start3A_124 = arith.constant 0 : i32
        %dma_start3A_125 = arith.constant 0 : i32
        %dma_start3A_126 = arith.constant 0 : i32
        %dma_start3A_127 = tpu.memref_slice %arg7[%dma_start3A_125, %dma_start3A_126] : memref<256x128xf32, #tpu.memory_space<vmem>> -> memref<64x128xf32, #tpu.memory_space<vmem>>
        %dma_start3A_128 = arith.constant 0 : i32
        %dma_start3A_129 = tpu.memref_slice %arg5[%dma_start3A_124, %dma_start3A_128] : memref<40x64xi32, #tpu.memory_space<vmem>> -> memref<1x64xi32, #tpu.memory_space<vmem>>
        %dma_start3A_130 = tpu.memref_squeeze %dma_start3A_129 : memref<1x64xi32, #tpu.memory_space<vmem>> -> memref<64xi32, #tpu.memory_space<vmem>>
        %dma_start3A_131 = arith.constant 0 : i32
        %dma_start3A_132 = arith.constant 0 : i32
        %dma_start3A_133 = tpu.memref_slice %arg2[%dma_start3A_131, %dma_start3A_132] : memref<10000x128xf32, #tpu.memory_space<hbm>> -> memref<10000x128xf32, #tpu.memory_space<hbm>>
        tpu.enqueue_indirect_dma source(%dma_start3A_133 : memref<10000x128xf32, #tpu.memory_space<hbm>>) target(%dma_start3A_127 : memref<64x128xf32, #tpu.memory_space<vmem>>) offsets(%dma_start3A_130 : memref<64xi32, #tpu.memory_space<vmem>>) semaphore(%arg9 : memref<!tpu.dma_semaphore, #tpu.memory_space<semaphore_mem>>)
        %dma_start3A_134 = arith.constant 1 : i32
        %dma_start3A_135 = arith.constant 64 : i32
        %dma_start3A_136 = arith.constant 0 : i32
        %dma_start3A_137 = tpu.memref_slice %arg7[%dma_start3A_135, %dma_start3A_136] : memref<256x128xf32, #tpu.memory_space<vmem>> -> memref<64x128xf32, #tpu.memory_space<vmem>>
        %dma_start3A_138 = arith.constant 0 : i32
        %dma_start3A_139 = tpu.memref_slice %arg5[%dma_start3A_134, %dma_start3A_138] : memref<40x64xi32, #tpu.memory_space<vmem>> -> memref<1x64xi32, #tpu.memory_space<vmem>>
        %dma_start3A_140 = tpu.memref_squeeze %dma_start3A_139 : memref<1x64xi32, #tpu.memory_space<vmem>> -> memref<64xi32, #tpu.memory_space<vmem>>
        %dma_start3A_141 = arith.constant 0 : i32
        %dma_start3A_142 = arith.constant 0 : i32
        %dma_start3A_143 = tpu.memref_slice %arg2[%dma_start3A_141, %dma_start3A_142] : memref<10000x128xf32, #tpu.memory_space<hbm>> -> memref<10000x128xf32, #tpu.memory_space<hbm>>
        tpu.enqueue_indirect_dma source(%dma_start3A_143 : memref<10000x128xf32, #tpu.memory_space<hbm>>) target(%dma_start3A_137 : memref<64x128xf32, #tpu.memory_space<vmem>>) offsets(%dma_start3A_140 : memref<64xi32, #tpu.memory_space<vmem>>) semaphore(%arg10 : memref<!tpu.dma_semaphore, #tpu.memory_space<semaphore_mem>>)
      } else {
      }
      %scan3A_91 = arith.constant 0 : i32
      %scan3A_92 = arith.constant 0 : i32
      %scan3A_93 = arith.constant 10 : i32
      %scan3A_94 = arith.addi %scan3A_92, %scan3A_93 : i32
      %scan3A_95 = arith.constant 1 : i32
      scf.for %scan3A_97 = %scan3A_92 to %scan3A_94 step %scan3A_95  : i32 {
        %mul3A_98 = arith.constant 4 : i32
        %mul3A_99 = arith.muli %mul3A_98, %scan3A_97 : i32
        %add3A_100 = arith.constant 0 : i32
        %add3A_101 = arith.addi %mul3A_99, %add3A_100 : i32
        %ge3A = arith.constant 1 : i32
        %ge3A_102 = arith.cmpi sge, %scan3A_97, %ge3A : i32
        %convert_element_type3A_103 = arith.extui %ge3A_102 : i1 to i32
        %cond3A_104 = arith.constant 0 : i32
        %cond3A_105 = arith.cmpi ne, %convert_element_type3A_103, %cond3A_104 : i32
        scf.if %cond3A_105 {
          %dma_wait3A_259 = arith.constant 0 : i32
          %dma_wait3A_260 = arith.constant 128 : i32
          %dma_wait3A_261 = arith.constant 0 : i32
          %dma_wait3A_262 = tpu.memref_slice %arg7[%dma_wait3A_260, %dma_wait3A_261] : memref<256x128xf32, #tpu.memory_space<vmem>> -> memref<64x128xf32, #tpu.memory_space<vmem>>
          %dma_wait3A_263 = arith.constant 0 : i32
          %dma_wait3A_264 = tpu.memref_slice %arg6[%dma_wait3A_259, %dma_wait3A_263] : memref<40x64xi32, #tpu.memory_space<vmem>> -> memref<1x64xi32, #tpu.memory_space<vmem>>
          %dma_wait3A_265 = tpu.memref_squeeze %dma_wait3A_264 : memref<1x64xi32, #tpu.memory_space<vmem>> -> memref<64xi32, #tpu.memory_space<vmem>>
          %dma_wait3A_266 = arith.constant 0 : i32
          %dma_wait3A_267 = arith.constant 0 : i32
          %dma_wait3A_268 = tpu.memref_slice %arg8[%dma_wait3A_266, %dma_wait3A_267] : memref<10240x128xf32, #tpu.memory_space<vmem_shared>> -> memref<10240x128xf32, #tpu.memory_space<vmem_shared>>
          tpu.wait_indirect_dma semaphore(%arg15 : memref<!tpu.dma_semaphore, #tpu.memory_space<semaphore_mem>>) src(%dma_wait3A_262 : memref<64x128xf32, #tpu.memory_space<vmem>>) dst(%dma_wait3A_268 : memref<10240x128xf32, #tpu.memory_space<vmem_shared>>)
        } else {
        }
        %add3A_106 = arith.constant 2 : i32
        %add3A_107 = arith.addi %add3A_101, %add3A_106 : i32
        %dma_start3A_108 = arith.constant 128 : i32
        %dma_start3A_109 = arith.constant 0 : i32
        %dma_start3A_110 = tpu.memref_slice %arg7[%dma_start3A_108, %dma_start3A_109] : memref<256x128xf32, #tpu.memory_space<vmem>> -> memref<64x128xf32, #tpu.memory_space<vmem>>
        %dma_start3A_111 = arith.constant 0 : i32
        %dma_start3A_112 = tpu.memref_slice %arg5[%add3A_107, %dma_start3A_111] : memref<40x64xi32, #tpu.memory_space<vmem>> -> memref<1x64xi32, #tpu.memory_space<vmem>>
        %dma_start3A_113 = tpu.memref_squeeze %dma_start3A_112 : memref<1x64xi32, #tpu.memory_space<vmem>> -> memref<64xi32, #tpu.memory_space<vmem>>
        %dma_start3A_114 = arith.constant 0 : i32
        %dma_start3A_115 = arith.constant 0 : i32
        %dma_start3A_116 = tpu.memref_slice %arg2[%dma_start3A_114, %dma_start3A_115] : memref<10000x128xf32, #tpu.memory_space<hbm>> -> memref<10000x128xf32, #tpu.memory_space<hbm>>
        tpu.enqueue_indirect_dma source(%dma_start3A_116 : memref<10000x128xf32, #tpu.memory_space<hbm>>) target(%dma_start3A_110 : memref<64x128xf32, #tpu.memory_space<vmem>>) offsets(%dma_start3A_113 : memref<64xi32, #tpu.memory_space<vmem>>) semaphore(%arg11 : memref<!tpu.dma_semaphore, #tpu.memory_space<semaphore_mem>>)
        %dma_wait3A_117 = arith.constant 0 : i32
        %dma_wait3A_118 = arith.constant 0 : i32
        %dma_wait3A_119 = tpu.memref_slice %arg7[%dma_wait3A_117, %dma_wait3A_118] : memref<256x128xf32, #tpu.memory_space<vmem>> -> memref<64x128xf32, #tpu.memory_space<vmem>>
        %dma_wait3A_120 = arith.constant 0 : i32
        %dma_wait3A_121 = arith.constant 0 : i32
        %dma_wait3A_122 = tpu.memref_slice %arg2[%dma_wait3A_120, %dma_wait3A_121] : memref<10000x128xf32, #tpu.memory_space<hbm>> -> memref<64x128xf32, #tpu.memory_space<hbm>>
        %dma_wait3A_123 = arith.constant 0 : i32
        %dma_wait3A_124 = arith.constant 0 : i32
        %dma_wait3A_125 = tpu.memref_slice %arg7[%dma_wait3A_123, %dma_wait3A_124] : memref<256x128xf32, #tpu.memory_space<vmem>> -> memref<64x128xf32, #tpu.memory_space<vmem>>
        %dma_wait3A_126 = arith.constant 0 : i32
        %dma_wait3A_127 = arith.constant 0 : i32
        %dma_wait3A_128 = tpu.memref_slice %arg2[%dma_wait3A_126, %dma_wait3A_127] : memref<10000x128xf32, #tpu.memory_space<hbm>> -> memref<64x128xf32, #tpu.memory_space<hbm>>
        tpu.wait_dma2 semaphore(%arg9 : memref<!tpu.dma_semaphore, #tpu.memory_space<semaphore_mem>>) src(%dma_wait3A_128 : memref<64x128xf32, #tpu.memory_space<hbm>>) dst(%dma_wait3A_125 : memref<64x128xf32, #tpu.memory_space<vmem>>)
        %dma_start3A_129 = arith.constant 0 : i32
        %dma_start3A_130 = arith.constant 0 : i32
        %dma_start3A_131 = tpu.memref_slice %arg7[%dma_start3A_129, %dma_start3A_130] : memref<256x128xf32, #tpu.memory_space<vmem>> -> memref<64x128xf32, #tpu.memory_space<vmem>>
        %dma_start3A_132 = arith.constant 0 : i32
        %dma_start3A_133 = tpu.memref_slice %arg6[%add3A_101, %dma_start3A_132] : memref<40x64xi32, #tpu.memory_space<vmem>> -> memref<1x64xi32, #tpu.memory_space<vmem>>
        %dma_start3A_134 = tpu.memref_squeeze %dma_start3A_133 : memref<1x64xi32, #tpu.memory_space<vmem>> -> memref<64xi32, #tpu.memory_space<vmem>>
        %dma_start3A_135 = arith.constant 0 : i32
        %dma_start3A_136 = arith.constant 0 : i32
        %dma_start3A_137 = tpu.memref_slice %arg8[%dma_start3A_135, %dma_start3A_136] : memref<10240x128xf32, #tpu.memory_space<vmem_shared>> -> memref<10240x128xf32, #tpu.memory_space<vmem_shared>>
        tpu.enqueue_indirect_dma source(%dma_start3A_131 : memref<64x128xf32, #tpu.memory_space<vmem>>) target(%dma_start3A_137 : memref<10240x128xf32, #tpu.memory_space<vmem_shared>>) offsets(%dma_start3A_134 : memref<64xi32, #tpu.memory_space<vmem>>) semaphore(%arg13 : memref<!tpu.dma_semaphore, #tpu.memory_space<semaphore_mem>>) {add = true}
        %mul3A_138 = arith.constant 4 : i32
        %mul3A_139 = arith.muli %mul3A_138, %scan3A_97 : i32
        %add3A_140 = arith.constant 1 : i32
        %add3A_141 = arith.addi %mul3A_139, %add3A_140 : i32
        %ge3A_142 = arith.constant 1 : i32
        %ge3A_143 = arith.cmpi sge, %scan3A_97, %ge3A_142 : i32
        %convert_element_type3A_144 = arith.extui %ge3A_143 : i1 to i32
        %cond3A_145 = arith.constant 0 : i32
        %cond3A_146 = arith.cmpi ne, %convert_element_type3A_144, %cond3A_145 : i32
        scf.if %cond3A_146 {
          %dma_wait3A_259 = arith.constant 0 : i32
          %dma_wait3A_260 = arith.constant 192 : i32
          %dma_wait3A_261 = arith.constant 0 : i32
          %dma_wait3A_262 = tpu.memref_slice %arg7[%dma_wait3A_260, %dma_wait3A_261] : memref<256x128xf32, #tpu.memory_space<vmem>> -> memref<64x128xf32, #tpu.memory_space<vmem>>
          %dma_wait3A_263 = arith.constant 0 : i32
          %dma_wait3A_264 = tpu.memref_slice %arg6[%dma_wait3A_259, %dma_wait3A_263] : memref<40x64xi32, #tpu.memory_space<vmem>> -> memref<1x64xi32, #tpu.memory_space<vmem>>
          %dma_wait3A_265 = tpu.memref_squeeze %dma_wait3A_264 : memref<1x64xi32, #tpu.memory_space<vmem>> -> memref<64xi32, #tpu.memory_space<vmem>>
          %dma_wait3A_266 = arith.constant 0 : i32
          %dma_wait3A_267 = arith.constant 0 : i32
          %dma_wait3A_268 = tpu.memref_slice %arg8[%dma_wait3A_266, %dma_wait3A_267] : memref<10240x128xf32, #tpu.memory_space<vmem_shared>> -> memref<10240x128xf32, #tpu.memory_space<vmem_shared>>
          tpu.wait_indirect_dma semaphore(%arg16 : memref<!tpu.dma_semaphore, #tpu.memory_space<semaphore_mem>>) src(%dma_wait3A_262 : memref<64x128xf32, #tpu.memory_space<vmem>>) dst(%dma_wait3A_268 : memref<10240x128xf32, #tpu.memory_space<vmem_shared>>)
        } else {
        }
        %add3A_147 = arith.constant 2 : i32
        %add3A_148 = arith.addi %add3A_141, %add3A_147 : i32
        %dma_start3A_149 = arith.constant 192 : i32
        %dma_start3A_150 = arith.constant 0 : i32
        %dma_start3A_151 = tpu.memref_slice %arg7[%dma_start3A_149, %dma_start3A_150] : memref<256x128xf32, #tpu.memory_space<vmem>> -> memref<64x128xf32, #tpu.memory_space<vmem>>
        %dma_start3A_152 = arith.constant 0 : i32
        %dma_start3A_153 = tpu.memref_slice %arg5[%add3A_148, %dma_start3A_152] : memref<40x64xi32, #tpu.memory_space<vmem>> -> memref<1x64xi32, #tpu.memory_space<vmem>>
        %dma_start3A_154 = tpu.memref_squeeze %dma_start3A_153 : memref<1x64xi32, #tpu.memory_space<vmem>> -> memref<64xi32, #tpu.memory_space<vmem>>
        %dma_start3A_155 = arith.constant 0 : i32
        %dma_start3A_156 = arith.constant 0 : i32
        %dma_start3A_157 = tpu.memref_slice %arg2[%dma_start3A_155, %dma_start3A_156] : memref<10000x128xf32, #tpu.memory_space<hbm>> -> memref<10000x128xf32, #tpu.memory_space<hbm>>
        tpu.enqueue_indirect_dma source(%dma_start3A_157 : memref<10000x128xf32, #tpu.memory_space<hbm>>) target(%dma_start3A_151 : memref<64x128xf32, #tpu.memory_space<vmem>>) offsets(%dma_start3A_154 : memref<64xi32, #tpu.memory_space<vmem>>) semaphore(%arg12 : memref<!tpu.dma_semaphore, #tpu.memory_space<semaphore_mem>>)
        %dma_wait3A_158 = arith.constant 64 : i32
        %dma_wait3A_159 = arith.constant 0 : i32
        %dma_wait3A_160 = tpu.memref_slice %arg7[%dma_wait3A_158, %dma_wait3A_159] : memref<256x128xf32, #tpu.memory_space<vmem>> -> memref<64x128xf32, #tpu.memory_space<vmem>>
        %dma_wait3A_161 = arith.constant 0 : i32
        %dma_wait3A_162 = arith.constant 0 : i32
        %dma_wait3A_163 = tpu.memref_slice %arg2[%dma_wait3A_161, %dma_wait3A_162] : memref<10000x128xf32, #tpu.memory_space<hbm>> -> memref<64x128xf32, #tpu.memory_space<hbm>>
        %dma_wait3A_164 = arith.constant 64 : i32
        %dma_wait3A_165 = arith.constant 0 : i32
        %dma_wait3A_166 = tpu.memref_slice %arg7[%dma_wait3A_164, %dma_wait3A_165] : memref<256x128xf32, #tpu.memory_space<vmem>> -> memref<64x128xf32, #tpu.memory_space<vmem>>
        %dma_wait3A_167 = arith.constant 0 : i32
        %dma_wait3A_168 = arith.constant 0 : i32
        %dma_wait3A_169 = tpu.memref_slice %arg2[%dma_wait3A_167, %dma_wait3A_168] : memref<10000x128xf32, #tpu.memory_space<hbm>> -> memref<64x128xf32, #tpu.memory_space<hbm>>
        tpu.wait_dma2 semaphore(%arg10 : memref<!tpu.dma_semaphore, #tpu.memory_space<semaphore_mem>>) src(%dma_wait3A_169 : memref<64x128xf32, #tpu.memory_space<hbm>>) dst(%dma_wait3A_166 : memref<64x128xf32, #tpu.memory_space<vmem>>)
        %dma_start3A_170 = arith.constant 64 : i32
        %dma_start3A_171 = arith.constant 0 : i32
        %dma_start3A_172 = tpu.memref_slice %arg7[%dma_start3A_170, %dma_start3A_171] : memref<256x128xf32, #tpu.memory_space<vmem>> -> memref<64x128xf32, #tpu.memory_space<vmem>>
        %dma_start3A_173 = arith.constant 0 : i32
        %dma_start3A_174 = tpu.memref_slice %arg6[%add3A_141, %dma_start3A_173] : memref<40x64xi32, #tpu.memory_space<vmem>> -> memref<1x64xi32, #tpu.memory_space<vmem>>
        %dma_start3A_175 = tpu.memref_squeeze %dma_start3A_174 : memref<1x64xi32, #tpu.memory_space<vmem>> -> memref<64xi32, #tpu.memory_space<vmem>>
        %dma_start3A_176 = arith.constant 0 : i32
        %dma_start3A_177 = arith.constant 0 : i32
        %dma_start3A_178 = tpu.memref_slice %arg8[%dma_start3A_176, %dma_start3A_177] : memref<10240x128xf32, #tpu.memory_space<vmem_shared>> -> memref<10240x128xf32, #tpu.memory_space<vmem_shared>>
        tpu.enqueue_indirect_dma source(%dma_start3A_172 : memref<64x128xf32, #tpu.memory_space<vmem>>) target(%dma_start3A_178 : memref<10240x128xf32, #tpu.memory_space<vmem_shared>>) offsets(%dma_start3A_175 : memref<64xi32, #tpu.memory_space<vmem>>) semaphore(%arg14 : memref<!tpu.dma_semaphore, #tpu.memory_space<semaphore_mem>>) {add = true}
        %mul3A_179 = arith.constant 4 : i32
        %mul3A_180 = arith.muli %mul3A_179, %scan3A_97 : i32
        %add3A_181 = arith.constant 2 : i32
        %add3A_182 = arith.addi %mul3A_180, %add3A_181 : i32
        %dma_wait3A_183 = arith.constant 0 : i32
        %dma_wait3A_184 = arith.constant 0 : i32
        %dma_wait3A_185 = arith.constant 0 : i32
        %dma_wait3A_186 = tpu.memref_slice %arg7[%dma_wait3A_184, %dma_wait3A_185] : memref<256x128xf32, #tpu.memory_space<vmem>> -> memref<64x128xf32, #tpu.memory_space<vmem>>
        %dma_wait3A_187 = arith.constant 0 : i32
        %dma_wait3A_188 = tpu.memref_slice %arg6[%dma_wait3A_183, %dma_wait3A_187] : memref<40x64xi32, #tpu.memory_space<vmem>> -> memref<1x64xi32, #tpu.memory_space<vmem>>
        %dma_wait3A_189 = tpu.memref_squeeze %dma_wait3A_188 : memref<1x64xi32, #tpu.memory_space<vmem>> -> memref<64xi32, #tpu.memory_space<vmem>>
        %dma_wait3A_190 = arith.constant 0 : i32
        %dma_wait3A_191 = arith.constant 0 : i32
        %dma_wait3A_192 = tpu.memref_slice %arg8[%dma_wait3A_190, %dma_wait3A_191] : memref<10240x128xf32, #tpu.memory_space<vmem_shared>> -> memref<10240x128xf32, #tpu.memory_space<vmem_shared>>
        tpu.wait_indirect_dma semaphore(%arg13 : memref<!tpu.dma_semaphore, #tpu.memory_space<semaphore_mem>>) src(%dma_wait3A_186 : memref<64x128xf32, #tpu.memory_space<vmem>>) dst(%dma_wait3A_192 : memref<10240x128xf32, #tpu.memory_space<vmem_shared>>)
        %lt3A_193 = arith.constant 9 : i32
        %lt3A_194 = arith.cmpi slt, %scan3A_97, %lt3A_193 : i32
        %convert_element_type3A_195 = arith.extui %lt3A_194 : i1 to i32
        %cond3A_196 = arith.constant 0 : i32
        %cond3A_197 = arith.cmpi ne, %convert_element_type3A_195, %cond3A_196 : i32
        scf.if %cond3A_197 {
          %add3A_259 = arith.constant 2 : i32
          %add3A_260 = arith.addi %add3A_182, %add3A_259 : i32
          %dma_start3A_261 = arith.constant 0 : i32
          %dma_start3A_262 = arith.constant 0 : i32
          %dma_start3A_263 = tpu.memref_slice %arg7[%dma_start3A_261, %dma_start3A_262] : memref<256x128xf32, #tpu.memory_space<vmem>> -> memref<64x128xf32, #tpu.memory_space<vmem>>
          %dma_start3A_264 = arith.constant 0 : i32
          %dma_start3A_265 = tpu.memref_slice %arg5[%add3A_260, %dma_start3A_264] : memref<40x64xi32, #tpu.memory_space<vmem>> -> memref<1x64xi32, #tpu.memory_space<vmem>>
          %dma_start3A_266 = tpu.memref_squeeze %dma_start3A_265 : memref<1x64xi32, #tpu.memory_space<vmem>> -> memref<64xi32, #tpu.memory_space<vmem>>
          %dma_start3A_267 = arith.constant 0 : i32
          %dma_start3A_268 = arith.constant 0 : i32
          %dma_start3A_269 = tpu.memref_slice %arg2[%dma_start3A_267, %dma_start3A_268] : memref<10000x128xf32, #tpu.memory_space<hbm>> -> memref<10000x128xf32, #tpu.memory_space<hbm>>
          tpu.enqueue_indirect_dma source(%dma_start3A_269 : memref<10000x128xf32, #tpu.memory_space<hbm>>) target(%dma_start3A_263 : memref<64x128xf32, #tpu.memory_space<vmem>>) offsets(%dma_start3A_266 : memref<64xi32, #tpu.memory_space<vmem>>) semaphore(%arg9 : memref<!tpu.dma_semaphore, #tpu.memory_space<semaphore_mem>>)
        } else {
        }
        %dma_wait3A_198 = arith.constant 128 : i32
        %dma_wait3A_199 = arith.constant 0 : i32
        %dma_wait3A_200 = tpu.memref_slice %arg7[%dma_wait3A_198, %dma_wait3A_199] : memref<256x128xf32, #tpu.memory_space<vmem>> -> memref<64x128xf32, #tpu.memory_space<vmem>>
        %dma_wait3A_201 = arith.constant 0 : i32
        %dma_wait3A_202 = arith.constant 0 : i32
        %dma_wait3A_203 = tpu.memref_slice %arg2[%dma_wait3A_201, %dma_wait3A_202] : memref<10000x128xf32, #tpu.memory_space<hbm>> -> memref<64x128xf32, #tpu.memory_space<hbm>>
        %dma_wait3A_204 = arith.constant 128 : i32
        %dma_wait3A_205 = arith.constant 0 : i32
        %dma_wait3A_206 = tpu.memref_slice %arg7[%dma_wait3A_204, %dma_wait3A_205] : memref<256x128xf32, #tpu.memory_space<vmem>> -> memref<64x128xf32, #tpu.memory_space<vmem>>
        %dma_wait3A_207 = arith.constant 0 : i32
        %dma_wait3A_208 = arith.constant 0 : i32
        %dma_wait3A_209 = tpu.memref_slice %arg2[%dma_wait3A_207, %dma_wait3A_208] : memref<10000x128xf32, #tpu.memory_space<hbm>> -> memref<64x128xf32, #tpu.memory_space<hbm>>
        tpu.wait_dma2 semaphore(%arg11 : memref<!tpu.dma_semaphore, #tpu.memory_space<semaphore_mem>>) src(%dma_wait3A_209 : memref<64x128xf32, #tpu.memory_space<hbm>>) dst(%dma_wait3A_206 : memref<64x128xf32, #tpu.memory_space<vmem>>)
        %dma_start3A_210 = arith.constant 128 : i32
        %dma_start3A_211 = arith.constant 0 : i32
        %dma_start3A_212 = tpu.memref_slice %arg7[%dma_start3A_210, %dma_start3A_211] : memref<256x128xf32, #tpu.memory_space<vmem>> -> memref<64x128xf32, #tpu.memory_space<vmem>>
        %dma_start3A_213 = arith.constant 0 : i32
        %dma_start3A_214 = tpu.memref_slice %arg6[%add3A_182, %dma_start3A_213] : memref<40x64xi32, #tpu.memory_space<vmem>> -> memref<1x64xi32, #tpu.memory_space<vmem>>
        %dma_start3A_215 = tpu.memref_squeeze %dma_start3A_214 : memref<1x64xi32, #tpu.memory_space<vmem>> -> memref<64xi32, #tpu.memory_space<vmem>>
        %dma_start3A_216 = arith.constant 0 : i32
        %dma_start3A_217 = arith.constant 0 : i32
        %dma_start3A_218 = tpu.memref_slice %arg8[%dma_start3A_216, %dma_start3A_217] : memref<10240x128xf32, #tpu.memory_space<vmem_shared>> -> memref<10240x128xf32, #tpu.memory_space<vmem_shared>>
        tpu.enqueue_indirect_dma source(%dma_start3A_212 : memref<64x128xf32, #tpu.memory_space<vmem>>) target(%dma_start3A_218 : memref<10240x128xf32, #tpu.memory_space<vmem_shared>>) offsets(%dma_start3A_215 : memref<64xi32, #tpu.memory_space<vmem>>) semaphore(%arg15 : memref<!tpu.dma_semaphore, #tpu.memory_space<semaphore_mem>>) {add = true}
        %mul3A_219 = arith.constant 4 : i32
        %mul3A_220 = arith.muli %mul3A_219, %scan3A_97 : i32
        %add3A_221 = arith.constant 3 : i32
        %add3A_222 = arith.addi %mul3A_220, %add3A_221 : i32
        %dma_wait3A_223 = arith.constant 0 : i32
        %dma_wait3A_224 = arith.constant 64 : i32
        %dma_wait3A_225 = arith.constant 0 : i32
        %dma_wait3A_226 = tpu.memref_slice %arg7[%dma_wait3A_224, %dma_wait3A_225] : memref<256x128xf32, #tpu.memory_space<vmem>> -> memref<64x128xf32, #tpu.memory_space<vmem>>
        %dma_wait3A_227 = arith.constant 0 : i32
        %dma_wait3A_228 = tpu.memref_slice %arg6[%dma_wait3A_223, %dma_wait3A_227] : memref<40x64xi32, #tpu.memory_space<vmem>> -> memref<1x64xi32, #tpu.memory_space<vmem>>
        %dma_wait3A_229 = tpu.memref_squeeze %dma_wait3A_228 : memref<1x64xi32, #tpu.memory_space<vmem>> -> memref<64xi32, #tpu.memory_space<vmem>>
        %dma_wait3A_230 = arith.constant 0 : i32
        %dma_wait3A_231 = arith.constant 0 : i32
        %dma_wait3A_232 = tpu.memref_slice %arg8[%dma_wait3A_230, %dma_wait3A_231] : memref<10240x128xf32, #tpu.memory_space<vmem_shared>> -> memref<10240x128xf32, #tpu.memory_space<vmem_shared>>
        tpu.wait_indirect_dma semaphore(%arg14 : memref<!tpu.dma_semaphore, #tpu.memory_space<semaphore_mem>>) src(%dma_wait3A_226 : memref<64x128xf32, #tpu.memory_space<vmem>>) dst(%dma_wait3A_232 : memref<10240x128xf32, #tpu.memory_space<vmem_shared>>)
        %lt3A_233 = arith.constant 9 : i32
        %lt3A_234 = arith.cmpi slt, %scan3A_97, %lt3A_233 : i32
        %convert_element_type3A_235 = arith.extui %lt3A_234 : i1 to i32
        %cond3A_236 = arith.constant 0 : i32
        %cond3A_237 = arith.cmpi ne, %convert_element_type3A_235, %cond3A_236 : i32
        scf.if %cond3A_237 {
          %add3A_259 = arith.constant 2 : i32
          %add3A_260 = arith.addi %add3A_222, %add3A_259 : i32
          %dma_start3A_261 = arith.constant 64 : i32
          %dma_start3A_262 = arith.constant 0 : i32
          %dma_start3A_263 = tpu.memref_slice %arg7[%dma_start3A_261, %dma_start3A_262] : memref<256x128xf32, #tpu.memory_space<vmem>> -> memref<64x128xf32, #tpu.memory_space<vmem>>
          %dma_start3A_264 = arith.constant 0 : i32
          %dma_start3A_265 = tpu.memref_slice %arg5[%add3A_260, %dma_start3A_264] : memref<40x64xi32, #tpu.memory_space<vmem>> -> memref<1x64xi32, #tpu.memory_space<vmem>>
          %dma_start3A_266 = tpu.memref_squeeze %dma_start3A_265 : memref<1x64xi32, #tpu.memory_space<vmem>> -> memref<64xi32, #tpu.memory_space<vmem>>
          %dma_start3A_267 = arith.constant 0 : i32
          %dma_start3A_268 = arith.constant 0 : i32
          %dma_start3A_269 = tpu.memref_slice %arg2[%dma_start3A_267, %dma_start3A_268] : memref<10000x128xf32, #tpu.memory_space<hbm>> -> memref<10000x128xf32, #tpu.memory_space<hbm>>
          tpu.enqueue_indirect_dma source(%dma_start3A_269 : memref<10000x128xf32, #tpu.memory_space<hbm>>) target(%dma_start3A_263 : memref<64x128xf32, #tpu.memory_space<vmem>>) offsets(%dma_start3A_266 : memref<64xi32, #tpu.memory_space<vmem>>) semaphore(%arg10 : memref<!tpu.dma_semaphore, #tpu.memory_space<semaphore_mem>>)
        } else {
        }
        %dma_wait3A_238 = arith.constant 192 : i32
        %dma_wait3A_239 = arith.constant 0 : i32
        %dma_wait3A_240 = tpu.memref_slice %arg7[%dma_wait3A_238, %dma_wait3A_239] : memref<256x128xf32, #tpu.memory_space<vmem>> -> memref<64x128xf32, #tpu.memory_space<vmem>>
        %dma_wait3A_241 = arith.constant 0 : i32
        %dma_wait3A_242 = arith.constant 0 : i32
        %dma_wait3A_243 = tpu.memref_slice %arg2[%dma_wait3A_241, %dma_wait3A_242] : memref<10000x128xf32, #tpu.memory_space<hbm>> -> memref<64x128xf32, #tpu.memory_space<hbm>>
        %dma_wait3A_244 = arith.constant 192 : i32
        %dma_wait3A_245 = arith.constant 0 : i32
        %dma_wait3A_246 = tpu.memref_slice %arg7[%dma_wait3A_244, %dma_wait3A_245] : memref<256x128xf32, #tpu.memory_space<vmem>> -> memref<64x128xf32, #tpu.memory_space<vmem>>
        %dma_wait3A_247 = arith.constant 0 : i32
        %dma_wait3A_248 = arith.constant 0 : i32
        %dma_wait3A_249 = tpu.memref_slice %arg2[%dma_wait3A_247, %dma_wait3A_248] : memref<10000x128xf32, #tpu.memory_space<hbm>> -> memref<64x128xf32, #tpu.memory_space<hbm>>
        tpu.wait_dma2 semaphore(%arg12 : memref<!tpu.dma_semaphore, #tpu.memory_space<semaphore_mem>>) src(%dma_wait3A_249 : memref<64x128xf32, #tpu.memory_space<hbm>>) dst(%dma_wait3A_246 : memref<64x128xf32, #tpu.memory_space<vmem>>)
        %dma_start3A_250 = arith.constant 192 : i32
        %dma_start3A_251 = arith.constant 0 : i32
        %dma_start3A_252 = tpu.memref_slice %arg7[%dma_start3A_250, %dma_start3A_251] : memref<256x128xf32, #tpu.memory_space<vmem>> -> memref<64x128xf32, #tpu.memory_space<vmem>>
        %dma_start3A_253 = arith.constant 0 : i32
        %dma_start3A_254 = tpu.memref_slice %arg6[%add3A_222, %dma_start3A_253] : memref<40x64xi32, #tpu.memory_space<vmem>> -> memref<1x64xi32, #tpu.memory_space<vmem>>
        %dma_start3A_255 = tpu.memref_squeeze %dma_start3A_254 : memref<1x64xi32, #tpu.memory_space<vmem>> -> memref<64xi32, #tpu.memory_space<vmem>>
        %dma_start3A_256 = arith.constant 0 : i32
        %dma_start3A_257 = arith.constant 0 : i32
        %dma_start3A_258 = tpu.memref_slice %arg8[%dma_start3A_256, %dma_start3A_257] : memref<10240x128xf32, #tpu.memory_space<vmem_shared>> -> memref<10240x128xf32, #tpu.memory_space<vmem_shared>>
        tpu.enqueue_indirect_dma source(%dma_start3A_252 : memref<64x128xf32, #tpu.memory_space<vmem>>) target(%dma_start3A_258 : memref<10240x128xf32, #tpu.memory_space<vmem_shared>>) offsets(%dma_start3A_255 : memref<64xi32, #tpu.memory_space<vmem>>) semaphore(%arg16 : memref<!tpu.dma_semaphore, #tpu.memory_space<semaphore_mem>>) {add = true}
      }
      %scan3A_96 = arith.constant 10 : i32
    }
    %dma_wait3A = arith.constant 0 : i32
    %dma_wait3A_59 = arith.constant 128 : i32
    %dma_wait3A_60 = arith.constant 0 : i32
    %dma_wait3A_61 = tpu.memref_slice %arg7[%dma_wait3A_59, %dma_wait3A_60] : memref<256x128xf32, #tpu.memory_space<vmem>> -> memref<64x128xf32, #tpu.memory_space<vmem>>
    %dma_wait3A_62 = arith.constant 0 : i32
    %dma_wait3A_63 = tpu.memref_slice %arg6[%dma_wait3A, %dma_wait3A_62] : memref<40x64xi32, #tpu.memory_space<vmem>> -> memref<1x64xi32, #tpu.memory_space<vmem>>
    %dma_wait3A_64 = tpu.memref_squeeze %dma_wait3A_63 : memref<1x64xi32, #tpu.memory_space<vmem>> -> memref<64xi32, #tpu.memory_space<vmem>>
    %dma_wait3A_65 = arith.constant 0 : i32
    %dma_wait3A_66 = arith.constant 0 : i32
    %dma_wait3A_67 = tpu.memref_slice %arg8[%dma_wait3A_65, %dma_wait3A_66] : memref<10240x128xf32, #tpu.memory_space<vmem_shared>> -> memref<10240x128xf32, #tpu.memory_space<vmem_shared>>
    tpu.wait_indirect_dma semaphore(%arg15 : memref<!tpu.dma_semaphore, #tpu.memory_space<semaphore_mem>>) src(%dma_wait3A_61 : memref<64x128xf32, #tpu.memory_space<vmem>>) dst(%dma_wait3A_67 : memref<10240x128xf32, #tpu.memory_space<vmem_shared>>)
    %dma_wait3A_68 = arith.constant 0 : i32
    %dma_wait3A_69 = arith.constant 192 : i32
    %dma_wait3A_70 = arith.constant 0 : i32
    %dma_wait3A_71 = tpu.memref_slice %arg7[%dma_wait3A_69, %dma_wait3A_70] : memref<256x128xf32, #tpu.memory_space<vmem>> -> memref<64x128xf32, #tpu.memory_space<vmem>>
    %dma_wait3A_72 = arith.constant 0 : i32
    %dma_wait3A_73 = tpu.memref_slice %arg6[%dma_wait3A_68, %dma_wait3A_72] : memref<40x64xi32, #tpu.memory_space<vmem>> -> memref<1x64xi32, #tpu.memory_space<vmem>>
    %dma_wait3A_74 = tpu.memref_squeeze %dma_wait3A_73 : memref<1x64xi32, #tpu.memory_space<vmem>> -> memref<64xi32, #tpu.memory_space<vmem>>
    %dma_wait3A_75 = arith.constant 0 : i32
    %dma_wait3A_76 = arith.constant 0 : i32
    %dma_wait3A_77 = tpu.memref_slice %arg8[%dma_wait3A_75, %dma_wait3A_76] : memref<10240x128xf32, #tpu.memory_space<vmem_shared>> -> memref<10240x128xf32, #tpu.memory_space<vmem_shared>>
    tpu.wait_indirect_dma semaphore(%arg16 : memref<!tpu.dma_semaphore, #tpu.memory_space<semaphore_mem>>) src(%dma_wait3A_71 : memref<64x128xf32, #tpu.memory_space<vmem>>) dst(%dma_wait3A_77 : memref<10240x128xf32, #tpu.memory_space<vmem_shared>>)
    %barrier3A_78 = arith.constant 0 : index
    tpu.barrier barrier_id(%barrier3A_78)
    %lt3A = arith.constant 15 : i32
    %lt3A_79 = arith.cmpi slt, %arg1, %lt3A : i32
    %convert_element_type3A = arith.extui %lt3A_79 : i1 to i32
    %cond3A = arith.constant 0 : i32
    %cond3A_80 = arith.cmpi ne, %convert_element_type3A, %cond3A : i32
    scf.if %cond3A_80 {
      %mul3A_86 = arith.constant 640 : i32
      %mul3A_87 = arith.muli %arg1, %mul3A_86 : i32
      %mul3A_88 = arith.constant 10000 : i32
      %mul3A_89 = arith.muli %arg0, %mul3A_88 : i32
      %mul3A_90 = arith.constant 640 : i32
      %mul3A_91 = arith.muli %arg1, %mul3A_90 : i32
      %add3A_92 = arith.addi %mul3A_89, %mul3A_91 : i32
      "tpu.region"() ({
        %run_scoped3A_93 = tpu.sem_alloc : memref<!tpu.dma_semaphore, #tpu.memory_space<semaphore_mem>>
        %dma_start3A_94 = arith.constant 0 : i32
        %dma_start3A_95 = tpu.memref_slice %arg4[%add3A_92, %dma_start3A_94] : memref<20000x128xf32, #tpu.memory_space<hbm>> -> memref<640x128xf32, #tpu.memory_space<hbm>>
        %dma_start3A_96 = arith.constant 0 : i32
        %dma_start3A_97 = tpu.memref_slice %arg8[%mul3A_87, %dma_start3A_96] : memref<10240x128xf32, #tpu.memory_space<vmem_shared>> -> memref<640x128xf32, #tpu.memory_space<vmem_shared>>
        tpu.enqueue_dma source(%dma_start3A_97 : memref<640x128xf32, #tpu.memory_space<vmem_shared>>) target(%dma_start3A_95 : memref<640x128xf32, #tpu.memory_space<hbm>>) target_semaphore(%run_scoped3A_93 : memref<!tpu.dma_semaphore, #tpu.memory_space<semaphore_mem>>)
        %dma_wait3A_98 = arith.constant 0 : i32
        %dma_wait3A_99 = tpu.memref_slice %arg4[%add3A_92, %dma_wait3A_98] : memref<20000x128xf32, #tpu.memory_space<hbm>> -> memref<640x128xf32, #tpu.memory_space<hbm>>
        %dma_wait3A_100 = arith.constant 0 : i32
        %dma_wait3A_101 = tpu.memref_slice %arg8[%mul3A_87, %dma_wait3A_100] : memref<10240x128xf32, #tpu.memory_space<vmem_shared>> -> memref<640x128xf32, #tpu.memory_space<vmem_shared>>
        tpu.wait_dma2 semaphore(%run_scoped3A_93 : memref<!tpu.dma_semaphore, #tpu.memory_space<semaphore_mem>>) src(%dma_wait3A_101 : memref<640x128xf32, #tpu.memory_space<vmem_shared>>) dst(%dma_wait3A_99 : memref<640x128xf32, #tpu.memory_space<hbm>>)
        tpu.yield
      }) : () -> ()
    } else {
    }
    %eq3A_81 = arith.constant 15 : i32
    %eq3A_82 = arith.cmpi eq, %arg1, %eq3A_81 : i32
    %convert_element_type3A_83 = arith.extui %eq3A_82 : i1 to i32
    %cond3A_84 = arith.constant 0 : i32
    %cond3A_85 = arith.cmpi ne, %convert_element_type3A_83, %cond3A_84 : i32
    scf.if %cond3A_85 {
      %mul3A_86 = arith.constant 10000 : i32
      %mul3A_87 = arith.muli %arg0, %mul3A_86 : i32
      %add3A_88 = arith.constant 9600 : i32
      %add3A_89 = arith.addi %mul3A_87, %add3A_88 : i32
      "tpu.region"() ({
        %run_scoped3A_90 = tpu.sem_alloc : memref<!tpu.dma_semaphore, #tpu.memory_space<semaphore_mem>>
        %dma_start3A_91 = arith.constant 0 : i32
        %dma_start3A_92 = tpu.memref_slice %arg4[%add3A_89, %dma_start3A_91] : memref<20000x128xf32, #tpu.memory_space<hbm>> -> memref<400x128xf32, #tpu.memory_space<hbm>>
        %dma_start3A_93 = arith.constant 9600 : i32
        %dma_start3A_94 = arith.constant 0 : i32
        %dma_start3A_95 = tpu.memref_slice %arg8[%dma_start3A_93, %dma_start3A_94] : memref<10240x128xf32, #tpu.memory_space<vmem_shared>> -> memref<400x128xf32, #tpu.memory_space<vmem_shared>>
        tpu.enqueue_dma source(%dma_start3A_95 : memref<400x128xf32, #tpu.memory_space<vmem_shared>>) target(%dma_start3A_92 : memref<400x128xf32, #tpu.memory_space<hbm>>) target_semaphore(%run_scoped3A_90 : memref<!tpu.dma_semaphore, #tpu.memory_space<semaphore_mem>>)
        %dma_wait3A_96 = arith.constant 0 : i32
        %dma_wait3A_97 = tpu.memref_slice %arg4[%add3A_89, %dma_wait3A_96] : memref<20000x128xf32, #tpu.memory_space<hbm>> -> memref<400x128xf32, #tpu.memory_space<hbm>>
        %dma_wait3A_98 = arith.constant 9600 : i32
        %dma_wait3A_99 = arith.constant 0 : i32
        %dma_wait3A_100 = tpu.memref_slice %arg8[%dma_wait3A_98, %dma_wait3A_99] : memref<10240x128xf32, #tpu.memory_space<vmem_shared>> -> memref<400x128xf32, #tpu.memory_space<vmem_shared>>
        tpu.wait_dma2 semaphore(%run_scoped3A_90 : memref<!tpu.dma_semaphore, #tpu.memory_space<semaphore_mem>>) src(%dma_wait3A_100 : memref<400x128xf32, #tpu.memory_space<vmem_shared>>) dst(%dma_wait3A_97 : memref<400x128xf32, #tpu.memory_space<hbm>>)
        tpu.yield
      }) : () -> ()
    } else {
    }
    return
  }
}

module attributes {stable_mosaic.version = 14 : i64} {
  func.func @body(%arg0: i32, %arg1: memref<1000x128xf32, #tpu.memory_space<vmem>>, %arg2: memref<1000x128xf32, #tpu.memory_space<vmem>>, %arg3: memref<1000x128xf32, #tpu.memory_space<vmem>>, %arg4: memref<128x128xf32, #tpu.memory_space<vmem>>, %arg5: memref<128x128xf32, #tpu.memory_space<vmem>>, %arg6: memref<1x128xf32, #tpu.memory_space<vmem>>, %arg7: memref<1000x128xf32, #tpu.memory_space<vmem>>) attributes {dimension_semantics = [#tpu.dimension_semantics<arbitrary>], iteration_bounds = array<i64: 10>, scalar_prefetch = 0 : i64, scratch_operands = 0 : i64, tpu.core_type = #tpu.core_type<tc>, window_params = [{transform_indices = @transform_0, window_bounds = array<i64: 1000, 128>}, {transform_indices = @transform_1, window_bounds = array<i64: 1000, 128>}, {transform_indices = @transform_2, window_bounds = array<i64: 1000, 128>}, {pipeline_mode = #tpu.pipeline_mode<synchronous>, transform_indices = @transform_3, window_bounds = array<i64: 128, 128>}, {pipeline_mode = #tpu.pipeline_mode<synchronous>, transform_indices = @transform_4, window_bounds = array<i64: 128, 128>}, {pipeline_mode = #tpu.pipeline_mode<synchronous>, transform_indices = @transform_5, window_bounds = array<i64: 1, 128>}, {transform_indices = @transform_6, window_bounds = array<i64: 1000, 128>}]} {
    %get3A = arith.constant 0 : index
    %get3A_0 = arith.constant 0 : index
    %get3A_1 = vector.load %arg1[%get3A, %get3A_0] : memref<1000x128xf32, #tpu.memory_space<vmem>>, vector<1000x128xf32>
    %get3A_2 = arith.constant 0 : index
    %get3A_3 = arith.constant 0 : index
    %get3A_4 = vector.load %arg4[%get3A_2, %get3A_3] : memref<128x128xf32, #tpu.memory_space<vmem>>, vector<128x128xf32>
    %dot_general3A = arith.constant dense<0.000000e+00> : vector<1000x128xf32>
    %dot_general3A_5 = tpu.matmul %get3A_1, %get3A_4, %dot_general3A {dimension_numbers = #tpu.dot_dimension_numbers<[1], [0], [0], [1], [0, 0, 1, 1], [], []>, transpose_lhs_hint = false} : vector<1000x128xf32>, vector<128x128xf32>, vector<1000x128xf32> -> vector<1000x128xf32>
    %get3A_6 = arith.constant 0 : index
    %get3A_7 = arith.constant 0 : index
    %get3A_8 = vector.load %arg2[%get3A_6, %get3A_7] : memref<1000x128xf32, #tpu.memory_space<vmem>>, vector<1000x128xf32>
    %get3A_9 = arith.constant 0 : index
    %get3A_10 = arith.constant 0 : index
    %get3A_11 = vector.load %arg3[%get3A_9, %get3A_10] : memref<1000x128xf32, #tpu.memory_space<vmem>>, vector<1000x128xf32>
    %add3A = arith.addf %get3A_8, %get3A_11 : vector<1000x128xf32>
    %get3A_12 = arith.constant 0 : index
    %get3A_13 = arith.constant 0 : index
    %get3A_14 = vector.load %arg5[%get3A_12, %get3A_13] : memref<128x128xf32, #tpu.memory_space<vmem>>, vector<128x128xf32>
    %dot_general3A_15 = arith.constant dense<0.000000e+00> : vector<1000x128xf32>
    %dot_general3A_16 = tpu.matmul %add3A, %get3A_14, %dot_general3A_15 {dimension_numbers = #tpu.dot_dimension_numbers<[1], [0], [0], [1], [0, 0, 1, 1], [], []>, transpose_lhs_hint = false} : vector<1000x128xf32>, vector<128x128xf32>, vector<1000x128xf32> -> vector<1000x128xf32>
    %add3A_17 = arith.addf %dot_general3A_5, %dot_general3A_16 : vector<1000x128xf32>
    %get3A_18 = arith.constant 0 : index
    %get3A_19 = arith.constant 0 : index
    %get3A_20 = vector.load %arg6[%get3A_18, %get3A_19] : memref<1x128xf32, #tpu.memory_space<vmem>>, vector<1x128xf32>
    %add3A_21 = vector.broadcast %get3A_20 : vector<1x128xf32> to vector<1000x128xf32>
    %add3A_22 = arith.addf %add3A_17, %add3A_21 : vector<1000x128xf32>
    %max3A = arith.constant 0.000000e+00 : f32
    %max3A_23 = vector.broadcast %max3A : f32 to vector<1000x128xf32>
    %max3A_24 = arith.maximumf %add3A_22, %max3A_23 : vector<1000x128xf32>
    %add3A_25 = arith.addf %max3A_24, %get3A_1 : vector<1000x128xf32>
    %swap3A = arith.constant 0 : index
    %swap3A_26 = arith.constant 0 : index
    %swap3A_27 = vector.load %arg7[%swap3A, %swap3A_26] : memref<1000x128xf32, #tpu.memory_space<vmem>>, vector<1000x128xf32>
    tpu.vector_store %arg7[%swap3A, %swap3A_26], %add3A_25 {strides = array<i32>} : memref<1000x128xf32, #tpu.memory_space<vmem>>, vector<1000x128xf32>,
    return
  }
  func.func @transform_0(%arg0: i32) -> (i32, i32) {
    %c0_i32 = arith.constant 0 : i32
    %c0_i32_0 = arith.constant 0 : i32
    return %arg0, %c0_i32 : i32, i32
  }
  func.func @transform_1(%arg0: i32) -> (i32, i32) {
    %c0_i32 = arith.constant 0 : i32
    %c0_i32_0 = arith.constant 0 : i32
    return %arg0, %c0_i32 : i32, i32
  }
  func.func @transform_2(%arg0: i32) -> (i32, i32) {
    %add3A = arith.constant 10 : i32
    %add3A_0 = arith.addi %arg0, %add3A : i32
    %c0_i32 = arith.constant 0 : i32
    %c0_i32_1 = arith.constant 0 : i32
    return %add3A_0, %c0_i32 : i32, i32
  }
  func.func @transform_3(%arg0: i32) -> (i32, i32) {
    %c0_i32 = arith.constant 0 : i32
    %c0_i32_0 = arith.constant 0 : i32
    %c0_i32_1 = arith.constant 0 : i32
    return %c0_i32, %c0_i32_0 : i32, i32
  }
  func.func @transform_4(%arg0: i32) -> (i32, i32) {
    %c0_i32 = arith.constant 0 : i32
    %c0_i32_0 = arith.constant 0 : i32
    %c0_i32_1 = arith.constant 0 : i32
    return %c0_i32, %c0_i32_0 : i32, i32
  }
  func.func @transform_5(%arg0: i32) -> (i32, i32) {
    %c0_i32 = arith.constant 0 : i32
    %c0_i32_0 = arith.constant 0 : i32
    %c0_i32_1 = arith.constant 0 : i32
    return %c0_i32, %c0_i32_0 : i32, i32
  }
  func.func @transform_6(%arg0: i32) -> (i32, i32) {
    %c0_i32 = arith.constant 0 : i32
    %c0_i32_0 = arith.constant 0 : i32
    return %arg0, %c0_i32 : i32, i32
  }
}

module attributes {stable_mosaic.version = 14 : i64} {
  func.func @body(%arg0: i32, %arg1: memref<1000x128xf32, #tpu.memory_space<vmem>>, %arg2: memref<1000x128xf32, #tpu.memory_space<vmem>>, %arg3: memref<1000x128xf32, #tpu.memory_space<vmem>>, %arg4: memref<128x128xf32, #tpu.memory_space<vmem>>, %arg5: memref<128x128xf32, #tpu.memory_space<vmem>>, %arg6: memref<1x128xf32, #tpu.memory_space<vmem>>, %arg7: memref<1000x128xf32, #tpu.memory_space<vmem>>) attributes {dimension_semantics = [#tpu.dimension_semantics<arbitrary>], iteration_bounds = array<i64: 10>, scalar_prefetch = 0 : i64, scratch_operands = 0 : i64, tpu.core_type = #tpu.core_type<tc>, window_params = [{transform_indices = @transform_0, window_bounds = array<i64: 1000, 128>}, {transform_indices = @transform_1, window_bounds = array<i64: 1000, 128>}, {transform_indices = @transform_2, window_bounds = array<i64: 1000, 128>}, {pipeline_mode = #tpu.pipeline_mode<synchronous>, transform_indices = @transform_3, window_bounds = array<i64: 128, 128>}, {pipeline_mode = #tpu.pipeline_mode<synchronous>, transform_indices = @transform_4, window_bounds = array<i64: 128, 128>}, {pipeline_mode = #tpu.pipeline_mode<synchronous>, transform_indices = @transform_5, window_bounds = array<i64: 1, 128>}, {transform_indices = @transform_6, window_bounds = array<i64: 1000, 128>}]} {
    %get3A = arith.constant 0 : index
    %get3A_0 = arith.constant 0 : index
    %get3A_1 = vector.load %arg1[%get3A, %get3A_0] : memref<1000x128xf32, #tpu.memory_space<vmem>>, vector<1000x128xf32>
    %get3A_2 = arith.constant 0 : index
    %get3A_3 = arith.constant 0 : index
    %get3A_4 = vector.load %arg4[%get3A_2, %get3A_3] : memref<128x128xf32, #tpu.memory_space<vmem>>, vector<128x128xf32>
    %dot_general3A = arith.constant dense<0.000000e+00> : vector<1000x128xf32>
    %dot_general3A_5 = tpu.matmul %get3A_1, %get3A_4, %dot_general3A {dimension_numbers = #tpu.dot_dimension_numbers<[1], [0], [0], [1], [0, 0, 1, 1], [], []>, transpose_lhs_hint = false} : vector<1000x128xf32>, vector<128x128xf32>, vector<1000x128xf32> -> vector<1000x128xf32>
    %get3A_6 = arith.constant 0 : index
    %get3A_7 = arith.constant 0 : index
    %get3A_8 = vector.load %arg2[%get3A_6, %get3A_7] : memref<1000x128xf32, #tpu.memory_space<vmem>>, vector<1000x128xf32>
    %get3A_9 = arith.constant 0 : index
    %get3A_10 = arith.constant 0 : index
    %get3A_11 = vector.load %arg3[%get3A_9, %get3A_10] : memref<1000x128xf32, #tpu.memory_space<vmem>>, vector<1000x128xf32>
    %add3A = arith.addf %get3A_8, %get3A_11 : vector<1000x128xf32>
    %get3A_12 = arith.constant 0 : index
    %get3A_13 = arith.constant 0 : index
    %get3A_14 = vector.load %arg5[%get3A_12, %get3A_13] : memref<128x128xf32, #tpu.memory_space<vmem>>, vector<128x128xf32>
    %dot_general3A_15 = arith.constant dense<0.000000e+00> : vector<1000x128xf32>
    %dot_general3A_16 = tpu.matmul %add3A, %get3A_14, %dot_general3A_15 {dimension_numbers = #tpu.dot_dimension_numbers<[1], [0], [0], [1], [0, 0, 1, 1], [], []>, transpose_lhs_hint = false} : vector<1000x128xf32>, vector<128x128xf32>, vector<1000x128xf32> -> vector<1000x128xf32>
    %add3A_17 = arith.addf %dot_general3A_5, %dot_general3A_16 : vector<1000x128xf32>
    %get3A_18 = arith.constant 0 : index
    %get3A_19 = arith.constant 0 : index
    %get3A_20 = vector.load %arg6[%get3A_18, %get3A_19] : memref<1x128xf32, #tpu.memory_space<vmem>>, vector<1x128xf32>
    %add3A_21 = vector.broadcast %get3A_20 : vector<1x128xf32> to vector<1000x128xf32>
    %add3A_22 = arith.addf %add3A_17, %add3A_21 : vector<1000x128xf32>
    %max3A = arith.constant 0.000000e+00 : f32
    %max3A_23 = vector.broadcast %max3A : f32 to vector<1000x128xf32>
    %max3A_24 = arith.maximumf %add3A_22, %max3A_23 : vector<1000x128xf32>
    %add3A_25 = arith.addf %max3A_24, %get3A_1 : vector<1000x128xf32>
    %swap3A = arith.constant 0 : index
    %swap3A_26 = arith.constant 0 : index
    %swap3A_27 = vector.load %arg7[%swap3A, %swap3A_26] : memref<1000x128xf32, #tpu.memory_space<vmem>>, vector<1000x128xf32>
    tpu.vector_store %arg7[%swap3A, %swap3A_26], %add3A_25 {strides = array<i32>} : memref<1000x128xf32, #tpu.memory_space<vmem>>, vector<1000x128xf32>,
    return
  }
  func.func @transform_0(%arg0: i32) -> (i32, i32) {
    %c0_i32 = arith.constant 0 : i32
    %c0_i32_0 = arith.constant 0 : i32
    return %arg0, %c0_i32 : i32, i32
  }
  func.func @transform_1(%arg0: i32) -> (i32, i32) {
    %c0_i32 = arith.constant 0 : i32
    %c0_i32_0 = arith.constant 0 : i32
    return %arg0, %c0_i32 : i32, i32
  }
  func.func @transform_2(%arg0: i32) -> (i32, i32) {
    %add3A = arith.constant 10 : i32
    %add3A_0 = arith.addi %arg0, %add3A : i32
    %c0_i32 = arith.constant 0 : i32
    %c0_i32_1 = arith.constant 0 : i32
    return %add3A_0, %c0_i32 : i32, i32
  }
  func.func @transform_3(%arg0: i32) -> (i32, i32) {
    %c0_i32 = arith.constant 0 : i32
    %c0_i32_0 = arith.constant 0 : i32
    %c0_i32_1 = arith.constant 0 : i32
    return %c0_i32, %c0_i32_0 : i32, i32
  }
  func.func @transform_4(%arg0: i32) -> (i32, i32) {
    %c0_i32 = arith.constant 0 : i32
    %c0_i32_0 = arith.constant 0 : i32
    %c0_i32_1 = arith.constant 0 : i32
    return %c0_i32, %c0_i32_0 : i32, i32
  }
  func.func @transform_5(%arg0: i32) -> (i32, i32) {
    %c0_i32 = arith.constant 0 : i32
    %c0_i32_0 = arith.constant 0 : i32
    %c0_i32_1 = arith.constant 0 : i32
    return %c0_i32, %c0_i32_0 : i32, i32
  }
  func.func @transform_6(%arg0: i32) -> (i32, i32) {
    %c0_i32 = arith.constant 0 : i32
    %c0_i32_0 = arith.constant 0 : i32
    return %arg0, %c0_i32 : i32, i32
  }
}

</mosaic_0001>

<sc_bundles>
// kernel: kernel.11.cloned.1.call-start
scs
__scs_entry_jumppad:
0x0: {  	(pc) =	sbr.rel $0x88, $3  }
0x1: {  	(tag) =	ssettag $0x0;
	lr =	simm.s32 $0x1  }
0x2: {  	[smem:$0x3F9C] =	sst lr;
	_ =	strace $0xD0000000  }
0x3: {  	_ = 	snop  }
0x4: {  	_ = 	snop  }
0x5: {  	_ = 	snop  }
0x6: {  	_ = 	snop  }
0x7: {  	_ = 	snop  }
__scs_overlays_trampoline_lowered:
0x8: {  	[smem:$0x3FAB] =	sst s0  }
0x9: {  	[smem:$0x3FAC] =	sst s1  }
0xa: {  	[smem:$0x3FAD] =	sst s2  }
0xb: {  	[smem:$0x3FAE] =	sst s3  }
0xc: {  	[smem:$0x3FAF] =	sst s4  }
0xd: {  	[smem:$0x3FB0] =	sst s5  }
0xe: {  	[smem:$0x3FB1] =	sst s6  }
0xf: {  	[smem:$0x3FB2] =	sst s7  }
0x10: {  	[smem:$0x3FB3] =	sst s8  }
0x11: {  	[smem:$0x3FB4] =	sst s9;
	s0 =	simm.s32 @!p0 $0x0  }
0x12: {  	s1 =	sld [smem:$0x3F9A];
	s0 =	simm.s32 @p0 $0x1  }
0x13: {  	[smem:$0x3FB5] =	sst s0;
	s0 =	simm.s32 @!p1 $0x0  }
0x14: {  	s2 =	sld [smem:$0x3F99];
	s0 =	simm.s32 @p1 $0x1  }
0x15: {  	[smem:$0x3FB6] =	sst s0;
	s0 =	simm.s32 @!p2 $0x0  }
0x16: {  	s3 =	sld [smem:$0x3FDB];
	s0 =	simm.s32 @p2 $0x1  }
0x17: {  	s4 =	simm.s32 $0x1BF5;
	[smem:$0x3FB8] =	sst s0  }
0x18: {  	s0 =	sld [smem:$0x3F9B];
	_ =	swait.ge [sflag:s4], $0x0  }
0x19: {  	s7 =	sld [smem:$0x3F9C]  }
0x1a: {  	s8 =	sadd.s32 $0xFFFFE003, lr  }
0x1b: {  	s9 =	sadd.s32 $0xFFFFFEF7, lr;
	s5 =	simm.s32 $0xFFFFFFFF;
	p2 =	slt.u32 s8, $0xFFFFF086  }
0x1c: {  	p1 =	slt.u32 s9, $0xF7A;
	s5 =	simm.s32 @!p2 $0x0  }
0x1d: {  	s5 =	simm.s32 @p1 $0x1;
	p0 =	seq.s32 s7, s2  }
0x1e: {  	s7 =	smul.u32 @!p0 $0xF7A, s2;
	p2 =	seq.s32 @!p0 s5, $0x0  }
0x1f: {  	s9 =	smul.u32 $0xF7A, s1;
	s8 =	simm.s32 @!p0 $0x1BF5;
	p2 =	por !p2, p0  }
0x20: {  	[sflag:s8] =	ssyncset.s32 @!p0 $0xFFFFF086;
	s6 =	sadd.s32 @!p0 s3, s7;
	s7 =	simm.s32 @!p0 $0x108  }
0x21: {  	s3 =	sadd.s32 s3, s9;
	s6 =	sadd.s32 @!p0 $0x88, s6;
	s7 =	simm.s32 @p2 $0x1082  }
0x22: {  	[simem:s7], [sflag:s8] =	dma.local @!p0 [hbm:s6], $0xF7A  }
0x23: {  	s9 =	sor.u32 $0xD0000000, s2;
	s6 =	simm.s32 $0x108;
	_ =	swait.ge @!p0 [sflag:s8], $0x0  }
0x24: {  	s3 =	sadd.s32 $0x88, s3;
	s6 =	simm.s32 @!p1 $0x1082;
	[sflag:s4] =	ssyncset.s32 $0xFFFFF086  }
0x25: {  	[simem:s6], [sflag:s4] =	dma.local [hbm:s3], $0xF7A  }
0x26: {  	[smem:$0x3F9C] =	sst s1;
	(tag) =	ssettag s2;
	_ =	strace s9  }
0x27: {  	s1 =	sld [smem:$0x3FAC]  }
0x28: {  	s2 =	sld [smem:$0x3FAD]  }
0x29: {  	s4 =	sld [smem:$0x3FAF]  }
0x2a: {  	p0 =	seq.s32 s5, $0x0;
	s5 =	sld [smem:$0x3FB0]  }
0x2b: {  	s6 =	sld [smem:$0x3FB1]  }
0x2c: {  	s7 =	sld [smem:$0x3FB2]  }
0x2d: {  	s3 =	simm.s32 $0x108;
	s8 =	sld [smem:$0x3FB3]  }
0x2e: {  	s3 =	simm.s32 @!p0 $0x1082;
	s9 =	sld [smem:$0x3FB4]  }
0x2f: {  	lr =	sadd.s32 s0, s3;
	s0 =	sld [smem:$0x3FAB]  }
0x30: {  	s3 =	sld [smem:$0x3FAE]  }
0x31: {  	[smem:$0x3FB7] =	sst s10  }
0x32: {  	s10 =	sld [smem:$0x3FB5];
	_ =	sdelay $0x3  }
0x33: {  	p0 =	seq.s32 s10, $0x1;
	s10 =	sld [smem:$0x3FB7];
	_ =	sdelay $0x3  }
0x34: {  	[smem:$0x3FB7] =	sst s10  }
0x35: {  	s10 =	sld [smem:$0x3FB6];
	_ =	sdelay $0x3  }
0x36: {  	p1 =	seq.s32 s10, $0x1;
	s10 =	sld [smem:$0x3FB7];
	_ =	sdelay $0x3  }
0x37: {  	[smem:$0x3FB7] =	sst s10  }
0x38: {  	s10 =	sld [smem:$0x3FB8]  }
0x39: {  	_ = 	snop;
	(pc) =	sbr.ind lr, $3  }
0x3a: {  	_ = 	snop  }
0x3b: {  	_ = 	snop  }
0x3c: {  	p2 =	seq.s32 s10, $0x1;
	s10 =	sld [smem:$0x3FB7]  }
0x3d: {  	_ =	shalt  }
0x3e: {  	_ =	shalt  }
0x3f: {  	_ =	shalt  }
0x40: {  	_ =	shalt  }
0x41: {  	_ =	shalt  }
0x42: {  	_ =	shalt  }
0x43: {  	_ =	shalt  }
0x44: {  	_ =	shalt  }
0x45: {  	_ =	shalt  }
0x46: {  	_ =	shalt  }
0x47: {  	_ =	shalt  }
0x48: {  	_ =	shalt  }
0x49: {  	_ =	shalt  }
0x4a: {  	_ =	shalt  }
0x4b: {  	_ =	shalt  }
0x4c: {  	_ =	shalt  }
0x4d: {  	_ =	shalt  }
0x4e: {  	_ =	shalt  }
0x4f: {  	_ =	shalt  }
0x50: {  	_ =	shalt  }
0x51: {  	_ =	shalt  }
0x52: {  	_ =	shalt  }
0x53: {  	_ =	shalt  }
0x54: {  	_ =	shalt  }
0x55: {  	_ =	shalt  }
0x56: {  	_ =	shalt  }
0x57: {  	_ =	shalt  }
0x58: {  	_ =	shalt  }
0x59: {  	_ =	shalt  }
0x5a: {  	_ =	shalt  }
0x5b: {  	_ =	shalt  }
0x5c: {  	_ =	shalt  }
0x5d: {  	_ =	shalt  }
0x5e: {  	_ =	shalt  }
0x5f: {  	_ =	shalt  }
0x60: {  	_ =	shalt  }
0x61: {  	_ =	shalt  }
0x62: {  	_ =	shalt  }
0x63: {  	_ =	shalt  }
0x64: {  	_ =	shalt  }
0x65: {  	_ =	shalt  }
0x66: {  	_ =	shalt  }
0x67: {  	_ =	shalt  }
0x68: {  	_ =	shalt  }
0x69: {  	_ =	shalt  }
0x6a: {  	_ =	shalt  }
0x6b: {  	_ =	shalt  }
0x6c: {  	_ =	shalt  }
0x6d: {  	_ =	shalt  }
0x6e: {  	_ =	shalt  }
0x6f: {  	_ =	shalt  }
0x70: {  	_ =	shalt  }
0x71: {  	_ =	shalt  }
0x72: {  	_ =	shalt  }
0x73: {  	_ =	shalt  }
0x74: {  	_ =	shalt  }
0x75: {  	_ =	shalt  }
0x76: {  	_ =	shalt  }
0x77: {  	_ =	shalt  }
0x78: {  	_ =	shalt  }
0x79: {  	_ =	shalt  }
0x7a: {  	_ =	shalt  }
0x7b: {  	_ =	shalt  }
0x7c: {  	_ =	shalt  }
0x7d: {  	_ =	shalt  }
0x7e: {  	_ =	shalt  }
0x7f: {  	_ =	shalt  }
0x80: {  	_ =	shalt  }
0x81: {  	_ =	shalt  }
0x82: {  	_ =	shalt  }
0x83: {  	_ =	shalt  }
0x84: {  	_ =	shalt  }
0x85: {  	_ =	shalt  }
0x86: {  	_ =	shalt  }
0x87: {  	_ =	shalt  }
.Lfunc_end0:
.L_simem_size_0:
called_computation.1_lowered:
.L_overlay_start_0:
0x88: {  	s2 =	sld [smem:$0x3FD9]  }
0x89: {  	s3 =	sld [smem:$0x3FFE];
	_ =	sdelay $0x1  }
0x8a: {  	s1 =	srdreg.scid  }
0x8b: {  	s0 =	sand.u32 $0x1, s1  }
0x8c: {  	s17 =	sshll.u32 s0, $0xA;
	s2 =	sadd.s32 s3, s2  }
0x8d: {  	s2 =	sadd.s32 s2, s17  }
0x8e: {  	[smem:$0x3FC3] =	sst s2  }
0x8f: {  	_ = 	snop  }
0x90: {  	s2 =	sld [smem:$0x3FD0];
	(tm) =	ssettm $0x1  }
0x91: {  	s18 =	sld [smem:$0x3FFB];
	_ =	sdelay $0x3  }
0x92: {  	_ =	strace s18  }
0x93: {  	s3 =	sld [smem:$0x3FFC];
	_ =	sdelay $0x3  }
0x94: {  	_ =	strace s3  }
0x95: {  	s3 =	sld [smem:$0x3FFD];
	_ =	sdelay $0x3  }
0x96: {  	_ =	strace s3  }
0x97: {  	_ =	strace $0x8FFFFFFF  }
0x98: {  	s19 =	sld [smem:$0x3FDB];
	_ =	sdelay $0x1  }
0x99: {  	s4 =	simm.s32 $_scs_section_size  }
0x9a: {  	s5 =	simm.s32 $_size__tile_overlayer_lowered;
	s6 =	simm.s32 $_tile_overlayer_lowered  }
0x9b: {  	s22 =	simm.s32 $0x1BFF;
	s21 =	sshll.u32 s6, $0x1;
	s3 =	sadd.s32 s4, s19  }
0x9c: {  	s7 =	simm.s32 $0x0;
	s20 =	sshll.u32 s5, $0x1;
	s5 =	sadd.s32 s21, s3  }
0x9d: {  	[timem:s7], [sflag:s22] =	dma.local [hbm:s5], s20  }
0x9e: {  	_ =	swait.ge [sflag:s22], s20  }
0x9f: {  	s4 =	ssub.s32 $0x0, s20;
	[sflag:s22] =	ssyncset.done $0x0  }
0xa0: {  	[sflag:s22] =	ssyncadd.s32 s4;
	_ =	sdelay $0x1  }
0xa1: {  	s23 =	simm.s32 $0x1B8B  }
0xa2: {  	_ =	swait.ge [sflag:s23], $0x1  }
0xa3: {  	[sflag:s23] =	ssyncset.done $0x0  }
0xa4: {  	s25 =	simm.s32 $0x1B8E;
	s24 =	sld [smem:$0x3FFE];
	[sflag:s23] =	ssyncadd.s32 $0xFFFFFFFF  }
0xa5: {  	s26 =	simm.s32 $execute0_lowered;
	[smem:$0x3FD2] =	sst s25  }
0xa6: {  	s5 =	sshll.u32 s26, $0x1;
	_ =	strace $0x80000049;
	[dreg:$0x1] =	wrdreg $0xFFFFFFFF  }
0xa7: {  	s28 =	simm.s32 $_size_execute0_lowered;
	s3 =	sadd.s32 s3, s5;
	[dreg:$0x0] =	wrdreg $0x0  }
0xa8: {  	s5 =	sshll.u32 s28, $0x1;
	[dreg:$0x2] =	wrdreg s3  }
0xa9: {  	[dreg:$0x3] =	wrdreg s5  }
0xaa: {  	[dreg:$0x4] =	wrdreg $0xC0  }
0xab: {  	_ =	task [dreg:s7], $0x5FFFF  }
0xac: {  	[dreg:$0x1] =	wrdreg $0xFFFFFFFF  }
0xad: {  	[dreg:$0x0] =	wrdreg $0x60  }
0xae: {  	[dreg:$0x2] =	wrdreg s24  }
0xaf: {  	[dreg:$0x3] =	wrdreg s2  }
0xb0: {  	[dreg:$0x4] =	wrdreg $0xA8000  }
0xb1: {  	[dreg:$0x5] =	wrdreg $0x9  }
0xb2: {  	_ =	task.clear_ibuf [dreg:s7], $0x6FFFF;
	_ =	strace $0x90000049  }
0xb3: {  	s29 =	simm.s32 $0x9;
	_ =	strace $0x8000004B  }
0xb4: {  	_ =	swait.ge [sflag:s29], $0x1  }
0xb5: {  	[sflag:s29] =	ssyncadd.s32 $0xFFFFFFFF  }
0xb6: {  	_ =	strace $0x9000004B  }
0xb7: {  	_ =	sfence  }
0xb8: {  	s30 =	sld [smem:$0x0];
	_ =	sdelay $0x2  }
0xb9: {  	s31 =	sshll.u32 s1, $0xD;
	s1 =	sshrl.u32 s1, $0x2  }
0xba: {  	s3 =	sand.u32 $0x4000, s31;
	s1 =	sadd.s32 s1, s30  }
0xbb: {  	s0 =	sor.u32 s3, s0;
	s1 =	sshll.u32 s1, $0x11  }
0xbc: {  	s0 =	sor.u32 s1, s0  }
0xbd: {  	s0 =	sadd.s32 $0x8F2B, s0  }
0xbe: {  	[sflag:s0] =	ssyncadd.remote.s32 $0x1  }
0xbf: {  	_ =	sfence.sel $0xFFFF  }
0xc0: {  	[dreg:$0x0] =	wrdreg $0xFFFFFFFF;
	(pc) =	sbr.abs _section_cstart, $3  }
0xc1: {  	[dreg:$0x1] =	wrdreg $0xFFFFFFFF  }
0xc2: {  	_ =	task.clear_ibuf [dreg:s7], $0x2FFFF;
	_ =	strace $0x9FFFFFFF  }
0xc3: {  	(tm) =	ssettm $0x7FFFFFFF  }
tec
execute0_lowered:
.L_overlay_start_1:
0x0: {  	(tag) =	ssettag $0x1  }
0x1: {  	s0 =	rddreg [dreg:$0x0]  }
0x2: {  	s2 =	rddreg [dreg:$0x1]  }
0x3: {  	s1 =	srdreg.scid;
	s3 =	rddreg [dreg:$0x2]  }
0x4: {  	s12 =	stileid.u32;
	s5 =	simm.s32 $0x0;
	s31 =	simm.s32 $0x9  }
0x5: {  	s19 =	simm.s32 $0x40;
	s29 =	simm.s32 $0x8800;
	s30 =	simm.s32 $0x2  }
0x6: {  	s13 =	simm.s32 $0x1580;
	s14 =	simm.s32 $0x7;
	s15 =	simm.s32 $0x1300  }
0x7: {  	s16 =	simm.s32 $0x2600;
	s17 =	simm.s32 $0x2780;
	s1 =	sand.u32 $0x1, s1  }
0x8: {  	[smem:$0x7FF] =	sst s5;
	s6 =	sadd.s32 $0x2C00, s0;
	s10 =	smul.u32 $0x50000, s12  }
0x9: {  	s0 =	sadd.s32 $0x29E00, s0;
	s20 =	smul.u32 $0x2800, s12;
	p1 =	seq.s32 s12, $0xF  }
0xa: {  	s4 =	sshll.u32 s1, $0x4;
	_ =	strace $0x8000004A;
	s11 =	smul.u32 $0x27100, s1  }
0xb: {  	s7 =	ssub.s32 $0x2, s1;
	s1 =	smul.u32 $0x138800, s1;
	s4 =	sor.u32 s12, s4  }
0xc: {  	s9 =	sshrl.u32 s7, $0x1;
	s10 =	sshrl.u32 s10, $0x2;
	s5 =	smul.u32 $0xA0, s4  }
0xd: {  	s12 =	simm.s32 $0x4;
	s8 =	smul.u32 $0x5000, s4;
	s7 =	ssub.s32 s7, s9  }
0xe: {  	s28 =	sadd.s32 s10, s3;
	s24 =	sadd.s32 s20, s11;
	s1 =	sshrl.u32 s1, $0x3  }
0xf: {  	s20 =	simm.s32 $0x2800;
	p0 =	seq.s32 s4, $0x1F;
	s9 =	simm.s32 $0x1500  }
0x10: {  	s10 =	simm.s32 $0x6;
	s21 =	sadd.s32 $0x4000, s28;
	[dreg:$0x5] =	wrdreg s28  }
0x11: {  	s11 =	simm.s32 $0x280;
	s22 =	sadd.s32 $0x8000, s28;
	[dreg:$0x7] =	wrdreg s21  }
0x12: {  	s4 =	simm.s32 $0x2680;
	s23 =	sadd.s32 $0xC000, s28;
	[dreg:$0x8] =	wrdreg s22  }
0x13: {  	s25 =	sadd.s32 $0x10000, s28;
	s26 =	smax.u32 s7, $0x1;
	[dreg:$0x9] =	wrdreg s23  }
0x14: {  	s7 =	simm.s32 $0x8;
	s8 =	sshrl.u32 s8, $0x3;
	[dreg:$0xa] =	wrdreg s25  }
0x15: {  	[dreg:$0xd] =	wrdreg s26;
	s22 =	simm.s32 $0x4800;
	s8 =	sadd.s32 s2, s8  }
0x16: {  	s23 =	simm.s32 $0x6800;
	[dreg:$0x4] =	wrdreg s8;
	s8 =	sadd.s32 $0x13880, s8  }
0x17: {  	s26 =	simm.s32 $0x1;
	s25 =	simm.s32 $0x1380;
	[dreg:$0x6] =	wrdreg s8  }
0x18: {  	s8 =	sadd.s32 s0, s24;
	s0 =	sadd.s32 s0, s1;
	s1 =	sadd.s32 $0x12C000, s3  }
0x19: {  	s24 =	simm.s32 $0x0;
	[dreg:$0xb] =	wrdreg s8;
	s0 =	sadd.s32 $0x25800, s0  }
0x1a: {  	s8 =	simm.s32 $0x2700;
	[dreg:$0xc] =	wrdreg s0;
	s0 =	sshrl.u32 @p1 s1, $0x3  }
0x1b: {  	v0 =	vimm.f32 $0.0e+00;
	s1 =	simm.s32 $0x3;
	[dreg:$0xe] =	wrdreg s0;
	s0 =	simm.s32 $0x5  }
.LBB2_1:
0x1c: {  	[dreg:$0xf] =	wrdreg s24  }
0x1d: {  	s18 =	simm.s32 $0x0;
	s21 =	rddreg [dreg:$0x4]  }
0x1e: {  	[tilespmem:s18], [sflag:$0x9] =	stream.linear.gather [hbm4b:s21+s18], $0x1400, $0x38;
	[tilespmem:$0x1E800] =	vst v63  }
0x1f: {  	_ =	swait.ge [sflag:s31], $0x1400  }
0x20: {  	[sflag:s31] =	ssyncset.done $0x0  }
0x21: {  	s24 =	simm.s32 $0x1400;
	s21 =	rddreg [dreg:$0x6];
	[sflag:s31] =	ssyncadd.s32 $0xFFFFEC00  }
0x22: {  	[tilespmem:s24], [sflag:$0x9] =	stream.linear.gather [hbm4b:s21+s18], $0x1400, $0x38;
	[tilespmem:$0x1E800] =	vst v63  }
0x23: {  	_ =	swait.ge [sflag:s31], $0x1400  }
0x24: {  	[sflag:s31] =	ssyncset.done $0x0  }
0x25: {  	[sflag:s31] =	ssyncadd.s32 $0xFFFFEC00  }
0x26: {  	[tilespmem:s20], [sflag:$0x1] =	stream.indirect.gather [hbm4b:s6+s19], $0x80, s18, s19, $0xb8;
	[tilespmem:$0x1E800] =	vst v63  }
0x27: {  	s24 =	simm.s32 $0x80  }
0x28: {  	[tilespmem:s22], [sflag:$0x2] =	stream.indirect.gather [hbm4b:s6+s19], $0x80, s24, s19, $0xb8;
	[tilespmem:$0x1E800] =	vst v63  }
0x29: {  	s18 =	simm.s32 $0x0;
	s24 =	simm.s32 $0x200  }
.LBB2_2:
0x2a: {  	p2 =	sne.s32 s24, $0xFE00;
	[tilespmem:s18+$0x6870] =	vst v0  }
0x2b: {  	[tilespmem:s18+$0x6800] =	vst v0  }
0x2c: {  	[tilespmem:s18+$0x6810] =	vst v0  }
.Ltmp0:
0x2d: {  	[tilespmem:s18+$0x6820] =	vst v0;
	(pc) =	sbr.rel @p2 .LBB2_2-.Ltmp0, $4  }
0x2e: {  	[tilespmem:s18+$0x6830] =	vst v0  }
0x2f: {  	[tilespmem:s18+$0x6840] =	vst v0  }
0x30: {  	[tilespmem:s18+$0x6850] =	vst v0  }
0x31: {  	[tilespmem:s18+$0x6860] =	vst v0;
	s18 =	sshra.s32 s24, $0x2;
	s24 =	sadd.s32 $0x200, s24  }
0x32: {  	[tilespmem:s18+$0x6870] =	vst v0  }
0x33: {  	[tilespmem:s18+$0x6800] =	vst v0  }
0x34: {  	[tilespmem:s18+$0x6810] =	vst v0  }
0x35: {  	[tilespmem:s18+$0x6820] =	vst v0  }
0x36: {  	[tilespmem:s18+$0x6830] =	vst v0  }
0x37: {  	[tilespmem:s18+$0x6840] =	vst v0  }
0x38: {  	[tilespmem:s18+$0x6850] =	vst v0  }
0x39: {  	[tilespmem:s18+$0x6860] =	vst v0  }
0x3a: {  	[spmem:s28] =	stream.linear.scatter [tilespmem:s23], [sflag:$0x9], $0x4000, $0x38;
	[tilespmem:$0x1E800] =	vst v63  }
0x3b: {  	_ =	swait.ge [sflag:s31], $0x4000  }
0x3c: {  	[sflag:s31] =	ssyncset.done $0x0  }
0x3d: {  	s28 =	rddreg [dreg:$0x7];
	[sflag:s31] =	ssyncadd.s32 $0xFFFFC000  }
0x3e: {  	[spmem:s28] =	stream.linear.scatter [tilespmem:s23], [sflag:$0x9], $0x4000, $0x38;
	[tilespmem:$0x1E800] =	vst v63  }
0x3f: {  	_ =	swait.ge [sflag:s31], $0x4000  }
0x40: {  	[sflag:s31] =	ssyncset.done $0x0  }
0x41: {  	s21 =	rddreg [dreg:$0x8];
	[sflag:s31] =	ssyncadd.s32 $0xFFFFC000  }
0x42: {  	[spmem:s21] =	stream.linear.scatter [tilespmem:s23], [sflag:$0x9], $0x4000, $0x38;
	[tilespmem:$0x1E800] =	vst v63  }
0x43: {  	_ =	swait.ge [sflag:s31], $0x4000  }
0x44: {  	[sflag:s31] =	ssyncset.done $0x0  }
0x45: {  	s24 =	rddreg [dreg:$0x9];
	[sflag:s31] =	ssyncadd.s32 $0xFFFFC000  }
0x46: {  	[spmem:s24] =	stream.linear.scatter [tilespmem:s23], [sflag:$0x9], $0x4000, $0x38;
	[tilespmem:$0x1E800] =	vst v63  }
0x47: {  	_ =	swait.ge [sflag:s31], $0x4000  }
0x48: {  	[sflag:s31] =	ssyncset.done $0x0  }
0x49: {  	s28 =	rddreg [dreg:$0xa];
	[sflag:s31] =	ssyncadd.s32 $0xFFFFC000  }
0x4a: {  	[spmem:s28] =	stream.linear.scatter [tilespmem:s23], [sflag:$0x9], $0x4000, $0x38;
	[tilespmem:$0x1E800] =	vst v63  }
0x4b: {  	_ =	swait.ge [sflag:s31], $0x4000  }
0x4c: {  	[sflag:s31] =	ssyncset.done $0x0  }
0x4d: {  	[sflag:s31] =	ssyncadd.s32 $0xFFFFC000  }
0x4e: {  	s18 =	simm.s32 $0x0;
	[bflag:$0x0] =	sbarrier.arrive $0xFFFF  }
.LBB2_4:
0x4f: {  	p2 =	seq.s32 s18, $0x0  }
0x50: {  	s24 =	simm.s32 @!p2 $0x7  }
0x51: {  	_ =	swait.ge @!p2 [sflag:s24], $0x2000  }
0x52: {  	s28 =	smul.u32 @!p2 $0x28, s18;
	[sflag:s24] =	ssyncset.done @!p2 $0x0  }
0x53: {  	[sflag:s24] =	ssyncadd.s32 @!p2 $0xFFFFE000;
	s24 =	simm.s32 @!p2 $0x8  }
0x54: {  	s28 =	sadd.s32 @!p2 s5, s28;
	_ =	swait.ge @!p2 [sflag:s24], $0x2000  }
0x55: {  	s28 =	sshll.u32 @!p2 s28, $0x4;
	[sflag:s24] =	ssyncset.done @!p2 $0x0  }
0x56: {  	s31 =	simm.s32 @!p2 $0x0;
	[sflag:s24] =	ssyncadd.s32 @!p2 $0xFFFFE000;
	s24 =	sadd.s32 @!p2 s2, s28  }
0x57: {  	[tilespmem:s31], [sflag:$0x9] =	stream.linear.gather @!p2 [hbm4b:s24+s31], $0x1400, $0x38;
	[tilespmem:$0x1E800] =	vst v63  }
0x58: {  	s24 =	simm.s32 @!p2 $0x9  }
0x59: {  	s28 =	sand.u32 @!p2 $0x1FFFFFF0, s28;
	_ =	swait.ge @!p2 [sflag:s24], $0x1400  }
0x5a: {  	s28 =	sadd.s32 @!p2 s2, s28;
	[sflag:s24] =	ssyncset.done @!p2 $0x0  }
0x5b: {  	s21 =	simm.s32 @!p2 $0x1400;
	s28 =	sadd.s32 @!p2 $0x13880, s28;
	[sflag:s24] =	ssyncadd.s32 @!p2 $0xFFFFEC00  }
0x5c: {  	[tilespmem:s21], [sflag:$0x9] =	stream.linear.gather @!p2 [hbm4b:s28+s31], $0x1400, $0x38;
	[tilespmem:$0x1E800] =	vst v63  }
0x5d: {  	_ =	swait.ge @!p2 [sflag:s24], $0x1400  }
0x5e: {  	[sflag:s24] =	ssyncset.done @!p2 $0x0  }
0x5f: {  	s21 =	simm.s32 @!p2 $0x40;
	[sflag:s24] =	ssyncadd.s32 @!p2 $0xFFFFEC00;
	s24 =	simm.s32 @!p2 $0x2800  }
0x60: {  	[tilespmem:s24], [sflag:$0x1] =	stream.indirect.gather @!p2 [hbm4b:s6+s21], $0x80, s31, s21, $0xb8;
	[tilespmem:$0x1E800] =	vst v63  }
0x61: {  	s28 =	simm.s32 @!p2 $0x4800;
	s24 =	simm.s32 @!p2 $0x80  }
0x62: {  	[tilespmem:s28], [sflag:$0x2] =	stream.indirect.gather @!p2 [hbm4b:s6+s21], $0x80, s24, s21, $0xb8;
	[tilespmem:$0x1E800] =	vst v63  }
0x63: {  	s24 =	simm.s32 $0x100  }
0x64: {  	[tilespmem:s23], [sflag:$0x3] =	stream.indirect.gather [hbm4b:s6+s19], $0x80, s24, s19, $0xb8;
	[tilespmem:$0x1E800] =	vst v63  }
0x65: {  	_ =	swait.ge [sflag:s26], $0x2000  }
0x66: {  	[sflag:s26] =	ssyncset.done $0x0  }
0x67: {  	s31 =	simm.s32 $0x1400;
	[sflag:s26] =	ssyncadd.s32 $0xFFFFE000  }
0x68: {  	[spmem:s3] =	stream.indirect.scatter.add.f32 [tilespmem:s20], [sflag:$0x5], $0x80, s31, s19, $0xb8;
	[tilespmem:$0x1E800] =	vst v63  }
0x69: {  	s24 =	simm.s32 $0x180  }
0x6a: {  	[tilespmem:s29], [sflag:$0x4] =	stream.indirect.gather [hbm4b:s6+s19], $0x80, s24, s19, $0xb8;
	[tilespmem:$0x1E800] =	vst v63  }
0x6b: {  	_ =	swait.ge [sflag:s30], $0x2000  }
0x6c: {  	[sflag:s30] =	ssyncset.done $0x0  }
0x6d: {  	s31 =	simm.s32 $0x1480;
	[sflag:s30] =	ssyncadd.s32 $0xFFFFE000  }
0x6e: {  	[spmem:s3] =	stream.indirect.scatter.add.f32 [tilespmem:s22], [sflag:$0x6], $0x80, s31, s19, $0xb8;
	[tilespmem:$0x1E800] =	vst v63  }
0x6f: {  	_ =	swait.ge [sflag:s0], $0x2000  }
0x70: {  	[sflag:s0] =	ssyncset.done $0x0  }
0x71: {  	s24 =	simm.s32 $0x200;
	[sflag:s0] =	ssyncadd.s32 $0xFFFFE000  }
0x72: {  	[tilespmem:s20], [sflag:$0x1] =	stream.indirect.gather [hbm4b:s6+s19], $0x80, s24, s19, $0xb8;
	[tilespmem:$0x1E800] =	vst v63  }
0x73: {  	_ =	swait.ge [sflag:s1], $0x2000  }
0x74: {  	[sflag:s1] =	ssyncset.done $0x0  }
0x75: {  	[sflag:s1] =	ssyncadd.s32 $0xFFFFE000  }
0x76: {  	[spmem:s3] =	stream.indirect.scatter.add.f32 [tilespmem:s23], [sflag:$0x7], $0x80, s9, s19, $0xb8;
	[tilespmem:$0x1E800] =	vst v63  }
0x77: {  	_ =	swait.ge [sflag:s10], $0x2000  }
0x78: {  	[sflag:s10] =	ssyncset.done $0x0  }
0x79: {  	[sflag:s10] =	ssyncadd.s32 $0xFFFFE000  }
0x7a: {  	[tilespmem:s22], [sflag:$0x2] =	stream.indirect.gather [hbm4b:s6+s19], $0x80, s11, s19, $0xb8;
	[tilespmem:$0x1E800] =	vst v63  }
0x7b: {  	_ =	swait.ge [sflag:s12], $0x2000  }
0x7c: {  	[sflag:s12] =	ssyncset.done $0x0  }
0x7d: {  	[sflag:s12] =	ssyncadd.s32 $0xFFFFE000  }
0x7e: {  	[spmem:s3] =	stream.indirect.scatter.add.f32 [tilespmem:s29], [sflag:$0x8], $0x80, s13, s19, $0xb8;
	[tilespmem:$0x1E800] =	vst v63  }
0x7f: {  	_ =	swait.ge [sflag:s14], $0x2000  }
0x80: {  	[sflag:s14] =	ssyncset.done $0x0  }
0x81: {  	s31 =	simm.s32 $0x300;
	[sflag:s14] =	ssyncadd.s32 $0xFFFFE000  }
0x82: {  	[tilespmem:s23], [sflag:$0x3] =	stream.indirect.gather [hbm4b:s6+s19], $0x80, s31, s19, $0xb8;
	[tilespmem:$0x1E800] =	vst v63  }
0x83: {  	_ =	swait.ge [sflag:s26], $0x2000  }
0x84: {  	[sflag:s26] =	ssyncset.done $0x0  }
0x85: {  	s24 =	simm.s32 $0x1600;
	[sflag:s26] =	ssyncadd.s32 $0xFFFFE000  }
0x86: {  	[spmem:s3] =	stream.indirect.scatter.add.f32 [tilespmem:s20], [sflag:$0x5], $0x80, s24, s19, $0xb8;
	[tilespmem:$0x1E800] =	vst v63  }
0x87: {  	_ =	swait.ge [sflag:s7], $0x2000  }
0x88: {  	[sflag:s7] =	ssyncset.done $0x0  }
0x89: {  	s31 =	simm.s32 $0x380;
	[sflag:s7] =	ssyncadd.s32 $0xFFFFE000  }
0x8a: {  	[tilespmem:s29], [sflag:$0x4] =	stream.indirect.gather [hbm4b:s6+s19], $0x80, s31, s19, $0xb8;
	[tilespmem:$0x1E800] =	vst v63  }
0x8b: {  	_ =	swait.ge [sflag:s30], $0x2000  }
0x8c: {  	[sflag:s30] =	ssyncset.done $0x0  }
0x8d: {  	s24 =	simm.s32 $0x1680;
	[sflag:s30] =	ssyncadd.s32 $0xFFFFE000  }
0x8e: {  	[spmem:s3] =	stream.indirect.scatter.add.f32 [tilespmem:s22], [sflag:$0x6], $0x80, s24, s19, $0xb8;
	[tilespmem:$0x1E800] =	vst v63  }
0x8f: {  	_ =	swait.ge [sflag:s0], $0x2000  }
0x90: {  	[sflag:s0] =	ssyncset.done $0x0  }
0x91: {  	s31 =	simm.s32 $0x400;
	[sflag:s0] =	ssyncadd.s32 $0xFFFFE000  }
0x92: {  	[tilespmem:s20], [sflag:$0x1] =	stream.indirect.gather [hbm4b:s6+s19], $0x80, s31, s19, $0xb8;
	[tilespmem:$0x1E800] =	vst v63  }
0x93: {  	_ =	swait.ge [sflag:s1], $0x2000  }
0x94: {  	[sflag:s1] =	ssyncset.done $0x0  }
0x95: {  	s24 =	simm.s32 $0x1700;
	[sflag:s1] =	ssyncadd.s32 $0xFFFFE000  }
0x96: {  	[spmem:s3] =	stream.indirect.scatter.add.f32 [tilespmem:s23], [sflag:$0x7], $0x80, s24, s19, $0xb8;
	[tilespmem:$0x1E800] =	vst v63  }
0x97: {  	_ =	swait.ge [sflag:s10], $0x2000  }
0x98: {  	[sflag:s10] =	ssyncset.done $0x0  }
0x99: {  	s31 =	simm.s32 $0x480;
	[sflag:s10] =	ssyncadd.s32 $0xFFFFE000  }
0x9a: {  	[tilespmem:s22], [sflag:$0x2] =	stream.indirect.gather [hbm4b:s6+s19], $0x80, s31, s19, $0xb8;
	[tilespmem:$0x1E800] =	vst v63  }
0x9b: {  	_ =	swait.ge [sflag:s12], $0x2000  }
0x9c: {  	[sflag:s12] =	ssyncset.done $0x0  }
0x9d: {  	s28 =	simm.s32 $0x1780;
	s24 =	simm.s32 $0x800;
	[sflag:s12] =	ssyncadd.s32 $0xFFFFE000  }
.LBB2_5:
0x9e: {  	[spmem:s3] =	stream.indirect.scatter.add.f32 [tilespmem:s29], [sflag:$0x8], $0x80, s28, s19, $0xb8;
	[tilespmem:$0x1E800] =	vst v63  }
0x9f: {  	s21 =	smov.u32 s24  }
0xa0: {  	p2 =	sne.s32 s24, $0x3800;
	s24 =	sadd.s32 $0x800, s24;
	_ =	swait.ge [sflag:s14], $0x2000  }
0xa1: {  	s28 =	sshra.s32 s21, $0x2;
	[sflag:s14] =	ssyncset.done $0x0  }
0xa2: {  	s21 =	sadd.s32 $0x300, s28;
	[sflag:s14] =	ssyncadd.s32 $0xFFFFE000  }
0xa3: {  	[tilespmem:s23], [sflag:$0x3] =	stream.indirect.gather [hbm4b:s6+s19], $0x80, s21, s19, $0xb8;
	[tilespmem:$0x1E800] =	vst v63  }
0xa4: {  	_ =	swait.ge [sflag:s26], $0x2000  }
0xa5: {  	[sflag:s26] =	ssyncset.done $0x0  }
0xa6: {  	s21 =	sadd.s32 $0x1600, s28;
	[sflag:s26] =	ssyncadd.s32 $0xFFFFE000  }
0xa7: {  	[spmem:s3] =	stream.indirect.scatter.add.f32 [tilespmem:s20], [sflag:$0x5], $0x80, s21, s19, $0xb8;
	[tilespmem:$0x1E800] =	vst v63  }
0xa8: {  	_ =	swait.ge [sflag:s7], $0x2000  }
0xa9: {  	[sflag:s7] =	ssyncset.done $0x0  }
0xaa: {  	s21 =	sadd.s32 $0x380, s28;
	[sflag:s7] =	ssyncadd.s32 $0xFFFFE000  }
0xab: {  	[tilespmem:s29], [sflag:$0x4] =	stream.indirect.gather [hbm4b:s6+s19], $0x80, s21, s19, $0xb8;
	[tilespmem:$0x1E800] =	vst v63  }
0xac: {  	_ =	swait.ge [sflag:s30], $0x2000  }
0xad: {  	[sflag:s30] =	ssyncset.done $0x0  }
0xae: {  	s21 =	sadd.s32 $0x1680, s28;
	[sflag:s30] =	ssyncadd.s32 $0xFFFFE000  }
0xaf: {  	[spmem:s3] =	stream.indirect.scatter.add.f32 [tilespmem:s22], [sflag:$0x6], $0x80, s21, s19, $0xb8;
	[tilespmem:$0x1E800] =	vst v63  }
0xb0: {  	_ =	swait.ge [sflag:s0], $0x2000  }
0xb1: {  	[sflag:s0] =	ssyncset.done $0x0  }
0xb2: {  	s21 =	sadd.s32 $0x400, s28;
	[sflag:s0] =	ssyncadd.s32 $0xFFFFE000  }
0xb3: {  	[tilespmem:s20], [sflag:$0x1] =	stream.indirect.gather [hbm4b:s6+s19], $0x80, s21, s19, $0xb8;
	[tilespmem:$0x1E800] =	vst v63  }
0xb4: {  	_ =	swait.ge [sflag:s1], $0x2000  }
0xb5: {  	[sflag:s1] =	ssyncset.done $0x0  }
0xb6: {  	s21 =	sadd.s32 $0x1700, s28;
	[sflag:s1] =	ssyncadd.s32 $0xFFFFE000  }
0xb7: {  	[spmem:s3] =	stream.indirect.scatter.add.f32 [tilespmem:s23], [sflag:$0x7], $0x80, s21, s19, $0xb8;
	[tilespmem:$0x1E800] =	vst v63  }
0xb8: {  	_ =	swait.ge [sflag:s10], $0x2000  }
0xb9: {  	[sflag:s10] =	ssyncset.done $0x0  }
.Ltmp1:
0xba: {  	s21 =	sadd.s32 $0x480, s28;
	[sflag:s10] =	ssyncadd.s32 $0xFFFFE000;
	(pc) =	sbr.rel @p2 .LBB2_5-.Ltmp1, $4  }
0xbb: {  	[tilespmem:s22], [sflag:$0x2] =	stream.indirect.gather [hbm4b:s6+s19], $0x80, s21, s19, $0xb8;
	[tilespmem:$0x1E800] =	vst v63  }
0xbc: {  	_ =	swait.ge [sflag:s12], $0x2000  }
0xbd: {  	[sflag:s12] =	ssyncset.done $0x0  }
0xbe: {  	s28 =	sadd.s32 $0x1780, s28;
	[sflag:s12] =	ssyncadd.s32 $0xFFFFE000  }
0xbf: {  	[spmem:s3] =	stream.indirect.scatter.add.f32 [tilespmem:s29], [sflag:$0x8], $0x80, s28, s19, $0xb8;
	[tilespmem:$0x1E800] =	vst v63  }
0xc0: {  	_ =	swait.ge [sflag:s14], $0x2000  }
0xc1: {  	[sflag:s14] =	ssyncset.done $0x0  }
0xc2: {  	[sflag:s14] =	ssyncadd.s32 $0xFFFFE000  }
0xc3: {  	[tilespmem:s23], [sflag:$0x3] =	stream.indirect.gather [hbm4b:s6+s19], $0x80, s15, s19, $0xb8;
	[tilespmem:$0x1E800] =	vst v63  }
0xc4: {  	_ =	swait.ge [sflag:s26], $0x2000  }
0xc5: {  	[sflag:s26] =	ssyncset.done $0x0  }
0xc6: {  	[sflag:s26] =	ssyncadd.s32 $0xFFFFE000  }
0xc7: {  	[spmem:s3] =	stream.indirect.scatter.add.f32 [tilespmem:s20], [sflag:$0x5], $0x80, s16, s19, $0xb8;
	[tilespmem:$0x1E800] =	vst v63  }
0xc8: {  	_ =	swait.ge [sflag:s7], $0x2000  }
0xc9: {  	[sflag:s7] =	ssyncset.done $0x0  }
0xca: {  	[sflag:s7] =	ssyncadd.s32 $0xFFFFE000  }
0xcb: {  	[tilespmem:s29], [sflag:$0x4] =	stream.indirect.gather [hbm4b:s6+s19], $0x80, s25, s19, $0xb8;
	[tilespmem:$0x1E800] =	vst v63  }
0xcc: {  	_ =	swait.ge [sflag:s30], $0x2000  }
0xcd: {  	[sflag:s30] =	ssyncset.done $0x0  }
0xce: {  	[sflag:s30] =	ssyncadd.s32 $0xFFFFE000  }
0xcf: {  	[spmem:s3] =	stream.indirect.scatter.add.f32 [tilespmem:s22], [sflag:$0x6], $0x80, s4, s19, $0xb8;
	[tilespmem:$0x1E800] =	vst v63  }
0xd0: {  	_ =	swait.ge [sflag:s0], $0x2000  }
0xd1: {  	[sflag:s0] =	ssyncset.done $0x0  }
0xd2: {  	[sflag:s0] =	ssyncadd.s32 $0xFFFFE000  }
0xd3: {  	_ =	swait.ge [sflag:s1], $0x2000  }
0xd4: {  	[sflag:s1] =	ssyncset.done $0x0  }
0xd5: {  	[sflag:s1] =	ssyncadd.s32 $0xFFFFE000  }
0xd6: {  	[spmem:s3] =	stream.indirect.scatter.add.f32 [tilespmem:s23], [sflag:$0x7], $0x80, s8, s19, $0xb8;
	[tilespmem:$0x1E800] =	vst v63  }
0xd7: {  	p2 =	slt.u32 @!p0 s18, $0x3;
	_ =	swait.ge [sflag:s10], $0x2000  }
0xd8: {  	p2 =	por p0, !p2;
	[sflag:s10] =	ssyncset.done $0x0  }
.Ltmp2:
0xd9: {  	[sflag:s10] =	ssyncadd.s32 $0xFFFFE000;
	(pc) =	sbr.rel @!p2 .LBB2_4-.Ltmp2, $4  }
0xda: {  	_ =	swait.ge [sflag:s12], $0x2000  }
0xdb: {  	[sflag:s12] =	ssyncset.done $0x0  }
0xdc: {  	s18 =	sadd.s32 $0x1, s18;
	[sflag:s12] =	ssyncadd.s32 $0xFFFFE000  }
0xdd: {  	[spmem:s3] =	stream.indirect.scatter.add.f32 [tilespmem:s29], [sflag:$0x8], $0x80, s17, s19, $0xb8;
	[tilespmem:$0x1E800] =	vst v63  }
0xde: {  	_ =	swait.ge [sflag:s14], $0x2000  }
0xdf: {  	[sflag:s14] =	ssyncset.done $0x0  }
0xe0: {  	[sflag:s14] =	ssyncadd.s32 $0xFFFFE000  }
0xe1: {  	_ =	swait.ge [sflag:s7], $0x2000  }
0xe2: {  	[sflag:s7] =	ssyncset.done $0x0  }
0xe3: {  	[sflag:s7] =	ssyncadd.s32 $0xFFFFE000  }
0xe4: {  	[bflag:$0x0] =	sbarrier.arrive $0xFFFF  }
0xe5: {  	s21 =	rddreg [dreg:$0xc]  }
0xe6: {  	s18 =	simm.s32 @p1 $0x1FC9;
	s24 =	rddreg [dreg:$0xe]  }
0xe7: {  	[hbm:s21], [sflag:s18] =	dma.local @p1 [spmem:s24], $0x1900  }
0xe8: {  	s18 =	simm.s32 @p1 $0x9  }
0xe9: {  	_ =	swait.ge @p1 [sflag:s18], $0x1900  }
0xea: {  	s21 =	stileid.u32;
	s28 =	rddreg [dreg:$0x5]  }
0xeb: {  	s21 =	sshll.u32 @!p1 s21, $0x6;
	[sflag:s18] =	ssyncset.done @p1 $0x0;
	s24 =	rddreg [dreg:$0xb]  }
0xec: {  	[sflag:s18] =	ssyncadd.s32 @p1 $0xFFFFE700;
	s18 =	sor.u32 @!p1 $0x1C09, s21;
	s21 =	sshrl.u32 @!p1 s28, $0x3  }
0xed: {  	[hbm:s24], [sflag:s18] =	dma.local @!p1 [spmem:s21], $0x2800  }
0xee: {  	s18 =	simm.s32 @!p1 $0x9  }
0xef: {  	_ =	swait.ge @!p1 [sflag:s18], $0x2800  }
0xf0: {  	s21 =	rddreg [dreg:$0xf]  }
0xf1: {  	s24 =	sadd.s32 $0x1, s21;
	s21 =	rddreg [dreg:$0xd]  }
0xf2: {  	p2 =	sne.s32 s24, s21  }
.Ltmp3:
0xf3: {  	_ = 	snop;
	(pc) =	sbr.rel @p2 .LBB2_1-.Ltmp3, $3  }
0xf4: {  	_ =	sdelay $0x1  }
0xf5: {  	[sflag:s18] =	ssyncset.done @!p1 $0x0  }
0xf6: {  	s31 =	simm.s32 $0x9;
	[sflag:s18] =	ssyncadd.s32 @!p1 $0xFFFFD800  }
0xf7: {  	_ =	sfence.sel $0x180000  }
0xf8: {  	[bflag:$0x0] =	sbarrier.arrive $0xFFFF  }
0xf9: {  	_ =	strace $0x9000004A  }
0xfa: {  	s0 =	stileid.u32;
	[bflag:$0x2] =	sbarrier.arrive $0xFFFF  }
0xfb: {  	p0 =	sne.s32 s0, $0x0;
	s0 =	rddreg [dreg:$0x3]  }
0xfc: {  	s0 =	sadd.s32 @!p0 $0x100000, s0  }
0xfd: {  	[sflag:s0] =	ssyncadd.tile.s32 @!p0 $0x1;
	_ =	shalt  }
.Lfunc_end2:
_tile_overlayer_lowered:
.L_overlay_start_2:
0xfe: {  	(tag) =	ssettag $0x2  }
0xff: {  	s0 =	rddreg [dreg:$0x0];
	s2 =	stileid.u32  }
0x100: {  	s1 =	rddreg [dreg:$0x1];
	p0 =	sne.s32 s2, $0x0  }
0x101: {  	s3 =	rddreg [dreg:$0x2];
	[bflag:$0x3] =	sbarrier.arrive $0xFFFF;
	s2 =	simm.s32 @!p0 $0x1C09  }
0x102: {  	[timem:s3], [sflag:s2] =	dma.local @!p0 [hbm:s0], s1  }
0x103: {  	s0 =	simm.s32 @!p0 $0x9  }
0x104: {  	_ =	swait.ge @!p0 [sflag:s0], s1  }
0x105: {  	s1 =	ssub.s32 @!p0 $0x0, s1;
	[sflag:s0] =	ssyncset.done @!p0 $0x0  }
0x106: {  	[sflag:s0] =	ssyncadd.s32 @!p0 s1  }
0x107: {  	[bflag:$0x3] =	sbarrier.arrive $0xFFFF  }
0x108: {  	_ =	shalt  }

// kernel: kernel.14.cloned.1.call-start
scs
__scs_entry_jumppad:
0x0: {  	(pc) =	sbr.rel $0x88, $3  }
0x1: {  	(tag) =	ssettag $0x0;
	lr =	simm.s32 $0x1  }
0x2: {  	[smem:$0x3F9C] =	sst lr;
	_ =	strace $0xD0000000  }
0x3: {  	_ = 	snop  }
0x4: {  	_ = 	snop  }
0x5: {  	_ = 	snop  }
0x6: {  	_ = 	snop  }
0x7: {  	_ = 	snop  }
__scs_overlays_trampoline_lowered:
0x8: {  	[smem:$0x3FAB] =	sst s0  }
0x9: {  	[smem:$0x3FAC] =	sst s1  }
0xa: {  	[smem:$0x3FAD] =	sst s2  }
0xb: {  	[smem:$0x3FAE] =	sst s3  }
0xc: {  	[smem:$0x3FAF] =	sst s4  }
0xd: {  	[smem:$0x3FB0] =	sst s5  }
0xe: {  	[smem:$0x3FB1] =	sst s6  }
0xf: {  	[smem:$0x3FB2] =	sst s7  }
0x10: {  	[smem:$0x3FB3] =	sst s8  }
0x11: {  	[smem:$0x3FB4] =	sst s9;
	s0 =	simm.s32 @!p0 $0x0  }
0x12: {  	s1 =	sld [smem:$0x3F9A];
	s0 =	simm.s32 @p0 $0x1  }
0x13: {  	[smem:$0x3FB5] =	sst s0;
	s0 =	simm.s32 @!p1 $0x0  }
0x14: {  	s2 =	sld [smem:$0x3F99];
	s0 =	simm.s32 @p1 $0x1  }
0x15: {  	[smem:$0x3FB6] =	sst s0;
	s0 =	simm.s32 @!p2 $0x0  }
0x16: {  	s3 =	sld [smem:$0x3FDB];
	s0 =	simm.s32 @p2 $0x1  }
0x17: {  	s4 =	simm.s32 $0x1BF5;
	[smem:$0x3FB8] =	sst s0  }
0x18: {  	s0 =	sld [smem:$0x3F9B];
	_ =	swait.ge [sflag:s4], $0x0  }
0x19: {  	s7 =	sld [smem:$0x3F9C]  }
0x1a: {  	s8 =	sadd.s32 $0xFFFFE003, lr  }
0x1b: {  	s9 =	sadd.s32 $0xFFFFFEF7, lr;
	s5 =	simm.s32 $0xFFFFFFFF;
	p2 =	slt.u32 s8, $0xFFFFF086  }
0x1c: {  	p1 =	slt.u32 s9, $0xF7A;
	s5 =	simm.s32 @!p2 $0x0  }
0x1d: {  	s5 =	simm.s32 @p1 $0x1;
	p0 =	seq.s32 s7, s2  }
0x1e: {  	s7 =	smul.u32 @!p0 $0xF7A, s2;
	p2 =	seq.s32 @!p0 s5, $0x0  }
0x1f: {  	s9 =	smul.u32 $0xF7A, s1;
	s8 =	simm.s32 @!p0 $0x1BF5;
	p2 =	por !p2, p0  }
0x20: {  	[sflag:s8] =	ssyncset.s32 @!p0 $0xFFFFF086;
	s6 =	sadd.s32 @!p0 s3, s7;
	s7 =	simm.s32 @!p0 $0x108  }
0x21: {  	s3 =	sadd.s32 s3, s9;
	s6 =	sadd.s32 @!p0 $0x88, s6;
	s7 =	simm.s32 @p2 $0x1082  }
0x22: {  	[simem:s7], [sflag:s8] =	dma.local @!p0 [hbm:s6], $0xF7A  }
0x23: {  	s9 =	sor.u32 $0xD0000000, s2;
	s6 =	simm.s32 $0x108;
	_ =	swait.ge @!p0 [sflag:s8], $0x0  }
0x24: {  	s3 =	sadd.s32 $0x88, s3;
	s6 =	simm.s32 @!p1 $0x1082;
	[sflag:s4] =	ssyncset.s32 $0xFFFFF086  }
0x25: {  	[simem:s6], [sflag:s4] =	dma.local [hbm:s3], $0xF7A  }
0x26: {  	[smem:$0x3F9C] =	sst s1;
	(tag) =	ssettag s2;
	_ =	strace s9  }
0x27: {  	s1 =	sld [smem:$0x3FAC]  }
0x28: {  	s2 =	sld [smem:$0x3FAD]  }
0x29: {  	s4 =	sld [smem:$0x3FAF]  }
0x2a: {  	p0 =	seq.s32 s5, $0x0;
	s5 =	sld [smem:$0x3FB0]  }
0x2b: {  	s6 =	sld [smem:$0x3FB1]  }
0x2c: {  	s7 =	sld [smem:$0x3FB2]  }
0x2d: {  	s3 =	simm.s32 $0x108;
	s8 =	sld [smem:$0x3FB3]  }
0x2e: {  	s3 =	simm.s32 @!p0 $0x1082;
	s9 =	sld [smem:$0x3FB4]  }
0x2f: {  	lr =	sadd.s32 s0, s3;
	s0 =	sld [smem:$0x3FAB]  }
0x30: {  	s3 =	sld [smem:$0x3FAE]  }
0x31: {  	[smem:$0x3FB7] =	sst s10  }
0x32: {  	s10 =	sld [smem:$0x3FB5];
	_ =	sdelay $0x3  }
0x33: {  	p0 =	seq.s32 s10, $0x1;
	s10 =	sld [smem:$0x3FB7];
	_ =	sdelay $0x3  }
0x34: {  	[smem:$0x3FB7] =	sst s10  }
0x35: {  	s10 =	sld [smem:$0x3FB6];
	_ =	sdelay $0x3  }
0x36: {  	p1 =	seq.s32 s10, $0x1;
	s10 =	sld [smem:$0x3FB7];
	_ =	sdelay $0x3  }
0x37: {  	[smem:$0x3FB7] =	sst s10  }
0x38: {  	s10 =	sld [smem:$0x3FB8]  }
0x39: {  	_ = 	snop;
	(pc) =	sbr.ind lr, $3  }
0x3a: {  	_ = 	snop  }
0x3b: {  	_ = 	snop  }
0x3c: {  	p2 =	seq.s32 s10, $0x1;
	s10 =	sld [smem:$0x3FB7]  }
0x3d: {  	_ =	shalt  }
0x3e: {  	_ =	shalt  }
0x3f: {  	_ =	shalt  }
0x40: {  	_ =	shalt  }
0x41: {  	_ =	shalt  }
0x42: {  	_ =	shalt  }
0x43: {  	_ =	shalt  }
0x44: {  	_ =	shalt  }
0x45: {  	_ =	shalt  }
0x46: {  	_ =	shalt  }
0x47: {  	_ =	shalt  }
0x48: {  	_ =	shalt  }
0x49: {  	_ =	shalt  }
0x4a: {  	_ =	shalt  }
0x4b: {  	_ =	shalt  }
0x4c: {  	_ =	shalt  }
0x4d: {  	_ =	shalt  }
0x4e: {  	_ =	shalt  }
0x4f: {  	_ =	shalt  }
0x50: {  	_ =	shalt  }
0x51: {  	_ =	shalt  }
0x52: {  	_ =	shalt  }
0x53: {  	_ =	shalt  }
0x54: {  	_ =	shalt  }
0x55: {  	_ =	shalt  }
0x56: {  	_ =	shalt  }
0x57: {  	_ =	shalt  }
0x58: {  	_ =	shalt  }
0x59: {  	_ =	shalt  }
0x5a: {  	_ =	shalt  }
0x5b: {  	_ =	shalt  }
0x5c: {  	_ =	shalt  }
0x5d: {  	_ =	shalt  }
0x5e: {  	_ =	shalt  }
0x5f: {  	_ =	shalt  }
0x60: {  	_ =	shalt  }
0x61: {  	_ =	shalt  }
0x62: {  	_ =	shalt  }
0x63: {  	_ =	shalt  }
0x64: {  	_ =	shalt  }
0x65: {  	_ =	shalt  }
0x66: {  	_ =	shalt  }
0x67: {  	_ =	shalt  }
0x68: {  	_ =	shalt  }
0x69: {  	_ =	shalt  }
0x6a: {  	_ =	shalt  }
0x6b: {  	_ =	shalt  }
0x6c: {  	_ =	shalt  }
0x6d: {  	_ =	shalt  }
0x6e: {  	_ =	shalt  }
0x6f: {  	_ =	shalt  }
0x70: {  	_ =	shalt  }
0x71: {  	_ =	shalt  }
0x72: {  	_ =	shalt  }
0x73: {  	_ =	shalt  }
0x74: {  	_ =	shalt  }
0x75: {  	_ =	shalt  }
0x76: {  	_ =	shalt  }
0x77: {  	_ =	shalt  }
0x78: {  	_ =	shalt  }
0x79: {  	_ =	shalt  }
0x7a: {  	_ =	shalt  }
0x7b: {  	_ =	shalt  }
0x7c: {  	_ =	shalt  }
0x7d: {  	_ =	shalt  }
0x7e: {  	_ =	shalt  }
0x7f: {  	_ =	shalt  }
0x80: {  	_ =	shalt  }
0x81: {  	_ =	shalt  }
0x82: {  	_ =	shalt  }
0x83: {  	_ =	shalt  }
0x84: {  	_ =	shalt  }
0x85: {  	_ =	shalt  }
0x86: {  	_ =	shalt  }
0x87: {  	_ =	shalt  }
.Lfunc_end0:
.L_simem_size_0:
called_computation.2_lowered:
.L_overlay_start_0:
0x88: {  	s2 =	sld [smem:$0x3FD9]  }
0x89: {  	s3 =	sld [smem:$0x3FFE];
	_ =	sdelay $0x1  }
0x8a: {  	s1 =	srdreg.scid  }
0x8b: {  	s0 =	sand.u32 $0x1, s1  }
0x8c: {  	s17 =	sshll.u32 s0, $0xA;
	s2 =	sadd.s32 s3, s2  }
0x8d: {  	s2 =	sadd.s32 s2, s17  }
0x8e: {  	[smem:$0x3FC3] =	sst s2  }
0x8f: {  	_ = 	snop  }
0x90: {  	s2 =	sld [smem:$0x3FD0];
	(tm) =	ssettm $0x1  }
0x91: {  	s18 =	sld [smem:$0x3FFB];
	_ =	sdelay $0x3  }
0x92: {  	_ =	strace s18  }
0x93: {  	s3 =	sld [smem:$0x3FFC];
	_ =	sdelay $0x3  }
0x94: {  	_ =	strace s3  }
0x95: {  	s3 =	sld [smem:$0x3FFD];
	_ =	sdelay $0x3  }
0x96: {  	_ =	strace s3  }
0x97: {  	_ =	strace $0x8FFFFFFF  }
0x98: {  	s19 =	sld [smem:$0x3FDB];
	_ =	sdelay $0x1  }
0x99: {  	s4 =	simm.s32 $_scs_section_size  }
0x9a: {  	s5 =	simm.s32 $_size__tile_overlayer_lowered;
	s6 =	simm.s32 $_tile_overlayer_lowered  }
0x9b: {  	s22 =	simm.s32 $0x1BFF;
	s21 =	sshll.u32 s6, $0x1;
	s3 =	sadd.s32 s4, s19  }
0x9c: {  	s7 =	simm.s32 $0x0;
	s20 =	sshll.u32 s5, $0x1;
	s5 =	sadd.s32 s21, s3  }
0x9d: {  	[timem:s7], [sflag:s22] =	dma.local [hbm:s5], s20  }
0x9e: {  	_ =	swait.ge [sflag:s22], s20  }
0x9f: {  	s4 =	ssub.s32 $0x0, s20;
	[sflag:s22] =	ssyncset.done $0x0  }
0xa0: {  	[sflag:s22] =	ssyncadd.s32 s4;
	_ =	sdelay $0x1  }
0xa1: {  	s23 =	simm.s32 $0x1B8B  }
0xa2: {  	_ =	swait.ge [sflag:s23], $0x1  }
0xa3: {  	[sflag:s23] =	ssyncset.done $0x0  }
0xa4: {  	s25 =	simm.s32 $0x1B8E;
	s24 =	sld [smem:$0x3FFE];
	[sflag:s23] =	ssyncadd.s32 $0xFFFFFFFF  }
0xa5: {  	s26 =	simm.s32 $execute0_lowered;
	[smem:$0x3FD2] =	sst s25  }
0xa6: {  	s5 =	sshll.u32 s26, $0x1;
	_ =	strace $0x8000004C;
	[dreg:$0x1] =	wrdreg $0xFFFFFFFF  }
0xa7: {  	s28 =	simm.s32 $_size_execute0_lowered;
	s3 =	sadd.s32 s3, s5;
	[dreg:$0x0] =	wrdreg $0x0  }
0xa8: {  	s5 =	sshll.u32 s28, $0x1;
	[dreg:$0x2] =	wrdreg s3  }
0xa9: {  	[dreg:$0x3] =	wrdreg s5  }
0xaa: {  	[dreg:$0x4] =	wrdreg $0xC0  }
0xab: {  	_ =	task [dreg:s7], $0x5FFFF  }
0xac: {  	[dreg:$0x1] =	wrdreg $0xFFFFFFFF  }
0xad: {  	[dreg:$0x0] =	wrdreg $0x60  }
0xae: {  	[dreg:$0x2] =	wrdreg s24  }
0xaf: {  	[dreg:$0x3] =	wrdreg s2  }
0xb0: {  	[dreg:$0x4] =	wrdreg $0xA8000  }
0xb1: {  	[dreg:$0x5] =	wrdreg $0x9  }
0xb2: {  	_ =	task.clear_ibuf [dreg:s7], $0x6FFFF;
	_ =	strace $0x9000004C  }
0xb3: {  	s29 =	simm.s32 $0x9;
	_ =	strace $0x8000004E  }
0xb4: {  	_ =	swait.ge [sflag:s29], $0x1  }
0xb5: {  	[sflag:s29] =	ssyncadd.s32 $0xFFFFFFFF  }
0xb6: {  	_ =	strace $0x9000004E  }
0xb7: {  	_ =	sfence  }
0xb8: {  	s30 =	sld [smem:$0x0];
	_ =	sdelay $0x2  }
0xb9: {  	s31 =	sshll.u32 s1, $0xD;
	s1 =	sshrl.u32 s1, $0x2  }
0xba: {  	s3 =	sand.u32 $0x4000, s31;
	s1 =	sadd.s32 s1, s30  }
0xbb: {  	s0 =	sor.u32 s3, s0;
	s1 =	sshll.u32 s1, $0x11  }
0xbc: {  	s0 =	sor.u32 s1, s0  }
0xbd: {  	s0 =	sadd.s32 $0x8F2B, s0  }
0xbe: {  	[sflag:s0] =	ssyncadd.remote.s32 $0x1  }
0xbf: {  	_ =	sfence.sel $0xFFFF  }
0xc0: {  	[dreg:$0x0] =	wrdreg $0xFFFFFFFF;
	(pc) =	sbr.abs _section_cstart, $3  }
0xc1: {  	[dreg:$0x1] =	wrdreg $0xFFFFFFFF  }
0xc2: {  	_ =	task.clear_ibuf [dreg:s7], $0x2FFFF;
	_ =	strace $0x9FFFFFFF  }
0xc3: {  	(tm) =	ssettm $0x7FFFFFFF  }
tec
execute0_lowered:
.L_overlay_start_1:
0x0: {  	(tag) =	ssettag $0x1  }
0x1: {  	s0 =	rddreg [dreg:$0x0]  }
0x2: {  	s2 =	rddreg [dreg:$0x1]  }
0x3: {  	s1 =	srdreg.scid;
	s3 =	rddreg [dreg:$0x2]  }
0x4: {  	s12 =	stileid.u32;
	s5 =	simm.s32 $0x0;
	s31 =	simm.s32 $0x9  }
0x5: {  	s19 =	simm.s32 $0x40;
	s29 =	simm.s32 $0x8800;
	s30 =	simm.s32 $0x2  }
0x6: {  	s13 =	simm.s32 $0x1580;
	s14 =	simm.s32 $0x7;
	s15 =	simm.s32 $0x1300  }
0x7: {  	s16 =	simm.s32 $0x2600;
	s17 =	simm.s32 $0x2780;
	s1 =	sand.u32 $0x1, s1  }
0x8: {  	[smem:$0x7FF] =	sst s5;
	s6 =	sadd.s32 $0x2C00, s0;
	s10 =	smul.u32 $0x50000, s12  }
0x9: {  	s0 =	sadd.s32 $0x29E00, s0;
	s20 =	smul.u32 $0x2800, s12;
	p1 =	seq.s32 s12, $0xF  }
0xa: {  	s4 =	sshll.u32 s1, $0x4;
	_ =	strace $0x8000004D;
	s11 =	smul.u32 $0x27100, s1  }
0xb: {  	s7 =	ssub.s32 $0x2, s1;
	s1 =	smul.u32 $0x138800, s1;
	s4 =	sor.u32 s12, s4  }
0xc: {  	s9 =	sshrl.u32 s7, $0x1;
	s10 =	sshrl.u32 s10, $0x2;
	s5 =	smul.u32 $0xA0, s4  }
0xd: {  	s12 =	simm.s32 $0x4;
	s8 =	smul.u32 $0x5000, s4;
	s7 =	ssub.s32 s7, s9  }
0xe: {  	s28 =	sadd.s32 s10, s3;
	s24 =	sadd.s32 s20, s11;
	s1 =	sshrl.u32 s1, $0x3  }
0xf: {  	s20 =	simm.s32 $0x2800;
	p0 =	seq.s32 s4, $0x1F;
	s9 =	simm.s32 $0x1500  }
0x10: {  	s10 =	simm.s32 $0x6;
	s21 =	sadd.s32 $0x4000, s28;
	[dreg:$0x5] =	wrdreg s28  }
0x11: {  	s11 =	simm.s32 $0x280;
	s22 =	sadd.s32 $0x8000, s28;
	[dreg:$0x7] =	wrdreg s21  }
0x12: {  	s4 =	simm.s32 $0x2680;
	s23 =	sadd.s32 $0xC000, s28;
	[dreg:$0x8] =	wrdreg s22  }
0x13: {  	s25 =	sadd.s32 $0x10000, s28;
	s26 =	smax.u32 s7, $0x1;
	[dreg:$0x9] =	wrdreg s23  }
0x14: {  	s7 =	simm.s32 $0x8;
	s8 =	sshrl.u32 s8, $0x3;
	[dreg:$0xa] =	wrdreg s25  }
0x15: {  	[dreg:$0xd] =	wrdreg s26;
	s22 =	simm.s32 $0x4800;
	s8 =	sadd.s32 s2, s8  }
0x16: {  	s23 =	simm.s32 $0x6800;
	[dreg:$0x4] =	wrdreg s8;
	s8 =	sadd.s32 $0x13880, s8  }
0x17: {  	s26 =	simm.s32 $0x1;
	s25 =	simm.s32 $0x1380;
	[dreg:$0x6] =	wrdreg s8  }
0x18: {  	s8 =	sadd.s32 s0, s24;
	s0 =	sadd.s32 s0, s1;
	s1 =	sadd.s32 $0x12C000, s3  }
0x19: {  	s24 =	simm.s32 $0x0;
	[dreg:$0xb] =	wrdreg s8;
	s0 =	sadd.s32 $0x25800, s0  }
0x1a: {  	s8 =	simm.s32 $0x2700;
	[dreg:$0xc] =	wrdreg s0;
	s0 =	sshrl.u32 @p1 s1, $0x3  }
0x1b: {  	v0 =	vimm.f32 $0.0e+00;
	s1 =	simm.s32 $0x3;
	[dreg:$0xe] =	wrdreg s0;
	s0 =	simm.s32 $0x5  }
.LBB2_1:
0x1c: {  	[dreg:$0xf] =	wrdreg s24  }
0x1d: {  	s18 =	simm.s32 $0x0;
	s21 =	rddreg [dreg:$0x4]  }
0x1e: {  	[tilespmem:s18], [sflag:$0x9] =	stream.linear.gather [hbm4b:s21+s18], $0x1400, $0x38;
	[tilespmem:$0x1E800] =	vst v63  }
0x1f: {  	_ =	swait.ge [sflag:s31], $0x1400  }
0x20: {  	[sflag:s31] =	ssyncset.done $0x0  }
0x21: {  	s24 =	simm.s32 $0x1400;
	s21 =	rddreg [dreg:$0x6];
	[sflag:s31] =	ssyncadd.s32 $0xFFFFEC00  }
0x22: {  	[tilespmem:s24], [sflag:$0x9] =	stream.linear.gather [hbm4b:s21+s18], $0x1400, $0x38;
	[tilespmem:$0x1E800] =	vst v63  }
0x23: {  	_ =	swait.ge [sflag:s31], $0x1400  }
0x24: {  	[sflag:s31] =	ssyncset.done $0x0  }
0x25: {  	[sflag:s31] =	ssyncadd.s32 $0xFFFFEC00  }
0x26: {  	[tilespmem:s20], [sflag:$0x1] =	stream.indirect.gather [hbm4b:s6+s19], $0x80, s18, s19, $0xb8;
	[tilespmem:$0x1E800] =	vst v63  }
0x27: {  	s24 =	simm.s32 $0x80  }
0x28: {  	[tilespmem:s22], [sflag:$0x2] =	stream.indirect.gather [hbm4b:s6+s19], $0x80, s24, s19, $0xb8;
	[tilespmem:$0x1E800] =	vst v63  }
0x29: {  	s18 =	simm.s32 $0x0;
	s24 =	simm.s32 $0x200  }
.LBB2_2:
0x2a: {  	p2 =	sne.s32 s24, $0xFE00;
	[tilespmem:s18+$0x6870] =	vst v0  }
0x2b: {  	[tilespmem:s18+$0x6800] =	vst v0  }
0x2c: {  	[tilespmem:s18+$0x6810] =	vst v0  }
.Ltmp0:
0x2d: {  	[tilespmem:s18+$0x6820] =	vst v0;
	(pc) =	sbr.rel @p2 .LBB2_2-.Ltmp0, $4  }
0x2e: {  	[tilespmem:s18+$0x6830] =	vst v0  }
0x2f: {  	[tilespmem:s18+$0x6840] =	vst v0  }
0x30: {  	[tilespmem:s18+$0x6850] =	vst v0  }
0x31: {  	[tilespmem:s18+$0x6860] =	vst v0;
	s18 =	sshra.s32 s24, $0x2;
	s24 =	sadd.s32 $0x200, s24  }
0x32: {  	[tilespmem:s18+$0x6870] =	vst v0  }
0x33: {  	[tilespmem:s18+$0x6800] =	vst v0  }
0x34: {  	[tilespmem:s18+$0x6810] =	vst v0  }
0x35: {  	[tilespmem:s18+$0x6820] =	vst v0  }
0x36: {  	[tilespmem:s18+$0x6830] =	vst v0  }
0x37: {  	[tilespmem:s18+$0x6840] =	vst v0  }
0x38: {  	[tilespmem:s18+$0x6850] =	vst v0  }
0x39: {  	[tilespmem:s18+$0x6860] =	vst v0  }
0x3a: {  	[spmem:s28] =	stream.linear.scatter [tilespmem:s23], [sflag:$0x9], $0x4000, $0x38;
	[tilespmem:$0x1E800] =	vst v63  }
0x3b: {  	_ =	swait.ge [sflag:s31], $0x4000  }
0x3c: {  	[sflag:s31] =	ssyncset.done $0x0  }
0x3d: {  	s28 =	rddreg [dreg:$0x7];
	[sflag:s31] =	ssyncadd.s32 $0xFFFFC000  }
0x3e: {  	[spmem:s28] =	stream.linear.scatter [tilespmem:s23], [sflag:$0x9], $0x4000, $0x38;
	[tilespmem:$0x1E800] =	vst v63  }
0x3f: {  	_ =	swait.ge [sflag:s31], $0x4000  }
0x40: {  	[sflag:s31] =	ssyncset.done $0x0  }
0x41: {  	s21 =	rddreg [dreg:$0x8];
	[sflag:s31] =	ssyncadd.s32 $0xFFFFC000  }
0x42: {  	[spmem:s21] =	stream.linear.scatter [tilespmem:s23], [sflag:$0x9], $0x4000, $0x38;
	[tilespmem:$0x1E800] =	vst v63  }
0x43: {  	_ =	swait.ge [sflag:s31], $0x4000  }
0x44: {  	[sflag:s31] =	ssyncset.done $0x0  }
0x45: {  	s24 =	rddreg [dreg:$0x9];
	[sflag:s31] =	ssyncadd.s32 $0xFFFFC000  }
0x46: {  	[spmem:s24] =	stream.linear.scatter [tilespmem:s23], [sflag:$0x9], $0x4000, $0x38;
	[tilespmem:$0x1E800] =	vst v63  }
0x47: {  	_ =	swait.ge [sflag:s31], $0x4000  }
0x48: {  	[sflag:s31] =	ssyncset.done $0x0  }
0x49: {  	s28 =	rddreg [dreg:$0xa];
	[sflag:s31] =	ssyncadd.s32 $0xFFFFC000  }
0x4a: {  	[spmem:s28] =	stream.linear.scatter [tilespmem:s23], [sflag:$0x9], $0x4000, $0x38;
	[tilespmem:$0x1E800] =	vst v63  }
0x4b: {  	_ =	swait.ge [sflag:s31], $0x4000  }
0x4c: {  	[sflag:s31] =	ssyncset.done $0x0  }
0x4d: {  	[sflag:s31] =	ssyncadd.s32 $0xFFFFC000  }
0x4e: {  	s18 =	simm.s32 $0x0;
	[bflag:$0x0] =	sbarrier.arrive $0xFFFF  }
.LBB2_4:
0x4f: {  	p2 =	seq.s32 s18, $0x0  }
0x50: {  	s24 =	simm.s32 @!p2 $0x7  }
0x51: {  	_ =	swait.ge @!p2 [sflag:s24], $0x2000  }
0x52: {  	s28 =	smul.u32 @!p2 $0x28, s18;
	[sflag:s24] =	ssyncset.done @!p2 $0x0  }
0x53: {  	[sflag:s24] =	ssyncadd.s32 @!p2 $0xFFFFE000;
	s24 =	simm.s32 @!p2 $0x8  }
0x54: {  	s28 =	sadd.s32 @!p2 s5, s28;
	_ =	swait.ge @!p2 [sflag:s24], $0x2000  }
0x55: {  	s28 =	sshll.u32 @!p2 s28, $0x4;
	[sflag:s24] =	ssyncset.done @!p2 $0x0  }
0x56: {  	s31 =	simm.s32 @!p2 $0x0;
	[sflag:s24] =	ssyncadd.s32 @!p2 $0xFFFFE000;
	s24 =	sadd.s32 @!p2 s2, s28  }
0x57: {  	[tilespmem:s31], [sflag:$0x9] =	stream.linear.gather @!p2 [hbm4b:s24+s31], $0x1400, $0x38;
	[tilespmem:$0x1E800] =	vst v63  }
0x58: {  	s24 =	simm.s32 @!p2 $0x9  }
0x59: {  	s28 =	sand.u32 @!p2 $0x1FFFFFF0, s28;
	_ =	swait.ge @!p2 [sflag:s24], $0x1400  }
0x5a: {  	s28 =	sadd.s32 @!p2 s2, s28;
	[sflag:s24] =	ssyncset.done @!p2 $0x0  }
0x5b: {  	s21 =	simm.s32 @!p2 $0x1400;
	s28 =	sadd.s32 @!p2 $0x13880, s28;
	[sflag:s24] =	ssyncadd.s32 @!p2 $0xFFFFEC00  }
0x5c: {  	[tilespmem:s21], [sflag:$0x9] =	stream.linear.gather @!p2 [hbm4b:s28+s31], $0x1400, $0x38;
	[tilespmem:$0x1E800] =	vst v63  }
0x5d: {  	_ =	swait.ge @!p2 [sflag:s24], $0x1400  }
0x5e: {  	[sflag:s24] =	ssyncset.done @!p2 $0x0  }
0x5f: {  	s21 =	simm.s32 @!p2 $0x40;
	[sflag:s24] =	ssyncadd.s32 @!p2 $0xFFFFEC00;
	s24 =	simm.s32 @!p2 $0x2800  }
0x60: {  	[tilespmem:s24], [sflag:$0x1] =	stream.indirect.gather @!p2 [hbm4b:s6+s21], $0x80, s31, s21, $0xb8;
	[tilespmem:$0x1E800] =	vst v63  }
0x61: {  	s28 =	simm.s32 @!p2 $0x4800;
	s24 =	simm.s32 @!p2 $0x80  }
0x62: {  	[tilespmem:s28], [sflag:$0x2] =	stream.indirect.gather @!p2 [hbm4b:s6+s21], $0x80, s24, s21, $0xb8;
	[tilespmem:$0x1E800] =	vst v63  }
0x63: {  	s24 =	simm.s32 $0x100  }
0x64: {  	[tilespmem:s23], [sflag:$0x3] =	stream.indirect.gather [hbm4b:s6+s19], $0x80, s24, s19, $0xb8;
	[tilespmem:$0x1E800] =	vst v63  }
0x65: {  	_ =	swait.ge [sflag:s26], $0x2000  }
0x66: {  	[sflag:s26] =	ssyncset.done $0x0  }
0x67: {  	s31 =	simm.s32 $0x1400;
	[sflag:s26] =	ssyncadd.s32 $0xFFFFE000  }
0x68: {  	[spmem:s3] =	stream.indirect.scatter.add.f32 [tilespmem:s20], [sflag:$0x5], $0x80, s31, s19, $0xb8;
	[tilespmem:$0x1E800] =	vst v63  }
0x69: {  	s24 =	simm.s32 $0x180  }
0x6a: {  	[tilespmem:s29], [sflag:$0x4] =	stream.indirect.gather [hbm4b:s6+s19], $0x80, s24, s19, $0xb8;
	[tilespmem:$0x1E800] =	vst v63  }
0x6b: {  	_ =	swait.ge [sflag:s30], $0x2000  }
0x6c: {  	[sflag:s30] =	ssyncset.done $0x0  }
0x6d: {  	s31 =	simm.s32 $0x1480;
	[sflag:s30] =	ssyncadd.s32 $0xFFFFE000  }
0x6e: {  	[spmem:s3] =	stream.indirect.scatter.add.f32 [tilespmem:s22], [sflag:$0x6], $0x80, s31, s19, $0xb8;
	[tilespmem:$0x1E800] =	vst v63  }
0x6f: {  	_ =	swait.ge [sflag:s0], $0x2000  }
0x70: {  	[sflag:s0] =	ssyncset.done $0x0  }
0x71: {  	s24 =	simm.s32 $0x200;
	[sflag:s0] =	ssyncadd.s32 $0xFFFFE000  }
0x72: {  	[tilespmem:s20], [sflag:$0x1] =	stream.indirect.gather [hbm4b:s6+s19], $0x80, s24, s19, $0xb8;
	[tilespmem:$0x1E800] =	vst v63  }
0x73: {  	_ =	swait.ge [sflag:s1], $0x2000  }
0x74: {  	[sflag:s1] =	ssyncset.done $0x0  }
0x75: {  	[sflag:s1] =	ssyncadd.s32 $0xFFFFE000  }
0x76: {  	[spmem:s3] =	stream.indirect.scatter.add.f32 [tilespmem:s23], [sflag:$0x7], $0x80, s9, s19, $0xb8;
	[tilespmem:$0x1E800] =	vst v63  }
0x77: {  	_ =	swait.ge [sflag:s10], $0x2000  }
0x78: {  	[sflag:s10] =	ssyncset.done $0x0  }
0x79: {  	[sflag:s10] =	ssyncadd.s32 $0xFFFFE000  }
0x7a: {  	[tilespmem:s22], [sflag:$0x2] =	stream.indirect.gather [hbm4b:s6+s19], $0x80, s11, s19, $0xb8;
	[tilespmem:$0x1E800] =	vst v63  }
0x7b: {  	_ =	swait.ge [sflag:s12], $0x2000  }
0x7c: {  	[sflag:s12] =	ssyncset.done $0x0  }
0x7d: {  	[sflag:s12] =	ssyncadd.s32 $0xFFFFE000  }
0x7e: {  	[spmem:s3] =	stream.indirect.scatter.add.f32 [tilespmem:s29], [sflag:$0x8], $0x80, s13, s19, $0xb8;
	[tilespmem:$0x1E800] =	vst v63  }
0x7f: {  	_ =	swait.ge [sflag:s14], $0x2000  }
0x80: {  	[sflag:s14] =	ssyncset.done $0x0  }
0x81: {  	s31 =	simm.s32 $0x300;
	[sflag:s14] =	ssyncadd.s32 $0xFFFFE000  }
0x82: {  	[tilespmem:s23], [sflag:$0x3] =	stream.indirect.gather [hbm4b:s6+s19], $0x80, s31, s19, $0xb8;
	[tilespmem:$0x1E800] =	vst v63  }
0x83: {  	_ =	swait.ge [sflag:s26], $0x2000  }
0x84: {  	[sflag:s26] =	ssyncset.done $0x0  }
0x85: {  	s24 =	simm.s32 $0x1600;
	[sflag:s26] =	ssyncadd.s32 $0xFFFFE000  }
0x86: {  	[spmem:s3] =	stream.indirect.scatter.add.f32 [tilespmem:s20], [sflag:$0x5], $0x80, s24, s19, $0xb8;
	[tilespmem:$0x1E800] =	vst v63  }
0x87: {  	_ =	swait.ge [sflag:s7], $0x2000  }
0x88: {  	[sflag:s7] =	ssyncset.done $0x0  }
0x89: {  	s31 =	simm.s32 $0x380;
	[sflag:s7] =	ssyncadd.s32 $0xFFFFE000  }
0x8a: {  	[tilespmem:s29], [sflag:$0x4] =	stream.indirect.gather [hbm4b:s6+s19], $0x80, s31, s19, $0xb8;
	[tilespmem:$0x1E800] =	vst v63  }
0x8b: {  	_ =	swait.ge [sflag:s30], $0x2000  }
0x8c: {  	[sflag:s30] =	ssyncset.done $0x0  }
0x8d: {  	s24 =	simm.s32 $0x1680;
	[sflag:s30] =	ssyncadd.s32 $0xFFFFE000  }
0x8e: {  	[spmem:s3] =	stream.indirect.scatter.add.f32 [tilespmem:s22], [sflag:$0x6], $0x80, s24, s19, $0xb8;
	[tilespmem:$0x1E800] =	vst v63  }
0x8f: {  	_ =	swait.ge [sflag:s0], $0x2000  }
0x90: {  	[sflag:s0] =	ssyncset.done $0x0  }
0x91: {  	s31 =	simm.s32 $0x400;
	[sflag:s0] =	ssyncadd.s32 $0xFFFFE000  }
0x92: {  	[tilespmem:s20], [sflag:$0x1] =	stream.indirect.gather [hbm4b:s6+s19], $0x80, s31, s19, $0xb8;
	[tilespmem:$0x1E800] =	vst v63  }
0x93: {  	_ =	swait.ge [sflag:s1], $0x2000  }
0x94: {  	[sflag:s1] =	ssyncset.done $0x0  }
0x95: {  	s24 =	simm.s32 $0x1700;
	[sflag:s1] =	ssyncadd.s32 $0xFFFFE000  }
0x96: {  	[spmem:s3] =	stream.indirect.scatter.add.f32 [tilespmem:s23], [sflag:$0x7], $0x80, s24, s19, $0xb8;
	[tilespmem:$0x1E800] =	vst v63  }
0x97: {  	_ =	swait.ge [sflag:s10], $0x2000  }
0x98: {  	[sflag:s10] =	ssyncset.done $0x0  }
0x99: {  	s31 =	simm.s32 $0x480;
	[sflag:s10] =	ssyncadd.s32 $0xFFFFE000  }
0x9a: {  	[tilespmem:s22], [sflag:$0x2] =	stream.indirect.gather [hbm4b:s6+s19], $0x80, s31, s19, $0xb8;
	[tilespmem:$0x1E800] =	vst v63  }
0x9b: {  	_ =	swait.ge [sflag:s12], $0x2000  }
0x9c: {  	[sflag:s12] =	ssyncset.done $0x0  }
0x9d: {  	s28 =	simm.s32 $0x1780;
	s24 =	simm.s32 $0x800;
	[sflag:s12] =	ssyncadd.s32 $0xFFFFE000  }
.LBB2_5:
0x9e: {  	[spmem:s3] =	stream.indirect.scatter.add.f32 [tilespmem:s29], [sflag:$0x8], $0x80, s28, s19, $0xb8;
	[tilespmem:$0x1E800] =	vst v63  }
0x9f: {  	s21 =	smov.u32 s24  }
0xa0: {  	p2 =	sne.s32 s24, $0x3800;
	s24 =	sadd.s32 $0x800, s24;
	_ =	swait.ge [sflag:s14], $0x2000  }
0xa1: {  	s28 =	sshra.s32 s21, $0x2;
	[sflag:s14] =	ssyncset.done $0x0  }
0xa2: {  	s21 =	sadd.s32 $0x300, s28;
	[sflag:s14] =	ssyncadd.s32 $0xFFFFE000  }
0xa3: {  	[tilespmem:s23], [sflag:$0x3] =	stream.indirect.gather [hbm4b:s6+s19], $0x80, s21, s19, $0xb8;
	[tilespmem:$0x1E800] =	vst v63  }
0xa4: {  	_ =	swait.ge [sflag:s26], $0x2000  }
0xa5: {  	[sflag:s26] =	ssyncset.done $0x0  }
0xa6: {  	s21 =	sadd.s32 $0x1600, s28;
	[sflag:s26] =	ssyncadd.s32 $0xFFFFE000  }
0xa7: {  	[spmem:s3] =	stream.indirect.scatter.add.f32 [tilespmem:s20], [sflag:$0x5], $0x80, s21, s19, $0xb8;
	[tilespmem:$0x1E800] =	vst v63  }
0xa8: {  	_ =	swait.ge [sflag:s7], $0x2000  }
0xa9: {  	[sflag:s7] =	ssyncset.done $0x0  }
0xaa: {  	s21 =	sadd.s32 $0x380, s28;
	[sflag:s7] =	ssyncadd.s32 $0xFFFFE000  }
0xab: {  	[tilespmem:s29], [sflag:$0x4] =	stream.indirect.gather [hbm4b:s6+s19], $0x80, s21, s19, $0xb8;
	[tilespmem:$0x1E800] =	vst v63  }
0xac: {  	_ =	swait.ge [sflag:s30], $0x2000  }
0xad: {  	[sflag:s30] =	ssyncset.done $0x0  }
0xae: {  	s21 =	sadd.s32 $0x1680, s28;
	[sflag:s30] =	ssyncadd.s32 $0xFFFFE000  }
0xaf: {  	[spmem:s3] =	stream.indirect.scatter.add.f32 [tilespmem:s22], [sflag:$0x6], $0x80, s21, s19, $0xb8;
	[tilespmem:$0x1E800] =	vst v63  }
0xb0: {  	_ =	swait.ge [sflag:s0], $0x2000  }
0xb1: {  	[sflag:s0] =	ssyncset.done $0x0  }
0xb2: {  	s21 =	sadd.s32 $0x400, s28;
	[sflag:s0] =	ssyncadd.s32 $0xFFFFE000  }
0xb3: {  	[tilespmem:s20], [sflag:$0x1] =	stream.indirect.gather [hbm4b:s6+s19], $0x80, s21, s19, $0xb8;
	[tilespmem:$0x1E800] =	vst v63  }
0xb4: {  	_ =	swait.ge [sflag:s1], $0x2000  }
0xb5: {  	[sflag:s1] =	ssyncset.done $0x0  }
0xb6: {  	s21 =	sadd.s32 $0x1700, s28;
	[sflag:s1] =	ssyncadd.s32 $0xFFFFE000  }
0xb7: {  	[spmem:s3] =	stream.indirect.scatter.add.f32 [tilespmem:s23], [sflag:$0x7], $0x80, s21, s19, $0xb8;
	[tilespmem:$0x1E800] =	vst v63  }
0xb8: {  	_ =	swait.ge [sflag:s10], $0x2000  }
0xb9: {  	[sflag:s10] =	ssyncset.done $0x0  }
.Ltmp1:
0xba: {  	s21 =	sadd.s32 $0x480, s28;
	[sflag:s10] =	ssyncadd.s32 $0xFFFFE000;
	(pc) =	sbr.rel @p2 .LBB2_5-.Ltmp1, $4  }
0xbb: {  	[tilespmem:s22], [sflag:$0x2] =	stream.indirect.gather [hbm4b:s6+s19], $0x80, s21, s19, $0xb8;
	[tilespmem:$0x1E800] =	vst v63  }
0xbc: {  	_ =	swait.ge [sflag:s12], $0x2000  }
0xbd: {  	[sflag:s12] =	ssyncset.done $0x0  }
0xbe: {  	s28 =	sadd.s32 $0x1780, s28;
	[sflag:s12] =	ssyncadd.s32 $0xFFFFE000  }
0xbf: {  	[spmem:s3] =	stream.indirect.scatter.add.f32 [tilespmem:s29], [sflag:$0x8], $0x80, s28, s19, $0xb8;
	[tilespmem:$0x1E800] =	vst v63  }
0xc0: {  	_ =	swait.ge [sflag:s14], $0x2000  }
0xc1: {  	[sflag:s14] =	ssyncset.done $0x0  }
0xc2: {  	[sflag:s14] =	ssyncadd.s32 $0xFFFFE000  }
0xc3: {  	[tilespmem:s23], [sflag:$0x3] =	stream.indirect.gather [hbm4b:s6+s19], $0x80, s15, s19, $0xb8;
	[tilespmem:$0x1E800] =	vst v63  }
0xc4: {  	_ =	swait.ge [sflag:s26], $0x2000  }
0xc5: {  	[sflag:s26] =	ssyncset.done $0x0  }
0xc6: {  	[sflag:s26] =	ssyncadd.s32 $0xFFFFE000  }
0xc7: {  	[spmem:s3] =	stream.indirect.scatter.add.f32 [tilespmem:s20], [sflag:$0x5], $0x80, s16, s19, $0xb8;
	[tilespmem:$0x1E800] =	vst v63  }
0xc8: {  	_ =	swait.ge [sflag:s7], $0x2000  }
0xc9: {  	[sflag:s7] =	ssyncset.done $0x0  }
0xca: {  	[sflag:s7] =	ssyncadd.s32 $0xFFFFE000  }
0xcb: {  	[tilespmem:s29], [sflag:$0x4] =	stream.indirect.gather [hbm4b:s6+s19], $0x80, s25, s19, $0xb8;
	[tilespmem:$0x1E800] =	vst v63  }
0xcc: {  	_ =	swait.ge [sflag:s30], $0x2000  }
0xcd: {  	[sflag:s30] =	ssyncset.done $0x0  }
0xce: {  	[sflag:s30] =	ssyncadd.s32 $0xFFFFE000  }
0xcf: {  	[spmem:s3] =	stream.indirect.scatter.add.f32 [tilespmem:s22], [sflag:$0x6], $0x80, s4, s19, $0xb8;
	[tilespmem:$0x1E800] =	vst v63  }
0xd0: {  	_ =	swait.ge [sflag:s0], $0x2000  }
0xd1: {  	[sflag:s0] =	ssyncset.done $0x0  }
0xd2: {  	[sflag:s0] =	ssyncadd.s32 $0xFFFFE000  }
0xd3: {  	_ =	swait.ge [sflag:s1], $0x2000  }
0xd4: {  	[sflag:s1] =	ssyncset.done $0x0  }
0xd5: {  	[sflag:s1] =	ssyncadd.s32 $0xFFFFE000  }
0xd6: {  	[spmem:s3] =	stream.indirect.scatter.add.f32 [tilespmem:s23], [sflag:$0x7], $0x80, s8, s19, $0xb8;
	[tilespmem:$0x1E800] =	vst v63  }
0xd7: {  	p2 =	slt.u32 @!p0 s18, $0x3;
	_ =	swait.ge [sflag:s10], $0x2000  }
0xd8: {  	p2 =	por p0, !p2;
	[sflag:s10] =	ssyncset.done $0x0  }
.Ltmp2:
0xd9: {  	[sflag:s10] =	ssyncadd.s32 $0xFFFFE000;
	(pc) =	sbr.rel @!p2 .LBB2_4-.Ltmp2, $4  }
0xda: {  	_ =	swait.ge [sflag:s12], $0x2000  }
0xdb: {  	[sflag:s12] =	ssyncset.done $0x0  }
0xdc: {  	s18 =	sadd.s32 $0x1, s18;
	[sflag:s12] =	ssyncadd.s32 $0xFFFFE000  }
0xdd: {  	[spmem:s3] =	stream.indirect.scatter.add.f32 [tilespmem:s29], [sflag:$0x8], $0x80, s17, s19, $0xb8;
	[tilespmem:$0x1E800] =	vst v63  }
0xde: {  	_ =	swait.ge [sflag:s14], $0x2000  }
0xdf: {  	[sflag:s14] =	ssyncset.done $0x0  }
0xe0: {  	[sflag:s14] =	ssyncadd.s32 $0xFFFFE000  }
0xe1: {  	_ =	swait.ge [sflag:s7], $0x2000  }
0xe2: {  	[sflag:s7] =	ssyncset.done $0x0  }
0xe3: {  	[sflag:s7] =	ssyncadd.s32 $0xFFFFE000  }
0xe4: {  	[bflag:$0x0] =	sbarrier.arrive $0xFFFF  }
0xe5: {  	s21 =	rddreg [dreg:$0xc]  }
0xe6: {  	s18 =	simm.s32 @p1 $0x1FC9;
	s24 =	rddreg [dreg:$0xe]  }
0xe7: {  	[hbm:s21], [sflag:s18] =	dma.local @p1 [spmem:s24], $0x1900  }
0xe8: {  	s18 =	simm.s32 @p1 $0x9  }
0xe9: {  	_ =	swait.ge @p1 [sflag:s18], $0x1900  }
0xea: {  	s21 =	stileid.u32;
	s28 =	rddreg [dreg:$0x5]  }
0xeb: {  	s21 =	sshll.u32 @!p1 s21, $0x6;
	[sflag:s18] =	ssyncset.done @p1 $0x0;
	s24 =	rddreg [dreg:$0xb]  }
0xec: {  	[sflag:s18] =	ssyncadd.s32 @p1 $0xFFFFE700;
	s18 =	sor.u32 @!p1 $0x1C09, s21;
	s21 =	sshrl.u32 @!p1 s28, $0x3  }
0xed: {  	[hbm:s24], [sflag:s18] =	dma.local @!p1 [spmem:s21], $0x2800  }
0xee: {  	s18 =	simm.s32 @!p1 $0x9  }
0xef: {  	_ =	swait.ge @!p1 [sflag:s18], $0x2800  }
0xf0: {  	s21 =	rddreg [dreg:$0xf]  }
0xf1: {  	s24 =	sadd.s32 $0x1, s21;
	s21 =	rddreg [dreg:$0xd]  }
0xf2: {  	p2 =	sne.s32 s24, s21  }
.Ltmp3:
0xf3: {  	_ = 	snop;
	(pc) =	sbr.rel @p2 .LBB2_1-.Ltmp3, $3  }
0xf4: {  	_ =	sdelay $0x1  }
0xf5: {  	[sflag:s18] =	ssyncset.done @!p1 $0x0  }
0xf6: {  	s31 =	simm.s32 $0x9;
	[sflag:s18] =	ssyncadd.s32 @!p1 $0xFFFFD800  }
0xf7: {  	_ =	sfence.sel $0x180000  }
0xf8: {  	[bflag:$0x0] =	sbarrier.arrive $0xFFFF  }
0xf9: {  	_ =	strace $0x9000004D  }
0xfa: {  	s0 =	stileid.u32;
	[bflag:$0x2] =	sbarrier.arrive $0xFFFF  }
0xfb: {  	p0 =	sne.s32 s0, $0x0;
	s0 =	rddreg [dreg:$0x3]  }
0xfc: {  	s0 =	sadd.s32 @!p0 $0x100000, s0  }
0xfd: {  	[sflag:s0] =	ssyncadd.tile.s32 @!p0 $0x1;
	_ =	shalt  }
.Lfunc_end2:
_tile_overlayer_lowered:
.L_overlay_start_2:
0xfe: {  	(tag) =	ssettag $0x2  }
0xff: {  	s0 =	rddreg [dreg:$0x0];
	s2 =	stileid.u32  }
0x100: {  	s1 =	rddreg [dreg:$0x1];
	p0 =	sne.s32 s2, $0x0  }
0x101: {  	s3 =	rddreg [dreg:$0x2];
	[bflag:$0x3] =	sbarrier.arrive $0xFFFF;
	s2 =	simm.s32 @!p0 $0x1C09  }
0x102: {  	[timem:s3], [sflag:s2] =	dma.local @!p0 [hbm:s0], s1  }
0x103: {  	s0 =	simm.s32 @!p0 $0x9  }
0x104: {  	_ =	swait.ge @!p0 [sflag:s0], s1  }
0x105: {  	s1 =	ssub.s32 @!p0 $0x0, s1;
	[sflag:s0] =	ssyncset.done @!p0 $0x0  }
0x106: {  	[sflag:s0] =	ssyncadd.s32 @!p0 s1  }
0x107: {  	[bflag:$0x3] =	sbarrier.arrive $0xFFFF  }
0x108: {  	_ =	shalt  }

// kernel: kernel.8.cloned.1.call-start
scs
__scs_entry_jumppad:
0x0: {  	(pc) =	sbr.rel $0x88, $3  }
0x1: {  	(tag) =	ssettag $0x0;
	lr =	simm.s32 $0x1  }
0x2: {  	[smem:$0x3F9C] =	sst lr;
	_ =	strace $0xD0000000  }
0x3: {  	_ = 	snop  }
0x4: {  	_ = 	snop  }
0x5: {  	_ = 	snop  }
0x6: {  	_ = 	snop  }
0x7: {  	_ = 	snop  }
__scs_overlays_trampoline_lowered:
0x8: {  	[smem:$0x3FAB] =	sst s0  }
0x9: {  	[smem:$0x3FAC] =	sst s1  }
0xa: {  	[smem:$0x3FAD] =	sst s2  }
0xb: {  	[smem:$0x3FAE] =	sst s3  }
0xc: {  	[smem:$0x3FAF] =	sst s4  }
0xd: {  	[smem:$0x3FB0] =	sst s5  }
0xe: {  	[smem:$0x3FB1] =	sst s6  }
0xf: {  	[smem:$0x3FB2] =	sst s7  }
0x10: {  	[smem:$0x3FB3] =	sst s8  }
0x11: {  	[smem:$0x3FB4] =	sst s9;
	s0 =	simm.s32 @!p0 $0x0  }
0x12: {  	s1 =	sld [smem:$0x3F9A];
	s0 =	simm.s32 @p0 $0x1  }
0x13: {  	[smem:$0x3FB5] =	sst s0;
	s0 =	simm.s32 @!p1 $0x0  }
0x14: {  	s2 =	sld [smem:$0x3F99];
	s0 =	simm.s32 @p1 $0x1  }
0x15: {  	[smem:$0x3FB6] =	sst s0;
	s0 =	simm.s32 @!p2 $0x0  }
0x16: {  	s3 =	sld [smem:$0x3FDB];
	s0 =	simm.s32 @p2 $0x1  }
0x17: {  	s4 =	simm.s32 $0x1BF5;
	[smem:$0x3FB8] =	sst s0  }
0x18: {  	s0 =	sld [smem:$0x3F9B];
	_ =	swait.ge [sflag:s4], $0x0  }
0x19: {  	s7 =	sld [smem:$0x3F9C]  }
0x1a: {  	s8 =	sadd.s32 $0xFFFFE003, lr  }
0x1b: {  	s9 =	sadd.s32 $0xFFFFFEF7, lr;
	s5 =	simm.s32 $0xFFFFFFFF;
	p2 =	slt.u32 s8, $0xFFFFF086  }
0x1c: {  	p1 =	slt.u32 s9, $0xF7A;
	s5 =	simm.s32 @!p2 $0x0  }
0x1d: {  	s5 =	simm.s32 @p1 $0x1;
	p0 =	seq.s32 s7, s2  }
0x1e: {  	s7 =	smul.u32 @!p0 $0xF7A, s2;
	p2 =	seq.s32 @!p0 s5, $0x0  }
0x1f: {  	s9 =	smul.u32 $0xF7A, s1;
	s8 =	simm.s32 @!p0 $0x1BF5;
	p2 =	por !p2, p0  }
0x20: {  	[sflag:s8] =	ssyncset.s32 @!p0 $0xFFFFF086;
	s6 =	sadd.s32 @!p0 s3, s7;
	s7 =	simm.s32 @!p0 $0x108  }
0x21: {  	s3 =	sadd.s32 s3, s9;
	s6 =	sadd.s32 @!p0 $0x88, s6;
	s7 =	simm.s32 @p2 $0x1082  }
0x22: {  	[simem:s7], [sflag:s8] =	dma.local @!p0 [hbm:s6], $0xF7A  }
0x23: {  	s9 =	sor.u32 $0xD0000000, s2;
	s6 =	simm.s32 $0x108;
	_ =	swait.ge @!p0 [sflag:s8], $0x0  }
0x24: {  	s3 =	sadd.s32 $0x88, s3;
	s6 =	simm.s32 @!p1 $0x1082;
	[sflag:s4] =	ssyncset.s32 $0xFFFFF086  }
0x25: {  	[simem:s6], [sflag:s4] =	dma.local [hbm:s3], $0xF7A  }
0x26: {  	[smem:$0x3F9C] =	sst s1;
	(tag) =	ssettag s2;
	_ =	strace s9  }
0x27: {  	s1 =	sld [smem:$0x3FAC]  }
0x28: {  	s2 =	sld [smem:$0x3FAD]  }
0x29: {  	s4 =	sld [smem:$0x3FAF]  }
0x2a: {  	p0 =	seq.s32 s5, $0x0;
	s5 =	sld [smem:$0x3FB0]  }
0x2b: {  	s6 =	sld [smem:$0x3FB1]  }
0x2c: {  	s7 =	sld [smem:$0x3FB2]  }
0x2d: {  	s3 =	simm.s32 $0x108;
	s8 =	sld [smem:$0x3FB3]  }
0x2e: {  	s3 =	simm.s32 @!p0 $0x1082;
	s9 =	sld [smem:$0x3FB4]  }
0x2f: {  	lr =	sadd.s32 s0, s3;
	s0 =	sld [smem:$0x3FAB]  }
0x30: {  	s3 =	sld [smem:$0x3FAE]  }
0x31: {  	[smem:$0x3FB7] =	sst s10  }
0x32: {  	s10 =	sld [smem:$0x3FB5];
	_ =	sdelay $0x3  }
0x33: {  	p0 =	seq.s32 s10, $0x1;
	s10 =	sld [smem:$0x3FB7];
	_ =	sdelay $0x3  }
0x34: {  	[smem:$0x3FB7] =	sst s10  }
0x35: {  	s10 =	sld [smem:$0x3FB6];
	_ =	sdelay $0x3  }
0x36: {  	p1 =	seq.s32 s10, $0x1;
	s10 =	sld [smem:$0x3FB7];
	_ =	sdelay $0x3  }
0x37: {  	[smem:$0x3FB7] =	sst s10  }
0x38: {  	s10 =	sld [smem:$0x3FB8]  }
0x39: {  	_ = 	snop;
	(pc) =	sbr.ind lr, $3  }
0x3a: {  	_ = 	snop  }
0x3b: {  	_ = 	snop  }
0x3c: {  	p2 =	seq.s32 s10, $0x1;
	s10 =	sld [smem:$0x3FB7]  }
0x3d: {  	_ =	shalt  }
0x3e: {  	_ =	shalt  }
0x3f: {  	_ =	shalt  }
0x40: {  	_ =	shalt  }
0x41: {  	_ =	shalt  }
0x42: {  	_ =	shalt  }
0x43: {  	_ =	shalt  }
0x44: {  	_ =	shalt  }
0x45: {  	_ =	shalt  }
0x46: {  	_ =	shalt  }
0x47: {  	_ =	shalt  }
0x48: {  	_ =	shalt  }
0x49: {  	_ =	shalt  }
0x4a: {  	_ =	shalt  }
0x4b: {  	_ =	shalt  }
0x4c: {  	_ =	shalt  }
0x4d: {  	_ =	shalt  }
0x4e: {  	_ =	shalt  }
0x4f: {  	_ =	shalt  }
0x50: {  	_ =	shalt  }
0x51: {  	_ =	shalt  }
0x52: {  	_ =	shalt  }
0x53: {  	_ =	shalt  }
0x54: {  	_ =	shalt  }
0x55: {  	_ =	shalt  }
0x56: {  	_ =	shalt  }
0x57: {  	_ =	shalt  }
0x58: {  	_ =	shalt  }
0x59: {  	_ =	shalt  }
0x5a: {  	_ =	shalt  }
0x5b: {  	_ =	shalt  }
0x5c: {  	_ =	shalt  }
0x5d: {  	_ =	shalt  }
0x5e: {  	_ =	shalt  }
0x5f: {  	_ =	shalt  }
0x60: {  	_ =	shalt  }
0x61: {  	_ =	shalt  }
0x62: {  	_ =	shalt  }
0x63: {  	_ =	shalt  }
0x64: {  	_ =	shalt  }
0x65: {  	_ =	shalt  }
0x66: {  	_ =	shalt  }
0x67: {  	_ =	shalt  }
0x68: {  	_ =	shalt  }
0x69: {  	_ =	shalt  }
0x6a: {  	_ =	shalt  }
0x6b: {  	_ =	shalt  }
0x6c: {  	_ =	shalt  }
0x6d: {  	_ =	shalt  }
0x6e: {  	_ =	shalt  }
0x6f: {  	_ =	shalt  }
0x70: {  	_ =	shalt  }
0x71: {  	_ =	shalt  }
0x72: {  	_ =	shalt  }
0x73: {  	_ =	shalt  }
0x74: {  	_ =	shalt  }
0x75: {  	_ =	shalt  }
0x76: {  	_ =	shalt  }
0x77: {  	_ =	shalt  }
0x78: {  	_ =	shalt  }
0x79: {  	_ =	shalt  }
0x7a: {  	_ =	shalt  }
0x7b: {  	_ =	shalt  }
0x7c: {  	_ =	shalt  }
0x7d: {  	_ =	shalt  }
0x7e: {  	_ =	shalt  }
0x7f: {  	_ =	shalt  }
0x80: {  	_ =	shalt  }
0x81: {  	_ =	shalt  }
0x82: {  	_ =	shalt  }
0x83: {  	_ =	shalt  }
0x84: {  	_ =	shalt  }
0x85: {  	_ =	shalt  }
0x86: {  	_ =	shalt  }
0x87: {  	_ =	shalt  }
.Lfunc_end0:
.L_simem_size_0:
called_computation_lowered:
.L_overlay_start_0:
0x88: {  	s2 =	sld [smem:$0x3FD9]  }
0x89: {  	s3 =	sld [smem:$0x3FFE];
	_ =	sdelay $0x1  }
0x8a: {  	s1 =	srdreg.scid  }
0x8b: {  	s0 =	sand.u32 $0x1, s1  }
0x8c: {  	s17 =	sshll.u32 s0, $0xA;
	s2 =	sadd.s32 s3, s2  }
0x8d: {  	s2 =	sadd.s32 s2, s17  }
0x8e: {  	[smem:$0x3FC3] =	sst s2  }
0x8f: {  	_ = 	snop  }
0x90: {  	s2 =	sld [smem:$0x3FC9]  }
0x91: {  	s18 =	sld [smem:$0x3FD0];
	(tm) =	ssettm $0x1  }
0x92: {  	s4 =	sld [smem:$0x3FFB];
	_ =	sdelay $0x3  }
0x93: {  	_ =	strace s4  }
0x94: {  	s4 =	sld [smem:$0x3FFC];
	_ =	sdelay $0x3  }
0x95: {  	_ =	strace s4  }
0x96: {  	s4 =	sld [smem:$0x3FFD];
	_ =	sdelay $0x3  }
0x97: {  	_ =	strace s4  }
0x98: {  	_ =	strace $0x8FFFFFFF  }
0x99: {  	s19 =	sld [smem:$0x3FDB];
	_ =	sdelay $0x1  }
0x9a: {  	s5 =	simm.s32 $_scs_section_size  }
0x9b: {  	s6 =	simm.s32 $_size__tile_overlayer_lowered;
	s7 =	simm.s32 $_tile_overlayer_lowered  }
0x9c: {  	s22 =	simm.s32 $0x1BFF;
	s21 =	sshll.u32 s7, $0x1;
	s4 =	sadd.s32 s5, s19  }
0x9d: {  	s8 =	simm.s32 $0x0;
	s20 =	sshll.u32 s6, $0x1;
	s6 =	sadd.s32 s21, s4  }
0x9e: {  	[timem:s8], [sflag:s22] =	dma.local [hbm:s6], s20  }
0x9f: {  	_ =	swait.ge [sflag:s22], s20  }
0xa0: {  	s5 =	ssub.s32 $0x0, s20;
	[sflag:s22] =	ssyncset.done $0x0  }
0xa1: {  	[sflag:s22] =	ssyncadd.s32 s5;
	_ =	sdelay $0x1  }
0xa2: {  	s23 =	simm.s32 $0x1B8B  }
0xa3: {  	_ =	swait.ge [sflag:s23], $0x1  }
0xa4: {  	[sflag:s23] =	ssyncset.done $0x0  }
0xa5: {  	s25 =	simm.s32 $0x1B8E;
	s24 =	sld [smem:$0x3FFE];
	[sflag:s23] =	ssyncadd.s32 $0xFFFFFFFF  }
0xa6: {  	s26 =	simm.s32 $execute0_lowered;
	[smem:$0x3FD2] =	sst s25  }
0xa7: {  	s6 =	sshll.u32 s26, $0x1;
	_ =	strace $0x80000046;
	[dreg:$0x1] =	wrdreg $0xFFFFFFFF  }
0xa8: {  	s28 =	simm.s32 $_size_execute0_lowered;
	s4 =	sadd.s32 s4, s6;
	[dreg:$0x0] =	wrdreg $0x0  }
0xa9: {  	s6 =	sshll.u32 s28, $0x1;
	[dreg:$0x2] =	wrdreg s4  }
0xaa: {  	[dreg:$0x3] =	wrdreg s6  }
0xab: {  	[dreg:$0x4] =	wrdreg $0xC0  }
0xac: {  	_ =	task [dreg:s8], $0x5FFFF  }
0xad: {  	[dreg:$0x1] =	wrdreg $0xFFFFFFFF  }
0xae: {  	[dreg:$0x0] =	wrdreg $0x60  }
0xaf: {  	[dreg:$0x2] =	wrdreg s2  }
0xb0: {  	[dreg:$0x3] =	wrdreg s18  }
0xb1: {  	[dreg:$0x4] =	wrdreg s24  }
0xb2: {  	[dreg:$0x5] =	wrdreg $0xA8000  }
0xb3: {  	[dreg:$0x6] =	wrdreg $0x9  }
0xb4: {  	_ =	task.clear_ibuf [dreg:s8], $0x7FFFF;
	_ =	strace $0x90000046  }
0xb5: {  	s29 =	simm.s32 $0x9;
	_ =	strace $0x80000048  }
0xb6: {  	_ =	swait.ge [sflag:s29], $0x1  }
0xb7: {  	[sflag:s29] =	ssyncadd.s32 $0xFFFFFFFF  }
0xb8: {  	_ =	strace $0x90000048  }
0xb9: {  	_ =	sfence  }
0xba: {  	s30 =	sld [smem:$0x0];
	_ =	sdelay $0x2  }
0xbb: {  	s31 =	sshll.u32 s1, $0xD;
	s1 =	sshrl.u32 s1, $0x2  }
0xbc: {  	s3 =	sand.u32 $0x4000, s31;
	s1 =	sadd.s32 s1, s30  }
0xbd: {  	s0 =	sor.u32 s3, s0;
	s1 =	sshll.u32 s1, $0x11  }
0xbe: {  	s0 =	sor.u32 s1, s0  }
0xbf: {  	s0 =	sadd.s32 $0x8F2B, s0  }
0xc0: {  	[sflag:s0] =	ssyncadd.remote.s32 $0x1  }
0xc1: {  	_ =	sfence.sel $0xFFFF  }
0xc2: {  	[dreg:$0x0] =	wrdreg $0xFFFFFFFF;
	(pc) =	sbr.abs _section_cstart, $3  }
0xc3: {  	[dreg:$0x1] =	wrdreg $0xFFFFFFFF  }
0xc4: {  	_ =	task.clear_ibuf [dreg:s8], $0x2FFFF;
	_ =	strace $0x9FFFFFFF  }
0xc5: {  	(tm) =	ssettm $0x7FFFFFFF  }
tec
execute0_lowered:
.L_overlay_start_1:
0x0: {  	(tag) =	ssettag $0x1  }
0x1: {  	s0 =	rddreg [dreg:$0x0]  }
0x2: {  	s2 =	rddreg [dreg:$0x1]  }
0x3: {  	s1 =	srdreg.scid;
	s3 =	rddreg [dreg:$0x2]  }
0x4: {  	s12 =	stileid.u32;
	s4 =	rddreg [dreg:$0x3];
	s7 =	simm.s32 $0x0  }
0x5: {  	s31 =	simm.s32 $0x9;
	s29 =	simm.s32 $0x8800;
	s30 =	simm.s32 $0x2  }
0x6: {  	s13 =	simm.s32 $0x1580;
	s14 =	simm.s32 $0x7;
	s15 =	simm.s32 $0x1300  }
0x7: {  	s16 =	simm.s32 $0x2600;
	s17 =	simm.s32 $0x2780;
	s1 =	sand.u32 $0x1, s1  }
0x8: {  	[smem:$0x7FF] =	sst s7;
	s10 =	smul.u32 $0x50000, s12;
	s3 =	sadd.s32 $0x2C00, s3  }
0x9: {  	s20 =	smul.u32 $0x2800, s12;
	p1 =	seq.s32 s12, $0xF;
	s5 =	sshll.u32 s1, $0x4  }
0xa: {  	s19 =	ssub.s32 $0x2, s1;
	_ =	strace $0x80000047;
	s11 =	smul.u32 $0x27100, s1  }
0xb: {  	s1 =	smul.u32 $0x138800, s1;
	s5 =	sor.u32 s12, s5;
	s9 =	sshrl.u32 s19, $0x1  }
0xc: {  	s10 =	sshrl.u32 s10, $0x2;
	s12 =	simm.s32 $0x4;
	s6 =	smul.u32 $0xA0, s5  }
0xd: {  	s8 =	smul.u32 $0x5000, s5;
	s7 =	ssub.s32 s19, s9;
	s28 =	sadd.s32 s10, s4  }
0xe: {  	s24 =	sadd.s32 s20, s11;
	s1 =	sshrl.u32 s1, $0x3;
	s19 =	simm.s32 $0x40  }
0xf: {  	s20 =	simm.s32 $0x2800;
	p0 =	seq.s32 s5, $0x1F;
	s9 =	simm.s32 $0x1500  }
0x10: {  	s10 =	simm.s32 $0x6;
	s21 =	sadd.s32 $0x4000, s28;
	[dreg:$0x6] =	wrdreg s28  }
0x11: {  	s11 =	simm.s32 $0x280;
	s22 =	sadd.s32 $0x8000, s28;
	[dreg:$0x8] =	wrdreg s21  }
0x12: {  	s5 =	simm.s32 $0x2680;
	s23 =	sadd.s32 $0xC000, s28;
	[dreg:$0x9] =	wrdreg s22  }
0x13: {  	s25 =	sadd.s32 $0x10000, s28;
	s1 =	sadd.s32 s3, s1;
	[dreg:$0xa] =	wrdreg s23  }
0x14: {  	s26 =	smax.u32 s7, $0x1;
	s7 =	simm.s32 $0x8;
	[dreg:$0xb] =	wrdreg s25  }
0x15: {  	s8 =	sshrl.u32 s8, $0x3;
	s1 =	sadd.s32 $0x25800, s1;
	[dreg:$0xe] =	wrdreg s26  }
0x16: {  	s22 =	simm.s32 $0x4800;
	s8 =	sadd.s32 s2, s8;
	[dreg:$0xd] =	wrdreg s1  }
0x17: {  	s23 =	simm.s32 $0x6800;
	[dreg:$0x5] =	wrdreg s8;
	s8 =	sadd.s32 $0x13880, s8  }
0x18: {  	s26 =	simm.s32 $0x1;
	s25 =	simm.s32 $0x1380;
	[dreg:$0x7] =	wrdreg s8  }
0x19: {  	s8 =	sadd.s32 s3, s24;
	s3 =	sadd.s32 $0x12C000, s4;
	s24 =	simm.s32 $0x0  }
0x1a: {  	[dreg:$0xc] =	wrdreg s8;
	s1 =	sshrl.u32 @p1 s3, $0x3;
	s3 =	simm.s32 $0x5  }
0x1b: {  	v0 =	vimm.f32 $0.0e+00;
	s8 =	simm.s32 $0x2700;
	[dreg:$0xf] =	wrdreg s1;
	s1 =	simm.s32 $0x3  }
.LBB2_1:
0x1c: {  	[dreg:$0x10] =	wrdreg s24  }
0x1d: {  	s18 =	simm.s32 $0x0;
	s21 =	rddreg [dreg:$0x5]  }
0x1e: {  	[tilespmem:s18], [sflag:$0x9] =	stream.linear.gather [hbm4b:s21+s18], $0x1400, $0x38;
	[tilespmem:$0x1E800] =	vst v63  }
0x1f: {  	_ =	swait.ge [sflag:s31], $0x1400  }
0x20: {  	[sflag:s31] =	ssyncset.done $0x0  }
0x21: {  	s24 =	simm.s32 $0x1400;
	s21 =	rddreg [dreg:$0x7];
	[sflag:s31] =	ssyncadd.s32 $0xFFFFEC00  }
0x22: {  	[tilespmem:s24], [sflag:$0x9] =	stream.linear.gather [hbm4b:s21+s18], $0x1400, $0x38;
	[tilespmem:$0x1E800] =	vst v63  }
0x23: {  	_ =	swait.ge [sflag:s31], $0x1400  }
0x24: {  	[sflag:s31] =	ssyncset.done $0x0  }
0x25: {  	[sflag:s31] =	ssyncadd.s32 $0xFFFFEC00  }
0x26: {  	[tilespmem:s20], [sflag:$0x1] =	stream.indirect.gather [hbm4b:s0+s19], $0x80, s18, s19, $0xb8;
	[tilespmem:$0x1E800] =	vst v63  }
0x27: {  	s24 =	simm.s32 $0x80  }
0x28: {  	[tilespmem:s22], [sflag:$0x2] =	stream.indirect.gather [hbm4b:s0+s19], $0x80, s24, s19, $0xb8;
	[tilespmem:$0x1E800] =	vst v63  }
0x29: {  	s18 =	simm.s32 $0x0;
	s24 =	simm.s32 $0x200  }
.LBB2_2:
0x2a: {  	p2 =	sne.s32 s24, $0xFE00;
	[tilespmem:s18+$0x6870] =	vst v0  }
0x2b: {  	[tilespmem:s18+$0x6800] =	vst v0  }
0x2c: {  	[tilespmem:s18+$0x6810] =	vst v0  }
.Ltmp0:
0x2d: {  	[tilespmem:s18+$0x6820] =	vst v0;
	(pc) =	sbr.rel @p2 .LBB2_2-.Ltmp0, $4  }
0x2e: {  	[tilespmem:s18+$0x6830] =	vst v0  }
0x2f: {  	[tilespmem:s18+$0x6840] =	vst v0  }
0x30: {  	[tilespmem:s18+$0x6850] =	vst v0  }
0x31: {  	[tilespmem:s18+$0x6860] =	vst v0;
	s18 =	sshra.s32 s24, $0x2;
	s24 =	sadd.s32 $0x200, s24  }
0x32: {  	[tilespmem:s18+$0x6870] =	vst v0  }
0x33: {  	[tilespmem:s18+$0x6800] =	vst v0  }
0x34: {  	[tilespmem:s18+$0x6810] =	vst v0  }
0x35: {  	[tilespmem:s18+$0x6820] =	vst v0  }
0x36: {  	[tilespmem:s18+$0x6830] =	vst v0  }
0x37: {  	[tilespmem:s18+$0x6840] =	vst v0  }
0x38: {  	[tilespmem:s18+$0x6850] =	vst v0  }
0x39: {  	[tilespmem:s18+$0x6860] =	vst v0  }
0x3a: {  	[spmem:s28] =	stream.linear.scatter [tilespmem:s23], [sflag:$0x9], $0x4000, $0x38;
	[tilespmem:$0x1E800] =	vst v63  }
0x3b: {  	_ =	swait.ge [sflag:s31], $0x4000  }
0x3c: {  	[sflag:s31] =	ssyncset.done $0x0  }
0x3d: {  	s28 =	rddreg [dreg:$0x8];
	[sflag:s31] =	ssyncadd.s32 $0xFFFFC000  }
0x3e: {  	[spmem:s28] =	stream.linear.scatter [tilespmem:s23], [sflag:$0x9], $0x4000, $0x38;
	[tilespmem:$0x1E800] =	vst v63  }
0x3f: {  	_ =	swait.ge [sflag:s31], $0x4000  }
0x40: {  	[sflag:s31] =	ssyncset.done $0x0  }
0x41: {  	s21 =	rddreg [dreg:$0x9];
	[sflag:s31] =	ssyncadd.s32 $0xFFFFC000  }
0x42: {  	[spmem:s21] =	stream.linear.scatter [tilespmem:s23], [sflag:$0x9], $0x4000, $0x38;
	[tilespmem:$0x1E800] =	vst v63  }
0x43: {  	_ =	swait.ge [sflag:s31], $0x4000  }
0x44: {  	[sflag:s31] =	ssyncset.done $0x0  }
0x45: {  	s24 =	rddreg [dreg:$0xa];
	[sflag:s31] =	ssyncadd.s32 $0xFFFFC000  }
0x46: {  	[spmem:s24] =	stream.linear.scatter [tilespmem:s23], [sflag:$0x9], $0x4000, $0x38;
	[tilespmem:$0x1E800] =	vst v63  }
0x47: {  	_ =	swait.ge [sflag:s31], $0x4000  }
0x48: {  	[sflag:s31] =	ssyncset.done $0x0  }
0x49: {  	s28 =	rddreg [dreg:$0xb];
	[sflag:s31] =	ssyncadd.s32 $0xFFFFC000  }
0x4a: {  	[spmem:s28] =	stream.linear.scatter [tilespmem:s23], [sflag:$0x9], $0x4000, $0x38;
	[tilespmem:$0x1E800] =	vst v63  }
0x4b: {  	_ =	swait.ge [sflag:s31], $0x4000  }
0x4c: {  	[sflag:s31] =	ssyncset.done $0x0  }
0x4d: {  	[sflag:s31] =	ssyncadd.s32 $0xFFFFC000  }
0x4e: {  	s18 =	simm.s32 $0x0;
	[bflag:$0x0] =	sbarrier.arrive $0xFFFF  }
.LBB2_4:
0x4f: {  	p2 =	seq.s32 s18, $0x0  }
0x50: {  	s24 =	simm.s32 @!p2 $0x7  }
0x51: {  	_ =	swait.ge @!p2 [sflag:s24], $0x2000  }
0x52: {  	s28 =	smul.u32 @!p2 $0x28, s18;
	[sflag:s24] =	ssyncset.done @!p2 $0x0  }
0x53: {  	[sflag:s24] =	ssyncadd.s32 @!p2 $0xFFFFE000;
	s24 =	simm.s32 @!p2 $0x8  }
0x54: {  	s28 =	sadd.s32 @!p2 s6, s28;
	_ =	swait.ge @!p2 [sflag:s24], $0x2000  }
0x55: {  	s28 =	sshll.u32 @!p2 s28, $0x4;
	[sflag:s24] =	ssyncset.done @!p2 $0x0  }
0x56: {  	s31 =	simm.s32 @!p2 $0x0;
	[sflag:s24] =	ssyncadd.s32 @!p2 $0xFFFFE000;
	s24 =	sadd.s32 @!p2 s2, s28  }
0x57: {  	[tilespmem:s31], [sflag:$0x9] =	stream.linear.gather @!p2 [hbm4b:s24+s31], $0x1400, $0x38;
	[tilespmem:$0x1E800] =	vst v63  }
0x58: {  	s24 =	simm.s32 @!p2 $0x9  }
0x59: {  	s28 =	sand.u32 @!p2 $0x1FFFFFF0, s28;
	_ =	swait.ge @!p2 [sflag:s24], $0x1400  }
0x5a: {  	s28 =	sadd.s32 @!p2 s2, s28;
	[sflag:s24] =	ssyncset.done @!p2 $0x0  }
0x5b: {  	s21 =	simm.s32 @!p2 $0x1400;
	s28 =	sadd.s32 @!p2 $0x13880, s28;
	[sflag:s24] =	ssyncadd.s32 @!p2 $0xFFFFEC00  }
0x5c: {  	[tilespmem:s21], [sflag:$0x9] =	stream.linear.gather @!p2 [hbm4b:s28+s31], $0x1400, $0x38;
	[tilespmem:$0x1E800] =	vst v63  }
0x5d: {  	_ =	swait.ge @!p2 [sflag:s24], $0x1400  }
0x5e: {  	[sflag:s24] =	ssyncset.done @!p2 $0x0  }
0x5f: {  	s21 =	simm.s32 @!p2 $0x40;
	[sflag:s24] =	ssyncadd.s32 @!p2 $0xFFFFEC00;
	s24 =	simm.s32 @!p2 $0x2800  }
0x60: {  	[tilespmem:s24], [sflag:$0x1] =	stream.indirect.gather @!p2 [hbm4b:s0+s21], $0x80, s31, s21, $0xb8;
	[tilespmem:$0x1E800] =	vst v63  }
0x61: {  	s28 =	simm.s32 @!p2 $0x4800;
	s24 =	simm.s32 @!p2 $0x80  }
0x62: {  	[tilespmem:s28], [sflag:$0x2] =	stream.indirect.gather @!p2 [hbm4b:s0+s21], $0x80, s24, s21, $0xb8;
	[tilespmem:$0x1E800] =	vst v63  }
0x63: {  	s24 =	simm.s32 $0x100  }
0x64: {  	[tilespmem:s23], [sflag:$0x3] =	stream.indirect.gather [hbm4b:s0+s19], $0x80, s24, s19, $0xb8;
	[tilespmem:$0x1E800] =	vst v63  }
0x65: {  	_ =	swait.ge [sflag:s26], $0x2000  }
0x66: {  	[sflag:s26] =	ssyncset.done $0x0  }
0x67: {  	s31 =	simm.s32 $0x1400;
	[sflag:s26] =	ssyncadd.s32 $0xFFFFE000  }
0x68: {  	[spmem:s4] =	stream.indirect.scatter.add.f32 [tilespmem:s20], [sflag:$0x5], $0x80, s31, s19, $0xb8;
	[tilespmem:$0x1E800] =	vst v63  }
0x69: {  	s24 =	simm.s32 $0x180  }
0x6a: {  	[tilespmem:s29], [sflag:$0x4] =	stream.indirect.gather [hbm4b:s0+s19], $0x80, s24, s19, $0xb8;
	[tilespmem:$0x1E800] =	vst v63  }
0x6b: {  	_ =	swait.ge [sflag:s30], $0x2000  }
0x6c: {  	[sflag:s30] =	ssyncset.done $0x0  }
0x6d: {  	s31 =	simm.s32 $0x1480;
	[sflag:s30] =	ssyncadd.s32 $0xFFFFE000  }
0x6e: {  	[spmem:s4] =	stream.indirect.scatter.add.f32 [tilespmem:s22], [sflag:$0x6], $0x80, s31, s19, $0xb8;
	[tilespmem:$0x1E800] =	vst v63  }
0x6f: {  	_ =	swait.ge [sflag:s3], $0x2000  }
0x70: {  	[sflag:s3] =	ssyncset.done $0x0  }
0x71: {  	s24 =	simm.s32 $0x200;
	[sflag:s3] =	ssyncadd.s32 $0xFFFFE000  }
0x72: {  	[tilespmem:s20], [sflag:$0x1] =	stream.indirect.gather [hbm4b:s0+s19], $0x80, s24, s19, $0xb8;
	[tilespmem:$0x1E800] =	vst v63  }
0x73: {  	_ =	swait.ge [sflag:s1], $0x2000  }
0x74: {  	[sflag:s1] =	ssyncset.done $0x0  }
0x75: {  	[sflag:s1] =	ssyncadd.s32 $0xFFFFE000  }
0x76: {  	[spmem:s4] =	stream.indirect.scatter.add.f32 [tilespmem:s23], [sflag:$0x7], $0x80, s9, s19, $0xb8;
	[tilespmem:$0x1E800] =	vst v63  }
0x77: {  	_ =	swait.ge [sflag:s10], $0x2000  }
0x78: {  	[sflag:s10] =	ssyncset.done $0x0  }
0x79: {  	[sflag:s10] =	ssyncadd.s32 $0xFFFFE000  }
0x7a: {  	[tilespmem:s22], [sflag:$0x2] =	stream.indirect.gather [hbm4b:s0+s19], $0x80, s11, s19, $0xb8;
	[tilespmem:$0x1E800] =	vst v63  }
0x7b: {  	_ =	swait.ge [sflag:s12], $0x2000  }
0x7c: {  	[sflag:s12] =	ssyncset.done $0x0  }
0x7d: {  	[sflag:s12] =	ssyncadd.s32 $0xFFFFE000  }
0x7e: {  	[spmem:s4] =	stream.indirect.scatter.add.f32 [tilespmem:s29], [sflag:$0x8], $0x80, s13, s19, $0xb8;
	[tilespmem:$0x1E800] =	vst v63  }
0x7f: {  	_ =	swait.ge [sflag:s14], $0x2000  }
0x80: {  	[sflag:s14] =	ssyncset.done $0x0  }
0x81: {  	s31 =	simm.s32 $0x300;
	[sflag:s14] =	ssyncadd.s32 $0xFFFFE000  }
0x82: {  	[tilespmem:s23], [sflag:$0x3] =	stream.indirect.gather [hbm4b:s0+s19], $0x80, s31, s19, $0xb8;
	[tilespmem:$0x1E800] =	vst v63  }
0x83: {  	_ =	swait.ge [sflag:s26], $0x2000  }
0x84: {  	[sflag:s26] =	ssyncset.done $0x0  }
0x85: {  	s24 =	simm.s32 $0x1600;
	[sflag:s26] =	ssyncadd.s32 $0xFFFFE000  }
0x86: {  	[spmem:s4] =	stream.indirect.scatter.add.f32 [tilespmem:s20], [sflag:$0x5], $0x80, s24, s19, $0xb8;
	[tilespmem:$0x1E800] =	vst v63  }
0x87: {  	_ =	swait.ge [sflag:s7], $0x2000  }
0x88: {  	[sflag:s7] =	ssyncset.done $0x0  }
0x89: {  	s31 =	simm.s32 $0x380;
	[sflag:s7] =	ssyncadd.s32 $0xFFFFE000  }
0x8a: {  	[tilespmem:s29], [sflag:$0x4] =	stream.indirect.gather [hbm4b:s0+s19], $0x80, s31, s19, $0xb8;
	[tilespmem:$0x1E800] =	vst v63  }
0x8b: {  	_ =	swait.ge [sflag:s30], $0x2000  }
0x8c: {  	[sflag:s30] =	ssyncset.done $0x0  }
0x8d: {  	s24 =	simm.s32 $0x1680;
	[sflag:s30] =	ssyncadd.s32 $0xFFFFE000  }
0x8e: {  	[spmem:s4] =	stream.indirect.scatter.add.f32 [tilespmem:s22], [sflag:$0x6], $0x80, s24, s19, $0xb8;
	[tilespmem:$0x1E800] =	vst v63  }
0x8f: {  	_ =	swait.ge [sflag:s3], $0x2000  }
0x90: {  	[sflag:s3] =	ssyncset.done $0x0  }
0x91: {  	s31 =	simm.s32 $0x400;
	[sflag:s3] =	ssyncadd.s32 $0xFFFFE000  }
0x92: {  	[tilespmem:s20], [sflag:$0x1] =	stream.indirect.gather [hbm4b:s0+s19], $0x80, s31, s19, $0xb8;
	[tilespmem:$0x1E800] =	vst v63  }
0x93: {  	_ =	swait.ge [sflag:s1], $0x2000  }
0x94: {  	[sflag:s1] =	ssyncset.done $0x0  }
0x95: {  	s24 =	simm.s32 $0x1700;
	[sflag:s1] =	ssyncadd.s32 $0xFFFFE000  }
0x96: {  	[spmem:s4] =	stream.indirect.scatter.add.f32 [tilespmem:s23], [sflag:$0x7], $0x80, s24, s19, $0xb8;
	[tilespmem:$0x1E800] =	vst v63  }
0x97: {  	_ =	swait.ge [sflag:s10], $0x2000  }
0x98: {  	[sflag:s10] =	ssyncset.done $0x0  }
0x99: {  	s31 =	simm.s32 $0x480;
	[sflag:s10] =	ssyncadd.s32 $0xFFFFE000  }
0x9a: {  	[tilespmem:s22], [sflag:$0x2] =	stream.indirect.gather [hbm4b:s0+s19], $0x80, s31, s19, $0xb8;
	[tilespmem:$0x1E800] =	vst v63  }
0x9b: {  	_ =	swait.ge [sflag:s12], $0x2000  }
0x9c: {  	[sflag:s12] =	ssyncset.done $0x0  }
0x9d: {  	s28 =	simm.s32 $0x1780;
	s24 =	simm.s32 $0x800;
	[sflag:s12] =	ssyncadd.s32 $0xFFFFE000  }
.LBB2_5:
0x9e: {  	[spmem:s4] =	stream.indirect.scatter.add.f32 [tilespmem:s29], [sflag:$0x8], $0x80, s28, s19, $0xb8;
	[tilespmem:$0x1E800] =	vst v63  }
0x9f: {  	s21 =	smov.u32 s24  }
0xa0: {  	p2 =	sne.s32 s24, $0x3800;
	s24 =	sadd.s32 $0x800, s24;
	_ =	swait.ge [sflag:s14], $0x2000  }
0xa1: {  	s28 =	sshra.s32 s21, $0x2;
	[sflag:s14] =	ssyncset.done $0x0  }
0xa2: {  	s21 =	sadd.s32 $0x300, s28;
	[sflag:s14] =	ssyncadd.s32 $0xFFFFE000  }
0xa3: {  	[tilespmem:s23], [sflag:$0x3] =	stream.indirect.gather [hbm4b:s0+s19], $0x80, s21, s19, $0xb8;
	[tilespmem:$0x1E800] =	vst v63  }
0xa4: {  	_ =	swait.ge [sflag:s26], $0x2000  }
0xa5: {  	[sflag:s26] =	ssyncset.done $0x0  }
0xa6: {  	s21 =	sadd.s32 $0x1600, s28;
	[sflag:s26] =	ssyncadd.s32 $0xFFFFE000  }
0xa7: {  	[spmem:s4] =	stream.indirect.scatter.add.f32 [tilespmem:s20], [sflag:$0x5], $0x80, s21, s19, $0xb8;
	[tilespmem:$0x1E800] =	vst v63  }
0xa8: {  	_ =	swait.ge [sflag:s7], $0x2000  }
0xa9: {  	[sflag:s7] =	ssyncset.done $0x0  }
0xaa: {  	s21 =	sadd.s32 $0x380, s28;
	[sflag:s7] =	ssyncadd.s32 $0xFFFFE000  }
0xab: {  	[tilespmem:s29], [sflag:$0x4] =	stream.indirect.gather [hbm4b:s0+s19], $0x80, s21, s19, $0xb8;
	[tilespmem:$0x1E800] =	vst v63  }
0xac: {  	_ =	swait.ge [sflag:s30], $0x2000  }
0xad: {  	[sflag:s30] =	ssyncset.done $0x0  }
0xae: {  	s21 =	sadd.s32 $0x1680, s28;
	[sflag:s30] =	ssyncadd.s32 $0xFFFFE000  }
0xaf: {  	[spmem:s4] =	stream.indirect.scatter.add.f32 [tilespmem:s22], [sflag:$0x6], $0x80, s21, s19, $0xb8;
	[tilespmem:$0x1E800] =	vst v63  }
0xb0: {  	_ =	swait.ge [sflag:s3], $0x2000  }
0xb1: {  	[sflag:s3] =	ssyncset.done $0x0  }
0xb2: {  	s21 =	sadd.s32 $0x400, s28;
	[sflag:s3] =	ssyncadd.s32 $0xFFFFE000  }
0xb3: {  	[tilespmem:s20], [sflag:$0x1] =	stream.indirect.gather [hbm4b:s0+s19], $0x80, s21, s19, $0xb8;
	[tilespmem:$0x1E800] =	vst v63  }
0xb4: {  	_ =	swait.ge [sflag:s1], $0x2000  }
0xb5: {  	[sflag:s1] =	ssyncset.done $0x0  }
0xb6: {  	s21 =	sadd.s32 $0x1700, s28;
	[sflag:s1] =	ssyncadd.s32 $0xFFFFE000  }
0xb7: {  	[spmem:s4] =	stream.indirect.scatter.add.f32 [tilespmem:s23], [sflag:$0x7], $0x80, s21, s19, $0xb8;
	[tilespmem:$0x1E800] =	vst v63  }
0xb8: {  	_ =	swait.ge [sflag:s10], $0x2000  }
0xb9: {  	[sflag:s10] =	ssyncset.done $0x0  }
.Ltmp1:
0xba: {  	s21 =	sadd.s32 $0x480, s28;
	[sflag:s10] =	ssyncadd.s32 $0xFFFFE000;
	(pc) =	sbr.rel @p2 .LBB2_5-.Ltmp1, $4  }
0xbb: {  	[tilespmem:s22], [sflag:$0x2] =	stream.indirect.gather [hbm4b:s0+s19], $0x80, s21, s19, $0xb8;
	[tilespmem:$0x1E800] =	vst v63  }
0xbc: {  	_ =	swait.ge [sflag:s12], $0x2000  }
0xbd: {  	[sflag:s12] =	ssyncset.done $0x0  }
0xbe: {  	s28 =	sadd.s32 $0x1780, s28;
	[sflag:s12] =	ssyncadd.s32 $0xFFFFE000  }
0xbf: {  	[spmem:s4] =	stream.indirect.scatter.add.f32 [tilespmem:s29], [sflag:$0x8], $0x80, s28, s19, $0xb8;
	[tilespmem:$0x1E800] =	vst v63  }
0xc0: {  	_ =	swait.ge [sflag:s14], $0x2000  }
0xc1: {  	[sflag:s14] =	ssyncset.done $0x0  }
0xc2: {  	[sflag:s14] =	ssyncadd.s32 $0xFFFFE000  }
0xc3: {  	[tilespmem:s23], [sflag:$0x3] =	stream.indirect.gather [hbm4b:s0+s19], $0x80, s15, s19, $0xb8;
	[tilespmem:$0x1E800] =	vst v63  }
0xc4: {  	_ =	swait.ge [sflag:s26], $0x2000  }
0xc5: {  	[sflag:s26] =	ssyncset.done $0x0  }
0xc6: {  	[sflag:s26] =	ssyncadd.s32 $0xFFFFE000  }
0xc7: {  	[spmem:s4] =	stream.indirect.scatter.add.f32 [tilespmem:s20], [sflag:$0x5], $0x80, s16, s19, $0xb8;
	[tilespmem:$0x1E800] =	vst v63  }
0xc8: {  	_ =	swait.ge [sflag:s7], $0x2000  }
0xc9: {  	[sflag:s7] =	ssyncset.done $0x0  }
0xca: {  	[sflag:s7] =	ssyncadd.s32 $0xFFFFE000  }
0xcb: {  	[tilespmem:s29], [sflag:$0x4] =	stream.indirect.gather [hbm4b:s0+s19], $0x80, s25, s19, $0xb8;
	[tilespmem:$0x1E800] =	vst v63  }
0xcc: {  	_ =	swait.ge [sflag:s30], $0x2000  }
0xcd: {  	[sflag:s30] =	ssyncset.done $0x0  }
0xce: {  	[sflag:s30] =	ssyncadd.s32 $0xFFFFE000  }
0xcf: {  	[spmem:s4] =	stream.indirect.scatter.add.f32 [tilespmem:s22], [sflag:$0x6], $0x80, s5, s19, $0xb8;
	[tilespmem:$0x1E800] =	vst v63  }
0xd0: {  	_ =	swait.ge [sflag:s3], $0x2000  }
0xd1: {  	[sflag:s3] =	ssyncset.done $0x0  }
0xd2: {  	[sflag:s3] =	ssyncadd.s32 $0xFFFFE000  }
0xd3: {  	_ =	swait.ge [sflag:s1], $0x2000  }
0xd4: {  	[sflag:s1] =	ssyncset.done $0x0  }
0xd5: {  	[sflag:s1] =	ssyncadd.s32 $0xFFFFE000  }
0xd6: {  	[spmem:s4] =	stream.indirect.scatter.add.f32 [tilespmem:s23], [sflag:$0x7], $0x80, s8, s19, $0xb8;
	[tilespmem:$0x1E800] =	vst v63  }
0xd7: {  	p2 =	slt.u32 @!p0 s18, $0x3;
	_ =	swait.ge [sflag:s10], $0x2000  }
0xd8: {  	p2 =	por p0, !p2;
	[sflag:s10] =	ssyncset.done $0x0  }
.Ltmp2:
0xd9: {  	[sflag:s10] =	ssyncadd.s32 $0xFFFFE000;
	(pc) =	sbr.rel @!p2 .LBB2_4-.Ltmp2, $4  }
0xda: {  	_ =	swait.ge [sflag:s12], $0x2000  }
0xdb: {  	[sflag:s12] =	ssyncset.done $0x0  }
0xdc: {  	s18 =	sadd.s32 $0x1, s18;
	[sflag:s12] =	ssyncadd.s32 $0xFFFFE000  }
0xdd: {  	[spmem:s4] =	stream.indirect.scatter.add.f32 [tilespmem:s29], [sflag:$0x8], $0x80, s17, s19, $0xb8;
	[tilespmem:$0x1E800] =	vst v63  }
0xde: {  	_ =	swait.ge [sflag:s14], $0x2000  }
0xdf: {  	[sflag:s14] =	ssyncset.done $0x0  }
0xe0: {  	[sflag:s14] =	ssyncadd.s32 $0xFFFFE000  }
0xe1: {  	_ =	swait.ge [sflag:s7], $0x2000  }
0xe2: {  	[sflag:s7] =	ssyncset.done $0x0  }
0xe3: {  	[sflag:s7] =	ssyncadd.s32 $0xFFFFE000  }
0xe4: {  	[bflag:$0x0] =	sbarrier.arrive $0xFFFF  }
0xe5: {  	s21 =	rddreg [dreg:$0xd]  }
0xe6: {  	s18 =	simm.s32 @p1 $0x1FC9;
	s24 =	rddreg [dreg:$0xf]  }
0xe7: {  	[hbm:s21], [sflag:s18] =	dma.local @p1 [spmem:s24], $0x1900  }
0xe8: {  	s18 =	simm.s32 @p1 $0x9  }
0xe9: {  	_ =	swait.ge @p1 [sflag:s18], $0x1900  }
0xea: {  	s21 =	stileid.u32;
	s28 =	rddreg [dreg:$0x6]  }
0xeb: {  	s21 =	sshll.u32 @!p1 s21, $0x6;
	[sflag:s18] =	ssyncset.done @p1 $0x0;
	s24 =	rddreg [dreg:$0xc]  }
0xec: {  	[sflag:s18] =	ssyncadd.s32 @p1 $0xFFFFE700;
	s18 =	sor.u32 @!p1 $0x1C09, s21;
	s21 =	sshrl.u32 @!p1 s28, $0x3  }
0xed: {  	[hbm:s24], [sflag:s18] =	dma.local @!p1 [spmem:s21], $0x2800  }
0xee: {  	s18 =	simm.s32 @!p1 $0x9  }
0xef: {  	_ =	swait.ge @!p1 [sflag:s18], $0x2800  }
0xf0: {  	s21 =	rddreg [dreg:$0x10]  }
0xf1: {  	s24 =	sadd.s32 $0x1, s21;
	s21 =	rddreg [dreg:$0xe]  }
0xf2: {  	p2 =	sne.s32 s24, s21  }
.Ltmp3:
0xf3: {  	_ = 	snop;
	(pc) =	sbr.rel @p2 .LBB2_1-.Ltmp3, $3  }
0xf4: {  	_ =	sdelay $0x1  }
0xf5: {  	[sflag:s18] =	ssyncset.done @!p1 $0x0  }
0xf6: {  	s31 =	simm.s32 $0x9;
	[sflag:s18] =	ssyncadd.s32 @!p1 $0xFFFFD800  }
0xf7: {  	_ =	sfence.sel $0x180000  }
0xf8: {  	[bflag:$0x0] =	sbarrier.arrive $0xFFFF  }
0xf9: {  	_ =	strace $0x90000047  }
0xfa: {  	s0 =	stileid.u32;
	[bflag:$0x2] =	sbarrier.arrive $0xFFFF  }
0xfb: {  	p0 =	sne.s32 s0, $0x0;
	s0 =	rddreg [dreg:$0x4]  }
0xfc: {  	s0 =	sadd.s32 @!p0 $0x100000, s0  }
0xfd: {  	[sflag:s0] =	ssyncadd.tile.s32 @!p0 $0x1;
	_ =	shalt  }
.Lfunc_end2:
_tile_overlayer_lowered:
.L_overlay_start_2:
0xfe: {  	(tag) =	ssettag $0x2  }
0xff: {  	s0 =	rddreg [dreg:$0x0];
	s2 =	stileid.u32  }
0x100: {  	s1 =	rddreg [dreg:$0x1];
	p0 =	sne.s32 s2, $0x0  }
0x101: {  	s3 =	rddreg [dreg:$0x2];
	[bflag:$0x3] =	sbarrier.arrive $0xFFFF;
	s2 =	simm.s32 @!p0 $0x1C09  }
0x102: {  	[timem:s3], [sflag:s2] =	dma.local @!p0 [hbm:s0], s1  }
0x103: {  	s0 =	simm.s32 @!p0 $0x9  }
0x104: {  	_ =	swait.ge @!p0 [sflag:s0], s1  }
0x105: {  	s1 =	ssub.s32 @!p0 $0x0, s1;
	[sflag:s0] =	ssyncset.done @!p0 $0x0  }
0x106: {  	[sflag:s0] =	ssyncadd.s32 @!p0 s1  }
0x107: {  	[bflag:$0x3] =	sbarrier.arrive $0xFFFF  }
0x108: {  	_ =	shalt  }

</sc_bundles>
